<compile_context>
chip_gen: v7x
topology: tpu7x:2x2x1
jax: 0.10.2.dev20260603
libtpu: 0.0.44.dev20260713+nightly
codegen_flags: <defaults>
</compile_context>

<pallas_src>
import jax
import jax.numpy as jnp
from jax import lax
from jax.experimental import pallas as pl
from jax.experimental.pallas import tpu as pltpu
from jax.experimental.pallas import tpu_sc as plsc

_N = 10000
_E = 320000
_F = 128
_OUT = 16
_B = 64

_NC = 2
_NS = 16
_NW = _NC * _NS
_EPW = _E // _NW
_K = 80
_NCH = _EPW // _K
_NP = 10112
_STRIPE = _NP // _NS
_DRS = (80,) * 7 + (72,)
_CW = 16

_mesh = plsc.VectorSubcoreMesh(core_axis_name="c", subcore_axis_name="s")


def _sc_agg_body(src_hbm, dst_hbm, g_hbm, out_hbm,
                 sidx, didx, rows0, rows1, accum, sem0, sem1):
    c = lax.axis_index("c")
    s = lax.axis_index("s")
    w = s * _NC + c
    r0 = s * _STRIPE

    def _zrow(i, carry):
        for j in range(_F // 16):
            rows0[i, pl.ds(j * 16, 16)] = jnp.zeros((16,), jnp.float32)
        return carry
    lax.fori_loop(0, _K, _zrow, 0)
    off = 0
    for sz in _DRS:
        pltpu.sync_copy(rows0.at[pl.ds(0, sz)], accum.at[pl.ds(r0 + off, sz)])
        off += sz

    pltpu.sync_copy(src_hbm.at[pl.ds(w * _EPW, _EPW)], sidx)
    pltpu.sync_copy(dst_hbm.at[pl.ds(w * _EPW, _EPW)], didx)

    bufs = (rows0, rows1)
    sems = (sem0, sem1)

    plsc.subcore_barrier()

    def _issue(t, b):
        pltpu.async_copy(g_hbm.at[sidx.at[pl.ds(t * _K, _K)]], bufs[b],
                         sems[b])

    def _finish(t, b):
        pltpu.make_async_copy(g_hbm.at[sidx.at[pl.ds(t * _K, _K)]], bufs[b],
                              sems[b]).wait()
        pltpu.sync_copy(bufs[b], accum.at[didx.at[pl.ds(t * _K, _K)]],
                        add=True)

    for b in range(2):
        _issue(b, b)

    def _ring(i2, carry):
        i = 2 * i2
        for b in range(2):
            _finish(i + b, b)
            _issue(i + b + 2, b)
        return carry
    lax.fori_loop(0, (_NCH - 3) // 2, _ring, 0)
    _finish(_NCH - 3, 0)
    _issue(_NCH - 1, 0)
    _finish(_NCH - 2, 1)
    _finish(_NCH - 1, 0)

    plsc.subcore_barrier()
    pltpu.sync_copy(accum.at[pl.ds(r0, _STRIPE)],
                    out_hbm.at[c, pl.ds(r0, _STRIPE)])


_sc_agg = pl.kernel(
    _sc_agg_body,
    out_type=jax.ShapeDtypeStruct((_NC, _NP, _F), jnp.float32),
    mesh=_mesh,
    scratch_types=[
        pltpu.VMEM((_EPW,), jnp.int32),
        pltpu.VMEM((_EPW,), jnp.int32),
        pltpu.VMEM((_K, _F), jnp.float32),
        pltpu.VMEM((_K, _F), jnp.float32),
        pltpu.VMEM_SHARED((_NP, _F), jnp.float32),
        pltpu.SemaphoreType.DMA,
        pltpu.SemaphoreType.DMA,
    ],
)


def _sc_cnt_body(dst_hbm, out_hbm, didx, ones_v, dbuf, accum):
    c = lax.axis_index("c")
    s = lax.axis_index("s")
    w = s * _NC + c

    def _zrow(i, carry):
        dbuf[i, pl.ds(0, 16)] = jnp.zeros((16,), jnp.float32)
        ones_v[i, pl.ds(0, 16)] = jnp.ones((16,), jnp.float32)
        return carry
    lax.fori_loop(0, _K, _zrow, 0)
    pltpu.sync_copy(dst_hbm.at[pl.ds(w * _EPW, _EPW)], didx)

    r0 = s * _STRIPE
    off = 0
    for sz in _DRS:
        pltpu.sync_copy(dbuf.at[pl.ds(0, sz)],
                        accum.at[pl.ds(r0 + off, sz)])
        off += sz

    plsc.subcore_barrier()

    def _chunk(t, carry):
        pltpu.sync_copy(ones_v, accum.at[didx.at[pl.ds(t * _K, _K)]],
                        add=True)
        return carry
    lax.fori_loop(0, _NCH, _chunk, 0)

    plsc.subcore_barrier()
    pltpu.sync_copy(accum.at[pl.ds(r0, _STRIPE)],
                    out_hbm.at[c, pl.ds(r0, _STRIPE)])


_sc_cnt = pl.kernel(
    _sc_cnt_body,
    out_type=jax.ShapeDtypeStruct((_NC, _NP, _CW), jnp.float32),
    mesh=_mesh,
    scratch_types=[
        pltpu.VMEM((_EPW,), jnp.int32),
        pltpu.VMEM((_K, _CW), jnp.float32),
        pltpu.VMEM((_K, _CW), jnp.float32),
        pltpu.VMEM_SHARED((_NP, _CW), jnp.float32),
    ],
)


_R = 1000
_G = _N // _R


def _tc_mm_body(x_ref, w1_ref, g_ref):
    g_ref[...] = jnp.dot(x_ref[...], w1_ref[...],
                         preferred_element_type=jnp.float32)


def _tc_mm(x, W1):
    return pl.pallas_call(
        _tc_mm_body,
        grid=(_G,),
        in_specs=[
            pl.BlockSpec((_R, _F), lambda i: (i, 0)),
            pl.BlockSpec((_F, _F), lambda i: (0, 0)),
        ],
        out_specs=pl.BlockSpec((_R, _F), lambda i: (i, 0)),
        out_shape=jax.ShapeDtypeStruct((_N, _F), jnp.float32),
    )(x, W1)


def _tc_pre_body(cnt_ref, g_ref, dis_ref, gs_ref):
    cnt = cnt_ref[0, :, 0:1] + cnt_ref[1, :, 0:1]
    dis = lax.rsqrt(cnt + 1.0)
    dis_ref[...] = dis
    gs_ref[...] = g_ref[...] * dis


def _tc_pre(cnt, g):
    return pl.pallas_call(
        _tc_pre_body,
        grid=(_G,),
        in_specs=[
            pl.BlockSpec((_NC, _R, _CW), lambda i: (0, i, 0)),
            pl.BlockSpec((_R, _F), lambda i: (i, 0)),
        ],
        out_specs=[
            pl.BlockSpec((_R, 1), lambda i: (i, 0)),
            pl.BlockSpec((_R, _F), lambda i: (i, 0)),
        ],
        out_shape=[
            jax.ShapeDtypeStruct((_N, 1), jnp.float32),
            jax.ShapeDtypeStruct((_N, _F), jnp.float32),
        ],
    )(cnt, g)


def _tc_mid_body(a_ref, gs_ref, dis_ref, b_ref, w_ref, out_ref):
    dis = dis_ref[...]
    t = (a_ref[0] + a_ref[1] + gs_ref[...]) * dis + b_ref[...]
    h = jnp.maximum(t, 0.0)
    out_ref[...] = jnp.dot(h, w_ref[...], preferred_element_type=jnp.float32) * dis


def _tc_mid(a, gs, dis, b, W):
    return pl.pallas_call(
        _tc_mid_body,
        grid=(_G,),
        in_specs=[
            pl.BlockSpec((_NC, _R, _F), lambda i: (0, i, 0)),
            pl.BlockSpec((_R, _F), lambda i: (i, 0)),
            pl.BlockSpec((_R, 1), lambda i: (i, 0)),
            pl.BlockSpec((1, _F), lambda i: (0, 0)),
            pl.BlockSpec((_F, _F), lambda i: (0, 0)),
        ],
        out_specs=pl.BlockSpec((_R, _F), lambda i: (i, 0)),
        out_shape=jax.ShapeDtypeStruct((_N, _F), jnp.float32),
    )(a, gs, dis, b, W)


def _tc_fin_body(a_ref, gs_ref, dis_ref, b_ref, batch_ref, wfc_ref, bfc_ref,
                 out_ref, acc, cacc):
    i = pl.program_id(0)

    @pl.when(i == 0)
    def _init():
        acc[...] = jnp.zeros_like(acc)
        cacc[...] = jnp.zeros_like(cacc)

    t = (a_ref[0] + a_ref[1] + gs_ref[...]) * dis_ref[...] + b_ref[...]
    h = jnp.maximum(t, 0.0)
    seg = batch_ref[...]
    ids = lax.broadcasted_iota(jnp.int32, (_R, _B), 1)
    m = (seg == ids).astype(jnp.float32)
    acc[...] += lax.dot_general(m, h, (((0,), (0,)), ((), ())),
                                preferred_element_type=jnp.float32)
    ones = jnp.ones((_R, 1), jnp.float32)
    cacc[...] += lax.dot_general(m, ones, (((0,), (0,)), ((), ())),
                                 preferred_element_type=jnp.float32)

    @pl.when(i == pl.num_programs(0) - 1)
    def _fin():
        pooled = acc[...] / jnp.maximum(cacc[...], 1.0)
        logits = jnp.dot(pooled, wfc_ref[...],
                         preferred_element_type=jnp.float32) + bfc_ref[...]
        mx = jnp.max(logits, axis=1, keepdims=True)
        z = logits - mx
        lse = jnp.log(jnp.sum(jnp.exp(z), axis=1, keepdims=True))
        out_ref[...] = z - lse


def _tc_fin(a, gs, dis, b, batch2, Wfc, bfc):
    return pl.pallas_call(
        _tc_fin_body,
        grid=(_G,),
        in_specs=[
            pl.BlockSpec((_NC, _R, _F), lambda i: (0, i, 0)),
            pl.BlockSpec((_R, _F), lambda i: (i, 0)),
            pl.BlockSpec((_R, 1), lambda i: (i, 0)),
            pl.BlockSpec((1, _F), lambda i: (0, 0)),
            pl.BlockSpec((_R, 1), lambda i: (i, 0)),
            pl.BlockSpec((_F, _OUT), lambda i: (0, 0)),
            pl.BlockSpec((1, _OUT), lambda i: (0, 0)),
        ],
        out_specs=pl.BlockSpec((_B, _OUT), lambda i: (0, 0)),
        out_shape=jax.ShapeDtypeStruct((_B, _OUT), jnp.float32),
        scratch_shapes=[
            pltpu.VMEM((_B, _F), jnp.float32),
            pltpu.VMEM((_B, 1), jnp.float32),
        ],
    )(a, gs, dis, b, batch2, Wfc, bfc)


def kernel(x, edge_list, batch, W1, b1, Wmid, bmid, Wfc, bfc):
    src = edge_list[0].astype(jnp.int32)
    dst = edge_list[1].astype(jnp.int32)
    batch2 = batch.astype(jnp.int32).reshape(_N, 1)

    cnt = _sc_cnt(dst)
    g = _tc_mm(x, W1)
    dis, gs = _tc_pre(cnt, g)

    biases = [b1.reshape(1, _F)] + [bmid[i].reshape(1, _F) for i in range(4)]
    weights = [Wmid[i] for i in range(4)]

    for l in range(4):
        a = _sc_agg(src, dst, gs)
        gs = _tc_mid(a, gs, dis, biases[l], weights[l])
    a = _sc_agg(src, dst, gs)
    return _tc_fin(a, gs, dis, biases[4], batch2, Wfc, bfc.reshape(1, _OUT))

# --- scband reference (transcript-rebuilt; emitter-appended) ---
"""Pipeline reference for scband-gnn-83356725281053 (READ-ONLY COPY).

The authoritative reference and input builder live on the scoring server;
editing this copy changes nothing except your own understanding.
"""

import jax, jax.numpy as jnp
import numpy as np

N = 10000
E = 320000
F_IN = 128
HID = 128
OUT = 16
B = 64
N_LAYERS = 5


def setup_inputs(seed: int = 0) -> dict:
    key = jax.random.key(seed)
    ks = jax.random.split(key, 8)
    x = jax.random.normal(ks[0], (N, F_IN), dtype=jnp.float32)
    edge_list = jax.random.randint(ks[1], (2, E), 0, N, dtype=jnp.int64)
    batch = jnp.sort(jax.random.randint(ks[2], (N,), 0, B, dtype=jnp.int64))
    W1 = jax.random.normal(ks[3], (F_IN, HID), dtype=jnp.float32) * 0.05
    b1 = jnp.zeros((HID,), dtype=jnp.float32)
    Wmid = jax.random.normal(ks[4], (N_LAYERS - 1, HID, HID), dtype=jnp.float32) * 0.05
    bmid = jnp.zeros((N_LAYERS - 1, HID), dtype=jnp.float32)
    Wfc = jax.random.normal(ks[5], (HID, OUT), dtype=jnp.float32) * 0.05
    bfc = jnp.zeros((OUT,), dtype=jnp.float32)
    return {"x": x, "edge_list": edge_list, "batch": batch, "W1": W1, "b1": b1,
            "Wmid": Wmid, "bmid": bmid, "Wfc": Wfc, "bfc": bfc}


def _gcn_conv(h, src, dst, norm, W, b, n):
    # PyG GCNConv: linear transform, then D^-1/2 (A+I) D^-1/2 aggregation, then bias
    h = h @ W
    msgs = jnp.take(h, src, axis=0) * norm[:, None]
    out = jax.ops.segment_sum(msgs, dst, num_segments=n)
    return out + b


def reference(x, edge_list, batch, W1, b1, Wmid, bmid, Wfc, bfc):
    n = x.shape[0]
    loop = jnp.arange(n, dtype=edge_list.dtype)
    src = jnp.concatenate([edge_list[0], loop])
    dst = jnp.concatenate([edge_list[1], loop])
    deg = jax.ops.segment_sum(jnp.ones(src.shape[0], dtype=x.dtype), dst, num_segments=n)
    dis = jnp.where(deg > 0, 1.0 / jnp.sqrt(deg), 0.0)
    norm = dis[src] * dis[dst]
    h = jax.nn.relu(_gcn_conv(x, src, dst, norm, W1, b1, n))
    # dropout p=0.5 is identity in eval mode
    for i in range(Wmid.shape[0]):
        h = jax.nn.relu(_gcn_conv(h, src, dst, norm, Wmid[i], bmid[i], n))
    # global mean pool over graphs in the batch
    sums = jax.ops.segment_sum(h, batch, num_segments=B)
    counts = jax.ops.segment_sum(jnp.ones((n,), dtype=h.dtype), batch, num_segments=B)
    pooled = sums / jnp.clip(counts, 1.0, None)[:, None]
    logits = pooled @ Wfc + bfc
    return jax.nn.log_softmax(logits, axis=-1)

if __name__ == "__main__":
    import jax
    _d = setup_inputs()
    print(jax.jit(kernel)(*tuple(_d.values())))

</pallas_src>

<mosaic_0001>
#map = affine_map<(d0, d1) -> (0)>
#map1 = affine_map<(d0, d1) -> (0, 0)>
#map2 = affine_map<(d0, d1) -> (0, 0, 0)>
module attributes {stable_mosaic.version = 14 : i64} {
  func.func @_sc_agg_body(%arg0: i32, %arg1: i32, %arg2: memref<320000xi32, #tpu.memory_space<hbm>>, %arg3: memref<320000xi32, #tpu.memory_space<hbm>>, %arg4: memref<10000x128xf32, #tpu.memory_space<hbm>>, %arg5: memref<2x10112x128xf32, #tpu.memory_space<hbm>>, %arg6: memref<10000xi32, #tpu.memory_space<vmem>>, %arg7: memref<10000xi32, #tpu.memory_space<vmem>>, %arg8: memref<80x128xf32, #tpu.memory_space<vmem>>, %arg9: memref<80x128xf32, #tpu.memory_space<vmem>>, %arg10: memref<10112x128xf32, #tpu.memory_space<vmem_shared>>, %arg11: memref<!tpu.dma_semaphore, #tpu.memory_space<semaphore_mem>>, %arg12: memref<!tpu.dma_semaphore, #tpu.memory_space<semaphore_mem>>) attributes {dimension_semantics = [#tpu.dimension_semantics<core_parallel>, #tpu.dimension_semantics<subcore_parallel>], iteration_bounds = array<i64: 2, 16>, scalar_prefetch = 0 : i64, scratch_operands = 7 : i64, tpu.core_type = #tpu.core_type<sc_vector_subcore>, window_params = [{transform_indices = #map}, {transform_indices = #map}, {transform_indices = #map1}, {transform_indices = #map2}]} {
    %mul3A = arith.constant 2 : i32
    %mul3A_0 = arith.muli %arg1, %mul3A : i32
    %add3A = arith.addi %mul3A_0, %arg0 : i32
    %mul3A_1 = arith.constant 632 : i32
    %mul3A_2 = arith.muli %arg1, %mul3A_1 : i32
    %scan3A = arith.constant 0 : i32
    %scan3A_3 = arith.constant 0 : i32
    %scan3A_4 = arith.constant 80 : i32
    %scan3A_5 = arith.addi %scan3A_3, %scan3A_4 : i32
    %scan3A_6 = arith.constant 1 : i32
    scf.for %scan3A_63 = %scan3A_3 to %scan3A_5 step %scan3A_6  : i32 {
      %broadcast_in_dim3A = arith.constant 0.000000e+00 : f32
      %broadcast_in_dim3A_64 = vector.broadcast %broadcast_in_dim3A : f32 to vector<16xf32>
      %swap3A = arith.index_cast %scan3A_63 : i32 to index
      %swap3A_65 = arith.constant 0 : index
      %swap3A_66 = tpu.vector_load %arg8[%swap3A, %swap3A_65] {strides = array<i32>} : memref<80x128xf32, #tpu.memory_space<vmem>>, vector<1x16xf32>,
      %swap3A_67 = vector.shape_cast %swap3A_66 : vector<1x16xf32> to vector<16xf32>
      %swap3A_68 = vector.shape_cast %broadcast_in_dim3A_64 : vector<16xf32> to vector<1x16xf32>
      tpu.vector_store %arg8[%swap3A, %swap3A_65], %swap3A_68 {strides = array<i32>} : memref<80x128xf32, #tpu.memory_space<vmem>>, vector<1x16xf32>,
      %broadcast_in_dim3A_69 = arith.constant 0.000000e+00 : f32
      %broadcast_in_dim3A_70 = vector.broadcast %broadcast_in_dim3A_69 : f32 to vector<16xf32>
      %swap3A_71 = arith.index_cast %scan3A_63 : i32 to index
      %swap3A_72 = arith.constant 16 : index
      %swap3A_73 = tpu.vector_load %arg8[%swap3A_71, %swap3A_72] {strides = array<i32>} : memref<80x128xf32, #tpu.memory_space<vmem>>, vector<1x16xf32>,
      %swap3A_74 = vector.shape_cast %swap3A_73 : vector<1x16xf32> to vector<16xf32>
      %swap3A_75 = vector.shape_cast %broadcast_in_dim3A_70 : vector<16xf32> to vector<1x16xf32>
      tpu.vector_store %arg8[%swap3A_71, %swap3A_72], %swap3A_75 {strides = array<i32>} : memref<80x128xf32, #tpu.memory_space<vmem>>, vector<1x16xf32>,
      %broadcast_in_dim3A_76 = arith.constant 0.000000e+00 : f32
      %broadcast_in_dim3A_77 = vector.broadcast %broadcast_in_dim3A_76 : f32 to vector<16xf32>
      %swap3A_78 = arith.index_cast %scan3A_63 : i32 to index
      %swap3A_79 = arith.constant 32 : index
      %swap3A_80 = tpu.vector_load %arg8[%swap3A_78, %swap3A_79] {strides = array<i32>} : memref<80x128xf32, #tpu.memory_space<vmem>>, vector<1x16xf32>,
      %swap3A_81 = vector.shape_cast %swap3A_80 : vector<1x16xf32> to vector<16xf32>
      %swap3A_82 = vector.shape_cast %broadcast_in_dim3A_77 : vector<16xf32> to vector<1x16xf32>
      tpu.vector_store %arg8[%swap3A_78, %swap3A_79], %swap3A_82 {strides = array<i32>} : memref<80x128xf32, #tpu.memory_space<vmem>>, vector<1x16xf32>,
      %broadcast_in_dim3A_83 = arith.constant 0.000000e+00 : f32
      %broadcast_in_dim3A_84 = vector.broadcast %broadcast_in_dim3A_83 : f32 to vector<16xf32>
      %swap3A_85 = arith.index_cast %scan3A_63 : i32 to index
      %swap3A_86 = arith.constant 48 : index
      %swap3A_87 = tpu.vector_load %arg8[%swap3A_85, %swap3A_86] {strides = array<i32>} : memref<80x128xf32, #tpu.memory_space<vmem>>, vector<1x16xf32>,
      %swap3A_88 = vector.shape_cast %swap3A_87 : vector<1x16xf32> to vector<16xf32>
      %swap3A_89 = vector.shape_cast %broadcast_in_dim3A_84 : vector<16xf32> to vector<1x16xf32>
      tpu.vector_store %arg8[%swap3A_85, %swap3A_86], %swap3A_89 {strides = array<i32>} : memref<80x128xf32, #tpu.memory_space<vmem>>, vector<1x16xf32>,
      %broadcast_in_dim3A_90 = arith.constant 0.000000e+00 : f32
      %broadcast_in_dim3A_91 = vector.broadcast %broadcast_in_dim3A_90 : f32 to vector<16xf32>
      %swap3A_92 = arith.index_cast %scan3A_63 : i32 to index
      %swap3A_93 = arith.constant 64 : index
      %swap3A_94 = tpu.vector_load %arg8[%swap3A_92, %swap3A_93] {strides = array<i32>} : memref<80x128xf32, #tpu.memory_space<vmem>>, vector<1x16xf32>,
      %swap3A_95 = vector.shape_cast %swap3A_94 : vector<1x16xf32> to vector<16xf32>
      %swap3A_96 = vector.shape_cast %broadcast_in_dim3A_91 : vector<16xf32> to vector<1x16xf32>
      tpu.vector_store %arg8[%swap3A_92, %swap3A_93], %swap3A_96 {strides = array<i32>} : memref<80x128xf32, #tpu.memory_space<vmem>>, vector<1x16xf32>,
      %broadcast_in_dim3A_97 = arith.constant 0.000000e+00 : f32
      %broadcast_in_dim3A_98 = vector.broadcast %broadcast_in_dim3A_97 : f32 to vector<16xf32>
      %swap3A_99 = arith.index_cast %scan3A_63 : i32 to index
      %swap3A_100 = arith.constant 80 : index
      %swap3A_101 = tpu.vector_load %arg8[%swap3A_99, %swap3A_100] {strides = array<i32>} : memref<80x128xf32, #tpu.memory_space<vmem>>, vector<1x16xf32>,
      %swap3A_102 = vector.shape_cast %swap3A_101 : vector<1x16xf32> to vector<16xf32>
      %swap3A_103 = vector.shape_cast %broadcast_in_dim3A_98 : vector<16xf32> to vector<1x16xf32>
      tpu.vector_store %arg8[%swap3A_99, %swap3A_100], %swap3A_103 {strides = array<i32>} : memref<80x128xf32, #tpu.memory_space<vmem>>, vector<1x16xf32>,
      %broadcast_in_dim3A_104 = arith.constant 0.000000e+00 : f32
      %broadcast_in_dim3A_105 = vector.broadcast %broadcast_in_dim3A_104 : f32 to vector<16xf32>
      %swap3A_106 = arith.index_cast %scan3A_63 : i32 to index
      %swap3A_107 = arith.constant 96 : index
      %swap3A_108 = tpu.vector_load %arg8[%swap3A_106, %swap3A_107] {strides = array<i32>} : memref<80x128xf32, #tpu.memory_space<vmem>>, vector<1x16xf32>,
      %swap3A_109 = vector.shape_cast %swap3A_108 : vector<1x16xf32> to vector<16xf32>
      %swap3A_110 = vector.shape_cast %broadcast_in_dim3A_105 : vector<16xf32> to vector<1x16xf32>
      tpu.vector_store %arg8[%swap3A_106, %swap3A_107], %swap3A_110 {strides = array<i32>} : memref<80x128xf32, #tpu.memory_space<vmem>>, vector<1x16xf32>,
      %broadcast_in_dim3A_111 = arith.constant 0.000000e+00 : f32
      %broadcast_in_dim3A_112 = vector.broadcast %broadcast_in_dim3A_111 : f32 to vector<16xf32>
      %swap3A_113 = arith.index_cast %scan3A_63 : i32 to index
      %swap3A_114 = arith.constant 112 : index
      %swap3A_115 = tpu.vector_load %arg8[%swap3A_113, %swap3A_114] {strides = array<i32>} : memref<80x128xf32, #tpu.memory_space<vmem>>, vector<1x16xf32>,
      %swap3A_116 = vector.shape_cast %swap3A_115 : vector<1x16xf32> to vector<16xf32>
      %swap3A_117 = vector.shape_cast %broadcast_in_dim3A_112 : vector<16xf32> to vector<1x16xf32>
      tpu.vector_store %arg8[%swap3A_113, %swap3A_114], %swap3A_117 {strides = array<i32>} : memref<80x128xf32, #tpu.memory_space<vmem>>, vector<1x16xf32>,
    }
    %scan3A_7 = arith.constant 80 : i32
    %add3A_8 = arith.constant 0 : i32
    %add3A_9 = arith.addi %mul3A_2, %add3A_8 : i32
    "tpu.region"() ({
      %run_scoped3A = tpu.sem_alloc : memref<!tpu.dma_semaphore, #tpu.memory_space<semaphore_mem>>
      %dma_start3A_63 = arith.constant 0 : i32
      %dma_start3A_64 = arith.constant 0 : i32
      %dma_start3A_65 = tpu.memref_slice %arg8[%dma_start3A_63, %dma_start3A_64] : memref<80x128xf32, #tpu.memory_space<vmem>> -> memref<80x128xf32, #tpu.memory_space<vmem>>
      %dma_start3A_66 = arith.constant 0 : i32
      %dma_start3A_67 = tpu.memref_slice %arg10[%add3A_9, %dma_start3A_66] : memref<10112x128xf32, #tpu.memory_space<vmem_shared>> -> memref<80x128xf32, #tpu.memory_space<vmem_shared>>
      %dma_start3A_68 = arith.constant 0 : i32
      %dma_start3A_69 = tpu.memref_slice %arg10[%add3A_9, %dma_start3A_68] : memref<10112x128xf32, #tpu.memory_space<vmem_shared>> -> memref<80x128xf32, #tpu.memory_space<vmem_shared>>
      %dma_start3A_70 = arith.constant 0 : i32
      %dma_start3A_71 = arith.constant 0 : i32
      %dma_start3A_72 = tpu.memref_slice %arg8[%dma_start3A_70, %dma_start3A_71] : memref<80x128xf32, #tpu.memory_space<vmem>> -> memref<80x128xf32, #tpu.memory_space<vmem>>
      tpu.enqueue_dma source(%dma_start3A_72 : memref<80x128xf32, #tpu.memory_space<vmem>>) target(%dma_start3A_69 : memref<80x128xf32, #tpu.memory_space<vmem_shared>>) target_semaphore(%run_scoped3A : memref<!tpu.dma_semaphore, #tpu.memory_space<semaphore_mem>>)
      %dma_wait3A_73 = arith.constant 0 : i32
      %dma_wait3A_74 = arith.constant 0 : i32
      %dma_wait3A_75 = tpu.memref_slice %arg8[%dma_wait3A_73, %dma_wait3A_74] : memref<80x128xf32, #tpu.memory_space<vmem>> -> memref<80x128xf32, #tpu.memory_space<vmem>>
      %dma_wait3A_76 = arith.constant 0 : i32
      %dma_wait3A_77 = tpu.memref_slice %arg10[%add3A_9, %dma_wait3A_76] : memref<10112x128xf32, #tpu.memory_space<vmem_shared>> -> memref<80x128xf32, #tpu.memory_space<vmem_shared>>
      %dma_wait3A_78 = arith.constant 0 : i32
      %dma_wait3A_79 = tpu.memref_slice %arg10[%add3A_9, %dma_wait3A_78] : memref<10112x128xf32, #tpu.memory_space<vmem_shared>> -> memref<80x128xf32, #tpu.memory_space<vmem_shared>>
      %dma_wait3A_80 = arith.constant 0 : i32
      %dma_wait3A_81 = arith.constant 0 : i32
      %dma_wait3A_82 = tpu.memref_slice %arg8[%dma_wait3A_80, %dma_wait3A_81] : memref<80x128xf32, #tpu.memory_space<vmem>> -> memref<80x128xf32, #tpu.memory_space<vmem>>
      tpu.wait_dma2 semaphore(%run_scoped3A : memref<!tpu.dma_semaphore, #tpu.memory_space<semaphore_mem>>) src(%dma_wait3A_82 : memref<80x128xf32, #tpu.memory_space<vmem>>) dst(%dma_wait3A_79 : memref<80x128xf32, #tpu.memory_space<vmem_shared>>)
      tpu.yield
    }) : () -> ()
    %add3A_10 = arith.constant 80 : i32
    %add3A_11 = arith.addi %mul3A_2, %add3A_10 : i32
    "tpu.region"() ({
      %run_scoped3A = tpu.sem_alloc : memref<!tpu.dma_semaphore, #tpu.memory_space<semaphore_mem>>
      %dma_start3A_63 = arith.constant 0 : i32
      %dma_start3A_64 = arith.constant 0 : i32
      %dma_start3A_65 = tpu.memref_slice %arg8[%dma_start3A_63, %dma_start3A_64] : memref<80x128xf32, #tpu.memory_space<vmem>> -> memref<80x128xf32, #tpu.memory_space<vmem>>
      %dma_start3A_66 = arith.constant 0 : i32
      %dma_start3A_67 = tpu.memref_slice %arg10[%add3A_11, %dma_start3A_66] : memref<10112x128xf32, #tpu.memory_space<vmem_shared>> -> memref<80x128xf32, #tpu.memory_space<vmem_shared>>
      %dma_start3A_68 = arith.constant 0 : i32
      %dma_start3A_69 = tpu.memref_slice %arg10[%add3A_11, %dma_start3A_68] : memref<10112x128xf32, #tpu.memory_space<vmem_shared>> -> memref<80x128xf32, #tpu.memory_space<vmem_shared>>
      %dma_start3A_70 = arith.constant 0 : i32
      %dma_start3A_71 = arith.constant 0 : i32
      %dma_start3A_72 = tpu.memref_slice %arg8[%dma_start3A_70, %dma_start3A_71] : memref<80x128xf32, #tpu.memory_space<vmem>> -> memref<80x128xf32, #tpu.memory_space<vmem>>
      tpu.enqueue_dma source(%dma_start3A_72 : memref<80x128xf32, #tpu.memory_space<vmem>>) target(%dma_start3A_69 : memref<80x128xf32, #tpu.memory_space<vmem_shared>>) target_semaphore(%run_scoped3A : memref<!tpu.dma_semaphore, #tpu.memory_space<semaphore_mem>>)
      %dma_wait3A_73 = arith.constant 0 : i32
      %dma_wait3A_74 = arith.constant 0 : i32
      %dma_wait3A_75 = tpu.memref_slice %arg8[%dma_wait3A_73, %dma_wait3A_74] : memref<80x128xf32, #tpu.memory_space<vmem>> -> memref<80x128xf32, #tpu.memory_space<vmem>>
      %dma_wait3A_76 = arith.constant 0 : i32
      %dma_wait3A_77 = tpu.memref_slice %arg10[%add3A_11, %dma_wait3A_76] : memref<10112x128xf32, #tpu.memory_space<vmem_shared>> -> memref<80x128xf32, #tpu.memory_space<vmem_shared>>
      %dma_wait3A_78 = arith.constant 0 : i32
      %dma_wait3A_79 = tpu.memref_slice %arg10[%add3A_11, %dma_wait3A_78] : memref<10112x128xf32, #tpu.memory_space<vmem_shared>> -> memref<80x128xf32, #tpu.memory_space<vmem_shared>>
      %dma_wait3A_80 = arith.constant 0 : i32
      %dma_wait3A_81 = arith.constant 0 : i32
      %dma_wait3A_82 = tpu.memref_slice %arg8[%dma_wait3A_80, %dma_wait3A_81] : memref<80x128xf32, #tpu.memory_space<vmem>> -> memref<80x128xf32, #tpu.memory_space<vmem>>
      tpu.wait_dma2 semaphore(%run_scoped3A : memref<!tpu.dma_semaphore, #tpu.memory_space<semaphore_mem>>) src(%dma_wait3A_82 : memref<80x128xf32, #tpu.memory_space<vmem>>) dst(%dma_wait3A_79 : memref<80x128xf32, #tpu.memory_space<vmem_shared>>)
      tpu.yield
    }) : () -> ()
    %add3A_12 = arith.constant 160 : i32
    %add3A_13 = arith.addi %mul3A_2, %add3A_12 : i32
    "tpu.region"() ({
      %run_scoped3A = tpu.sem_alloc : memref<!tpu.dma_semaphore, #tpu.memory_space<semaphore_mem>>
      %dma_start3A_63 = arith.constant 0 : i32
      %dma_start3A_64 = arith.constant 0 : i32
      %dma_start3A_65 = tpu.memref_slice %arg8[%dma_start3A_63, %dma_start3A_64] : memref<80x128xf32, #tpu.memory_space<vmem>> -> memref<80x128xf32, #tpu.memory_space<vmem>>
      %dma_start3A_66 = arith.constant 0 : i32
      %dma_start3A_67 = tpu.memref_slice %arg10[%add3A_13, %dma_start3A_66] : memref<10112x128xf32, #tpu.memory_space<vmem_shared>> -> memref<80x128xf32, #tpu.memory_space<vmem_shared>>
      %dma_start3A_68 = arith.constant 0 : i32
      %dma_start3A_69 = tpu.memref_slice %arg10[%add3A_13, %dma_start3A_68] : memref<10112x128xf32, #tpu.memory_space<vmem_shared>> -> memref<80x128xf32, #tpu.memory_space<vmem_shared>>
      %dma_start3A_70 = arith.constant 0 : i32
      %dma_start3A_71 = arith.constant 0 : i32
      %dma_start3A_72 = tpu.memref_slice %arg8[%dma_start3A_70, %dma_start3A_71] : memref<80x128xf32, #tpu.memory_space<vmem>> -> memref<80x128xf32, #tpu.memory_space<vmem>>
      tpu.enqueue_dma source(%dma_start3A_72 : memref<80x128xf32, #tpu.memory_space<vmem>>) target(%dma_start3A_69 : memref<80x128xf32, #tpu.memory_space<vmem_shared>>) target_semaphore(%run_scoped3A : memref<!tpu.dma_semaphore, #tpu.memory_space<semaphore_mem>>)
      %dma_wait3A_73 = arith.constant 0 : i32
      %dma_wait3A_74 = arith.constant 0 : i32
      %dma_wait3A_75 = tpu.memref_slice %arg8[%dma_wait3A_73, %dma_wait3A_74] : memref<80x128xf32, #tpu.memory_space<vmem>> -> memref<80x128xf32, #tpu.memory_space<vmem>>
      %dma_wait3A_76 = arith.constant 0 : i32
      %dma_wait3A_77 = tpu.memref_slice %arg10[%add3A_13, %dma_wait3A_76] : memref<10112x128xf32, #tpu.memory_space<vmem_shared>> -> memref<80x128xf32, #tpu.memory_space<vmem_shared>>
      %dma_wait3A_78 = arith.constant 0 : i32
      %dma_wait3A_79 = tpu.memref_slice %arg10[%add3A_13, %dma_wait3A_78] : memref<10112x128xf32, #tpu.memory_space<vmem_shared>> -> memref<80x128xf32, #tpu.memory_space<vmem_shared>>
      %dma_wait3A_80 = arith.constant 0 : i32
      %dma_wait3A_81 = arith.constant 0 : i32
      %dma_wait3A_82 = tpu.memref_slice %arg8[%dma_wait3A_80, %dma_wait3A_81] : memref<80x128xf32, #tpu.memory_space<vmem>> -> memref<80x128xf32, #tpu.memory_space<vmem>>
      tpu.wait_dma2 semaphore(%run_scoped3A : memref<!tpu.dma_semaphore, #tpu.memory_space<semaphore_mem>>) src(%dma_wait3A_82 : memref<80x128xf32, #tpu.memory_space<vmem>>) dst(%dma_wait3A_79 : memref<80x128xf32, #tpu.memory_space<vmem_shared>>)
      tpu.yield
    }) : () -> ()
    %add3A_14 = arith.constant 240 : i32
    %add3A_15 = arith.addi %mul3A_2, %add3A_14 : i32
    "tpu.region"() ({
      %run_scoped3A = tpu.sem_alloc : memref<!tpu.dma_semaphore, #tpu.memory_space<semaphore_mem>>
      %dma_start3A_63 = arith.constant 0 : i32
      %dma_start3A_64 = arith.constant 0 : i32
      %dma_start3A_65 = tpu.memref_slice %arg8[%dma_start3A_63, %dma_start3A_64] : memref<80x128xf32, #tpu.memory_space<vmem>> -> memref<80x128xf32, #tpu.memory_space<vmem>>
      %dma_start3A_66 = arith.constant 0 : i32
      %dma_start3A_67 = tpu.memref_slice %arg10[%add3A_15, %dma_start3A_66] : memref<10112x128xf32, #tpu.memory_space<vmem_shared>> -> memref<80x128xf32, #tpu.memory_space<vmem_shared>>
      %dma_start3A_68 = arith.constant 0 : i32
      %dma_start3A_69 = tpu.memref_slice %arg10[%add3A_15, %dma_start3A_68] : memref<10112x128xf32, #tpu.memory_space<vmem_shared>> -> memref<80x128xf32, #tpu.memory_space<vmem_shared>>
      %dma_start3A_70 = arith.constant 0 : i32
      %dma_start3A_71 = arith.constant 0 : i32
      %dma_start3A_72 = tpu.memref_slice %arg8[%dma_start3A_70, %dma_start3A_71] : memref<80x128xf32, #tpu.memory_space<vmem>> -> memref<80x128xf32, #tpu.memory_space<vmem>>
      tpu.enqueue_dma source(%dma_start3A_72 : memref<80x128xf32, #tpu.memory_space<vmem>>) target(%dma_start3A_69 : memref<80x128xf32, #tpu.memory_space<vmem_shared>>) target_semaphore(%run_scoped3A : memref<!tpu.dma_semaphore, #tpu.memory_space<semaphore_mem>>)
      %dma_wait3A_73 = arith.constant 0 : i32
      %dma_wait3A_74 = arith.constant 0 : i32
      %dma_wait3A_75 = tpu.memref_slice %arg8[%dma_wait3A_73, %dma_wait3A_74] : memref<80x128xf32, #tpu.memory_space<vmem>> -> memref<80x128xf32, #tpu.memory_space<vmem>>
      %dma_wait3A_76 = arith.constant 0 : i32
      %dma_wait3A_77 = tpu.memref_slice %arg10[%add3A_15, %dma_wait3A_76] : memref<10112x128xf32, #tpu.memory_space<vmem_shared>> -> memref<80x128xf32, #tpu.memory_space<vmem_shared>>
      %dma_wait3A_78 = arith.constant 0 : i32
      %dma_wait3A_79 = tpu.memref_slice %arg10[%add3A_15, %dma_wait3A_78] : memref<10112x128xf32, #tpu.memory_space<vmem_shared>> -> memref<80x128xf32, #tpu.memory_space<vmem_shared>>
      %dma_wait3A_80 = arith.constant 0 : i32
      %dma_wait3A_81 = arith.constant 0 : i32
      %dma_wait3A_82 = tpu.memref_slice %arg8[%dma_wait3A_80, %dma_wait3A_81] : memref<80x128xf32, #tpu.memory_space<vmem>> -> memref<80x128xf32, #tpu.memory_space<vmem>>
      tpu.wait_dma2 semaphore(%run_scoped3A : memref<!tpu.dma_semaphore, #tpu.memory_space<semaphore_mem>>) src(%dma_wait3A_82 : memref<80x128xf32, #tpu.memory_space<vmem>>) dst(%dma_wait3A_79 : memref<80x128xf32, #tpu.memory_space<vmem_shared>>)
      tpu.yield
    }) : () -> ()
    %add3A_16 = arith.constant 320 : i32
    %add3A_17 = arith.addi %mul3A_2, %add3A_16 : i32
    "tpu.region"() ({
      %run_scoped3A = tpu.sem_alloc : memref<!tpu.dma_semaphore, #tpu.memory_space<semaphore_mem>>
      %dma_start3A_63 = arith.constant 0 : i32
      %dma_start3A_64 = arith.constant 0 : i32
      %dma_start3A_65 = tpu.memref_slice %arg8[%dma_start3A_63, %dma_start3A_64] : memref<80x128xf32, #tpu.memory_space<vmem>> -> memref<80x128xf32, #tpu.memory_space<vmem>>
      %dma_start3A_66 = arith.constant 0 : i32
      %dma_start3A_67 = tpu.memref_slice %arg10[%add3A_17, %dma_start3A_66] : memref<10112x128xf32, #tpu.memory_space<vmem_shared>> -> memref<80x128xf32, #tpu.memory_space<vmem_shared>>
      %dma_start3A_68 = arith.constant 0 : i32
      %dma_start3A_69 = tpu.memref_slice %arg10[%add3A_17, %dma_start3A_68] : memref<10112x128xf32, #tpu.memory_space<vmem_shared>> -> memref<80x128xf32, #tpu.memory_space<vmem_shared>>
      %dma_start3A_70 = arith.constant 0 : i32
      %dma_start3A_71 = arith.constant 0 : i32
      %dma_start3A_72 = tpu.memref_slice %arg8[%dma_start3A_70, %dma_start3A_71] : memref<80x128xf32, #tpu.memory_space<vmem>> -> memref<80x128xf32, #tpu.memory_space<vmem>>
      tpu.enqueue_dma source(%dma_start3A_72 : memref<80x128xf32, #tpu.memory_space<vmem>>) target(%dma_start3A_69 : memref<80x128xf32, #tpu.memory_space<vmem_shared>>) target_semaphore(%run_scoped3A : memref<!tpu.dma_semaphore, #tpu.memory_space<semaphore_mem>>)
      %dma_wait3A_73 = arith.constant 0 : i32
      %dma_wait3A_74 = arith.constant 0 : i32
      %dma_wait3A_75 = tpu.memref_slice %arg8[%dma_wait3A_73, %dma_wait3A_74] : memref<80x128xf32, #tpu.memory_space<vmem>> -> memref<80x128xf32, #tpu.memory_space<vmem>>
      %dma_wait3A_76 = arith.constant 0 : i32
      %dma_wait3A_77 = tpu.memref_slice %arg10[%add3A_17, %dma_wait3A_76] : memref<10112x128xf32, #tpu.memory_space<vmem_shared>> -> memref<80x128xf32, #tpu.memory_space<vmem_shared>>
      %dma_wait3A_78 = arith.constant 0 : i32
      %dma_wait3A_79 = tpu.memref_slice %arg10[%add3A_17, %dma_wait3A_78] : memref<10112x128xf32, #tpu.memory_space<vmem_shared>> -> memref<80x128xf32, #tpu.memory_space<vmem_shared>>
      %dma_wait3A_80 = arith.constant 0 : i32
      %dma_wait3A_81 = arith.constant 0 : i32
      %dma_wait3A_82 = tpu.memref_slice %arg8[%dma_wait3A_80, %dma_wait3A_81] : memref<80x128xf32, #tpu.memory_space<vmem>> -> memref<80x128xf32, #tpu.memory_space<vmem>>
      tpu.wait_dma2 semaphore(%run_scoped3A : memref<!tpu.dma_semaphore, #tpu.memory_space<semaphore_mem>>) src(%dma_wait3A_82 : memref<80x128xf32, #tpu.memory_space<vmem>>) dst(%dma_wait3A_79 : memref<80x128xf32, #tpu.memory_space<vmem_shared>>)
      tpu.yield
    }) : () -> ()
    %add3A_18 = arith.constant 400 : i32
    %add3A_19 = arith.addi %mul3A_2, %add3A_18 : i32
    "tpu.region"() ({
      %run_scoped3A = tpu.sem_alloc : memref<!tpu.dma_semaphore, #tpu.memory_space<semaphore_mem>>
      %dma_start3A_63 = arith.constant 0 : i32
      %dma_start3A_64 = arith.constant 0 : i32
      %dma_start3A_65 = tpu.memref_slice %arg8[%dma_start3A_63, %dma_start3A_64] : memref<80x128xf32, #tpu.memory_space<vmem>> -> memref<80x128xf32, #tpu.memory_space<vmem>>
      %dma_start3A_66 = arith.constant 0 : i32
      %dma_start3A_67 = tpu.memref_slice %arg10[%add3A_19, %dma_start3A_66] : memref<10112x128xf32, #tpu.memory_space<vmem_shared>> -> memref<80x128xf32, #tpu.memory_space<vmem_shared>>
      %dma_start3A_68 = arith.constant 0 : i32
      %dma_start3A_69 = tpu.memref_slice %arg10[%add3A_19, %dma_start3A_68] : memref<10112x128xf32, #tpu.memory_space<vmem_shared>> -> memref<80x128xf32, #tpu.memory_space<vmem_shared>>
      %dma_start3A_70 = arith.constant 0 : i32
      %dma_start3A_71 = arith.constant 0 : i32
      %dma_start3A_72 = tpu.memref_slice %arg8[%dma_start3A_70, %dma_start3A_71] : memref<80x128xf32, #tpu.memory_space<vmem>> -> memref<80x128xf32, #tpu.memory_space<vmem>>
      tpu.enqueue_dma source(%dma_start3A_72 : memref<80x128xf32, #tpu.memory_space<vmem>>) target(%dma_start3A_69 : memref<80x128xf32, #tpu.memory_space<vmem_shared>>) target_semaphore(%run_scoped3A : memref<!tpu.dma_semaphore, #tpu.memory_space<semaphore_mem>>)
      %dma_wait3A_73 = arith.constant 0 : i32
      %dma_wait3A_74 = arith.constant 0 : i32
      %dma_wait3A_75 = tpu.memref_slice %arg8[%dma_wait3A_73, %dma_wait3A_74] : memref<80x128xf32, #tpu.memory_space<vmem>> -> memref<80x128xf32, #tpu.memory_space<vmem>>
      %dma_wait3A_76 = arith.constant 0 : i32
      %dma_wait3A_77 = tpu.memref_slice %arg10[%add3A_19, %dma_wait3A_76] : memref<10112x128xf32, #tpu.memory_space<vmem_shared>> -> memref<80x128xf32, #tpu.memory_space<vmem_shared>>
      %dma_wait3A_78 = arith.constant 0 : i32
      %dma_wait3A_79 = tpu.memref_slice %arg10[%add3A_19, %dma_wait3A_78] : memref<10112x128xf32, #tpu.memory_space<vmem_shared>> -> memref<80x128xf32, #tpu.memory_space<vmem_shared>>
      %dma_wait3A_80 = arith.constant 0 : i32
      %dma_wait3A_81 = arith.constant 0 : i32
      %dma_wait3A_82 = tpu.memref_slice %arg8[%dma_wait3A_80, %dma_wait3A_81] : memref<80x128xf32, #tpu.memory_space<vmem>> -> memref<80x128xf32, #tpu.memory_space<vmem>>
      tpu.wait_dma2 semaphore(%run_scoped3A : memref<!tpu.dma_semaphore, #tpu.memory_space<semaphore_mem>>) src(%dma_wait3A_82 : memref<80x128xf32, #tpu.memory_space<vmem>>) dst(%dma_wait3A_79 : memref<80x128xf32, #tpu.memory_space<vmem_shared>>)
      tpu.yield
    }) : () -> ()
    %add3A_20 = arith.constant 480 : i32
    %add3A_21 = arith.addi %mul3A_2, %add3A_20 : i32
    "tpu.region"() ({
      %run_scoped3A = tpu.sem_alloc : memref<!tpu.dma_semaphore, #tpu.memory_space<semaphore_mem>>
      %dma_start3A_63 = arith.constant 0 : i32
      %dma_start3A_64 = arith.constant 0 : i32
      %dma_start3A_65 = tpu.memref_slice %arg8[%dma_start3A_63, %dma_start3A_64] : memref<80x128xf32, #tpu.memory_space<vmem>> -> memref<80x128xf32, #tpu.memory_space<vmem>>
      %dma_start3A_66 = arith.constant 0 : i32
      %dma_start3A_67 = tpu.memref_slice %arg10[%add3A_21, %dma_start3A_66] : memref<10112x128xf32, #tpu.memory_space<vmem_shared>> -> memref<80x128xf32, #tpu.memory_space<vmem_shared>>
      %dma_start3A_68 = arith.constant 0 : i32
      %dma_start3A_69 = tpu.memref_slice %arg10[%add3A_21, %dma_start3A_68] : memref<10112x128xf32, #tpu.memory_space<vmem_shared>> -> memref<80x128xf32, #tpu.memory_space<vmem_shared>>
      %dma_start3A_70 = arith.constant 0 : i32
      %dma_start3A_71 = arith.constant 0 : i32
      %dma_start3A_72 = tpu.memref_slice %arg8[%dma_start3A_70, %dma_start3A_71] : memref<80x128xf32, #tpu.memory_space<vmem>> -> memref<80x128xf32, #tpu.memory_space<vmem>>
      tpu.enqueue_dma source(%dma_start3A_72 : memref<80x128xf32, #tpu.memory_space<vmem>>) target(%dma_start3A_69 : memref<80x128xf32, #tpu.memory_space<vmem_shared>>) target_semaphore(%run_scoped3A : memref<!tpu.dma_semaphore, #tpu.memory_space<semaphore_mem>>)
      %dma_wait3A_73 = arith.constant 0 : i32
      %dma_wait3A_74 = arith.constant 0 : i32
      %dma_wait3A_75 = tpu.memref_slice %arg8[%dma_wait3A_73, %dma_wait3A_74] : memref<80x128xf32, #tpu.memory_space<vmem>> -> memref<80x128xf32, #tpu.memory_space<vmem>>
      %dma_wait3A_76 = arith.constant 0 : i32
      %dma_wait3A_77 = tpu.memref_slice %arg10[%add3A_21, %dma_wait3A_76] : memref<10112x128xf32, #tpu.memory_space<vmem_shared>> -> memref<80x128xf32, #tpu.memory_space<vmem_shared>>
      %dma_wait3A_78 = arith.constant 0 : i32
      %dma_wait3A_79 = tpu.memref_slice %arg10[%add3A_21, %dma_wait3A_78] : memref<10112x128xf32, #tpu.memory_space<vmem_shared>> -> memref<80x128xf32, #tpu.memory_space<vmem_shared>>
      %dma_wait3A_80 = arith.constant 0 : i32
      %dma_wait3A_81 = arith.constant 0 : i32
      %dma_wait3A_82 = tpu.memref_slice %arg8[%dma_wait3A_80, %dma_wait3A_81] : memref<80x128xf32, #tpu.memory_space<vmem>> -> memref<80x128xf32, #tpu.memory_space<vmem>>
      tpu.wait_dma2 semaphore(%run_scoped3A : memref<!tpu.dma_semaphore, #tpu.memory_space<semaphore_mem>>) src(%dma_wait3A_82 : memref<80x128xf32, #tpu.memory_space<vmem>>) dst(%dma_wait3A_79 : memref<80x128xf32, #tpu.memory_space<vmem_shared>>)
      tpu.yield
    }) : () -> ()
    %add3A_22 = arith.constant 560 : i32
    %add3A_23 = arith.addi %mul3A_2, %add3A_22 : i32
    "tpu.region"() ({
      %run_scoped3A = tpu.sem_alloc : memref<!tpu.dma_semaphore, #tpu.memory_space<semaphore_mem>>
      %dma_start3A_63 = arith.constant 0 : i32
      %dma_start3A_64 = arith.constant 0 : i32
      %dma_start3A_65 = tpu.memref_slice %arg8[%dma_start3A_63, %dma_start3A_64] : memref<80x128xf32, #tpu.memory_space<vmem>> -> memref<72x128xf32, #tpu.memory_space<vmem>>
      %dma_start3A_66 = arith.constant 0 : i32
      %dma_start3A_67 = tpu.memref_slice %arg10[%add3A_23, %dma_start3A_66] : memref<10112x128xf32, #tpu.memory_space<vmem_shared>> -> memref<72x128xf32, #tpu.memory_space<vmem_shared>>
      %dma_start3A_68 = arith.constant 0 : i32
      %dma_start3A_69 = tpu.memref_slice %arg10[%add3A_23, %dma_start3A_68] : memref<10112x128xf32, #tpu.memory_space<vmem_shared>> -> memref<72x128xf32, #tpu.memory_space<vmem_shared>>
      %dma_start3A_70 = arith.constant 0 : i32
      %dma_start3A_71 = arith.constant 0 : i32
      %dma_start3A_72 = tpu.memref_slice %arg8[%dma_start3A_70, %dma_start3A_71] : memref<80x128xf32, #tpu.memory_space<vmem>> -> memref<72x128xf32, #tpu.memory_space<vmem>>
      tpu.enqueue_dma source(%dma_start3A_72 : memref<72x128xf32, #tpu.memory_space<vmem>>) target(%dma_start3A_69 : memref<72x128xf32, #tpu.memory_space<vmem_shared>>) target_semaphore(%run_scoped3A : memref<!tpu.dma_semaphore, #tpu.memory_space<semaphore_mem>>)
      %dma_wait3A_73 = arith.constant 0 : i32
      %dma_wait3A_74 = arith.constant 0 : i32
      %dma_wait3A_75 = tpu.memref_slice %arg8[%dma_wait3A_73, %dma_wait3A_74] : memref<80x128xf32, #tpu.memory_space<vmem>> -> memref<72x128xf32, #tpu.memory_space<vmem>>
      %dma_wait3A_76 = arith.constant 0 : i32
      %dma_wait3A_77 = tpu.memref_slice %arg10[%add3A_23, %dma_wait3A_76] : memref<10112x128xf32, #tpu.memory_space<vmem_shared>> -> memref<72x128xf32, #tpu.memory_space<vmem_shared>>
      %dma_wait3A_78 = arith.constant 0 : i32
      %dma_wait3A_79 = tpu.memref_slice %arg10[%add3A_23, %dma_wait3A_78] : memref<10112x128xf32, #tpu.memory_space<vmem_shared>> -> memref<72x128xf32, #tpu.memory_space<vmem_shared>>
      %dma_wait3A_80 = arith.constant 0 : i32
      %dma_wait3A_81 = arith.constant 0 : i32
      %dma_wait3A_82 = tpu.memref_slice %arg8[%dma_wait3A_80, %dma_wait3A_81] : memref<80x128xf32, #tpu.memory_space<vmem>> -> memref<72x128xf32, #tpu.memory_space<vmem>>
      tpu.wait_dma2 semaphore(%run_scoped3A : memref<!tpu.dma_semaphore, #tpu.memory_space<semaphore_mem>>) src(%dma_wait3A_82 : memref<72x128xf32, #tpu.memory_space<vmem>>) dst(%dma_wait3A_79 : memref<72x128xf32, #tpu.memory_space<vmem_shared>>)
      tpu.yield
    }) : () -> ()
    %mul3A_24 = arith.constant 10000 : i32
    %mul3A_25 = arith.muli %add3A, %mul3A_24 : i32
    "tpu.region"() ({
      %run_scoped3A = tpu.sem_alloc : memref<!tpu.dma_semaphore, #tpu.memory_space<semaphore_mem>>
      %dma_start3A_63 = tpu.memref_slice %arg2[%mul3A_25] : memref<320000xi32, #tpu.memory_space<hbm>> -> memref<10000xi32, #tpu.memory_space<hbm>>
      %dma_start3A_64 = tpu.memref_slice %arg2[%mul3A_25] : memref<320000xi32, #tpu.memory_space<hbm>> -> memref<10000xi32, #tpu.memory_space<hbm>>
      tpu.enqueue_dma source(%dma_start3A_64 : memref<10000xi32, #tpu.memory_space<hbm>>) target(%arg6 : memref<10000xi32, #tpu.memory_space<vmem>>) target_semaphore(%run_scoped3A : memref<!tpu.dma_semaphore, #tpu.memory_space<semaphore_mem>>)
      %dma_wait3A_65 = tpu.memref_slice %arg2[%mul3A_25] : memref<320000xi32, #tpu.memory_space<hbm>> -> memref<10000xi32, #tpu.memory_space<hbm>>
      %dma_wait3A_66 = tpu.memref_slice %arg2[%mul3A_25] : memref<320000xi32, #tpu.memory_space<hbm>> -> memref<10000xi32, #tpu.memory_space<hbm>>
      tpu.wait_dma2 semaphore(%run_scoped3A : memref<!tpu.dma_semaphore, #tpu.memory_space<semaphore_mem>>) src(%dma_wait3A_66 : memref<10000xi32, #tpu.memory_space<hbm>>) dst(%arg6 : memref<10000xi32, #tpu.memory_space<vmem>>)
      tpu.yield
    }) : () -> ()
    %mul3A_26 = arith.constant 10000 : i32
    %mul3A_27 = arith.muli %add3A, %mul3A_26 : i32
    "tpu.region"() ({
      %run_scoped3A = tpu.sem_alloc : memref<!tpu.dma_semaphore, #tpu.memory_space<semaphore_mem>>
      %dma_start3A_63 = tpu.memref_slice %arg3[%mul3A_27] : memref<320000xi32, #tpu.memory_space<hbm>> -> memref<10000xi32, #tpu.memory_space<hbm>>
      %dma_start3A_64 = tpu.memref_slice %arg3[%mul3A_27] : memref<320000xi32, #tpu.memory_space<hbm>> -> memref<10000xi32, #tpu.memory_space<hbm>>
      tpu.enqueue_dma source(%dma_start3A_64 : memref<10000xi32, #tpu.memory_space<hbm>>) target(%arg7 : memref<10000xi32, #tpu.memory_space<vmem>>) target_semaphore(%run_scoped3A : memref<!tpu.dma_semaphore, #tpu.memory_space<semaphore_mem>>)
      %dma_wait3A_65 = tpu.memref_slice %arg3[%mul3A_27] : memref<320000xi32, #tpu.memory_space<hbm>> -> memref<10000xi32, #tpu.memory_space<hbm>>
      %dma_wait3A_66 = tpu.memref_slice %arg3[%mul3A_27] : memref<320000xi32, #tpu.memory_space<hbm>> -> memref<10000xi32, #tpu.memory_space<hbm>>
      tpu.wait_dma2 semaphore(%run_scoped3A : memref<!tpu.dma_semaphore, #tpu.memory_space<semaphore_mem>>) src(%dma_wait3A_66 : memref<10000xi32, #tpu.memory_space<hbm>>) dst(%arg7 : memref<10000xi32, #tpu.memory_space<vmem>>)
      tpu.yield
    }) : () -> ()
    %barrier3A = arith.constant 0 : index
    tpu.barrier barrier_id(%barrier3A)
    %dma_start3A = arith.constant 0 : i32
    %dma_start3A_28 = tpu.memref_slice %arg6[%dma_start3A] : memref<10000xi32, #tpu.memory_space<vmem>> -> memref<80xi32, #tpu.memory_space<vmem>>
    %dma_start3A_29 = arith.constant 0 : i32
    %dma_start3A_30 = arith.constant 0 : i32
    %dma_start3A_31 = tpu.memref_slice %arg4[%dma_start3A_29, %dma_start3A_30] : memref<10000x128xf32, #tpu.memory_space<hbm>> -> memref<10000x128xf32, #tpu.memory_space<hbm>>
    tpu.enqueue_indirect_dma source(%dma_start3A_31 : memref<10000x128xf32, #tpu.memory_space<hbm>>) target(%arg8 : memref<80x128xf32, #tpu.memory_space<vmem>>) offsets(%dma_start3A_28 : memref<80xi32, #tpu.memory_space<vmem>>) semaphore(%arg11 : memref<!tpu.dma_semaphore, #tpu.memory_space<semaphore_mem>>)
    %dma_start3A_32 = arith.constant 80 : i32
    %dma_start3A_33 = tpu.memref_slice %arg6[%dma_start3A_32] : memref<10000xi32, #tpu.memory_space<vmem>> -> memref<80xi32, #tpu.memory_space<vmem>>
    %dma_start3A_34 = arith.constant 0 : i32
    %dma_start3A_35 = arith.constant 0 : i32
    %dma_start3A_36 = tpu.memref_slice %arg4[%dma_start3A_34, %dma_start3A_35] : memref<10000x128xf32, #tpu.memory_space<hbm>> -> memref<10000x128xf32, #tpu.memory_space<hbm>>
    tpu.enqueue_indirect_dma source(%dma_start3A_36 : memref<10000x128xf32, #tpu.memory_space<hbm>>) target(%arg9 : memref<80x128xf32, #tpu.memory_space<vmem>>) offsets(%dma_start3A_33 : memref<80xi32, #tpu.memory_space<vmem>>) semaphore(%arg12 : memref<!tpu.dma_semaphore, #tpu.memory_space<semaphore_mem>>)
    %scan3A_37 = arith.constant 0 : i32
    %scan3A_38 = arith.constant 0 : i32
    %scan3A_39 = arith.constant 61 : i32
    %scan3A_40 = arith.addi %scan3A_38, %scan3A_39 : i32
    %scan3A_41 = arith.constant 1 : i32
    scf.for %scan3A_63 = %scan3A_38 to %scan3A_40 step %scan3A_41  : i32 {
      %mul3A_64 = arith.constant 2 : i32
      %mul3A_65 = arith.muli %mul3A_64, %scan3A_63 : i32
      %add3A_66 = arith.constant 0 : i32
      %add3A_67 = arith.addi %mul3A_65, %add3A_66 : i32
      %mul3A_68 = arith.constant 80 : i32
      %mul3A_69 = arith.muli %add3A_67, %mul3A_68 : i32
      %dma_wait3A_70 = tpu.memref_slice %arg6[%mul3A_69] : memref<10000xi32, #tpu.memory_space<vmem>> -> memref<80xi32, #tpu.memory_space<vmem>>
      %dma_wait3A_71 = arith.constant 0 : i32
      %dma_wait3A_72 = arith.constant 0 : i32
      %dma_wait3A_73 = tpu.memref_slice %arg4[%dma_wait3A_71, %dma_wait3A_72] : memref<10000x128xf32, #tpu.memory_space<hbm>> -> memref<10000x128xf32, #tpu.memory_space<hbm>>
      tpu.wait_indirect_dma semaphore(%arg11 : memref<!tpu.dma_semaphore, #tpu.memory_space<semaphore_mem>>) src(%dma_wait3A_73 : memref<10000x128xf32, #tpu.memory_space<hbm>>) dst(%arg8 : memref<80x128xf32, #tpu.memory_space<vmem>>)
      %mul3A_74 = arith.constant 80 : i32
      %mul3A_75 = arith.muli %add3A_67, %mul3A_74 : i32
      "tpu.region"() ({
        %run_scoped3A = tpu.sem_alloc : memref<!tpu.dma_semaphore, #tpu.memory_space<semaphore_mem>>
        %dma_start3A_106 = tpu.memref_slice %arg7[%mul3A_75] : memref<10000xi32, #tpu.memory_space<vmem>> -> memref<80xi32, #tpu.memory_space<vmem>>
        %dma_start3A_107 = arith.constant 0 : i32
        %dma_start3A_108 = arith.constant 0 : i32
        %dma_start3A_109 = tpu.memref_slice %arg10[%dma_start3A_107, %dma_start3A_108] : memref<10112x128xf32, #tpu.memory_space<vmem_shared>> -> memref<10112x128xf32, #tpu.memory_space<vmem_shared>>
        tpu.enqueue_indirect_dma source(%arg8 : memref<80x128xf32, #tpu.memory_space<vmem>>) target(%dma_start3A_109 : memref<10112x128xf32, #tpu.memory_space<vmem_shared>>) offsets(%dma_start3A_106 : memref<80xi32, #tpu.memory_space<vmem>>) semaphore(%run_scoped3A : memref<!tpu.dma_semaphore, #tpu.memory_space<semaphore_mem>>) {add = true}
        %dma_wait3A_110 = tpu.memref_slice %arg7[%mul3A_75] : memref<10000xi32, #tpu.memory_space<vmem>> -> memref<80xi32, #tpu.memory_space<vmem>>
        %dma_wait3A_111 = arith.constant 0 : i32
        %dma_wait3A_112 = arith.constant 0 : i32
        %dma_wait3A_113 = tpu.memref_slice %arg10[%dma_wait3A_111, %dma_wait3A_112] : memref<10112x128xf32, #tpu.memory_space<vmem_shared>> -> memref<10112x128xf32, #tpu.memory_space<vmem_shared>>
        tpu.wait_indirect_dma semaphore(%run_scoped3A : memref<!tpu.dma_semaphore, #tpu.memory_space<semaphore_mem>>) src(%arg8 : memref<80x128xf32, #tpu.memory_space<vmem>>) dst(%dma_wait3A_113 : memref<10112x128xf32, #tpu.memory_space<vmem_shared>>)
        tpu.yield
      }) : () -> ()
      %add3A_76 = arith.constant 0 : i32
      %add3A_77 = arith.addi %mul3A_65, %add3A_76 : i32
      %add3A_78 = arith.constant 2 : i32
      %add3A_79 = arith.addi %add3A_77, %add3A_78 : i32
      %mul3A_80 = arith.constant 80 : i32
      %mul3A_81 = arith.muli %add3A_79, %mul3A_80 : i32
      %dma_start3A_82 = tpu.memref_slice %arg6[%mul3A_81] : memref<10000xi32, #tpu.memory_space<vmem>> -> memref<80xi32, #tpu.memory_space<vmem>>
      %dma_start3A_83 = arith.constant 0 : i32
      %dma_start3A_84 = arith.constant 0 : i32
      %dma_start3A_85 = tpu.memref_slice %arg4[%dma_start3A_83, %dma_start3A_84] : memref<10000x128xf32, #tpu.memory_space<hbm>> -> memref<10000x128xf32, #tpu.memory_space<hbm>>
      tpu.enqueue_indirect_dma source(%dma_start3A_85 : memref<10000x128xf32, #tpu.memory_space<hbm>>) target(%arg8 : memref<80x128xf32, #tpu.memory_space<vmem>>) offsets(%dma_start3A_82 : memref<80xi32, #tpu.memory_space<vmem>>) semaphore(%arg11 : memref<!tpu.dma_semaphore, #tpu.memory_space<semaphore_mem>>)
      %add3A_86 = arith.constant 1 : i32
      %add3A_87 = arith.addi %mul3A_65, %add3A_86 : i32
      %mul3A_88 = arith.constant 80 : i32
      %mul3A_89 = arith.muli %add3A_87, %mul3A_88 : i32
      %dma_wait3A_90 = tpu.memref_slice %arg6[%mul3A_89] : memref<10000xi32, #tpu.memory_space<vmem>> -> memref<80xi32, #tpu.memory_space<vmem>>
      %dma_wait3A_91 = arith.constant 0 : i32
      %dma_wait3A_92 = arith.constant 0 : i32
      %dma_wait3A_93 = tpu.memref_slice %arg4[%dma_wait3A_91, %dma_wait3A_92] : memref<10000x128xf32, #tpu.memory_space<hbm>> -> memref<10000x128xf32, #tpu.memory_space<hbm>>
      tpu.wait_indirect_dma semaphore(%arg12 : memref<!tpu.dma_semaphore, #tpu.memory_space<semaphore_mem>>) src(%dma_wait3A_93 : memref<10000x128xf32, #tpu.memory_space<hbm>>) dst(%arg9 : memref<80x128xf32, #tpu.memory_space<vmem>>)
      %mul3A_94 = arith.constant 80 : i32
      %mul3A_95 = arith.muli %add3A_87, %mul3A_94 : i32
      "tpu.region"() ({
        %run_scoped3A = tpu.sem_alloc : memref<!tpu.dma_semaphore, #tpu.memory_space<semaphore_mem>>
        %dma_start3A_106 = tpu.memref_slice %arg7[%mul3A_95] : memref<10000xi32, #tpu.memory_space<vmem>> -> memref<80xi32, #tpu.memory_space<vmem>>
        %dma_start3A_107 = arith.constant 0 : i32
        %dma_start3A_108 = arith.constant 0 : i32
        %dma_start3A_109 = tpu.memref_slice %arg10[%dma_start3A_107, %dma_start3A_108] : memref<10112x128xf32, #tpu.memory_space<vmem_shared>> -> memref<10112x128xf32, #tpu.memory_space<vmem_shared>>
        tpu.enqueue_indirect_dma source(%arg9 : memref<80x128xf32, #tpu.memory_space<vmem>>) target(%dma_start3A_109 : memref<10112x128xf32, #tpu.memory_space<vmem_shared>>) offsets(%dma_start3A_106 : memref<80xi32, #tpu.memory_space<vmem>>) semaphore(%run_scoped3A : memref<!tpu.dma_semaphore, #tpu.memory_space<semaphore_mem>>) {add = true}
        %dma_wait3A_110 = tpu.memref_slice %arg7[%mul3A_95] : memref<10000xi32, #tpu.memory_space<vmem>> -> memref<80xi32, #tpu.memory_space<vmem>>
        %dma_wait3A_111 = arith.constant 0 : i32
        %dma_wait3A_112 = arith.constant 0 : i32
        %dma_wait3A_113 = tpu.memref_slice %arg10[%dma_wait3A_111, %dma_wait3A_112] : memref<10112x128xf32, #tpu.memory_space<vmem_shared>> -> memref<10112x128xf32, #tpu.memory_space<vmem_shared>>
        tpu.wait_indirect_dma semaphore(%run_scoped3A : memref<!tpu.dma_semaphore, #tpu.memory_space<semaphore_mem>>) src(%arg9 : memref<80x128xf32, #tpu.memory_space<vmem>>) dst(%dma_wait3A_113 : memref<10112x128xf32, #tpu.memory_space<vmem_shared>>)
        tpu.yield
      }) : () -> ()
      %add3A_96 = arith.constant 1 : i32
      %add3A_97 = arith.addi %mul3A_65, %add3A_96 : i32
      %add3A_98 = arith.constant 2 : i32
      %add3A_99 = arith.addi %add3A_97, %add3A_98 : i32
      %mul3A_100 = arith.constant 80 : i32
      %mul3A_101 = arith.muli %add3A_99, %mul3A_100 : i32
      %dma_start3A_102 = tpu.memref_slice %arg6[%mul3A_101] : memref<10000xi32, #tpu.memory_space<vmem>> -> memref<80xi32, #tpu.memory_space<vmem>>
      %dma_start3A_103 = arith.constant 0 : i32
      %dma_start3A_104 = arith.constant 0 : i32
      %dma_start3A_105 = tpu.memref_slice %arg4[%dma_start3A_103, %dma_start3A_104] : memref<10000x128xf32, #tpu.memory_space<hbm>> -> memref<10000x128xf32, #tpu.memory_space<hbm>>
      tpu.enqueue_indirect_dma source(%dma_start3A_105 : memref<10000x128xf32, #tpu.memory_space<hbm>>) target(%arg9 : memref<80x128xf32, #tpu.memory_space<vmem>>) offsets(%dma_start3A_102 : memref<80xi32, #tpu.memory_space<vmem>>) semaphore(%arg12 : memref<!tpu.dma_semaphore, #tpu.memory_space<semaphore_mem>>)
    }
    %scan3A_42 = arith.constant 61 : i32
    %dma_wait3A = arith.constant 9760 : i32
    %dma_wait3A_43 = tpu.memref_slice %arg6[%dma_wait3A] : memref<10000xi32, #tpu.memory_space<vmem>> -> memref<80xi32, #tpu.memory_space<vmem>>
    %dma_wait3A_44 = arith.constant 0 : i32
    %dma_wait3A_45 = arith.constant 0 : i32
    %dma_wait3A_46 = tpu.memref_slice %arg4[%dma_wait3A_44, %dma_wait3A_45] : memref<10000x128xf32, #tpu.memory_space<hbm>> -> memref<10000x128xf32, #tpu.memory_space<hbm>>
    tpu.wait_indirect_dma semaphore(%arg11 : memref<!tpu.dma_semaphore, #tpu.memory_space<semaphore_mem>>) src(%dma_wait3A_46 : memref<10000x128xf32, #tpu.memory_space<hbm>>) dst(%arg8 : memref<80x128xf32, #tpu.memory_space<vmem>>)
    "tpu.region"() ({
      %run_scoped3A = tpu.sem_alloc : memref<!tpu.dma_semaphore, #tpu.memory_space<semaphore_mem>>
      %dma_start3A_63 = arith.constant 9760 : i32
      %dma_start3A_64 = tpu.memref_slice %arg7[%dma_start3A_63] : memref<10000xi32, #tpu.memory_space<vmem>> -> memref<80xi32, #tpu.memory_space<vmem>>
      %dma_start3A_65 = arith.constant 0 : i32
      %dma_start3A_66 = arith.constant 0 : i32
      %dma_start3A_67 = tpu.memref_slice %arg10[%dma_start3A_65, %dma_start3A_66] : memref<10112x128xf32, #tpu.memory_space<vmem_shared>> -> memref<10112x128xf32, #tpu.memory_space<vmem_shared>>
      tpu.enqueue_indirect_dma source(%arg8 : memref<80x128xf32, #tpu.memory_space<vmem>>) target(%dma_start3A_67 : memref<10112x128xf32, #tpu.memory_space<vmem_shared>>) offsets(%dma_start3A_64 : memref<80xi32, #tpu.memory_space<vmem>>) semaphore(%run_scoped3A : memref<!tpu.dma_semaphore, #tpu.memory_space<semaphore_mem>>) {add = true}
      %dma_wait3A_68 = arith.constant 9760 : i32
      %dma_wait3A_69 = tpu.memref_slice %arg7[%dma_wait3A_68] : memref<10000xi32, #tpu.memory_space<vmem>> -> memref<80xi32, #tpu.memory_space<vmem>>
      %dma_wait3A_70 = arith.constant 0 : i32
      %dma_wait3A_71 = arith.constant 0 : i32
      %dma_wait3A_72 = tpu.memref_slice %arg10[%dma_wait3A_70, %dma_wait3A_71] : memref<10112x128xf32, #tpu.memory_space<vmem_shared>> -> memref<10112x128xf32, #tpu.memory_space<vmem_shared>>
      tpu.wait_indirect_dma semaphore(%run_scoped3A : memref<!tpu.dma_semaphore, #tpu.memory_space<semaphore_mem>>) src(%arg8 : memref<80x128xf32, #tpu.memory_space<vmem>>) dst(%dma_wait3A_72 : memref<10112x128xf32, #tpu.memory_space<vmem_shared>>)
      tpu.yield
    }) : () -> ()
    %dma_start3A_47 = arith.constant 9920 : i32
    %dma_start3A_48 = tpu.memref_slice %arg6[%dma_start3A_47] : memref<10000xi32, #tpu.memory_space<vmem>> -> memref<80xi32, #tpu.memory_space<vmem>>
    %dma_start3A_49 = arith.constant 0 : i32
    %dma_start3A_50 = arith.constant 0 : i32
    %dma_start3A_51 = tpu.memref_slice %arg4[%dma_start3A_49, %dma_start3A_50] : memref<10000x128xf32, #tpu.memory_space<hbm>> -> memref<10000x128xf32, #tpu.memory_space<hbm>>
    tpu.enqueue_indirect_dma source(%dma_start3A_51 : memref<10000x128xf32, #tpu.memory_space<hbm>>) target(%arg8 : memref<80x128xf32, #tpu.memory_space<vmem>>) offsets(%dma_start3A_48 : memref<80xi32, #tpu.memory_space<vmem>>) semaphore(%arg11 : memref<!tpu.dma_semaphore, #tpu.memory_space<semaphore_mem>>)
    %dma_wait3A_52 = arith.constant 9840 : i32
    %dma_wait3A_53 = tpu.memref_slice %arg6[%dma_wait3A_52] : memref<10000xi32, #tpu.memory_space<vmem>> -> memref<80xi32, #tpu.memory_space<vmem>>
    %dma_wait3A_54 = arith.constant 0 : i32
    %dma_wait3A_55 = arith.constant 0 : i32
    %dma_wait3A_56 = tpu.memref_slice %arg4[%dma_wait3A_54, %dma_wait3A_55] : memref<10000x128xf32, #tpu.memory_space<hbm>> -> memref<10000x128xf32, #tpu.memory_space<hbm>>
    tpu.wait_indirect_dma semaphore(%arg12 : memref<!tpu.dma_semaphore, #tpu.memory_space<semaphore_mem>>) src(%dma_wait3A_56 : memref<10000x128xf32, #tpu.memory_space<hbm>>) dst(%arg9 : memref<80x128xf32, #tpu.memory_space<vmem>>)
    "tpu.region"() ({
      %run_scoped3A = tpu.sem_alloc : memref<!tpu.dma_semaphore, #tpu.memory_space<semaphore_mem>>
      %dma_start3A_63 = arith.constant 9840 : i32
      %dma_start3A_64 = tpu.memref_slice %arg7[%dma_start3A_63] : memref<10000xi32, #tpu.memory_space<vmem>> -> memref<80xi32, #tpu.memory_space<vmem>>
      %dma_start3A_65 = arith.constant 0 : i32
      %dma_start3A_66 = arith.constant 0 : i32
      %dma_start3A_67 = tpu.memref_slice %arg10[%dma_start3A_65, %dma_start3A_66] : memref<10112x128xf32, #tpu.memory_space<vmem_shared>> -> memref<10112x128xf32, #tpu.memory_space<vmem_shared>>
      tpu.enqueue_indirect_dma source(%arg9 : memref<80x128xf32, #tpu.memory_space<vmem>>) target(%dma_start3A_67 : memref<10112x128xf32, #tpu.memory_space<vmem_shared>>) offsets(%dma_start3A_64 : memref<80xi32, #tpu.memory_space<vmem>>) semaphore(%run_scoped3A : memref<!tpu.dma_semaphore, #tpu.memory_space<semaphore_mem>>) {add = true}
      %dma_wait3A_68 = arith.constant 9840 : i32
      %dma_wait3A_69 = tpu.memref_slice %arg7[%dma_wait3A_68] : memref<10000xi32, #tpu.memory_space<vmem>> -> memref<80xi32, #tpu.memory_space<vmem>>
      %dma_wait3A_70 = arith.constant 0 : i32
      %dma_wait3A_71 = arith.constant 0 : i32
      %dma_wait3A_72 = tpu.memref_slice %arg10[%dma_wait3A_70, %dma_wait3A_71] : memref<10112x128xf32, #tpu.memory_space<vmem_shared>> -> memref<10112x128xf32, #tpu.memory_space<vmem_shared>>
      tpu.wait_indirect_dma semaphore(%run_scoped3A : memref<!tpu.dma_semaphore, #tpu.memory_space<semaphore_mem>>) src(%arg9 : memref<80x128xf32, #tpu.memory_space<vmem>>) dst(%dma_wait3A_72 : memref<10112x128xf32, #tpu.memory_space<vmem_shared>>)
      tpu.yield
    }) : () -> ()
    %dma_wait3A_57 = arith.constant 9920 : i32
    %dma_wait3A_58 = tpu.memref_slice %arg6[%dma_wait3A_57] : memref<10000xi32, #tpu.memory_space<vmem>> -> memref<80xi32, #tpu.memory_space<vmem>>
    %dma_wait3A_59 = arith.constant 0 : i32
    %dma_wait3A_60 = arith.constant 0 : i32
    %dma_wait3A_61 = tpu.memref_slice %arg4[%dma_wait3A_59, %dma_wait3A_60] : memref<10000x128xf32, #tpu.memory_space<hbm>> -> memref<10000x128xf32, #tpu.memory_space<hbm>>
    tpu.wait_indirect_dma semaphore(%arg11 : memref<!tpu.dma_semaphore, #tpu.memory_space<semaphore_mem>>) src(%dma_wait3A_61 : memref<10000x128xf32, #tpu.memory_space<hbm>>) dst(%arg8 : memref<80x128xf32, #tpu.memory_space<vmem>>)
    "tpu.region"() ({
      %run_scoped3A = tpu.sem_alloc : memref<!tpu.dma_semaphore, #tpu.memory_space<semaphore_mem>>
      %dma_start3A_63 = arith.constant 9920 : i32
      %dma_start3A_64 = tpu.memref_slice %arg7[%dma_start3A_63] : memref<10000xi32, #tpu.memory_space<vmem>> -> memref<80xi32, #tpu.memory_space<vmem>>
      %dma_start3A_65 = arith.constant 0 : i32
      %dma_start3A_66 = arith.constant 0 : i32
      %dma_start3A_67 = tpu.memref_slice %arg10[%dma_start3A_65, %dma_start3A_66] : memref<10112x128xf32, #tpu.memory_space<vmem_shared>> -> memref<10112x128xf32, #tpu.memory_space<vmem_shared>>
      tpu.enqueue_indirect_dma source(%arg8 : memref<80x128xf32, #tpu.memory_space<vmem>>) target(%dma_start3A_67 : memref<10112x128xf32, #tpu.memory_space<vmem_shared>>) offsets(%dma_start3A_64 : memref<80xi32, #tpu.memory_space<vmem>>) semaphore(%run_scoped3A : memref<!tpu.dma_semaphore, #tpu.memory_space<semaphore_mem>>) {add = true}
      %dma_wait3A_68 = arith.constant 9920 : i32
      %dma_wait3A_69 = tpu.memref_slice %arg7[%dma_wait3A_68] : memref<10000xi32, #tpu.memory_space<vmem>> -> memref<80xi32, #tpu.memory_space<vmem>>
      %dma_wait3A_70 = arith.constant 0 : i32
      %dma_wait3A_71 = arith.constant 0 : i32
      %dma_wait3A_72 = tpu.memref_slice %arg10[%dma_wait3A_70, %dma_wait3A_71] : memref<10112x128xf32, #tpu.memory_space<vmem_shared>> -> memref<10112x128xf32, #tpu.memory_space<vmem_shared>>
      tpu.wait_indirect_dma semaphore(%run_scoped3A : memref<!tpu.dma_semaphore, #tpu.memory_space<semaphore_mem>>) src(%arg8 : memref<80x128xf32, #tpu.memory_space<vmem>>) dst(%dma_wait3A_72 : memref<10112x128xf32, #tpu.memory_space<vmem_shared>>)
      tpu.yield
    }) : () -> ()
    %barrier3A_62 = arith.constant 0 : index
    tpu.barrier barrier_id(%barrier3A_62)
    "tpu.region"() ({
      %run_scoped3A = tpu.sem_alloc : memref<!tpu.dma_semaphore, #tpu.memory_space<semaphore_mem>>
      %dma_start3A_63 = arith.constant 0 : i32
      %dma_start3A_64 = tpu.memref_slice %arg5[%arg0, %mul3A_2, %dma_start3A_63] : memref<2x10112x128xf32, #tpu.memory_space<hbm>> -> memref<1x632x128xf32, #tpu.memory_space<hbm>>
      %dma_start3A_65 = tpu.memref_squeeze %dma_start3A_64 : memref<1x632x128xf32, #tpu.memory_space<hbm>> -> memref<632x128xf32, #tpu.memory_space<hbm>>
      %dma_start3A_66 = arith.constant 0 : i32
      %dma_start3A_67 = tpu.memref_slice %arg10[%mul3A_2, %dma_start3A_66] : memref<10112x128xf32, #tpu.memory_space<vmem_shared>> -> memref<632x128xf32, #tpu.memory_space<vmem_shared>>
      tpu.enqueue_dma source(%dma_start3A_67 : memref<632x128xf32, #tpu.memory_space<vmem_shared>>) target(%dma_start3A_65 : memref<632x128xf32, #tpu.memory_space<hbm>>) target_semaphore(%run_scoped3A : memref<!tpu.dma_semaphore, #tpu.memory_space<semaphore_mem>>)
      %dma_wait3A_68 = arith.constant 0 : i32
      %dma_wait3A_69 = tpu.memref_slice %arg5[%arg0, %mul3A_2, %dma_wait3A_68] : memref<2x10112x128xf32, #tpu.memory_space<hbm>> -> memref<1x632x128xf32, #tpu.memory_space<hbm>>
      %dma_wait3A_70 = tpu.memref_squeeze %dma_wait3A_69 : memref<1x632x128xf32, #tpu.memory_space<hbm>> -> memref<632x128xf32, #tpu.memory_space<hbm>>
      %dma_wait3A_71 = arith.constant 0 : i32
      %dma_wait3A_72 = tpu.memref_slice %arg10[%mul3A_2, %dma_wait3A_71] : memref<10112x128xf32, #tpu.memory_space<vmem_shared>> -> memref<632x128xf32, #tpu.memory_space<vmem_shared>>
      tpu.wait_dma2 semaphore(%run_scoped3A : memref<!tpu.dma_semaphore, #tpu.memory_space<semaphore_mem>>) src(%dma_wait3A_72 : memref<632x128xf32, #tpu.memory_space<vmem_shared>>) dst(%dma_wait3A_70 : memref<632x128xf32, #tpu.memory_space<hbm>>)
      tpu.yield
    }) : () -> ()
    return
  }
}

#map = affine_map<(d0, d1) -> (0)>
#map1 = affine_map<(d0, d1) -> (0, 0, 0)>
module attributes {stable_mosaic.version = 14 : i64} {
  func.func @_sc_cnt_body(%arg0: i32, %arg1: i32, %arg2: memref<320000xi32, #tpu.memory_space<hbm>>, %arg3: memref<2x10112x16xf32, #tpu.memory_space<hbm>>, %arg4: memref<10000xi32, #tpu.memory_space<vmem>>, %arg5: memref<80x16xf32, #tpu.memory_space<vmem>>, %arg6: memref<80x16xf32, #tpu.memory_space<vmem>>, %arg7: memref<10112x16xf32, #tpu.memory_space<vmem_shared>>) attributes {dimension_semantics = [#tpu.dimension_semantics<core_parallel>, #tpu.dimension_semantics<subcore_parallel>], iteration_bounds = array<i64: 2, 16>, scalar_prefetch = 0 : i64, scratch_operands = 4 : i64, tpu.core_type = #tpu.core_type<sc_vector_subcore>, window_params = [{transform_indices = #map}, {transform_indices = #map1}]} {
    %mul3A = arith.constant 2 : i32
    %mul3A_0 = arith.muli %arg1, %mul3A : i32
    %add3A = arith.addi %mul3A_0, %arg0 : i32
    %scan3A = arith.constant 0 : i32
    %scan3A_1 = arith.constant 0 : i32
    %scan3A_2 = arith.constant 80 : i32
    %scan3A_3 = arith.addi %scan3A_1, %scan3A_2 : i32
    %scan3A_4 = arith.constant 1 : i32
    scf.for %scan3A_33 = %scan3A_1 to %scan3A_3 step %scan3A_4  : i32 {
      %broadcast_in_dim3A = arith.constant 0.000000e+00 : f32
      %broadcast_in_dim3A_34 = vector.broadcast %broadcast_in_dim3A : f32 to vector<16xf32>
      %swap3A = arith.index_cast %scan3A_33 : i32 to index
      %swap3A_35 = arith.constant 0 : index
      %swap3A_36 = tpu.vector_load %arg6[%swap3A, %swap3A_35] {strides = array<i32>} : memref<80x16xf32, #tpu.memory_space<vmem>>, vector<1x16xf32>,
      %swap3A_37 = vector.shape_cast %swap3A_36 : vector<1x16xf32> to vector<16xf32>
      %swap3A_38 = vector.shape_cast %broadcast_in_dim3A_34 : vector<16xf32> to vector<1x16xf32>
      tpu.vector_store %arg6[%swap3A, %swap3A_35], %swap3A_38 {strides = array<i32>} : memref<80x16xf32, #tpu.memory_space<vmem>>, vector<1x16xf32>,
      %broadcast_in_dim3A_39 = arith.constant 1.000000e+00 : f32
      %broadcast_in_dim3A_40 = vector.broadcast %broadcast_in_dim3A_39 : f32 to vector<16xf32>
      %swap3A_41 = arith.index_cast %scan3A_33 : i32 to index
      %swap3A_42 = arith.constant 0 : index
      %swap3A_43 = tpu.vector_load %arg5[%swap3A_41, %swap3A_42] {strides = array<i32>} : memref<80x16xf32, #tpu.memory_space<vmem>>, vector<1x16xf32>,
      %swap3A_44 = vector.shape_cast %swap3A_43 : vector<1x16xf32> to vector<16xf32>
      %swap3A_45 = vector.shape_cast %broadcast_in_dim3A_40 : vector<16xf32> to vector<1x16xf32>
      tpu.vector_store %arg5[%swap3A_41, %swap3A_42], %swap3A_45 {strides = array<i32>} : memref<80x16xf32, #tpu.memory_space<vmem>>, vector<1x16xf32>,
    }
    %scan3A_5 = arith.constant 80 : i32
    %mul3A_6 = arith.constant 10000 : i32
    %mul3A_7 = arith.muli %add3A, %mul3A_6 : i32
    "tpu.region"() ({
      %run_scoped3A = tpu.sem_alloc : memref<!tpu.dma_semaphore, #tpu.memory_space<semaphore_mem>>
      %dma_start3A = tpu.memref_slice %arg2[%mul3A_7] : memref<320000xi32, #tpu.memory_space<hbm>> -> memref<10000xi32, #tpu.memory_space<hbm>>
      %dma_start3A_33 = tpu.memref_slice %arg2[%mul3A_7] : memref<320000xi32, #tpu.memory_space<hbm>> -> memref<10000xi32, #tpu.memory_space<hbm>>
      tpu.enqueue_dma source(%dma_start3A_33 : memref<10000xi32, #tpu.memory_space<hbm>>) target(%arg4 : memref<10000xi32, #tpu.memory_space<vmem>>) target_semaphore(%run_scoped3A : memref<!tpu.dma_semaphore, #tpu.memory_space<semaphore_mem>>)
      %dma_wait3A = tpu.memref_slice %arg2[%mul3A_7] : memref<320000xi32, #tpu.memory_space<hbm>> -> memref<10000xi32, #tpu.memory_space<hbm>>
      %dma_wait3A_34 = tpu.memref_slice %arg2[%mul3A_7] : memref<320000xi32, #tpu.memory_space<hbm>> -> memref<10000xi32, #tpu.memory_space<hbm>>
      tpu.wait_dma2 semaphore(%run_scoped3A : memref<!tpu.dma_semaphore, #tpu.memory_space<semaphore_mem>>) src(%dma_wait3A_34 : memref<10000xi32, #tpu.memory_space<hbm>>) dst(%arg4 : memref<10000xi32, #tpu.memory_space<vmem>>)
      tpu.yield
    }) : () -> ()
    %mul3A_8 = arith.constant 632 : i32
    %mul3A_9 = arith.muli %arg1, %mul3A_8 : i32
    %add3A_10 = arith.constant 0 : i32
    %add3A_11 = arith.addi %mul3A_9, %add3A_10 : i32
    "tpu.region"() ({
      %run_scoped3A = tpu.sem_alloc : memref<!tpu.dma_semaphore, #tpu.memory_space<semaphore_mem>>
      %dma_start3A = arith.constant 0 : i32
      %dma_start3A_33 = arith.constant 0 : i32
      %dma_start3A_34 = tpu.memref_slice %arg6[%dma_start3A, %dma_start3A_33] : memref<80x16xf32, #tpu.memory_space<vmem>> -> memref<80x16xf32, #tpu.memory_space<vmem>>
      %dma_start3A_35 = arith.constant 0 : i32
      %dma_start3A_36 = tpu.memref_slice %arg7[%add3A_11, %dma_start3A_35] : memref<10112x16xf32, #tpu.memory_space<vmem_shared>> -> memref<80x16xf32, #tpu.memory_space<vmem_shared>>
      %dma_start3A_37 = arith.constant 0 : i32
      %dma_start3A_38 = tpu.memref_slice %arg7[%add3A_11, %dma_start3A_37] : memref<10112x16xf32, #tpu.memory_space<vmem_shared>> -> memref<80x16xf32, #tpu.memory_space<vmem_shared>>
      %dma_start3A_39 = arith.constant 0 : i32
      %dma_start3A_40 = arith.constant 0 : i32
      %dma_start3A_41 = tpu.memref_slice %arg6[%dma_start3A_39, %dma_start3A_40] : memref<80x16xf32, #tpu.memory_space<vmem>> -> memref<80x16xf32, #tpu.memory_space<vmem>>
      tpu.enqueue_dma source(%dma_start3A_41 : memref<80x16xf32, #tpu.memory_space<vmem>>) target(%dma_start3A_38 : memref<80x16xf32, #tpu.memory_space<vmem_shared>>) target_semaphore(%run_scoped3A : memref<!tpu.dma_semaphore, #tpu.memory_space<semaphore_mem>>)
      %dma_wait3A = arith.constant 0 : i32
      %dma_wait3A_42 = arith.constant 0 : i32
      %dma_wait3A_43 = tpu.memref_slice %arg6[%dma_wait3A, %dma_wait3A_42] : memref<80x16xf32, #tpu.memory_space<vmem>> -> memref<80x16xf32, #tpu.memory_space<vmem>>
      %dma_wait3A_44 = arith.constant 0 : i32
      %dma_wait3A_45 = tpu.memref_slice %arg7[%add3A_11, %dma_wait3A_44] : memref<10112x16xf32, #tpu.memory_space<vmem_shared>> -> memref<80x16xf32, #tpu.memory_space<vmem_shared>>
      %dma_wait3A_46 = arith.constant 0 : i32
      %dma_wait3A_47 = tpu.memref_slice %arg7[%add3A_11, %dma_wait3A_46] : memref<10112x16xf32, #tpu.memory_space<vmem_shared>> -> memref<80x16xf32, #tpu.memory_space<vmem_shared>>
      %dma_wait3A_48 = arith.constant 0 : i32
      %dma_wait3A_49 = arith.constant 0 : i32
      %dma_wait3A_50 = tpu.memref_slice %arg6[%dma_wait3A_48, %dma_wait3A_49] : memref<80x16xf32, #tpu.memory_space<vmem>> -> memref<80x16xf32, #tpu.memory_space<vmem>>
      tpu.wait_dma2 semaphore(%run_scoped3A : memref<!tpu.dma_semaphore, #tpu.memory_space<semaphore_mem>>) src(%dma_wait3A_50 : memref<80x16xf32, #tpu.memory_space<vmem>>) dst(%dma_wait3A_47 : memref<80x16xf32, #tpu.memory_space<vmem_shared>>)
      tpu.yield
    }) : () -> ()
    %add3A_12 = arith.constant 80 : i32
    %add3A_13 = arith.addi %mul3A_9, %add3A_12 : i32
    "tpu.region"() ({
      %run_scoped3A = tpu.sem_alloc : memref<!tpu.dma_semaphore, #tpu.memory_space<semaphore_mem>>
      %dma_start3A = arith.constant 0 : i32
      %dma_start3A_33 = arith.constant 0 : i32
      %dma_start3A_34 = tpu.memref_slice %arg6[%dma_start3A, %dma_start3A_33] : memref<80x16xf32, #tpu.memory_space<vmem>> -> memref<80x16xf32, #tpu.memory_space<vmem>>
      %dma_start3A_35 = arith.constant 0 : i32
      %dma_start3A_36 = tpu.memref_slice %arg7[%add3A_13, %dma_start3A_35] : memref<10112x16xf32, #tpu.memory_space<vmem_shared>> -> memref<80x16xf32, #tpu.memory_space<vmem_shared>>
      %dma_start3A_37 = arith.constant 0 : i32
      %dma_start3A_38 = tpu.memref_slice %arg7[%add3A_13, %dma_start3A_37] : memref<10112x16xf32, #tpu.memory_space<vmem_shared>> -> memref<80x16xf32, #tpu.memory_space<vmem_shared>>
      %dma_start3A_39 = arith.constant 0 : i32
      %dma_start3A_40 = arith.constant 0 : i32
      %dma_start3A_41 = tpu.memref_slice %arg6[%dma_start3A_39, %dma_start3A_40] : memref<80x16xf32, #tpu.memory_space<vmem>> -> memref<80x16xf32, #tpu.memory_space<vmem>>
      tpu.enqueue_dma source(%dma_start3A_41 : memref<80x16xf32, #tpu.memory_space<vmem>>) target(%dma_start3A_38 : memref<80x16xf32, #tpu.memory_space<vmem_shared>>) target_semaphore(%run_scoped3A : memref<!tpu.dma_semaphore, #tpu.memory_space<semaphore_mem>>)
      %dma_wait3A = arith.constant 0 : i32
      %dma_wait3A_42 = arith.constant 0 : i32
      %dma_wait3A_43 = tpu.memref_slice %arg6[%dma_wait3A, %dma_wait3A_42] : memref<80x16xf32, #tpu.memory_space<vmem>> -> memref<80x16xf32, #tpu.memory_space<vmem>>
      %dma_wait3A_44 = arith.constant 0 : i32
      %dma_wait3A_45 = tpu.memref_slice %arg7[%add3A_13, %dma_wait3A_44] : memref<10112x16xf32, #tpu.memory_space<vmem_shared>> -> memref<80x16xf32, #tpu.memory_space<vmem_shared>>
      %dma_wait3A_46 = arith.constant 0 : i32
      %dma_wait3A_47 = tpu.memref_slice %arg7[%add3A_13, %dma_wait3A_46] : memref<10112x16xf32, #tpu.memory_space<vmem_shared>> -> memref<80x16xf32, #tpu.memory_space<vmem_shared>>
      %dma_wait3A_48 = arith.constant 0 : i32
      %dma_wait3A_49 = arith.constant 0 : i32
      %dma_wait3A_50 = tpu.memref_slice %arg6[%dma_wait3A_48, %dma_wait3A_49] : memref<80x16xf32, #tpu.memory_space<vmem>> -> memref<80x16xf32, #tpu.memory_space<vmem>>
      tpu.wait_dma2 semaphore(%run_scoped3A : memref<!tpu.dma_semaphore, #tpu.memory_space<semaphore_mem>>) src(%dma_wait3A_50 : memref<80x16xf32, #tpu.memory_space<vmem>>) dst(%dma_wait3A_47 : memref<80x16xf32, #tpu.memory_space<vmem_shared>>)
      tpu.yield
    }) : () -> ()
    %add3A_14 = arith.constant 160 : i32
    %add3A_15 = arith.addi %mul3A_9, %add3A_14 : i32
    "tpu.region"() ({
      %run_scoped3A = tpu.sem_alloc : memref<!tpu.dma_semaphore, #tpu.memory_space<semaphore_mem>>
      %dma_start3A = arith.constant 0 : i32
      %dma_start3A_33 = arith.constant 0 : i32
      %dma_start3A_34 = tpu.memref_slice %arg6[%dma_start3A, %dma_start3A_33] : memref<80x16xf32, #tpu.memory_space<vmem>> -> memref<80x16xf32, #tpu.memory_space<vmem>>
      %dma_start3A_35 = arith.constant 0 : i32
      %dma_start3A_36 = tpu.memref_slice %arg7[%add3A_15, %dma_start3A_35] : memref<10112x16xf32, #tpu.memory_space<vmem_shared>> -> memref<80x16xf32, #tpu.memory_space<vmem_shared>>
      %dma_start3A_37 = arith.constant 0 : i32
      %dma_start3A_38 = tpu.memref_slice %arg7[%add3A_15, %dma_start3A_37] : memref<10112x16xf32, #tpu.memory_space<vmem_shared>> -> memref<80x16xf32, #tpu.memory_space<vmem_shared>>
      %dma_start3A_39 = arith.constant 0 : i32
      %dma_start3A_40 = arith.constant 0 : i32
      %dma_start3A_41 = tpu.memref_slice %arg6[%dma_start3A_39, %dma_start3A_40] : memref<80x16xf32, #tpu.memory_space<vmem>> -> memref<80x16xf32, #tpu.memory_space<vmem>>
      tpu.enqueue_dma source(%dma_start3A_41 : memref<80x16xf32, #tpu.memory_space<vmem>>) target(%dma_start3A_38 : memref<80x16xf32, #tpu.memory_space<vmem_shared>>) target_semaphore(%run_scoped3A : memref<!tpu.dma_semaphore, #tpu.memory_space<semaphore_mem>>)
      %dma_wait3A = arith.constant 0 : i32
      %dma_wait3A_42 = arith.constant 0 : i32
      %dma_wait3A_43 = tpu.memref_slice %arg6[%dma_wait3A, %dma_wait3A_42] : memref<80x16xf32, #tpu.memory_space<vmem>> -> memref<80x16xf32, #tpu.memory_space<vmem>>
      %dma_wait3A_44 = arith.constant 0 : i32
      %dma_wait3A_45 = tpu.memref_slice %arg7[%add3A_15, %dma_wait3A_44] : memref<10112x16xf32, #tpu.memory_space<vmem_shared>> -> memref<80x16xf32, #tpu.memory_space<vmem_shared>>
      %dma_wait3A_46 = arith.constant 0 : i32
      %dma_wait3A_47 = tpu.memref_slice %arg7[%add3A_15, %dma_wait3A_46] : memref<10112x16xf32, #tpu.memory_space<vmem_shared>> -> memref<80x16xf32, #tpu.memory_space<vmem_shared>>
      %dma_wait3A_48 = arith.constant 0 : i32
      %dma_wait3A_49 = arith.constant 0 : i32
      %dma_wait3A_50 = tpu.memref_slice %arg6[%dma_wait3A_48, %dma_wait3A_49] : memref<80x16xf32, #tpu.memory_space<vmem>> -> memref<80x16xf32, #tpu.memory_space<vmem>>
      tpu.wait_dma2 semaphore(%run_scoped3A : memref<!tpu.dma_semaphore, #tpu.memory_space<semaphore_mem>>) src(%dma_wait3A_50 : memref<80x16xf32, #tpu.memory_space<vmem>>) dst(%dma_wait3A_47 : memref<80x16xf32, #tpu.memory_space<vmem_shared>>)
      tpu.yield
    }) : () -> ()
    %add3A_16 = arith.constant 240 : i32
    %add3A_17 = arith.addi %mul3A_9, %add3A_16 : i32
    "tpu.region"() ({
      %run_scoped3A = tpu.sem_alloc : memref<!tpu.dma_semaphore, #tpu.memory_space<semaphore_mem>>
      %dma_start3A = arith.constant 0 : i32
      %dma_start3A_33 = arith.constant 0 : i32
      %dma_start3A_34 = tpu.memref_slice %arg6[%dma_start3A, %dma_start3A_33] : memref<80x16xf32, #tpu.memory_space<vmem>> -> memref<80x16xf32, #tpu.memory_space<vmem>>
      %dma_start3A_35 = arith.constant 0 : i32
      %dma_start3A_36 = tpu.memref_slice %arg7[%add3A_17, %dma_start3A_35] : memref<10112x16xf32, #tpu.memory_space<vmem_shared>> -> memref<80x16xf32, #tpu.memory_space<vmem_shared>>
      %dma_start3A_37 = arith.constant 0 : i32
      %dma_start3A_38 = tpu.memref_slice %arg7[%add3A_17, %dma_start3A_37] : memref<10112x16xf32, #tpu.memory_space<vmem_shared>> -> memref<80x16xf32, #tpu.memory_space<vmem_shared>>
      %dma_start3A_39 = arith.constant 0 : i32
      %dma_start3A_40 = arith.constant 0 : i32
      %dma_start3A_41 = tpu.memref_slice %arg6[%dma_start3A_39, %dma_start3A_40] : memref<80x16xf32, #tpu.memory_space<vmem>> -> memref<80x16xf32, #tpu.memory_space<vmem>>
      tpu.enqueue_dma source(%dma_start3A_41 : memref<80x16xf32, #tpu.memory_space<vmem>>) target(%dma_start3A_38 : memref<80x16xf32, #tpu.memory_space<vmem_shared>>) target_semaphore(%run_scoped3A : memref<!tpu.dma_semaphore, #tpu.memory_space<semaphore_mem>>)
      %dma_wait3A = arith.constant 0 : i32
      %dma_wait3A_42 = arith.constant 0 : i32
      %dma_wait3A_43 = tpu.memref_slice %arg6[%dma_wait3A, %dma_wait3A_42] : memref<80x16xf32, #tpu.memory_space<vmem>> -> memref<80x16xf32, #tpu.memory_space<vmem>>
      %dma_wait3A_44 = arith.constant 0 : i32
      %dma_wait3A_45 = tpu.memref_slice %arg7[%add3A_17, %dma_wait3A_44] : memref<10112x16xf32, #tpu.memory_space<vmem_shared>> -> memref<80x16xf32, #tpu.memory_space<vmem_shared>>
      %dma_wait3A_46 = arith.constant 0 : i32
      %dma_wait3A_47 = tpu.memref_slice %arg7[%add3A_17, %dma_wait3A_46] : memref<10112x16xf32, #tpu.memory_space<vmem_shared>> -> memref<80x16xf32, #tpu.memory_space<vmem_shared>>
      %dma_wait3A_48 = arith.constant 0 : i32
      %dma_wait3A_49 = arith.constant 0 : i32
      %dma_wait3A_50 = tpu.memref_slice %arg6[%dma_wait3A_48, %dma_wait3A_49] : memref<80x16xf32, #tpu.memory_space<vmem>> -> memref<80x16xf32, #tpu.memory_space<vmem>>
      tpu.wait_dma2 semaphore(%run_scoped3A : memref<!tpu.dma_semaphore, #tpu.memory_space<semaphore_mem>>) src(%dma_wait3A_50 : memref<80x16xf32, #tpu.memory_space<vmem>>) dst(%dma_wait3A_47 : memref<80x16xf32, #tpu.memory_space<vmem_shared>>)
      tpu.yield
    }) : () -> ()
    %add3A_18 = arith.constant 320 : i32
    %add3A_19 = arith.addi %mul3A_9, %add3A_18 : i32
    "tpu.region"() ({
      %run_scoped3A = tpu.sem_alloc : memref<!tpu.dma_semaphore, #tpu.memory_space<semaphore_mem>>
      %dma_start3A = arith.constant 0 : i32
      %dma_start3A_33 = arith.constant 0 : i32
      %dma_start3A_34 = tpu.memref_slice %arg6[%dma_start3A, %dma_start3A_33] : memref<80x16xf32, #tpu.memory_space<vmem>> -> memref<80x16xf32, #tpu.memory_space<vmem>>
      %dma_start3A_35 = arith.constant 0 : i32
      %dma_start3A_36 = tpu.memref_slice %arg7[%add3A_19, %dma_start3A_35] : memref<10112x16xf32, #tpu.memory_space<vmem_shared>> -> memref<80x16xf32, #tpu.memory_space<vmem_shared>>
      %dma_start3A_37 = arith.constant 0 : i32
      %dma_start3A_38 = tpu.memref_slice %arg7[%add3A_19, %dma_start3A_37] : memref<10112x16xf32, #tpu.memory_space<vmem_shared>> -> memref<80x16xf32, #tpu.memory_space<vmem_shared>>
      %dma_start3A_39 = arith.constant 0 : i32
      %dma_start3A_40 = arith.constant 0 : i32
      %dma_start3A_41 = tpu.memref_slice %arg6[%dma_start3A_39, %dma_start3A_40] : memref<80x16xf32, #tpu.memory_space<vmem>> -> memref<80x16xf32, #tpu.memory_space<vmem>>
      tpu.enqueue_dma source(%dma_start3A_41 : memref<80x16xf32, #tpu.memory_space<vmem>>) target(%dma_start3A_38 : memref<80x16xf32, #tpu.memory_space<vmem_shared>>) target_semaphore(%run_scoped3A : memref<!tpu.dma_semaphore, #tpu.memory_space<semaphore_mem>>)
      %dma_wait3A = arith.constant 0 : i32
      %dma_wait3A_42 = arith.constant 0 : i32
      %dma_wait3A_43 = tpu.memref_slice %arg6[%dma_wait3A, %dma_wait3A_42] : memref<80x16xf32, #tpu.memory_space<vmem>> -> memref<80x16xf32, #tpu.memory_space<vmem>>
      %dma_wait3A_44 = arith.constant 0 : i32
      %dma_wait3A_45 = tpu.memref_slice %arg7[%add3A_19, %dma_wait3A_44] : memref<10112x16xf32, #tpu.memory_space<vmem_shared>> -> memref<80x16xf32, #tpu.memory_space<vmem_shared>>
      %dma_wait3A_46 = arith.constant 0 : i32
      %dma_wait3A_47 = tpu.memref_slice %arg7[%add3A_19, %dma_wait3A_46] : memref<10112x16xf32, #tpu.memory_space<vmem_shared>> -> memref<80x16xf32, #tpu.memory_space<vmem_shared>>
      %dma_wait3A_48 = arith.constant 0 : i32
      %dma_wait3A_49 = arith.constant 0 : i32
      %dma_wait3A_50 = tpu.memref_slice %arg6[%dma_wait3A_48, %dma_wait3A_49] : memref<80x16xf32, #tpu.memory_space<vmem>> -> memref<80x16xf32, #tpu.memory_space<vmem>>
      tpu.wait_dma2 semaphore(%run_scoped3A : memref<!tpu.dma_semaphore, #tpu.memory_space<semaphore_mem>>) src(%dma_wait3A_50 : memref<80x16xf32, #tpu.memory_space<vmem>>) dst(%dma_wait3A_47 : memref<80x16xf32, #tpu.memory_space<vmem_shared>>)
      tpu.yield
    }) : () -> ()
    %add3A_20 = arith.constant 400 : i32
    %add3A_21 = arith.addi %mul3A_9, %add3A_20 : i32
    "tpu.region"() ({
      %run_scoped3A = tpu.sem_alloc : memref<!tpu.dma_semaphore, #tpu.memory_space<semaphore_mem>>
      %dma_start3A = arith.constant 0 : i32
      %dma_start3A_33 = arith.constant 0 : i32
      %dma_start3A_34 = tpu.memref_slice %arg6[%dma_start3A, %dma_start3A_33] : memref<80x16xf32, #tpu.memory_space<vmem>> -> memref<80x16xf32, #tpu.memory_space<vmem>>
      %dma_start3A_35 = arith.constant 0 : i32
      %dma_start3A_36 = tpu.memref_slice %arg7[%add3A_21, %dma_start3A_35] : memref<10112x16xf32, #tpu.memory_space<vmem_shared>> -> memref<80x16xf32, #tpu.memory_space<vmem_shared>>
      %dma_start3A_37 = arith.constant 0 : i32
      %dma_start3A_38 = tpu.memref_slice %arg7[%add3A_21, %dma_start3A_37] : memref<10112x16xf32, #tpu.memory_space<vmem_shared>> -> memref<80x16xf32, #tpu.memory_space<vmem_shared>>
      %dma_start3A_39 = arith.constant 0 : i32
      %dma_start3A_40 = arith.constant 0 : i32
      %dma_start3A_41 = tpu.memref_slice %arg6[%dma_start3A_39, %dma_start3A_40] : memref<80x16xf32, #tpu.memory_space<vmem>> -> memref<80x16xf32, #tpu.memory_space<vmem>>
      tpu.enqueue_dma source(%dma_start3A_41 : memref<80x16xf32, #tpu.memory_space<vmem>>) target(%dma_start3A_38 : memref<80x16xf32, #tpu.memory_space<vmem_shared>>) target_semaphore(%run_scoped3A : memref<!tpu.dma_semaphore, #tpu.memory_space<semaphore_mem>>)
      %dma_wait3A = arith.constant 0 : i32
      %dma_wait3A_42 = arith.constant 0 : i32
      %dma_wait3A_43 = tpu.memref_slice %arg6[%dma_wait3A, %dma_wait3A_42] : memref<80x16xf32, #tpu.memory_space<vmem>> -> memref<80x16xf32, #tpu.memory_space<vmem>>
      %dma_wait3A_44 = arith.constant 0 : i32
      %dma_wait3A_45 = tpu.memref_slice %arg7[%add3A_21, %dma_wait3A_44] : memref<10112x16xf32, #tpu.memory_space<vmem_shared>> -> memref<80x16xf32, #tpu.memory_space<vmem_shared>>
      %dma_wait3A_46 = arith.constant 0 : i32
      %dma_wait3A_47 = tpu.memref_slice %arg7[%add3A_21, %dma_wait3A_46] : memref<10112x16xf32, #tpu.memory_space<vmem_shared>> -> memref<80x16xf32, #tpu.memory_space<vmem_shared>>
      %dma_wait3A_48 = arith.constant 0 : i32
      %dma_wait3A_49 = arith.constant 0 : i32
      %dma_wait3A_50 = tpu.memref_slice %arg6[%dma_wait3A_48, %dma_wait3A_49] : memref<80x16xf32, #tpu.memory_space<vmem>> -> memref<80x16xf32, #tpu.memory_space<vmem>>
      tpu.wait_dma2 semaphore(%run_scoped3A : memref<!tpu.dma_semaphore, #tpu.memory_space<semaphore_mem>>) src(%dma_wait3A_50 : memref<80x16xf32, #tpu.memory_space<vmem>>) dst(%dma_wait3A_47 : memref<80x16xf32, #tpu.memory_space<vmem_shared>>)
      tpu.yield
    }) : () -> ()
    %add3A_22 = arith.constant 480 : i32
    %add3A_23 = arith.addi %mul3A_9, %add3A_22 : i32
    "tpu.region"() ({
      %run_scoped3A = tpu.sem_alloc : memref<!tpu.dma_semaphore, #tpu.memory_space<semaphore_mem>>
      %dma_start3A = arith.constant 0 : i32
      %dma_start3A_33 = arith.constant 0 : i32
      %dma_start3A_34 = tpu.memref_slice %arg6[%dma_start3A, %dma_start3A_33] : memref<80x16xf32, #tpu.memory_space<vmem>> -> memref<80x16xf32, #tpu.memory_space<vmem>>
      %dma_start3A_35 = arith.constant 0 : i32
      %dma_start3A_36 = tpu.memref_slice %arg7[%add3A_23, %dma_start3A_35] : memref<10112x16xf32, #tpu.memory_space<vmem_shared>> -> memref<80x16xf32, #tpu.memory_space<vmem_shared>>
      %dma_start3A_37 = arith.constant 0 : i32
      %dma_start3A_38 = tpu.memref_slice %arg7[%add3A_23, %dma_start3A_37] : memref<10112x16xf32, #tpu.memory_space<vmem_shared>> -> memref<80x16xf32, #tpu.memory_space<vmem_shared>>
      %dma_start3A_39 = arith.constant 0 : i32
      %dma_start3A_40 = arith.constant 0 : i32
      %dma_start3A_41 = tpu.memref_slice %arg6[%dma_start3A_39, %dma_start3A_40] : memref<80x16xf32, #tpu.memory_space<vmem>> -> memref<80x16xf32, #tpu.memory_space<vmem>>
      tpu.enqueue_dma source(%dma_start3A_41 : memref<80x16xf32, #tpu.memory_space<vmem>>) target(%dma_start3A_38 : memref<80x16xf32, #tpu.memory_space<vmem_shared>>) target_semaphore(%run_scoped3A : memref<!tpu.dma_semaphore, #tpu.memory_space<semaphore_mem>>)
      %dma_wait3A = arith.constant 0 : i32
      %dma_wait3A_42 = arith.constant 0 : i32
      %dma_wait3A_43 = tpu.memref_slice %arg6[%dma_wait3A, %dma_wait3A_42] : memref<80x16xf32, #tpu.memory_space<vmem>> -> memref<80x16xf32, #tpu.memory_space<vmem>>
      %dma_wait3A_44 = arith.constant 0 : i32
      %dma_wait3A_45 = tpu.memref_slice %arg7[%add3A_23, %dma_wait3A_44] : memref<10112x16xf32, #tpu.memory_space<vmem_shared>> -> memref<80x16xf32, #tpu.memory_space<vmem_shared>>
      %dma_wait3A_46 = arith.constant 0 : i32
      %dma_wait3A_47 = tpu.memref_slice %arg7[%add3A_23, %dma_wait3A_46] : memref<10112x16xf32, #tpu.memory_space<vmem_shared>> -> memref<80x16xf32, #tpu.memory_space<vmem_shared>>
      %dma_wait3A_48 = arith.constant 0 : i32
      %dma_wait3A_49 = arith.constant 0 : i32
      %dma_wait3A_50 = tpu.memref_slice %arg6[%dma_wait3A_48, %dma_wait3A_49] : memref<80x16xf32, #tpu.memory_space<vmem>> -> memref<80x16xf32, #tpu.memory_space<vmem>>
      tpu.wait_dma2 semaphore(%run_scoped3A : memref<!tpu.dma_semaphore, #tpu.memory_space<semaphore_mem>>) src(%dma_wait3A_50 : memref<80x16xf32, #tpu.memory_space<vmem>>) dst(%dma_wait3A_47 : memref<80x16xf32, #tpu.memory_space<vmem_shared>>)
      tpu.yield
    }) : () -> ()
    %add3A_24 = arith.constant 560 : i32
    %add3A_25 = arith.addi %mul3A_9, %add3A_24 : i32
    "tpu.region"() ({
      %run_scoped3A = tpu.sem_alloc : memref<!tpu.dma_semaphore, #tpu.memory_space<semaphore_mem>>
      %dma_start3A = arith.constant 0 : i32
      %dma_start3A_33 = arith.constant 0 : i32
      %dma_start3A_34 = tpu.memref_slice %arg6[%dma_start3A, %dma_start3A_33] : memref<80x16xf32, #tpu.memory_space<vmem>> -> memref<72x16xf32, #tpu.memory_space<vmem>>
      %dma_start3A_35 = arith.constant 0 : i32
      %dma_start3A_36 = tpu.memref_slice %arg7[%add3A_25, %dma_start3A_35] : memref<10112x16xf32, #tpu.memory_space<vmem_shared>> -> memref<72x16xf32, #tpu.memory_space<vmem_shared>>
      %dma_start3A_37 = arith.constant 0 : i32
      %dma_start3A_38 = tpu.memref_slice %arg7[%add3A_25, %dma_start3A_37] : memref<10112x16xf32, #tpu.memory_space<vmem_shared>> -> memref<72x16xf32, #tpu.memory_space<vmem_shared>>
      %dma_start3A_39 = arith.constant 0 : i32
      %dma_start3A_40 = arith.constant 0 : i32
      %dma_start3A_41 = tpu.memref_slice %arg6[%dma_start3A_39, %dma_start3A_40] : memref<80x16xf32, #tpu.memory_space<vmem>> -> memref<72x16xf32, #tpu.memory_space<vmem>>
      tpu.enqueue_dma source(%dma_start3A_41 : memref<72x16xf32, #tpu.memory_space<vmem>>) target(%dma_start3A_38 : memref<72x16xf32, #tpu.memory_space<vmem_shared>>) target_semaphore(%run_scoped3A : memref<!tpu.dma_semaphore, #tpu.memory_space<semaphore_mem>>)
      %dma_wait3A = arith.constant 0 : i32
      %dma_wait3A_42 = arith.constant 0 : i32
      %dma_wait3A_43 = tpu.memref_slice %arg6[%dma_wait3A, %dma_wait3A_42] : memref<80x16xf32, #tpu.memory_space<vmem>> -> memref<72x16xf32, #tpu.memory_space<vmem>>
      %dma_wait3A_44 = arith.constant 0 : i32
      %dma_wait3A_45 = tpu.memref_slice %arg7[%add3A_25, %dma_wait3A_44] : memref<10112x16xf32, #tpu.memory_space<vmem_shared>> -> memref<72x16xf32, #tpu.memory_space<vmem_shared>>
      %dma_wait3A_46 = arith.constant 0 : i32
      %dma_wait3A_47 = tpu.memref_slice %arg7[%add3A_25, %dma_wait3A_46] : memref<10112x16xf32, #tpu.memory_space<vmem_shared>> -> memref<72x16xf32, #tpu.memory_space<vmem_shared>>
      %dma_wait3A_48 = arith.constant 0 : i32
      %dma_wait3A_49 = arith.constant 0 : i32
      %dma_wait3A_50 = tpu.memref_slice %arg6[%dma_wait3A_48, %dma_wait3A_49] : memref<80x16xf32, #tpu.memory_space<vmem>> -> memref<72x16xf32, #tpu.memory_space<vmem>>
      tpu.wait_dma2 semaphore(%run_scoped3A : memref<!tpu.dma_semaphore, #tpu.memory_space<semaphore_mem>>) src(%dma_wait3A_50 : memref<72x16xf32, #tpu.memory_space<vmem>>) dst(%dma_wait3A_47 : memref<72x16xf32, #tpu.memory_space<vmem_shared>>)
      tpu.yield
    }) : () -> ()
    %barrier3A = arith.constant 0 : index
    tpu.barrier barrier_id(%barrier3A)
    %scan3A_26 = arith.constant 0 : i32
    %scan3A_27 = arith.constant 0 : i32
    %scan3A_28 = arith.constant 125 : i32
    %scan3A_29 = arith.addi %scan3A_27, %scan3A_28 : i32
    %scan3A_30 = arith.constant 1 : i32
    scf.for %scan3A_33 = %scan3A_27 to %scan3A_29 step %scan3A_30  : i32 {
      %mul3A_34 = arith.constant 80 : i32
      %mul3A_35 = arith.muli %scan3A_33, %mul3A_34 : i32
      "tpu.region"() ({
        %run_scoped3A = tpu.sem_alloc : memref<!tpu.dma_semaphore, #tpu.memory_space<semaphore_mem>>
        %dma_start3A = tpu.memref_slice %arg4[%mul3A_35] : memref<10000xi32, #tpu.memory_space<vmem>> -> memref<80xi32, #tpu.memory_space<vmem>>
        %dma_start3A_36 = arith.constant 0 : i32
        %dma_start3A_37 = arith.constant 0 : i32
        %dma_start3A_38 = tpu.memref_slice %arg7[%dma_start3A_36, %dma_start3A_37] : memref<10112x16xf32, #tpu.memory_space<vmem_shared>> -> memref<10112x16xf32, #tpu.memory_space<vmem_shared>>
        tpu.enqueue_indirect_dma source(%arg5 : memref<80x16xf32, #tpu.memory_space<vmem>>) target(%dma_start3A_38 : memref<10112x16xf32, #tpu.memory_space<vmem_shared>>) offsets(%dma_start3A : memref<80xi32, #tpu.memory_space<vmem>>) semaphore(%run_scoped3A : memref<!tpu.dma_semaphore, #tpu.memory_space<semaphore_mem>>) {add = true}
        %dma_wait3A = tpu.memref_slice %arg4[%mul3A_35] : memref<10000xi32, #tpu.memory_space<vmem>> -> memref<80xi32, #tpu.memory_space<vmem>>
        %dma_wait3A_39 = arith.constant 0 : i32
        %dma_wait3A_40 = arith.constant 0 : i32
        %dma_wait3A_41 = tpu.memref_slice %arg7[%dma_wait3A_39, %dma_wait3A_40] : memref<10112x16xf32, #tpu.memory_space<vmem_shared>> -> memref<10112x16xf32, #tpu.memory_space<vmem_shared>>
        tpu.wait_indirect_dma semaphore(%run_scoped3A : memref<!tpu.dma_semaphore, #tpu.memory_space<semaphore_mem>>) src(%arg5 : memref<80x16xf32, #tpu.memory_space<vmem>>) dst(%dma_wait3A_41 : memref<10112x16xf32, #tpu.memory_space<vmem_shared>>)
        tpu.yield
      }) : () -> ()
    }
    %scan3A_31 = arith.constant 125 : i32
    %barrier3A_32 = arith.constant 0 : index
    tpu.barrier barrier_id(%barrier3A_32)
    "tpu.region"() ({
      %run_scoped3A = tpu.sem_alloc : memref<!tpu.dma_semaphore, #tpu.memory_space<semaphore_mem>>
      %dma_start3A = arith.constant 0 : i32
      %dma_start3A_33 = tpu.memref_slice %arg3[%arg0, %mul3A_9, %dma_start3A] : memref<2x10112x16xf32, #tpu.memory_space<hbm>> -> memref<1x632x16xf32, #tpu.memory_space<hbm>>
      %dma_start3A_34 = tpu.memref_squeeze %dma_start3A_33 : memref<1x632x16xf32, #tpu.memory_space<hbm>> -> memref<632x16xf32, #tpu.memory_space<hbm>>
      %dma_start3A_35 = arith.constant 0 : i32
      %dma_start3A_36 = tpu.memref_slice %arg7[%mul3A_9, %dma_start3A_35] : memref<10112x16xf32, #tpu.memory_space<vmem_shared>> -> memref<632x16xf32, #tpu.memory_space<vmem_shared>>
      tpu.enqueue_dma source(%dma_start3A_36 : memref<632x16xf32, #tpu.memory_space<vmem_shared>>) target(%dma_start3A_34 : memref<632x16xf32, #tpu.memory_space<hbm>>) target_semaphore(%run_scoped3A : memref<!tpu.dma_semaphore, #tpu.memory_space<semaphore_mem>>)
      %dma_wait3A = arith.constant 0 : i32
      %dma_wait3A_37 = tpu.memref_slice %arg3[%arg0, %mul3A_9, %dma_wait3A] : memref<2x10112x16xf32, #tpu.memory_space<hbm>> -> memref<1x632x16xf32, #tpu.memory_space<hbm>>
      %dma_wait3A_38 = tpu.memref_squeeze %dma_wait3A_37 : memref<1x632x16xf32, #tpu.memory_space<hbm>> -> memref<632x16xf32, #tpu.memory_space<hbm>>
      %dma_wait3A_39 = arith.constant 0 : i32
      %dma_wait3A_40 = tpu.memref_slice %arg7[%mul3A_9, %dma_wait3A_39] : memref<10112x16xf32, #tpu.memory_space<vmem_shared>> -> memref<632x16xf32, #tpu.memory_space<vmem_shared>>
      tpu.wait_dma2 semaphore(%run_scoped3A : memref<!tpu.dma_semaphore, #tpu.memory_space<semaphore_mem>>) src(%dma_wait3A_40 : memref<632x16xf32, #tpu.memory_space<vmem_shared>>) dst(%dma_wait3A_38 : memref<632x16xf32, #tpu.memory_space<hbm>>)
      tpu.yield
    }) : () -> ()
    return
  }
}

#map = affine_map<(d0, d1) -> (0)>
#map1 = affine_map<(d0, d1) -> (0, 0)>
#map2 = affine_map<(d0, d1) -> (0, 0, 0)>
module attributes {stable_mosaic.version = 14 : i64} {
  func.func @_sc_agg_body(%arg0: i32, %arg1: i32, %arg2: memref<320000xi32, #tpu.memory_space<hbm>>, %arg3: memref<320000xi32, #tpu.memory_space<hbm>>, %arg4: memref<10000x128xf32, #tpu.memory_space<hbm>>, %arg5: memref<2x10112x128xf32, #tpu.memory_space<hbm>>, %arg6: memref<10000xi32, #tpu.memory_space<vmem>>, %arg7: memref<10000xi32, #tpu.memory_space<vmem>>, %arg8: memref<80x128xf32, #tpu.memory_space<vmem>>, %arg9: memref<80x128xf32, #tpu.memory_space<vmem>>, %arg10: memref<10112x128xf32, #tpu.memory_space<vmem_shared>>, %arg11: memref<!tpu.dma_semaphore, #tpu.memory_space<semaphore_mem>>, %arg12: memref<!tpu.dma_semaphore, #tpu.memory_space<semaphore_mem>>) attributes {dimension_semantics = [#tpu.dimension_semantics<core_parallel>, #tpu.dimension_semantics<subcore_parallel>], iteration_bounds = array<i64: 2, 16>, scalar_prefetch = 0 : i64, scratch_operands = 7 : i64, tpu.core_type = #tpu.core_type<sc_vector_subcore>, window_params = [{transform_indices = #map}, {transform_indices = #map}, {transform_indices = #map1}, {transform_indices = #map2}]} {
    %mul3A = arith.constant 2 : i32
    %mul3A_0 = arith.muli %arg1, %mul3A : i32
    %add3A = arith.addi %mul3A_0, %arg0 : i32
    %mul3A_1 = arith.constant 632 : i32
    %mul3A_2 = arith.muli %arg1, %mul3A_1 : i32
    %scan3A = arith.constant 0 : i32
    %scan3A_3 = arith.constant 0 : i32
    %scan3A_4 = arith.constant 80 : i32
    %scan3A_5 = arith.addi %scan3A_3, %scan3A_4 : i32
    %scan3A_6 = arith.constant 1 : i32
    scf.for %scan3A_63 = %scan3A_3 to %scan3A_5 step %scan3A_6  : i32 {
      %broadcast_in_dim3A = arith.constant 0.000000e+00 : f32
      %broadcast_in_dim3A_64 = vector.broadcast %broadcast_in_dim3A : f32 to vector<16xf32>
      %swap3A = arith.index_cast %scan3A_63 : i32 to index
      %swap3A_65 = arith.constant 0 : index
      %swap3A_66 = tpu.vector_load %arg8[%swap3A, %swap3A_65] {strides = array<i32>} : memref<80x128xf32, #tpu.memory_space<vmem>>, vector<1x16xf32>,
      %swap3A_67 = vector.shape_cast %swap3A_66 : vector<1x16xf32> to vector<16xf32>
      %swap3A_68 = vector.shape_cast %broadcast_in_dim3A_64 : vector<16xf32> to vector<1x16xf32>
      tpu.vector_store %arg8[%swap3A, %swap3A_65], %swap3A_68 {strides = array<i32>} : memref<80x128xf32, #tpu.memory_space<vmem>>, vector<1x16xf32>,
      %broadcast_in_dim3A_69 = arith.constant 0.000000e+00 : f32
      %broadcast_in_dim3A_70 = vector.broadcast %broadcast_in_dim3A_69 : f32 to vector<16xf32>
      %swap3A_71 = arith.index_cast %scan3A_63 : i32 to index
      %swap3A_72 = arith.constant 16 : index
      %swap3A_73 = tpu.vector_load %arg8[%swap3A_71, %swap3A_72] {strides = array<i32>} : memref<80x128xf32, #tpu.memory_space<vmem>>, vector<1x16xf32>,
      %swap3A_74 = vector.shape_cast %swap3A_73 : vector<1x16xf32> to vector<16xf32>
      %swap3A_75 = vector.shape_cast %broadcast_in_dim3A_70 : vector<16xf32> to vector<1x16xf32>
      tpu.vector_store %arg8[%swap3A_71, %swap3A_72], %swap3A_75 {strides = array<i32>} : memref<80x128xf32, #tpu.memory_space<vmem>>, vector<1x16xf32>,
      %broadcast_in_dim3A_76 = arith.constant 0.000000e+00 : f32
      %broadcast_in_dim3A_77 = vector.broadcast %broadcast_in_dim3A_76 : f32 to vector<16xf32>
      %swap3A_78 = arith.index_cast %scan3A_63 : i32 to index
      %swap3A_79 = arith.constant 32 : index
      %swap3A_80 = tpu.vector_load %arg8[%swap3A_78, %swap3A_79] {strides = array<i32>} : memref<80x128xf32, #tpu.memory_space<vmem>>, vector<1x16xf32>,
      %swap3A_81 = vector.shape_cast %swap3A_80 : vector<1x16xf32> to vector<16xf32>
      %swap3A_82 = vector.shape_cast %broadcast_in_dim3A_77 : vector<16xf32> to vector<1x16xf32>
      tpu.vector_store %arg8[%swap3A_78, %swap3A_79], %swap3A_82 {strides = array<i32>} : memref<80x128xf32, #tpu.memory_space<vmem>>, vector<1x16xf32>,
      %broadcast_in_dim3A_83 = arith.constant 0.000000e+00 : f32
      %broadcast_in_dim3A_84 = vector.broadcast %broadcast_in_dim3A_83 : f32 to vector<16xf32>
      %swap3A_85 = arith.index_cast %scan3A_63 : i32 to index
      %swap3A_86 = arith.constant 48 : index
      %swap3A_87 = tpu.vector_load %arg8[%swap3A_85, %swap3A_86] {strides = array<i32>} : memref<80x128xf32, #tpu.memory_space<vmem>>, vector<1x16xf32>,
      %swap3A_88 = vector.shape_cast %swap3A_87 : vector<1x16xf32> to vector<16xf32>
      %swap3A_89 = vector.shape_cast %broadcast_in_dim3A_84 : vector<16xf32> to vector<1x16xf32>
      tpu.vector_store %arg8[%swap3A_85, %swap3A_86], %swap3A_89 {strides = array<i32>} : memref<80x128xf32, #tpu.memory_space<vmem>>, vector<1x16xf32>,
      %broadcast_in_dim3A_90 = arith.constant 0.000000e+00 : f32
      %broadcast_in_dim3A_91 = vector.broadcast %broadcast_in_dim3A_90 : f32 to vector<16xf32>
      %swap3A_92 = arith.index_cast %scan3A_63 : i32 to index
      %swap3A_93 = arith.constant 64 : index
      %swap3A_94 = tpu.vector_load %arg8[%swap3A_92, %swap3A_93] {strides = array<i32>} : memref<80x128xf32, #tpu.memory_space<vmem>>, vector<1x16xf32>,
      %swap3A_95 = vector.shape_cast %swap3A_94 : vector<1x16xf32> to vector<16xf32>
      %swap3A_96 = vector.shape_cast %broadcast_in_dim3A_91 : vector<16xf32> to vector<1x16xf32>
      tpu.vector_store %arg8[%swap3A_92, %swap3A_93], %swap3A_96 {strides = array<i32>} : memref<80x128xf32, #tpu.memory_space<vmem>>, vector<1x16xf32>,
      %broadcast_in_dim3A_97 = arith.constant 0.000000e+00 : f32
      %broadcast_in_dim3A_98 = vector.broadcast %broadcast_in_dim3A_97 : f32 to vector<16xf32>
      %swap3A_99 = arith.index_cast %scan3A_63 : i32 to index
      %swap3A_100 = arith.constant 80 : index
      %swap3A_101 = tpu.vector_load %arg8[%swap3A_99, %swap3A_100] {strides = array<i32>} : memref<80x128xf32, #tpu.memory_space<vmem>>, vector<1x16xf32>,
      %swap3A_102 = vector.shape_cast %swap3A_101 : vector<1x16xf32> to vector<16xf32>
      %swap3A_103 = vector.shape_cast %broadcast_in_dim3A_98 : vector<16xf32> to vector<1x16xf32>
      tpu.vector_store %arg8[%swap3A_99, %swap3A_100], %swap3A_103 {strides = array<i32>} : memref<80x128xf32, #tpu.memory_space<vmem>>, vector<1x16xf32>,
      %broadcast_in_dim3A_104 = arith.constant 0.000000e+00 : f32
      %broadcast_in_dim3A_105 = vector.broadcast %broadcast_in_dim3A_104 : f32 to vector<16xf32>
      %swap3A_106 = arith.index_cast %scan3A_63 : i32 to index
      %swap3A_107 = arith.constant 96 : index
      %swap3A_108 = tpu.vector_load %arg8[%swap3A_106, %swap3A_107] {strides = array<i32>} : memref<80x128xf32, #tpu.memory_space<vmem>>, vector<1x16xf32>,
      %swap3A_109 = vector.shape_cast %swap3A_108 : vector<1x16xf32> to vector<16xf32>
      %swap3A_110 = vector.shape_cast %broadcast_in_dim3A_105 : vector<16xf32> to vector<1x16xf32>
      tpu.vector_store %arg8[%swap3A_106, %swap3A_107], %swap3A_110 {strides = array<i32>} : memref<80x128xf32, #tpu.memory_space<vmem>>, vector<1x16xf32>,
      %broadcast_in_dim3A_111 = arith.constant 0.000000e+00 : f32
      %broadcast_in_dim3A_112 = vector.broadcast %broadcast_in_dim3A_111 : f32 to vector<16xf32>
      %swap3A_113 = arith.index_cast %scan3A_63 : i32 to index
      %swap3A_114 = arith.constant 112 : index
      %swap3A_115 = tpu.vector_load %arg8[%swap3A_113, %swap3A_114] {strides = array<i32>} : memref<80x128xf32, #tpu.memory_space<vmem>>, vector<1x16xf32>,
      %swap3A_116 = vector.shape_cast %swap3A_115 : vector<1x16xf32> to vector<16xf32>
      %swap3A_117 = vector.shape_cast %broadcast_in_dim3A_112 : vector<16xf32> to vector<1x16xf32>
      tpu.vector_store %arg8[%swap3A_113, %swap3A_114], %swap3A_117 {strides = array<i32>} : memref<80x128xf32, #tpu.memory_space<vmem>>, vector<1x16xf32>,
    }
    %scan3A_7 = arith.constant 80 : i32
    %add3A_8 = arith.constant 0 : i32
    %add3A_9 = arith.addi %mul3A_2, %add3A_8 : i32
    "tpu.region"() ({
      %run_scoped3A = tpu.sem_alloc : memref<!tpu.dma_semaphore, #tpu.memory_space<semaphore_mem>>
      %dma_start3A_63 = arith.constant 0 : i32
      %dma_start3A_64 = arith.constant 0 : i32
      %dma_start3A_65 = tpu.memref_slice %arg8[%dma_start3A_63, %dma_start3A_64] : memref<80x128xf32, #tpu.memory_space<vmem>> -> memref<80x128xf32, #tpu.memory_space<vmem>>
      %dma_start3A_66 = arith.constant 0 : i32
      %dma_start3A_67 = tpu.memref_slice %arg10[%add3A_9, %dma_start3A_66] : memref<10112x128xf32, #tpu.memory_space<vmem_shared>> -> memref<80x128xf32, #tpu.memory_space<vmem_shared>>
      %dma_start3A_68 = arith.constant 0 : i32
      %dma_start3A_69 = tpu.memref_slice %arg10[%add3A_9, %dma_start3A_68] : memref<10112x128xf32, #tpu.memory_space<vmem_shared>> -> memref<80x128xf32, #tpu.memory_space<vmem_shared>>
      %dma_start3A_70 = arith.constant 0 : i32
      %dma_start3A_71 = arith.constant 0 : i32
      %dma_start3A_72 = tpu.memref_slice %arg8[%dma_start3A_70, %dma_start3A_71] : memref<80x128xf32, #tpu.memory_space<vmem>> -> memref<80x128xf32, #tpu.memory_space<vmem>>
      tpu.enqueue_dma source(%dma_start3A_72 : memref<80x128xf32, #tpu.memory_space<vmem>>) target(%dma_start3A_69 : memref<80x128xf32, #tpu.memory_space<vmem_shared>>) target_semaphore(%run_scoped3A : memref<!tpu.dma_semaphore, #tpu.memory_space<semaphore_mem>>)
      %dma_wait3A_73 = arith.constant 0 : i32
      %dma_wait3A_74 = arith.constant 0 : i32
      %dma_wait3A_75 = tpu.memref_slice %arg8[%dma_wait3A_73, %dma_wait3A_74] : memref<80x128xf32, #tpu.memory_space<vmem>> -> memref<80x128xf32, #tpu.memory_space<vmem>>
      %dma_wait3A_76 = arith.constant 0 : i32
      %dma_wait3A_77 = tpu.memref_slice %arg10[%add3A_9, %dma_wait3A_76] : memref<10112x128xf32, #tpu.memory_space<vmem_shared>> -> memref<80x128xf32, #tpu.memory_space<vmem_shared>>
      %dma_wait3A_78 = arith.constant 0 : i32
      %dma_wait3A_79 = tpu.memref_slice %arg10[%add3A_9, %dma_wait3A_78] : memref<10112x128xf32, #tpu.memory_space<vmem_shared>> -> memref<80x128xf32, #tpu.memory_space<vmem_shared>>
      %dma_wait3A_80 = arith.constant 0 : i32
      %dma_wait3A_81 = arith.constant 0 : i32
      %dma_wait3A_82 = tpu.memref_slice %arg8[%dma_wait3A_80, %dma_wait3A_81] : memref<80x128xf32, #tpu.memory_space<vmem>> -> memref<80x128xf32, #tpu.memory_space<vmem>>
      tpu.wait_dma2 semaphore(%run_scoped3A : memref<!tpu.dma_semaphore, #tpu.memory_space<semaphore_mem>>) src(%dma_wait3A_82 : memref<80x128xf32, #tpu.memory_space<vmem>>) dst(%dma_wait3A_79 : memref<80x128xf32, #tpu.memory_space<vmem_shared>>)
      tpu.yield
    }) : () -> ()
    %add3A_10 = arith.constant 80 : i32
    %add3A_11 = arith.addi %mul3A_2, %add3A_10 : i32
    "tpu.region"() ({
      %run_scoped3A = tpu.sem_alloc : memref<!tpu.dma_semaphore, #tpu.memory_space<semaphore_mem>>
      %dma_start3A_63 = arith.constant 0 : i32
      %dma_start3A_64 = arith.constant 0 : i32
      %dma_start3A_65 = tpu.memref_slice %arg8[%dma_start3A_63, %dma_start3A_64] : memref<80x128xf32, #tpu.memory_space<vmem>> -> memref<80x128xf32, #tpu.memory_space<vmem>>
      %dma_start3A_66 = arith.constant 0 : i32
      %dma_start3A_67 = tpu.memref_slice %arg10[%add3A_11, %dma_start3A_66] : memref<10112x128xf32, #tpu.memory_space<vmem_shared>> -> memref<80x128xf32, #tpu.memory_space<vmem_shared>>
      %dma_start3A_68 = arith.constant 0 : i32
      %dma_start3A_69 = tpu.memref_slice %arg10[%add3A_11, %dma_start3A_68] : memref<10112x128xf32, #tpu.memory_space<vmem_shared>> -> memref<80x128xf32, #tpu.memory_space<vmem_shared>>
      %dma_start3A_70 = arith.constant 0 : i32
      %dma_start3A_71 = arith.constant 0 : i32
      %dma_start3A_72 = tpu.memref_slice %arg8[%dma_start3A_70, %dma_start3A_71] : memref<80x128xf32, #tpu.memory_space<vmem>> -> memref<80x128xf32, #tpu.memory_space<vmem>>
      tpu.enqueue_dma source(%dma_start3A_72 : memref<80x128xf32, #tpu.memory_space<vmem>>) target(%dma_start3A_69 : memref<80x128xf32, #tpu.memory_space<vmem_shared>>) target_semaphore(%run_scoped3A : memref<!tpu.dma_semaphore, #tpu.memory_space<semaphore_mem>>)
      %dma_wait3A_73 = arith.constant 0 : i32
      %dma_wait3A_74 = arith.constant 0 : i32
      %dma_wait3A_75 = tpu.memref_slice %arg8[%dma_wait3A_73, %dma_wait3A_74] : memref<80x128xf32, #tpu.memory_space<vmem>> -> memref<80x128xf32, #tpu.memory_space<vmem>>
      %dma_wait3A_76 = arith.constant 0 : i32
      %dma_wait3A_77 = tpu.memref_slice %arg10[%add3A_11, %dma_wait3A_76] : memref<10112x128xf32, #tpu.memory_space<vmem_shared>> -> memref<80x128xf32, #tpu.memory_space<vmem_shared>>
      %dma_wait3A_78 = arith.constant 0 : i32
      %dma_wait3A_79 = tpu.memref_slice %arg10[%add3A_11, %dma_wait3A_78] : memref<10112x128xf32, #tpu.memory_space<vmem_shared>> -> memref<80x128xf32, #tpu.memory_space<vmem_shared>>
      %dma_wait3A_80 = arith.constant 0 : i32
      %dma_wait3A_81 = arith.constant 0 : i32
      %dma_wait3A_82 = tpu.memref_slice %arg8[%dma_wait3A_80, %dma_wait3A_81] : memref<80x128xf32, #tpu.memory_space<vmem>> -> memref<80x128xf32, #tpu.memory_space<vmem>>
      tpu.wait_dma2 semaphore(%run_scoped3A : memref<!tpu.dma_semaphore, #tpu.memory_space<semaphore_mem>>) src(%dma_wait3A_82 : memref<80x128xf32, #tpu.memory_space<vmem>>) dst(%dma_wait3A_79 : memref<80x128xf32, #tpu.memory_space<vmem_shared>>)
      tpu.yield
    }) : () -> ()
    %add3A_12 = arith.constant 160 : i32
    %add3A_13 = arith.addi %mul3A_2, %add3A_12 : i32
    "tpu.region"() ({
      %run_scoped3A = tpu.sem_alloc : memref<!tpu.dma_semaphore, #tpu.memory_space<semaphore_mem>>
      %dma_start3A_63 = arith.constant 0 : i32
      %dma_start3A_64 = arith.constant 0 : i32
      %dma_start3A_65 = tpu.memref_slice %arg8[%dma_start3A_63, %dma_start3A_64] : memref<80x128xf32, #tpu.memory_space<vmem>> -> memref<80x128xf32, #tpu.memory_space<vmem>>
      %dma_start3A_66 = arith.constant 0 : i32
      %dma_start3A_67 = tpu.memref_slice %arg10[%add3A_13, %dma_start3A_66] : memref<10112x128xf32, #tpu.memory_space<vmem_shared>> -> memref<80x128xf32, #tpu.memory_space<vmem_shared>>
      %dma_start3A_68 = arith.constant 0 : i32
      %dma_start3A_69 = tpu.memref_slice %arg10[%add3A_13, %dma_start3A_68] : memref<10112x128xf32, #tpu.memory_space<vmem_shared>> -> memref<80x128xf32, #tpu.memory_space<vmem_shared>>
      %dma_start3A_70 = arith.constant 0 : i32
      %dma_start3A_71 = arith.constant 0 : i32
      %dma_start3A_72 = tpu.memref_slice %arg8[%dma_start3A_70, %dma_start3A_71] : memref<80x128xf32, #tpu.memory_space<vmem>> -> memref<80x128xf32, #tpu.memory_space<vmem>>
      tpu.enqueue_dma source(%dma_start3A_72 : memref<80x128xf32, #tpu.memory_space<vmem>>) target(%dma_start3A_69 : memref<80x128xf32, #tpu.memory_space<vmem_shared>>) target_semaphore(%run_scoped3A : memref<!tpu.dma_semaphore, #tpu.memory_space<semaphore_mem>>)
      %dma_wait3A_73 = arith.constant 0 : i32
      %dma_wait3A_74 = arith.constant 0 : i32
      %dma_wait3A_75 = tpu.memref_slice %arg8[%dma_wait3A_73, %dma_wait3A_74] : memref<80x128xf32, #tpu.memory_space<vmem>> -> memref<80x128xf32, #tpu.memory_space<vmem>>
      %dma_wait3A_76 = arith.constant 0 : i32
      %dma_wait3A_77 = tpu.memref_slice %arg10[%add3A_13, %dma_wait3A_76] : memref<10112x128xf32, #tpu.memory_space<vmem_shared>> -> memref<80x128xf32, #tpu.memory_space<vmem_shared>>
      %dma_wait3A_78 = arith.constant 0 : i32
      %dma_wait3A_79 = tpu.memref_slice %arg10[%add3A_13, %dma_wait3A_78] : memref<10112x128xf32, #tpu.memory_space<vmem_shared>> -> memref<80x128xf32, #tpu.memory_space<vmem_shared>>
      %dma_wait3A_80 = arith.constant 0 : i32
      %dma_wait3A_81 = arith.constant 0 : i32
      %dma_wait3A_82 = tpu.memref_slice %arg8[%dma_wait3A_80, %dma_wait3A_81] : memref<80x128xf32, #tpu.memory_space<vmem>> -> memref<80x128xf32, #tpu.memory_space<vmem>>
      tpu.wait_dma2 semaphore(%run_scoped3A : memref<!tpu.dma_semaphore, #tpu.memory_space<semaphore_mem>>) src(%dma_wait3A_82 : memref<80x128xf32, #tpu.memory_space<vmem>>) dst(%dma_wait3A_79 : memref<80x128xf32, #tpu.memory_space<vmem_shared>>)
      tpu.yield
    }) : () -> ()
    %add3A_14 = arith.constant 240 : i32
    %add3A_15 = arith.addi %mul3A_2, %add3A_14 : i32
    "tpu.region"() ({
      %run_scoped3A = tpu.sem_alloc : memref<!tpu.dma_semaphore, #tpu.memory_space<semaphore_mem>>
      %dma_start3A_63 = arith.constant 0 : i32
      %dma_start3A_64 = arith.constant 0 : i32
      %dma_start3A_65 = tpu.memref_slice %arg8[%dma_start3A_63, %dma_start3A_64] : memref<80x128xf32, #tpu.memory_space<vmem>> -> memref<80x128xf32, #tpu.memory_space<vmem>>
      %dma_start3A_66 = arith.constant 0 : i32
      %dma_start3A_67 = tpu.memref_slice %arg10[%add3A_15, %dma_start3A_66] : memref<10112x128xf32, #tpu.memory_space<vmem_shared>> -> memref<80x128xf32, #tpu.memory_space<vmem_shared>>
      %dma_start3A_68 = arith.constant 0 : i32
      %dma_start3A_69 = tpu.memref_slice %arg10[%add3A_15, %dma_start3A_68] : memref<10112x128xf32, #tpu.memory_space<vmem_shared>> -> memref<80x128xf32, #tpu.memory_space<vmem_shared>>
      %dma_start3A_70 = arith.constant 0 : i32
      %dma_start3A_71 = arith.constant 0 : i32
      %dma_start3A_72 = tpu.memref_slice %arg8[%dma_start3A_70, %dma_start3A_71] : memref<80x128xf32, #tpu.memory_space<vmem>> -> memref<80x128xf32, #tpu.memory_space<vmem>>
      tpu.enqueue_dma source(%dma_start3A_72 : memref<80x128xf32, #tpu.memory_space<vmem>>) target(%dma_start3A_69 : memref<80x128xf32, #tpu.memory_space<vmem_shared>>) target_semaphore(%run_scoped3A : memref<!tpu.dma_semaphore, #tpu.memory_space<semaphore_mem>>)
      %dma_wait3A_73 = arith.constant 0 : i32
      %dma_wait3A_74 = arith.constant 0 : i32
      %dma_wait3A_75 = tpu.memref_slice %arg8[%dma_wait3A_73, %dma_wait3A_74] : memref<80x128xf32, #tpu.memory_space<vmem>> -> memref<80x128xf32, #tpu.memory_space<vmem>>
      %dma_wait3A_76 = arith.constant 0 : i32
      %dma_wait3A_77 = tpu.memref_slice %arg10[%add3A_15, %dma_wait3A_76] : memref<10112x128xf32, #tpu.memory_space<vmem_shared>> -> memref<80x128xf32, #tpu.memory_space<vmem_shared>>
      %dma_wait3A_78 = arith.constant 0 : i32
      %dma_wait3A_79 = tpu.memref_slice %arg10[%add3A_15, %dma_wait3A_78] : memref<10112x128xf32, #tpu.memory_space<vmem_shared>> -> memref<80x128xf32, #tpu.memory_space<vmem_shared>>
      %dma_wait3A_80 = arith.constant 0 : i32
      %dma_wait3A_81 = arith.constant 0 : i32
      %dma_wait3A_82 = tpu.memref_slice %arg8[%dma_wait3A_80, %dma_wait3A_81] : memref<80x128xf32, #tpu.memory_space<vmem>> -> memref<80x128xf32, #tpu.memory_space<vmem>>
      tpu.wait_dma2 semaphore(%run_scoped3A : memref<!tpu.dma_semaphore, #tpu.memory_space<semaphore_mem>>) src(%dma_wait3A_82 : memref<80x128xf32, #tpu.memory_space<vmem>>) dst(%dma_wait3A_79 : memref<80x128xf32, #tpu.memory_space<vmem_shared>>)
      tpu.yield
    }) : () -> ()
    %add3A_16 = arith.constant 320 : i32
    %add3A_17 = arith.addi %mul3A_2, %add3A_16 : i32
    "tpu.region"() ({
      %run_scoped3A = tpu.sem_alloc : memref<!tpu.dma_semaphore, #tpu.memory_space<semaphore_mem>>
      %dma_start3A_63 = arith.constant 0 : i32
      %dma_start3A_64 = arith.constant 0 : i32
      %dma_start3A_65 = tpu.memref_slice %arg8[%dma_start3A_63, %dma_start3A_64] : memref<80x128xf32, #tpu.memory_space<vmem>> -> memref<80x128xf32, #tpu.memory_space<vmem>>
      %dma_start3A_66 = arith.constant 0 : i32
      %dma_start3A_67 = tpu.memref_slice %arg10[%add3A_17, %dma_start3A_66] : memref<10112x128xf32, #tpu.memory_space<vmem_shared>> -> memref<80x128xf32, #tpu.memory_space<vmem_shared>>
      %dma_start3A_68 = arith.constant 0 : i32
      %dma_start3A_69 = tpu.memref_slice %arg10[%add3A_17, %dma_start3A_68] : memref<10112x128xf32, #tpu.memory_space<vmem_shared>> -> memref<80x128xf32, #tpu.memory_space<vmem_shared>>
      %dma_start3A_70 = arith.constant 0 : i32
      %dma_start3A_71 = arith.constant 0 : i32
      %dma_start3A_72 = tpu.memref_slice %arg8[%dma_start3A_70, %dma_start3A_71] : memref<80x128xf32, #tpu.memory_space<vmem>> -> memref<80x128xf32, #tpu.memory_space<vmem>>
      tpu.enqueue_dma source(%dma_start3A_72 : memref<80x128xf32, #tpu.memory_space<vmem>>) target(%dma_start3A_69 : memref<80x128xf32, #tpu.memory_space<vmem_shared>>) target_semaphore(%run_scoped3A : memref<!tpu.dma_semaphore, #tpu.memory_space<semaphore_mem>>)
      %dma_wait3A_73 = arith.constant 0 : i32
      %dma_wait3A_74 = arith.constant 0 : i32
      %dma_wait3A_75 = tpu.memref_slice %arg8[%dma_wait3A_73, %dma_wait3A_74] : memref<80x128xf32, #tpu.memory_space<vmem>> -> memref<80x128xf32, #tpu.memory_space<vmem>>
      %dma_wait3A_76 = arith.constant 0 : i32
      %dma_wait3A_77 = tpu.memref_slice %arg10[%add3A_17, %dma_wait3A_76] : memref<10112x128xf32, #tpu.memory_space<vmem_shared>> -> memref<80x128xf32, #tpu.memory_space<vmem_shared>>
      %dma_wait3A_78 = arith.constant 0 : i32
      %dma_wait3A_79 = tpu.memref_slice %arg10[%add3A_17, %dma_wait3A_78] : memref<10112x128xf32, #tpu.memory_space<vmem_shared>> -> memref<80x128xf32, #tpu.memory_space<vmem_shared>>
      %dma_wait3A_80 = arith.constant 0 : i32
      %dma_wait3A_81 = arith.constant 0 : i32
      %dma_wait3A_82 = tpu.memref_slice %arg8[%dma_wait3A_80, %dma_wait3A_81] : memref<80x128xf32, #tpu.memory_space<vmem>> -> memref<80x128xf32, #tpu.memory_space<vmem>>
      tpu.wait_dma2 semaphore(%run_scoped3A : memref<!tpu.dma_semaphore, #tpu.memory_space<semaphore_mem>>) src(%dma_wait3A_82 : memref<80x128xf32, #tpu.memory_space<vmem>>) dst(%dma_wait3A_79 : memref<80x128xf32, #tpu.memory_space<vmem_shared>>)
      tpu.yield
    }) : () -> ()
    %add3A_18 = arith.constant 400 : i32
    %add3A_19 = arith.addi %mul3A_2, %add3A_18 : i32
    "tpu.region"() ({
      %run_scoped3A = tpu.sem_alloc : memref<!tpu.dma_semaphore, #tpu.memory_space<semaphore_mem>>
      %dma_start3A_63 = arith.constant 0 : i32
      %dma_start3A_64 = arith.constant 0 : i32
      %dma_start3A_65 = tpu.memref_slice %arg8[%dma_start3A_63, %dma_start3A_64] : memref<80x128xf32, #tpu.memory_space<vmem>> -> memref<80x128xf32, #tpu.memory_space<vmem>>
      %dma_start3A_66 = arith.constant 0 : i32
      %dma_start3A_67 = tpu.memref_slice %arg10[%add3A_19, %dma_start3A_66] : memref<10112x128xf32, #tpu.memory_space<vmem_shared>> -> memref<80x128xf32, #tpu.memory_space<vmem_shared>>
      %dma_start3A_68 = arith.constant 0 : i32
      %dma_start3A_69 = tpu.memref_slice %arg10[%add3A_19, %dma_start3A_68] : memref<10112x128xf32, #tpu.memory_space<vmem_shared>> -> memref<80x128xf32, #tpu.memory_space<vmem_shared>>
      %dma_start3A_70 = arith.constant 0 : i32
      %dma_start3A_71 = arith.constant 0 : i32
      %dma_start3A_72 = tpu.memref_slice %arg8[%dma_start3A_70, %dma_start3A_71] : memref<80x128xf32, #tpu.memory_space<vmem>> -> memref<80x128xf32, #tpu.memory_space<vmem>>
      tpu.enqueue_dma source(%dma_start3A_72 : memref<80x128xf32, #tpu.memory_space<vmem>>) target(%dma_start3A_69 : memref<80x128xf32, #tpu.memory_space<vmem_shared>>) target_semaphore(%run_scoped3A : memref<!tpu.dma_semaphore, #tpu.memory_space<semaphore_mem>>)
      %dma_wait3A_73 = arith.constant 0 : i32
      %dma_wait3A_74 = arith.constant 0 : i32
      %dma_wait3A_75 = tpu.memref_slice %arg8[%dma_wait3A_73, %dma_wait3A_74] : memref<80x128xf32, #tpu.memory_space<vmem>> -> memref<80x128xf32, #tpu.memory_space<vmem>>
      %dma_wait3A_76 = arith.constant 0 : i32
      %dma_wait3A_77 = tpu.memref_slice %arg10[%add3A_19, %dma_wait3A_76] : memref<10112x128xf32, #tpu.memory_space<vmem_shared>> -> memref<80x128xf32, #tpu.memory_space<vmem_shared>>
      %dma_wait3A_78 = arith.constant 0 : i32
      %dma_wait3A_79 = tpu.memref_slice %arg10[%add3A_19, %dma_wait3A_78] : memref<10112x128xf32, #tpu.memory_space<vmem_shared>> -> memref<80x128xf32, #tpu.memory_space<vmem_shared>>
      %dma_wait3A_80 = arith.constant 0 : i32
      %dma_wait3A_81 = arith.constant 0 : i32
      %dma_wait3A_82 = tpu.memref_slice %arg8[%dma_wait3A_80, %dma_wait3A_81] : memref<80x128xf32, #tpu.memory_space<vmem>> -> memref<80x128xf32, #tpu.memory_space<vmem>>
      tpu.wait_dma2 semaphore(%run_scoped3A : memref<!tpu.dma_semaphore, #tpu.memory_space<semaphore_mem>>) src(%dma_wait3A_82 : memref<80x128xf32, #tpu.memory_space<vmem>>) dst(%dma_wait3A_79 : memref<80x128xf32, #tpu.memory_space<vmem_shared>>)
      tpu.yield
    }) : () -> ()
    %add3A_20 = arith.constant 480 : i32
    %add3A_21 = arith.addi %mul3A_2, %add3A_20 : i32
    "tpu.region"() ({
      %run_scoped3A = tpu.sem_alloc : memref<!tpu.dma_semaphore, #tpu.memory_space<semaphore_mem>>
      %dma_start3A_63 = arith.constant 0 : i32
      %dma_start3A_64 = arith.constant 0 : i32
      %dma_start3A_65 = tpu.memref_slice %arg8[%dma_start3A_63, %dma_start3A_64] : memref<80x128xf32, #tpu.memory_space<vmem>> -> memref<80x128xf32, #tpu.memory_space<vmem>>
      %dma_start3A_66 = arith.constant 0 : i32
      %dma_start3A_67 = tpu.memref_slice %arg10[%add3A_21, %dma_start3A_66] : memref<10112x128xf32, #tpu.memory_space<vmem_shared>> -> memref<80x128xf32, #tpu.memory_space<vmem_shared>>
      %dma_start3A_68 = arith.constant 0 : i32
      %dma_start3A_69 = tpu.memref_slice %arg10[%add3A_21, %dma_start3A_68] : memref<10112x128xf32, #tpu.memory_space<vmem_shared>> -> memref<80x128xf32, #tpu.memory_space<vmem_shared>>
      %dma_start3A_70 = arith.constant 0 : i32
      %dma_start3A_71 = arith.constant 0 : i32
      %dma_start3A_72 = tpu.memref_slice %arg8[%dma_start3A_70, %dma_start3A_71] : memref<80x128xf32, #tpu.memory_space<vmem>> -> memref<80x128xf32, #tpu.memory_space<vmem>>
      tpu.enqueue_dma source(%dma_start3A_72 : memref<80x128xf32, #tpu.memory_space<vmem>>) target(%dma_start3A_69 : memref<80x128xf32, #tpu.memory_space<vmem_shared>>) target_semaphore(%run_scoped3A : memref<!tpu.dma_semaphore, #tpu.memory_space<semaphore_mem>>)
      %dma_wait3A_73 = arith.constant 0 : i32
      %dma_wait3A_74 = arith.constant 0 : i32
      %dma_wait3A_75 = tpu.memref_slice %arg8[%dma_wait3A_73, %dma_wait3A_74] : memref<80x128xf32, #tpu.memory_space<vmem>> -> memref<80x128xf32, #tpu.memory_space<vmem>>
      %dma_wait3A_76 = arith.constant 0 : i32
      %dma_wait3A_77 = tpu.memref_slice %arg10[%add3A_21, %dma_wait3A_76] : memref<10112x128xf32, #tpu.memory_space<vmem_shared>> -> memref<80x128xf32, #tpu.memory_space<vmem_shared>>
      %dma_wait3A_78 = arith.constant 0 : i32
      %dma_wait3A_79 = tpu.memref_slice %arg10[%add3A_21, %dma_wait3A_78] : memref<10112x128xf32, #tpu.memory_space<vmem_shared>> -> memref<80x128xf32, #tpu.memory_space<vmem_shared>>
      %dma_wait3A_80 = arith.constant 0 : i32
      %dma_wait3A_81 = arith.constant 0 : i32
      %dma_wait3A_82 = tpu.memref_slice %arg8[%dma_wait3A_80, %dma_wait3A_81] : memref<80x128xf32, #tpu.memory_space<vmem>> -> memref<80x128xf32, #tpu.memory_space<vmem>>
      tpu.wait_dma2 semaphore(%run_scoped3A : memref<!tpu.dma_semaphore, #tpu.memory_space<semaphore_mem>>) src(%dma_wait3A_82 : memref<80x128xf32, #tpu.memory_space<vmem>>) dst(%dma_wait3A_79 : memref<80x128xf32, #tpu.memory_space<vmem_shared>>)
      tpu.yield
    }) : () -> ()
    %add3A_22 = arith.constant 560 : i32
    %add3A_23 = arith.addi %mul3A_2, %add3A_22 : i32
    "tpu.region"() ({
      %run_scoped3A = tpu.sem_alloc : memref<!tpu.dma_semaphore, #tpu.memory_space<semaphore_mem>>
      %dma_start3A_63 = arith.constant 0 : i32
      %dma_start3A_64 = arith.constant 0 : i32
      %dma_start3A_65 = tpu.memref_slice %arg8[%dma_start3A_63, %dma_start3A_64] : memref<80x128xf32, #tpu.memory_space<vmem>> -> memref<72x128xf32, #tpu.memory_space<vmem>>
      %dma_start3A_66 = arith.constant 0 : i32
      %dma_start3A_67 = tpu.memref_slice %arg10[%add3A_23, %dma_start3A_66] : memref<10112x128xf32, #tpu.memory_space<vmem_shared>> -> memref<72x128xf32, #tpu.memory_space<vmem_shared>>
      %dma_start3A_68 = arith.constant 0 : i32
      %dma_start3A_69 = tpu.memref_slice %arg10[%add3A_23, %dma_start3A_68] : memref<10112x128xf32, #tpu.memory_space<vmem_shared>> -> memref<72x128xf32, #tpu.memory_space<vmem_shared>>
      %dma_start3A_70 = arith.constant 0 : i32
      %dma_start3A_71 = arith.constant 0 : i32
      %dma_start3A_72 = tpu.memref_slice %arg8[%dma_start3A_70, %dma_start3A_71] : memref<80x128xf32, #tpu.memory_space<vmem>> -> memref<72x128xf32, #tpu.memory_space<vmem>>
      tpu.enqueue_dma source(%dma_start3A_72 : memref<72x128xf32, #tpu.memory_space<vmem>>) target(%dma_start3A_69 : memref<72x128xf32, #tpu.memory_space<vmem_shared>>) target_semaphore(%run_scoped3A : memref<!tpu.dma_semaphore, #tpu.memory_space<semaphore_mem>>)
      %dma_wait3A_73 = arith.constant 0 : i32
      %dma_wait3A_74 = arith.constant 0 : i32
      %dma_wait3A_75 = tpu.memref_slice %arg8[%dma_wait3A_73, %dma_wait3A_74] : memref<80x128xf32, #tpu.memory_space<vmem>> -> memref<72x128xf32, #tpu.memory_space<vmem>>
      %dma_wait3A_76 = arith.constant 0 : i32
      %dma_wait3A_77 = tpu.memref_slice %arg10[%add3A_23, %dma_wait3A_76] : memref<10112x128xf32, #tpu.memory_space<vmem_shared>> -> memref<72x128xf32, #tpu.memory_space<vmem_shared>>
      %dma_wait3A_78 = arith.constant 0 : i32
      %dma_wait3A_79 = tpu.memref_slice %arg10[%add3A_23, %dma_wait3A_78] : memref<10112x128xf32, #tpu.memory_space<vmem_shared>> -> memref<72x128xf32, #tpu.memory_space<vmem_shared>>
      %dma_wait3A_80 = arith.constant 0 : i32
      %dma_wait3A_81 = arith.constant 0 : i32
      %dma_wait3A_82 = tpu.memref_slice %arg8[%dma_wait3A_80, %dma_wait3A_81] : memref<80x128xf32, #tpu.memory_space<vmem>> -> memref<72x128xf32, #tpu.memory_space<vmem>>
      tpu.wait_dma2 semaphore(%run_scoped3A : memref<!tpu.dma_semaphore, #tpu.memory_space<semaphore_mem>>) src(%dma_wait3A_82 : memref<72x128xf32, #tpu.memory_space<vmem>>) dst(%dma_wait3A_79 : memref<72x128xf32, #tpu.memory_space<vmem_shared>>)
      tpu.yield
    }) : () -> ()
    %mul3A_24 = arith.constant 10000 : i32
    %mul3A_25 = arith.muli %add3A, %mul3A_24 : i32
    "tpu.region"() ({
      %run_scoped3A = tpu.sem_alloc : memref<!tpu.dma_semaphore, #tpu.memory_space<semaphore_mem>>
      %dma_start3A_63 = tpu.memref_slice %arg2[%mul3A_25] : memref<320000xi32, #tpu.memory_space<hbm>> -> memref<10000xi32, #tpu.memory_space<hbm>>
      %dma_start3A_64 = tpu.memref_slice %arg2[%mul3A_25] : memref<320000xi32, #tpu.memory_space<hbm>> -> memref<10000xi32, #tpu.memory_space<hbm>>
      tpu.enqueue_dma source(%dma_start3A_64 : memref<10000xi32, #tpu.memory_space<hbm>>) target(%arg6 : memref<10000xi32, #tpu.memory_space<vmem>>) target_semaphore(%run_scoped3A : memref<!tpu.dma_semaphore, #tpu.memory_space<semaphore_mem>>)
      %dma_wait3A_65 = tpu.memref_slice %arg2[%mul3A_25] : memref<320000xi32, #tpu.memory_space<hbm>> -> memref<10000xi32, #tpu.memory_space<hbm>>
      %dma_wait3A_66 = tpu.memref_slice %arg2[%mul3A_25] : memref<320000xi32, #tpu.memory_space<hbm>> -> memref<10000xi32, #tpu.memory_space<hbm>>
      tpu.wait_dma2 semaphore(%run_scoped3A : memref<!tpu.dma_semaphore, #tpu.memory_space<semaphore_mem>>) src(%dma_wait3A_66 : memref<10000xi32, #tpu.memory_space<hbm>>) dst(%arg6 : memref<10000xi32, #tpu.memory_space<vmem>>)
      tpu.yield
    }) : () -> ()
    %mul3A_26 = arith.constant 10000 : i32
    %mul3A_27 = arith.muli %add3A, %mul3A_26 : i32
    "tpu.region"() ({
      %run_scoped3A = tpu.sem_alloc : memref<!tpu.dma_semaphore, #tpu.memory_space<semaphore_mem>>
      %dma_start3A_63 = tpu.memref_slice %arg3[%mul3A_27] : memref<320000xi32, #tpu.memory_space<hbm>> -> memref<10000xi32, #tpu.memory_space<hbm>>
      %dma_start3A_64 = tpu.memref_slice %arg3[%mul3A_27] : memref<320000xi32, #tpu.memory_space<hbm>> -> memref<10000xi32, #tpu.memory_space<hbm>>
      tpu.enqueue_dma source(%dma_start3A_64 : memref<10000xi32, #tpu.memory_space<hbm>>) target(%arg7 : memref<10000xi32, #tpu.memory_space<vmem>>) target_semaphore(%run_scoped3A : memref<!tpu.dma_semaphore, #tpu.memory_space<semaphore_mem>>)
      %dma_wait3A_65 = tpu.memref_slice %arg3[%mul3A_27] : memref<320000xi32, #tpu.memory_space<hbm>> -> memref<10000xi32, #tpu.memory_space<hbm>>
      %dma_wait3A_66 = tpu.memref_slice %arg3[%mul3A_27] : memref<320000xi32, #tpu.memory_space<hbm>> -> memref<10000xi32, #tpu.memory_space<hbm>>
      tpu.wait_dma2 semaphore(%run_scoped3A : memref<!tpu.dma_semaphore, #tpu.memory_space<semaphore_mem>>) src(%dma_wait3A_66 : memref<10000xi32, #tpu.memory_space<hbm>>) dst(%arg7 : memref<10000xi32, #tpu.memory_space<vmem>>)
      tpu.yield
    }) : () -> ()
    %barrier3A = arith.constant 0 : index
    tpu.barrier barrier_id(%barrier3A)
    %dma_start3A = arith.constant 0 : i32
    %dma_start3A_28 = tpu.memref_slice %arg6[%dma_start3A] : memref<10000xi32, #tpu.memory_space<vmem>> -> memref<80xi32, #tpu.memory_space<vmem>>
    %dma_start3A_29 = arith.constant 0 : i32
    %dma_start3A_30 = arith.constant 0 : i32
    %dma_start3A_31 = tpu.memref_slice %arg4[%dma_start3A_29, %dma_start3A_30] : memref<10000x128xf32, #tpu.memory_space<hbm>> -> memref<10000x128xf32, #tpu.memory_space<hbm>>
    tpu.enqueue_indirect_dma source(%dma_start3A_31 : memref<10000x128xf32, #tpu.memory_space<hbm>>) target(%arg8 : memref<80x128xf32, #tpu.memory_space<vmem>>) offsets(%dma_start3A_28 : memref<80xi32, #tpu.memory_space<vmem>>) semaphore(%arg11 : memref<!tpu.dma_semaphore, #tpu.memory_space<semaphore_mem>>)
    %dma_start3A_32 = arith.constant 80 : i32
    %dma_start3A_33 = tpu.memref_slice %arg6[%dma_start3A_32] : memref<10000xi32, #tpu.memory_space<vmem>> -> memref<80xi32, #tpu.memory_space<vmem>>
    %dma_start3A_34 = arith.constant 0 : i32
    %dma_start3A_35 = arith.constant 0 : i32
    %dma_start3A_36 = tpu.memref_slice %arg4[%dma_start3A_34, %dma_start3A_35] : memref<10000x128xf32, #tpu.memory_space<hbm>> -> memref<10000x128xf32, #tpu.memory_space<hbm>>
    tpu.enqueue_indirect_dma source(%dma_start3A_36 : memref<10000x128xf32, #tpu.memory_space<hbm>>) target(%arg9 : memref<80x128xf32, #tpu.memory_space<vmem>>) offsets(%dma_start3A_33 : memref<80xi32, #tpu.memory_space<vmem>>) semaphore(%arg12 : memref<!tpu.dma_semaphore, #tpu.memory_space<semaphore_mem>>)
    %scan3A_37 = arith.constant 0 : i32
    %scan3A_38 = arith.constant 0 : i32
    %scan3A_39 = arith.constant 61 : i32
    %scan3A_40 = arith.addi %scan3A_38, %scan3A_39 : i32
    %scan3A_41 = arith.constant 1 : i32
    scf.for %scan3A_63 = %scan3A_38 to %scan3A_40 step %scan3A_41  : i32 {
      %mul3A_64 = arith.constant 2 : i32
      %mul3A_65 = arith.muli %mul3A_64, %scan3A_63 : i32
      %add3A_66 = arith.constant 0 : i32
      %add3A_67 = arith.addi %mul3A_65, %add3A_66 : i32
      %mul3A_68 = arith.constant 80 : i32
      %mul3A_69 = arith.muli %add3A_67, %mul3A_68 : i32
      %dma_wait3A_70 = tpu.memref_slice %arg6[%mul3A_69] : memref<10000xi32, #tpu.memory_space<vmem>> -> memref<80xi32, #tpu.memory_space<vmem>>
      %dma_wait3A_71 = arith.constant 0 : i32
      %dma_wait3A_72 = arith.constant 0 : i32
      %dma_wait3A_73 = tpu.memref_slice %arg4[%dma_wait3A_71, %dma_wait3A_72] : memref<10000x128xf32, #tpu.memory_space<hbm>> -> memref<10000x128xf32, #tpu.memory_space<hbm>>
      tpu.wait_indirect_dma semaphore(%arg11 : memref<!tpu.dma_semaphore, #tpu.memory_space<semaphore_mem>>) src(%dma_wait3A_73 : memref<10000x128xf32, #tpu.memory_space<hbm>>) dst(%arg8 : memref<80x128xf32, #tpu.memory_space<vmem>>)
      %mul3A_74 = arith.constant 80 : i32
      %mul3A_75 = arith.muli %add3A_67, %mul3A_74 : i32
      "tpu.region"() ({
        %run_scoped3A = tpu.sem_alloc : memref<!tpu.dma_semaphore, #tpu.memory_space<semaphore_mem>>
        %dma_start3A_106 = tpu.memref_slice %arg7[%mul3A_75] : memref<10000xi32, #tpu.memory_space<vmem>> -> memref<80xi32, #tpu.memory_space<vmem>>
        %dma_start3A_107 = arith.constant 0 : i32
        %dma_start3A_108 = arith.constant 0 : i32
        %dma_start3A_109 = tpu.memref_slice %arg10[%dma_start3A_107, %dma_start3A_108] : memref<10112x128xf32, #tpu.memory_space<vmem_shared>> -> memref<10112x128xf32, #tpu.memory_space<vmem_shared>>
        tpu.enqueue_indirect_dma source(%arg8 : memref<80x128xf32, #tpu.memory_space<vmem>>) target(%dma_start3A_109 : memref<10112x128xf32, #tpu.memory_space<vmem_shared>>) offsets(%dma_start3A_106 : memref<80xi32, #tpu.memory_space<vmem>>) semaphore(%run_scoped3A : memref<!tpu.dma_semaphore, #tpu.memory_space<semaphore_mem>>) {add = true}
        %dma_wait3A_110 = tpu.memref_slice %arg7[%mul3A_75] : memref<10000xi32, #tpu.memory_space<vmem>> -> memref<80xi32, #tpu.memory_space<vmem>>
        %dma_wait3A_111 = arith.constant 0 : i32
        %dma_wait3A_112 = arith.constant 0 : i32
        %dma_wait3A_113 = tpu.memref_slice %arg10[%dma_wait3A_111, %dma_wait3A_112] : memref<10112x128xf32, #tpu.memory_space<vmem_shared>> -> memref<10112x128xf32, #tpu.memory_space<vmem_shared>>
        tpu.wait_indirect_dma semaphore(%run_scoped3A : memref<!tpu.dma_semaphore, #tpu.memory_space<semaphore_mem>>) src(%arg8 : memref<80x128xf32, #tpu.memory_space<vmem>>) dst(%dma_wait3A_113 : memref<10112x128xf32, #tpu.memory_space<vmem_shared>>)
        tpu.yield
      }) : () -> ()
      %add3A_76 = arith.constant 0 : i32
      %add3A_77 = arith.addi %mul3A_65, %add3A_76 : i32
      %add3A_78 = arith.constant 2 : i32
      %add3A_79 = arith.addi %add3A_77, %add3A_78 : i32
      %mul3A_80 = arith.constant 80 : i32
      %mul3A_81 = arith.muli %add3A_79, %mul3A_80 : i32
      %dma_start3A_82 = tpu.memref_slice %arg6[%mul3A_81] : memref<10000xi32, #tpu.memory_space<vmem>> -> memref<80xi32, #tpu.memory_space<vmem>>
      %dma_start3A_83 = arith.constant 0 : i32
      %dma_start3A_84 = arith.constant 0 : i32
      %dma_start3A_85 = tpu.memref_slice %arg4[%dma_start3A_83, %dma_start3A_84] : memref<10000x128xf32, #tpu.memory_space<hbm>> -> memref<10000x128xf32, #tpu.memory_space<hbm>>
      tpu.enqueue_indirect_dma source(%dma_start3A_85 : memref<10000x128xf32, #tpu.memory_space<hbm>>) target(%arg8 : memref<80x128xf32, #tpu.memory_space<vmem>>) offsets(%dma_start3A_82 : memref<80xi32, #tpu.memory_space<vmem>>) semaphore(%arg11 : memref<!tpu.dma_semaphore, #tpu.memory_space<semaphore_mem>>)
      %add3A_86 = arith.constant 1 : i32
      %add3A_87 = arith.addi %mul3A_65, %add3A_86 : i32
      %mul3A_88 = arith.constant 80 : i32
      %mul3A_89 = arith.muli %add3A_87, %mul3A_88 : i32
      %dma_wait3A_90 = tpu.memref_slice %arg6[%mul3A_89] : memref<10000xi32, #tpu.memory_space<vmem>> -> memref<80xi32, #tpu.memory_space<vmem>>
      %dma_wait3A_91 = arith.constant 0 : i32
      %dma_wait3A_92 = arith.constant 0 : i32
      %dma_wait3A_93 = tpu.memref_slice %arg4[%dma_wait3A_91, %dma_wait3A_92] : memref<10000x128xf32, #tpu.memory_space<hbm>> -> memref<10000x128xf32, #tpu.memory_space<hbm>>
      tpu.wait_indirect_dma semaphore(%arg12 : memref<!tpu.dma_semaphore, #tpu.memory_space<semaphore_mem>>) src(%dma_wait3A_93 : memref<10000x128xf32, #tpu.memory_space<hbm>>) dst(%arg9 : memref<80x128xf32, #tpu.memory_space<vmem>>)
      %mul3A_94 = arith.constant 80 : i32
      %mul3A_95 = arith.muli %add3A_87, %mul3A_94 : i32
      "tpu.region"() ({
        %run_scoped3A = tpu.sem_alloc : memref<!tpu.dma_semaphore, #tpu.memory_space<semaphore_mem>>
        %dma_start3A_106 = tpu.memref_slice %arg7[%mul3A_95] : memref<10000xi32, #tpu.memory_space<vmem>> -> memref<80xi32, #tpu.memory_space<vmem>>
        %dma_start3A_107 = arith.constant 0 : i32
        %dma_start3A_108 = arith.constant 0 : i32
        %dma_start3A_109 = tpu.memref_slice %arg10[%dma_start3A_107, %dma_start3A_108] : memref<10112x128xf32, #tpu.memory_space<vmem_shared>> -> memref<10112x128xf32, #tpu.memory_space<vmem_shared>>
        tpu.enqueue_indirect_dma source(%arg9 : memref<80x128xf32, #tpu.memory_space<vmem>>) target(%dma_start3A_109 : memref<10112x128xf32, #tpu.memory_space<vmem_shared>>) offsets(%dma_start3A_106 : memref<80xi32, #tpu.memory_space<vmem>>) semaphore(%run_scoped3A : memref<!tpu.dma_semaphore, #tpu.memory_space<semaphore_mem>>) {add = true}
        %dma_wait3A_110 = tpu.memref_slice %arg7[%mul3A_95] : memref<10000xi32, #tpu.memory_space<vmem>> -> memref<80xi32, #tpu.memory_space<vmem>>
        %dma_wait3A_111 = arith.constant 0 : i32
        %dma_wait3A_112 = arith.constant 0 : i32
        %dma_wait3A_113 = tpu.memref_slice %arg10[%dma_wait3A_111, %dma_wait3A_112] : memref<10112x128xf32, #tpu.memory_space<vmem_shared>> -> memref<10112x128xf32, #tpu.memory_space<vmem_shared>>
        tpu.wait_indirect_dma semaphore(%run_scoped3A : memref<!tpu.dma_semaphore, #tpu.memory_space<semaphore_mem>>) src(%arg9 : memref<80x128xf32, #tpu.memory_space<vmem>>) dst(%dma_wait3A_113 : memref<10112x128xf32, #tpu.memory_space<vmem_shared>>)
        tpu.yield
      }) : () -> ()
      %add3A_96 = arith.constant 1 : i32
      %add3A_97 = arith.addi %mul3A_65, %add3A_96 : i32
      %add3A_98 = arith.constant 2 : i32
      %add3A_99 = arith.addi %add3A_97, %add3A_98 : i32
      %mul3A_100 = arith.constant 80 : i32
      %mul3A_101 = arith.muli %add3A_99, %mul3A_100 : i32
      %dma_start3A_102 = tpu.memref_slice %arg6[%mul3A_101] : memref<10000xi32, #tpu.memory_space<vmem>> -> memref<80xi32, #tpu.memory_space<vmem>>
      %dma_start3A_103 = arith.constant 0 : i32
      %dma_start3A_104 = arith.constant 0 : i32
      %dma_start3A_105 = tpu.memref_slice %arg4[%dma_start3A_103, %dma_start3A_104] : memref<10000x128xf32, #tpu.memory_space<hbm>> -> memref<10000x128xf32, #tpu.memory_space<hbm>>
      tpu.enqueue_indirect_dma source(%dma_start3A_105 : memref<10000x128xf32, #tpu.memory_space<hbm>>) target(%arg9 : memref<80x128xf32, #tpu.memory_space<vmem>>) offsets(%dma_start3A_102 : memref<80xi32, #tpu.memory_space<vmem>>) semaphore(%arg12 : memref<!tpu.dma_semaphore, #tpu.memory_space<semaphore_mem>>)
    }
    %scan3A_42 = arith.constant 61 : i32
    %dma_wait3A = arith.constant 9760 : i32
    %dma_wait3A_43 = tpu.memref_slice %arg6[%dma_wait3A] : memref<10000xi32, #tpu.memory_space<vmem>> -> memref<80xi32, #tpu.memory_space<vmem>>
    %dma_wait3A_44 = arith.constant 0 : i32
    %dma_wait3A_45 = arith.constant 0 : i32
    %dma_wait3A_46 = tpu.memref_slice %arg4[%dma_wait3A_44, %dma_wait3A_45] : memref<10000x128xf32, #tpu.memory_space<hbm>> -> memref<10000x128xf32, #tpu.memory_space<hbm>>
    tpu.wait_indirect_dma semaphore(%arg11 : memref<!tpu.dma_semaphore, #tpu.memory_space<semaphore_mem>>) src(%dma_wait3A_46 : memref<10000x128xf32, #tpu.memory_space<hbm>>) dst(%arg8 : memref<80x128xf32, #tpu.memory_space<vmem>>)
    "tpu.region"() ({
      %run_scoped3A = tpu.sem_alloc : memref<!tpu.dma_semaphore, #tpu.memory_space<semaphore_mem>>
      %dma_start3A_63 = arith.constant 9760 : i32
      %dma_start3A_64 = tpu.memref_slice %arg7[%dma_start3A_63] : memref<10000xi32, #tpu.memory_space<vmem>> -> memref<80xi32, #tpu.memory_space<vmem>>
      %dma_start3A_65 = arith.constant 0 : i32
      %dma_start3A_66 = arith.constant 0 : i32
      %dma_start3A_67 = tpu.memref_slice %arg10[%dma_start3A_65, %dma_start3A_66] : memref<10112x128xf32, #tpu.memory_space<vmem_shared>> -> memref<10112x128xf32, #tpu.memory_space<vmem_shared>>
      tpu.enqueue_indirect_dma source(%arg8 : memref<80x128xf32, #tpu.memory_space<vmem>>) target(%dma_start3A_67 : memref<10112x128xf32, #tpu.memory_space<vmem_shared>>) offsets(%dma_start3A_64 : memref<80xi32, #tpu.memory_space<vmem>>) semaphore(%run_scoped3A : memref<!tpu.dma_semaphore, #tpu.memory_space<semaphore_mem>>) {add = true}
      %dma_wait3A_68 = arith.constant 9760 : i32
      %dma_wait3A_69 = tpu.memref_slice %arg7[%dma_wait3A_68] : memref<10000xi32, #tpu.memory_space<vmem>> -> memref<80xi32, #tpu.memory_space<vmem>>
      %dma_wait3A_70 = arith.constant 0 : i32
      %dma_wait3A_71 = arith.constant 0 : i32
      %dma_wait3A_72 = tpu.memref_slice %arg10[%dma_wait3A_70, %dma_wait3A_71] : memref<10112x128xf32, #tpu.memory_space<vmem_shared>> -> memref<10112x128xf32, #tpu.memory_space<vmem_shared>>
      tpu.wait_indirect_dma semaphore(%run_scoped3A : memref<!tpu.dma_semaphore, #tpu.memory_space<semaphore_mem>>) src(%arg8 : memref<80x128xf32, #tpu.memory_space<vmem>>) dst(%dma_wait3A_72 : memref<10112x128xf32, #tpu.memory_space<vmem_shared>>)
      tpu.yield
    }) : () -> ()
    %dma_start3A_47 = arith.constant 9920 : i32
    %dma_start3A_48 = tpu.memref_slice %arg6[%dma_start3A_47] : memref<10000xi32, #tpu.memory_space<vmem>> -> memref<80xi32, #tpu.memory_space<vmem>>
    %dma_start3A_49 = arith.constant 0 : i32
    %dma_start3A_50 = arith.constant 0 : i32
    %dma_start3A_51 = tpu.memref_slice %arg4[%dma_start3A_49, %dma_start3A_50] : memref<10000x128xf32, #tpu.memory_space<hbm>> -> memref<10000x128xf32, #tpu.memory_space<hbm>>
    tpu.enqueue_indirect_dma source(%dma_start3A_51 : memref<10000x128xf32, #tpu.memory_space<hbm>>) target(%arg8 : memref<80x128xf32, #tpu.memory_space<vmem>>) offsets(%dma_start3A_48 : memref<80xi32, #tpu.memory_space<vmem>>) semaphore(%arg11 : memref<!tpu.dma_semaphore, #tpu.memory_space<semaphore_mem>>)
    %dma_wait3A_52 = arith.constant 9840 : i32
    %dma_wait3A_53 = tpu.memref_slice %arg6[%dma_wait3A_52] : memref<10000xi32, #tpu.memory_space<vmem>> -> memref<80xi32, #tpu.memory_space<vmem>>
    %dma_wait3A_54 = arith.constant 0 : i32
    %dma_wait3A_55 = arith.constant 0 : i32
    %dma_wait3A_56 = tpu.memref_slice %arg4[%dma_wait3A_54, %dma_wait3A_55] : memref<10000x128xf32, #tpu.memory_space<hbm>> -> memref<10000x128xf32, #tpu.memory_space<hbm>>
    tpu.wait_indirect_dma semaphore(%arg12 : memref<!tpu.dma_semaphore, #tpu.memory_space<semaphore_mem>>) src(%dma_wait3A_56 : memref<10000x128xf32, #tpu.memory_space<hbm>>) dst(%arg9 : memref<80x128xf32, #tpu.memory_space<vmem>>)
    "tpu.region"() ({
      %run_scoped3A = tpu.sem_alloc : memref<!tpu.dma_semaphore, #tpu.memory_space<semaphore_mem>>
      %dma_start3A_63 = arith.constant 9840 : i32
      %dma_start3A_64 = tpu.memref_slice %arg7[%dma_start3A_63] : memref<10000xi32, #tpu.memory_space<vmem>> -> memref<80xi32, #tpu.memory_space<vmem>>
      %dma_start3A_65 = arith.constant 0 : i32
      %dma_start3A_66 = arith.constant 0 : i32
      %dma_start3A_67 = tpu.memref_slice %arg10[%dma_start3A_65, %dma_start3A_66] : memref<10112x128xf32, #tpu.memory_space<vmem_shared>> -> memref<10112x128xf32, #tpu.memory_space<vmem_shared>>
      tpu.enqueue_indirect_dma source(%arg9 : memref<80x128xf32, #tpu.memory_space<vmem>>) target(%dma_start3A_67 : memref<10112x128xf32, #tpu.memory_space<vmem_shared>>) offsets(%dma_start3A_64 : memref<80xi32, #tpu.memory_space<vmem>>) semaphore(%run_scoped3A : memref<!tpu.dma_semaphore, #tpu.memory_space<semaphore_mem>>) {add = true}
      %dma_wait3A_68 = arith.constant 9840 : i32
      %dma_wait3A_69 = tpu.memref_slice %arg7[%dma_wait3A_68] : memref<10000xi32, #tpu.memory_space<vmem>> -> memref<80xi32, #tpu.memory_space<vmem>>
      %dma_wait3A_70 = arith.constant 0 : i32
      %dma_wait3A_71 = arith.constant 0 : i32
      %dma_wait3A_72 = tpu.memref_slice %arg10[%dma_wait3A_70, %dma_wait3A_71] : memref<10112x128xf32, #tpu.memory_space<vmem_shared>> -> memref<10112x128xf32, #tpu.memory_space<vmem_shared>>
      tpu.wait_indirect_dma semaphore(%run_scoped3A : memref<!tpu.dma_semaphore, #tpu.memory_space<semaphore_mem>>) src(%arg9 : memref<80x128xf32, #tpu.memory_space<vmem>>) dst(%dma_wait3A_72 : memref<10112x128xf32, #tpu.memory_space<vmem_shared>>)
      tpu.yield
    }) : () -> ()
    %dma_wait3A_57 = arith.constant 9920 : i32
    %dma_wait3A_58 = tpu.memref_slice %arg6[%dma_wait3A_57] : memref<10000xi32, #tpu.memory_space<vmem>> -> memref<80xi32, #tpu.memory_space<vmem>>
    %dma_wait3A_59 = arith.constant 0 : i32
    %dma_wait3A_60 = arith.constant 0 : i32
    %dma_wait3A_61 = tpu.memref_slice %arg4[%dma_wait3A_59, %dma_wait3A_60] : memref<10000x128xf32, #tpu.memory_space<hbm>> -> memref<10000x128xf32, #tpu.memory_space<hbm>>
    tpu.wait_indirect_dma semaphore(%arg11 : memref<!tpu.dma_semaphore, #tpu.memory_space<semaphore_mem>>) src(%dma_wait3A_61 : memref<10000x128xf32, #tpu.memory_space<hbm>>) dst(%arg8 : memref<80x128xf32, #tpu.memory_space<vmem>>)
    "tpu.region"() ({
      %run_scoped3A = tpu.sem_alloc : memref<!tpu.dma_semaphore, #tpu.memory_space<semaphore_mem>>
      %dma_start3A_63 = arith.constant 9920 : i32
      %dma_start3A_64 = tpu.memref_slice %arg7[%dma_start3A_63] : memref<10000xi32, #tpu.memory_space<vmem>> -> memref<80xi32, #tpu.memory_space<vmem>>
      %dma_start3A_65 = arith.constant 0 : i32
      %dma_start3A_66 = arith.constant 0 : i32
      %dma_start3A_67 = tpu.memref_slice %arg10[%dma_start3A_65, %dma_start3A_66] : memref<10112x128xf32, #tpu.memory_space<vmem_shared>> -> memref<10112x128xf32, #tpu.memory_space<vmem_shared>>
      tpu.enqueue_indirect_dma source(%arg8 : memref<80x128xf32, #tpu.memory_space<vmem>>) target(%dma_start3A_67 : memref<10112x128xf32, #tpu.memory_space<vmem_shared>>) offsets(%dma_start3A_64 : memref<80xi32, #tpu.memory_space<vmem>>) semaphore(%run_scoped3A : memref<!tpu.dma_semaphore, #tpu.memory_space<semaphore_mem>>) {add = true}
      %dma_wait3A_68 = arith.constant 9920 : i32
      %dma_wait3A_69 = tpu.memref_slice %arg7[%dma_wait3A_68] : memref<10000xi32, #tpu.memory_space<vmem>> -> memref<80xi32, #tpu.memory_space<vmem>>
      %dma_wait3A_70 = arith.constant 0 : i32
      %dma_wait3A_71 = arith.constant 0 : i32
      %dma_wait3A_72 = tpu.memref_slice %arg10[%dma_wait3A_70, %dma_wait3A_71] : memref<10112x128xf32, #tpu.memory_space<vmem_shared>> -> memref<10112x128xf32, #tpu.memory_space<vmem_shared>>
      tpu.wait_indirect_dma semaphore(%run_scoped3A : memref<!tpu.dma_semaphore, #tpu.memory_space<semaphore_mem>>) src(%arg8 : memref<80x128xf32, #tpu.memory_space<vmem>>) dst(%dma_wait3A_72 : memref<10112x128xf32, #tpu.memory_space<vmem_shared>>)
      tpu.yield
    }) : () -> ()
    %barrier3A_62 = arith.constant 0 : index
    tpu.barrier barrier_id(%barrier3A_62)
    "tpu.region"() ({
      %run_scoped3A = tpu.sem_alloc : memref<!tpu.dma_semaphore, #tpu.memory_space<semaphore_mem>>
      %dma_start3A_63 = arith.constant 0 : i32
      %dma_start3A_64 = tpu.memref_slice %arg5[%arg0, %mul3A_2, %dma_start3A_63] : memref<2x10112x128xf32, #tpu.memory_space<hbm>> -> memref<1x632x128xf32, #tpu.memory_space<hbm>>
      %dma_start3A_65 = tpu.memref_squeeze %dma_start3A_64 : memref<1x632x128xf32, #tpu.memory_space<hbm>> -> memref<632x128xf32, #tpu.memory_space<hbm>>
      %dma_start3A_66 = arith.constant 0 : i32
      %dma_start3A_67 = tpu.memref_slice %arg10[%mul3A_2, %dma_start3A_66] : memref<10112x128xf32, #tpu.memory_space<vmem_shared>> -> memref<632x128xf32, #tpu.memory_space<vmem_shared>>
      tpu.enqueue_dma source(%dma_start3A_67 : memref<632x128xf32, #tpu.memory_space<vmem_shared>>) target(%dma_start3A_65 : memref<632x128xf32, #tpu.memory_space<hbm>>) target_semaphore(%run_scoped3A : memref<!tpu.dma_semaphore, #tpu.memory_space<semaphore_mem>>)
      %dma_wait3A_68 = arith.constant 0 : i32
      %dma_wait3A_69 = tpu.memref_slice %arg5[%arg0, %mul3A_2, %dma_wait3A_68] : memref<2x10112x128xf32, #tpu.memory_space<hbm>> -> memref<1x632x128xf32, #tpu.memory_space<hbm>>
      %dma_wait3A_70 = tpu.memref_squeeze %dma_wait3A_69 : memref<1x632x128xf32, #tpu.memory_space<hbm>> -> memref<632x128xf32, #tpu.memory_space<hbm>>
      %dma_wait3A_71 = arith.constant 0 : i32
      %dma_wait3A_72 = tpu.memref_slice %arg10[%mul3A_2, %dma_wait3A_71] : memref<10112x128xf32, #tpu.memory_space<vmem_shared>> -> memref<632x128xf32, #tpu.memory_space<vmem_shared>>
      tpu.wait_dma2 semaphore(%run_scoped3A : memref<!tpu.dma_semaphore, #tpu.memory_space<semaphore_mem>>) src(%dma_wait3A_72 : memref<632x128xf32, #tpu.memory_space<vmem_shared>>) dst(%dma_wait3A_70 : memref<632x128xf32, #tpu.memory_space<hbm>>)
      tpu.yield
    }) : () -> ()
    return
  }
}

#map = affine_map<(d0, d1) -> (0)>
#map1 = affine_map<(d0, d1) -> (0, 0)>
#map2 = affine_map<(d0, d1) -> (0, 0, 0)>
module attributes {stable_mosaic.version = 14 : i64} {
  func.func @_sc_agg_body(%arg0: i32, %arg1: i32, %arg2: memref<320000xi32, #tpu.memory_space<hbm>>, %arg3: memref<320000xi32, #tpu.memory_space<hbm>>, %arg4: memref<10000x128xf32, #tpu.memory_space<hbm>>, %arg5: memref<2x10112x128xf32, #tpu.memory_space<hbm>>, %arg6: memref<10000xi32, #tpu.memory_space<vmem>>, %arg7: memref<10000xi32, #tpu.memory_space<vmem>>, %arg8: memref<80x128xf32, #tpu.memory_space<vmem>>, %arg9: memref<80x128xf32, #tpu.memory_space<vmem>>, %arg10: memref<10112x128xf32, #tpu.memory_space<vmem_shared>>, %arg11: memref<!tpu.dma_semaphore, #tpu.memory_space<semaphore_mem>>, %arg12: memref<!tpu.dma_semaphore, #tpu.memory_space<semaphore_mem>>) attributes {dimension_semantics = [#tpu.dimension_semantics<core_parallel>, #tpu.dimension_semantics<subcore_parallel>], iteration_bounds = array<i64: 2, 16>, scalar_prefetch = 0 : i64, scratch_operands = 7 : i64, tpu.core_type = #tpu.core_type<sc_vector_subcore>, window_params = [{transform_indices = #map}, {transform_indices = #map}, {transform_indices = #map1}, {transform_indices = #map2}]} {
    %mul3A = arith.constant 2 : i32
    %mul3A_0 = arith.muli %arg1, %mul3A : i32
    %add3A = arith.addi %mul3A_0, %arg0 : i32
    %mul3A_1 = arith.constant 632 : i32
    %mul3A_2 = arith.muli %arg1, %mul3A_1 : i32
    %scan3A = arith.constant 0 : i32
    %scan3A_3 = arith.constant 0 : i32
    %scan3A_4 = arith.constant 80 : i32
    %scan3A_5 = arith.addi %scan3A_3, %scan3A_4 : i32
    %scan3A_6 = arith.constant 1 : i32
    scf.for %scan3A_63 = %scan3A_3 to %scan3A_5 step %scan3A_6  : i32 {
      %broadcast_in_dim3A = arith.constant 0.000000e+00 : f32
      %broadcast_in_dim3A_64 = vector.broadcast %broadcast_in_dim3A : f32 to vector<16xf32>
      %swap3A = arith.index_cast %scan3A_63 : i32 to index
      %swap3A_65 = arith.constant 0 : index
      %swap3A_66 = tpu.vector_load %arg8[%swap3A, %swap3A_65] {strides = array<i32>} : memref<80x128xf32, #tpu.memory_space<vmem>>, vector<1x16xf32>,
      %swap3A_67 = vector.shape_cast %swap3A_66 : vector<1x16xf32> to vector<16xf32>
      %swap3A_68 = vector.shape_cast %broadcast_in_dim3A_64 : vector<16xf32> to vector<1x16xf32>
      tpu.vector_store %arg8[%swap3A, %swap3A_65], %swap3A_68 {strides = array<i32>} : memref<80x128xf32, #tpu.memory_space<vmem>>, vector<1x16xf32>,
      %broadcast_in_dim3A_69 = arith.constant 0.000000e+00 : f32
      %broadcast_in_dim3A_70 = vector.broadcast %broadcast_in_dim3A_69 : f32 to vector<16xf32>
      %swap3A_71 = arith.index_cast %scan3A_63 : i32 to index
      %swap3A_72 = arith.constant 16 : index
      %swap3A_73 = tpu.vector_load %arg8[%swap3A_71, %swap3A_72] {strides = array<i32>} : memref<80x128xf32, #tpu.memory_space<vmem>>, vector<1x16xf32>,
      %swap3A_74 = vector.shape_cast %swap3A_73 : vector<1x16xf32> to vector<16xf32>
      %swap3A_75 = vector.shape_cast %broadcast_in_dim3A_70 : vector<16xf32> to vector<1x16xf32>
      tpu.vector_store %arg8[%swap3A_71, %swap3A_72], %swap3A_75 {strides = array<i32>} : memref<80x128xf32, #tpu.memory_space<vmem>>, vector<1x16xf32>,
      %broadcast_in_dim3A_76 = arith.constant 0.000000e+00 : f32
      %broadcast_in_dim3A_77 = vector.broadcast %broadcast_in_dim3A_76 : f32 to vector<16xf32>
      %swap3A_78 = arith.index_cast %scan3A_63 : i32 to index
      %swap3A_79 = arith.constant 32 : index
      %swap3A_80 = tpu.vector_load %arg8[%swap3A_78, %swap3A_79] {strides = array<i32>} : memref<80x128xf32, #tpu.memory_space<vmem>>, vector<1x16xf32>,
      %swap3A_81 = vector.shape_cast %swap3A_80 : vector<1x16xf32> to vector<16xf32>
      %swap3A_82 = vector.shape_cast %broadcast_in_dim3A_77 : vector<16xf32> to vector<1x16xf32>
      tpu.vector_store %arg8[%swap3A_78, %swap3A_79], %swap3A_82 {strides = array<i32>} : memref<80x128xf32, #tpu.memory_space<vmem>>, vector<1x16xf32>,
      %broadcast_in_dim3A_83 = arith.constant 0.000000e+00 : f32
      %broadcast_in_dim3A_84 = vector.broadcast %broadcast_in_dim3A_83 : f32 to vector<16xf32>
      %swap3A_85 = arith.index_cast %scan3A_63 : i32 to index
      %swap3A_86 = arith.constant 48 : index
      %swap3A_87 = tpu.vector_load %arg8[%swap3A_85, %swap3A_86] {strides = array<i32>} : memref<80x128xf32, #tpu.memory_space<vmem>>, vector<1x16xf32>,
      %swap3A_88 = vector.shape_cast %swap3A_87 : vector<1x16xf32> to vector<16xf32>
      %swap3A_89 = vector.shape_cast %broadcast_in_dim3A_84 : vector<16xf32> to vector<1x16xf32>
      tpu.vector_store %arg8[%swap3A_85, %swap3A_86], %swap3A_89 {strides = array<i32>} : memref<80x128xf32, #tpu.memory_space<vmem>>, vector<1x16xf32>,
      %broadcast_in_dim3A_90 = arith.constant 0.000000e+00 : f32
      %broadcast_in_dim3A_91 = vector.broadcast %broadcast_in_dim3A_90 : f32 to vector<16xf32>
      %swap3A_92 = arith.index_cast %scan3A_63 : i32 to index
      %swap3A_93 = arith.constant 64 : index
      %swap3A_94 = tpu.vector_load %arg8[%swap3A_92, %swap3A_93] {strides = array<i32>} : memref<80x128xf32, #tpu.memory_space<vmem>>, vector<1x16xf32>,
      %swap3A_95 = vector.shape_cast %swap3A_94 : vector<1x16xf32> to vector<16xf32>
      %swap3A_96 = vector.shape_cast %broadcast_in_dim3A_91 : vector<16xf32> to vector<1x16xf32>
      tpu.vector_store %arg8[%swap3A_92, %swap3A_93], %swap3A_96 {strides = array<i32>} : memref<80x128xf32, #tpu.memory_space<vmem>>, vector<1x16xf32>,
      %broadcast_in_dim3A_97 = arith.constant 0.000000e+00 : f32
      %broadcast_in_dim3A_98 = vector.broadcast %broadcast_in_dim3A_97 : f32 to vector<16xf32>
      %swap3A_99 = arith.index_cast %scan3A_63 : i32 to index
      %swap3A_100 = arith.constant 80 : index
      %swap3A_101 = tpu.vector_load %arg8[%swap3A_99, %swap3A_100] {strides = array<i32>} : memref<80x128xf32, #tpu.memory_space<vmem>>, vector<1x16xf32>,
      %swap3A_102 = vector.shape_cast %swap3A_101 : vector<1x16xf32> to vector<16xf32>
      %swap3A_103 = vector.shape_cast %broadcast_in_dim3A_98 : vector<16xf32> to vector<1x16xf32>
      tpu.vector_store %arg8[%swap3A_99, %swap3A_100], %swap3A_103 {strides = array<i32>} : memref<80x128xf32, #tpu.memory_space<vmem>>, vector<1x16xf32>,
      %broadcast_in_dim3A_104 = arith.constant 0.000000e+00 : f32
      %broadcast_in_dim3A_105 = vector.broadcast %broadcast_in_dim3A_104 : f32 to vector<16xf32>
      %swap3A_106 = arith.index_cast %scan3A_63 : i32 to index
      %swap3A_107 = arith.constant 96 : index
      %swap3A_108 = tpu.vector_load %arg8[%swap3A_106, %swap3A_107] {strides = array<i32>} : memref<80x128xf32, #tpu.memory_space<vmem>>, vector<1x16xf32>,
      %swap3A_109 = vector.shape_cast %swap3A_108 : vector<1x16xf32> to vector<16xf32>
      %swap3A_110 = vector.shape_cast %broadcast_in_dim3A_105 : vector<16xf32> to vector<1x16xf32>
      tpu.vector_store %arg8[%swap3A_106, %swap3A_107], %swap3A_110 {strides = array<i32>} : memref<80x128xf32, #tpu.memory_space<vmem>>, vector<1x16xf32>,
      %broadcast_in_dim3A_111 = arith.constant 0.000000e+00 : f32
      %broadcast_in_dim3A_112 = vector.broadcast %broadcast_in_dim3A_111 : f32 to vector<16xf32>
      %swap3A_113 = arith.index_cast %scan3A_63 : i32 to index
      %swap3A_114 = arith.constant 112 : index
      %swap3A_115 = tpu.vector_load %arg8[%swap3A_113, %swap3A_114] {strides = array<i32>} : memref<80x128xf32, #tpu.memory_space<vmem>>, vector<1x16xf32>,
      %swap3A_116 = vector.shape_cast %swap3A_115 : vector<1x16xf32> to vector<16xf32>
      %swap3A_117 = vector.shape_cast %broadcast_in_dim3A_112 : vector<16xf32> to vector<1x16xf32>
      tpu.vector_store %arg8[%swap3A_113, %swap3A_114], %swap3A_117 {strides = array<i32>} : memref<80x128xf32, #tpu.memory_space<vmem>>, vector<1x16xf32>,
    }
    %scan3A_7 = arith.constant 80 : i32
    %add3A_8 = arith.constant 0 : i32
    %add3A_9 = arith.addi %mul3A_2, %add3A_8 : i32
    "tpu.region"() ({
      %run_scoped3A = tpu.sem_alloc : memref<!tpu.dma_semaphore, #tpu.memory_space<semaphore_mem>>
      %dma_start3A_63 = arith.constant 0 : i32
      %dma_start3A_64 = arith.constant 0 : i32
      %dma_start3A_65 = tpu.memref_slice %arg8[%dma_start3A_63, %dma_start3A_64] : memref<80x128xf32, #tpu.memory_space<vmem>> -> memref<80x128xf32, #tpu.memory_space<vmem>>
      %dma_start3A_66 = arith.constant 0 : i32
      %dma_start3A_67 = tpu.memref_slice %arg10[%add3A_9, %dma_start3A_66] : memref<10112x128xf32, #tpu.memory_space<vmem_shared>> -> memref<80x128xf32, #tpu.memory_space<vmem_shared>>
      %dma_start3A_68 = arith.constant 0 : i32
      %dma_start3A_69 = tpu.memref_slice %arg10[%add3A_9, %dma_start3A_68] : memref<10112x128xf32, #tpu.memory_space<vmem_shared>> -> memref<80x128xf32, #tpu.memory_space<vmem_shared>>
      %dma_start3A_70 = arith.constant 0 : i32
      %dma_start3A_71 = arith.constant 0 : i32
      %dma_start3A_72 = tpu.memref_slice %arg8[%dma_start3A_70, %dma_start3A_71] : memref<80x128xf32, #tpu.memory_space<vmem>> -> memref<80x128xf32, #tpu.memory_space<vmem>>
      tpu.enqueue_dma source(%dma_start3A_72 : memref<80x128xf32, #tpu.memory_space<vmem>>) target(%dma_start3A_69 : memref<80x128xf32, #tpu.memory_space<vmem_shared>>) target_semaphore(%run_scoped3A : memref<!tpu.dma_semaphore, #tpu.memory_space<semaphore_mem>>)
      %dma_wait3A_73 = arith.constant 0 : i32
      %dma_wait3A_74 = arith.constant 0 : i32
      %dma_wait3A_75 = tpu.memref_slice %arg8[%dma_wait3A_73, %dma_wait3A_74] : memref<80x128xf32, #tpu.memory_space<vmem>> -> memref<80x128xf32, #tpu.memory_space<vmem>>
      %dma_wait3A_76 = arith.constant 0 : i32
      %dma_wait3A_77 = tpu.memref_slice %arg10[%add3A_9, %dma_wait3A_76] : memref<10112x128xf32, #tpu.memory_space<vmem_shared>> -> memref<80x128xf32, #tpu.memory_space<vmem_shared>>
      %dma_wait3A_78 = arith.constant 0 : i32
      %dma_wait3A_79 = tpu.memref_slice %arg10[%add3A_9, %dma_wait3A_78] : memref<10112x128xf32, #tpu.memory_space<vmem_shared>> -> memref<80x128xf32, #tpu.memory_space<vmem_shared>>
      %dma_wait3A_80 = arith.constant 0 : i32
      %dma_wait3A_81 = arith.constant 0 : i32
      %dma_wait3A_82 = tpu.memref_slice %arg8[%dma_wait3A_80, %dma_wait3A_81] : memref<80x128xf32, #tpu.memory_space<vmem>> -> memref<80x128xf32, #tpu.memory_space<vmem>>
      tpu.wait_dma2 semaphore(%run_scoped3A : memref<!tpu.dma_semaphore, #tpu.memory_space<semaphore_mem>>) src(%dma_wait3A_82 : memref<80x128xf32, #tpu.memory_space<vmem>>) dst(%dma_wait3A_79 : memref<80x128xf32, #tpu.memory_space<vmem_shared>>)
      tpu.yield
    }) : () -> ()
    %add3A_10 = arith.constant 80 : i32
    %add3A_11 = arith.addi %mul3A_2, %add3A_10 : i32
    "tpu.region"() ({
      %run_scoped3A = tpu.sem_alloc : memref<!tpu.dma_semaphore, #tpu.memory_space<semaphore_mem>>
      %dma_start3A_63 = arith.constant 0 : i32
      %dma_start3A_64 = arith.constant 0 : i32
      %dma_start3A_65 = tpu.memref_slice %arg8[%dma_start3A_63, %dma_start3A_64] : memref<80x128xf32, #tpu.memory_space<vmem>> -> memref<80x128xf32, #tpu.memory_space<vmem>>
      %dma_start3A_66 = arith.constant 0 : i32
      %dma_start3A_67 = tpu.memref_slice %arg10[%add3A_11, %dma_start3A_66] : memref<10112x128xf32, #tpu.memory_space<vmem_shared>> -> memref<80x128xf32, #tpu.memory_space<vmem_shared>>
      %dma_start3A_68 = arith.constant 0 : i32
      %dma_start3A_69 = tpu.memref_slice %arg10[%add3A_11, %dma_start3A_68] : memref<10112x128xf32, #tpu.memory_space<vmem_shared>> -> memref<80x128xf32, #tpu.memory_space<vmem_shared>>
      %dma_start3A_70 = arith.constant 0 : i32
      %dma_start3A_71 = arith.constant 0 : i32
      %dma_start3A_72 = tpu.memref_slice %arg8[%dma_start3A_70, %dma_start3A_71] : memref<80x128xf32, #tpu.memory_space<vmem>> -> memref<80x128xf32, #tpu.memory_space<vmem>>
      tpu.enqueue_dma source(%dma_start3A_72 : memref<80x128xf32, #tpu.memory_space<vmem>>) target(%dma_start3A_69 : memref<80x128xf32, #tpu.memory_space<vmem_shared>>) target_semaphore(%run_scoped3A : memref<!tpu.dma_semaphore, #tpu.memory_space<semaphore_mem>>)
      %dma_wait3A_73 = arith.constant 0 : i32
      %dma_wait3A_74 = arith.constant 0 : i32
      %dma_wait3A_75 = tpu.memref_slice %arg8[%dma_wait3A_73, %dma_wait3A_74] : memref<80x128xf32, #tpu.memory_space<vmem>> -> memref<80x128xf32, #tpu.memory_space<vmem>>
      %dma_wait3A_76 = arith.constant 0 : i32
      %dma_wait3A_77 = tpu.memref_slice %arg10[%add3A_11, %dma_wait3A_76] : memref<10112x128xf32, #tpu.memory_space<vmem_shared>> -> memref<80x128xf32, #tpu.memory_space<vmem_shared>>
      %dma_wait3A_78 = arith.constant 0 : i32
      %dma_wait3A_79 = tpu.memref_slice %arg10[%add3A_11, %dma_wait3A_78] : memref<10112x128xf32, #tpu.memory_space<vmem_shared>> -> memref<80x128xf32, #tpu.memory_space<vmem_shared>>
      %dma_wait3A_80 = arith.constant 0 : i32
      %dma_wait3A_81 = arith.constant 0 : i32
      %dma_wait3A_82 = tpu.memref_slice %arg8[%dma_wait3A_80, %dma_wait3A_81] : memref<80x128xf32, #tpu.memory_space<vmem>> -> memref<80x128xf32, #tpu.memory_space<vmem>>
      tpu.wait_dma2 semaphore(%run_scoped3A : memref<!tpu.dma_semaphore, #tpu.memory_space<semaphore_mem>>) src(%dma_wait3A_82 : memref<80x128xf32, #tpu.memory_space<vmem>>) dst(%dma_wait3A_79 : memref<80x128xf32, #tpu.memory_space<vmem_shared>>)
      tpu.yield
    }) : () -> ()
    %add3A_12 = arith.constant 160 : i32
    %add3A_13 = arith.addi %mul3A_2, %add3A_12 : i32
    "tpu.region"() ({
      %run_scoped3A = tpu.sem_alloc : memref<!tpu.dma_semaphore, #tpu.memory_space<semaphore_mem>>
      %dma_start3A_63 = arith.constant 0 : i32
      %dma_start3A_64 = arith.constant 0 : i32
      %dma_start3A_65 = tpu.memref_slice %arg8[%dma_start3A_63, %dma_start3A_64] : memref<80x128xf32, #tpu.memory_space<vmem>> -> memref<80x128xf32, #tpu.memory_space<vmem>>
      %dma_start3A_66 = arith.constant 0 : i32
      %dma_start3A_67 = tpu.memref_slice %arg10[%add3A_13, %dma_start3A_66] : memref<10112x128xf32, #tpu.memory_space<vmem_shared>> -> memref<80x128xf32, #tpu.memory_space<vmem_shared>>
      %dma_start3A_68 = arith.constant 0 : i32
      %dma_start3A_69 = tpu.memref_slice %arg10[%add3A_13, %dma_start3A_68] : memref<10112x128xf32, #tpu.memory_space<vmem_shared>> -> memref<80x128xf32, #tpu.memory_space<vmem_shared>>
      %dma_start3A_70 = arith.constant 0 : i32
      %dma_start3A_71 = arith.constant 0 : i32
      %dma_start3A_72 = tpu.memref_slice %arg8[%dma_start3A_70, %dma_start3A_71] : memref<80x128xf32, #tpu.memory_space<vmem>> -> memref<80x128xf32, #tpu.memory_space<vmem>>
      tpu.enqueue_dma source(%dma_start3A_72 : memref<80x128xf32, #tpu.memory_space<vmem>>) target(%dma_start3A_69 : memref<80x128xf32, #tpu.memory_space<vmem_shared>>) target_semaphore(%run_scoped3A : memref<!tpu.dma_semaphore, #tpu.memory_space<semaphore_mem>>)
      %dma_wait3A_73 = arith.constant 0 : i32
      %dma_wait3A_74 = arith.constant 0 : i32
      %dma_wait3A_75 = tpu.memref_slice %arg8[%dma_wait3A_73, %dma_wait3A_74] : memref<80x128xf32, #tpu.memory_space<vmem>> -> memref<80x128xf32, #tpu.memory_space<vmem>>
      %dma_wait3A_76 = arith.constant 0 : i32
      %dma_wait3A_77 = tpu.memref_slice %arg10[%add3A_13, %dma_wait3A_76] : memref<10112x128xf32, #tpu.memory_space<vmem_shared>> -> memref<80x128xf32, #tpu.memory_space<vmem_shared>>
      %dma_wait3A_78 = arith.constant 0 : i32
      %dma_wait3A_79 = tpu.memref_slice %arg10[%add3A_13, %dma_wait3A_78] : memref<10112x128xf32, #tpu.memory_space<vmem_shared>> -> memref<80x128xf32, #tpu.memory_space<vmem_shared>>
      %dma_wait3A_80 = arith.constant 0 : i32
      %dma_wait3A_81 = arith.constant 0 : i32
      %dma_wait3A_82 = tpu.memref_slice %arg8[%dma_wait3A_80, %dma_wait3A_81] : memref<80x128xf32, #tpu.memory_space<vmem>> -> memref<80x128xf32, #tpu.memory_space<vmem>>
      tpu.wait_dma2 semaphore(%run_scoped3A : memref<!tpu.dma_semaphore, #tpu.memory_space<semaphore_mem>>) src(%dma_wait3A_82 : memref<80x128xf32, #tpu.memory_space<vmem>>) dst(%dma_wait3A_79 : memref<80x128xf32, #tpu.memory_space<vmem_shared>>)
      tpu.yield
    }) : () -> ()
    %add3A_14 = arith.constant 240 : i32
    %add3A_15 = arith.addi %mul3A_2, %add3A_14 : i32
    "tpu.region"() ({
      %run_scoped3A = tpu.sem_alloc : memref<!tpu.dma_semaphore, #tpu.memory_space<semaphore_mem>>
      %dma_start3A_63 = arith.constant 0 : i32
      %dma_start3A_64 = arith.constant 0 : i32
      %dma_start3A_65 = tpu.memref_slice %arg8[%dma_start3A_63, %dma_start3A_64] : memref<80x128xf32, #tpu.memory_space<vmem>> -> memref<80x128xf32, #tpu.memory_space<vmem>>
      %dma_start3A_66 = arith.constant 0 : i32
      %dma_start3A_67 = tpu.memref_slice %arg10[%add3A_15, %dma_start3A_66] : memref<10112x128xf32, #tpu.memory_space<vmem_shared>> -> memref<80x128xf32, #tpu.memory_space<vmem_shared>>
      %dma_start3A_68 = arith.constant 0 : i32
      %dma_start3A_69 = tpu.memref_slice %arg10[%add3A_15, %dma_start3A_68] : memref<10112x128xf32, #tpu.memory_space<vmem_shared>> -> memref<80x128xf32, #tpu.memory_space<vmem_shared>>
      %dma_start3A_70 = arith.constant 0 : i32
      %dma_start3A_71 = arith.constant 0 : i32
      %dma_start3A_72 = tpu.memref_slice %arg8[%dma_start3A_70, %dma_start3A_71] : memref<80x128xf32, #tpu.memory_space<vmem>> -> memref<80x128xf32, #tpu.memory_space<vmem>>
      tpu.enqueue_dma source(%dma_start3A_72 : memref<80x128xf32, #tpu.memory_space<vmem>>) target(%dma_start3A_69 : memref<80x128xf32, #tpu.memory_space<vmem_shared>>) target_semaphore(%run_scoped3A : memref<!tpu.dma_semaphore, #tpu.memory_space<semaphore_mem>>)
      %dma_wait3A_73 = arith.constant 0 : i32
      %dma_wait3A_74 = arith.constant 0 : i32
      %dma_wait3A_75 = tpu.memref_slice %arg8[%dma_wait3A_73, %dma_wait3A_74] : memref<80x128xf32, #tpu.memory_space<vmem>> -> memref<80x128xf32, #tpu.memory_space<vmem>>
      %dma_wait3A_76 = arith.constant 0 : i32
      %dma_wait3A_77 = tpu.memref_slice %arg10[%add3A_15, %dma_wait3A_76] : memref<10112x128xf32, #tpu.memory_space<vmem_shared>> -> memref<80x128xf32, #tpu.memory_space<vmem_shared>>
      %dma_wait3A_78 = arith.constant 0 : i32
      %dma_wait3A_79 = tpu.memref_slice %arg10[%add3A_15, %dma_wait3A_78] : memref<10112x128xf32, #tpu.memory_space<vmem_shared>> -> memref<80x128xf32, #tpu.memory_space<vmem_shared>>
      %dma_wait3A_80 = arith.constant 0 : i32
      %dma_wait3A_81 = arith.constant 0 : i32
      %dma_wait3A_82 = tpu.memref_slice %arg8[%dma_wait3A_80, %dma_wait3A_81] : memref<80x128xf32, #tpu.memory_space<vmem>> -> memref<80x128xf32, #tpu.memory_space<vmem>>
      tpu.wait_dma2 semaphore(%run_scoped3A : memref<!tpu.dma_semaphore, #tpu.memory_space<semaphore_mem>>) src(%dma_wait3A_82 : memref<80x128xf32, #tpu.memory_space<vmem>>) dst(%dma_wait3A_79 : memref<80x128xf32, #tpu.memory_space<vmem_shared>>)
      tpu.yield
    }) : () -> ()
    %add3A_16 = arith.constant 320 : i32
    %add3A_17 = arith.addi %mul3A_2, %add3A_16 : i32
    "tpu.region"() ({
      %run_scoped3A = tpu.sem_alloc : memref<!tpu.dma_semaphore, #tpu.memory_space<semaphore_mem>>
      %dma_start3A_63 = arith.constant 0 : i32
      %dma_start3A_64 = arith.constant 0 : i32
      %dma_start3A_65 = tpu.memref_slice %arg8[%dma_start3A_63, %dma_start3A_64] : memref<80x128xf32, #tpu.memory_space<vmem>> -> memref<80x128xf32, #tpu.memory_space<vmem>>
      %dma_start3A_66 = arith.constant 0 : i32
      %dma_start3A_67 = tpu.memref_slice %arg10[%add3A_17, %dma_start3A_66] : memref<10112x128xf32, #tpu.memory_space<vmem_shared>> -> memref<80x128xf32, #tpu.memory_space<vmem_shared>>
      %dma_start3A_68 = arith.constant 0 : i32
      %dma_start3A_69 = tpu.memref_slice %arg10[%add3A_17, %dma_start3A_68] : memref<10112x128xf32, #tpu.memory_space<vmem_shared>> -> memref<80x128xf32, #tpu.memory_space<vmem_shared>>
      %dma_start3A_70 = arith.constant 0 : i32
      %dma_start3A_71 = arith.constant 0 : i32
      %dma_start3A_72 = tpu.memref_slice %arg8[%dma_start3A_70, %dma_start3A_71] : memref<80x128xf32, #tpu.memory_space<vmem>> -> memref<80x128xf32, #tpu.memory_space<vmem>>
      tpu.enqueue_dma source(%dma_start3A_72 : memref<80x128xf32, #tpu.memory_space<vmem>>) target(%dma_start3A_69 : memref<80x128xf32, #tpu.memory_space<vmem_shared>>) target_semaphore(%run_scoped3A : memref<!tpu.dma_semaphore, #tpu.memory_space<semaphore_mem>>)
      %dma_wait3A_73 = arith.constant 0 : i32
      %dma_wait3A_74 = arith.constant 0 : i32
      %dma_wait3A_75 = tpu.memref_slice %arg8[%dma_wait3A_73, %dma_wait3A_74] : memref<80x128xf32, #tpu.memory_space<vmem>> -> memref<80x128xf32, #tpu.memory_space<vmem>>
      %dma_wait3A_76 = arith.constant 0 : i32
      %dma_wait3A_77 = tpu.memref_slice %arg10[%add3A_17, %dma_wait3A_76] : memref<10112x128xf32, #tpu.memory_space<vmem_shared>> -> memref<80x128xf32, #tpu.memory_space<vmem_shared>>
      %dma_wait3A_78 = arith.constant 0 : i32
      %dma_wait3A_79 = tpu.memref_slice %arg10[%add3A_17, %dma_wait3A_78] : memref<10112x128xf32, #tpu.memory_space<vmem_shared>> -> memref<80x128xf32, #tpu.memory_space<vmem_shared>>
      %dma_wait3A_80 = arith.constant 0 : i32
      %dma_wait3A_81 = arith.constant 0 : i32
      %dma_wait3A_82 = tpu.memref_slice %arg8[%dma_wait3A_80, %dma_wait3A_81] : memref<80x128xf32, #tpu.memory_space<vmem>> -> memref<80x128xf32, #tpu.memory_space<vmem>>
      tpu.wait_dma2 semaphore(%run_scoped3A : memref<!tpu.dma_semaphore, #tpu.memory_space<semaphore_mem>>) src(%dma_wait3A_82 : memref<80x128xf32, #tpu.memory_space<vmem>>) dst(%dma_wait3A_79 : memref<80x128xf32, #tpu.memory_space<vmem_shared>>)
      tpu.yield
    }) : () -> ()
    %add3A_18 = arith.constant 400 : i32
    %add3A_19 = arith.addi %mul3A_2, %add3A_18 : i32
    "tpu.region"() ({
      %run_scoped3A = tpu.sem_alloc : memref<!tpu.dma_semaphore, #tpu.memory_space<semaphore_mem>>
      %dma_start3A_63 = arith.constant 0 : i32
      %dma_start3A_64 = arith.constant 0 : i32
      %dma_start3A_65 = tpu.memref_slice %arg8[%dma_start3A_63, %dma_start3A_64] : memref<80x128xf32, #tpu.memory_space<vmem>> -> memref<80x128xf32, #tpu.memory_space<vmem>>
      %dma_start3A_66 = arith.constant 0 : i32
      %dma_start3A_67 = tpu.memref_slice %arg10[%add3A_19, %dma_start3A_66] : memref<10112x128xf32, #tpu.memory_space<vmem_shared>> -> memref<80x128xf32, #tpu.memory_space<vmem_shared>>
      %dma_start3A_68 = arith.constant 0 : i32
      %dma_start3A_69 = tpu.memref_slice %arg10[%add3A_19, %dma_start3A_68] : memref<10112x128xf32, #tpu.memory_space<vmem_shared>> -> memref<80x128xf32, #tpu.memory_space<vmem_shared>>
      %dma_start3A_70 = arith.constant 0 : i32
      %dma_start3A_71 = arith.constant 0 : i32
      %dma_start3A_72 = tpu.memref_slice %arg8[%dma_start3A_70, %dma_start3A_71] : memref<80x128xf32, #tpu.memory_space<vmem>> -> memref<80x128xf32, #tpu.memory_space<vmem>>
      tpu.enqueue_dma source(%dma_start3A_72 : memref<80x128xf32, #tpu.memory_space<vmem>>) target(%dma_start3A_69 : memref<80x128xf32, #tpu.memory_space<vmem_shared>>) target_semaphore(%run_scoped3A : memref<!tpu.dma_semaphore, #tpu.memory_space<semaphore_mem>>)
      %dma_wait3A_73 = arith.constant 0 : i32
      %dma_wait3A_74 = arith.constant 0 : i32
      %dma_wait3A_75 = tpu.memref_slice %arg8[%dma_wait3A_73, %dma_wait3A_74] : memref<80x128xf32, #tpu.memory_space<vmem>> -> memref<80x128xf32, #tpu.memory_space<vmem>>
      %dma_wait3A_76 = arith.constant 0 : i32
      %dma_wait3A_77 = tpu.memref_slice %arg10[%add3A_19, %dma_wait3A_76] : memref<10112x128xf32, #tpu.memory_space<vmem_shared>> -> memref<80x128xf32, #tpu.memory_space<vmem_shared>>
      %dma_wait3A_78 = arith.constant 0 : i32
      %dma_wait3A_79 = tpu.memref_slice %arg10[%add3A_19, %dma_wait3A_78] : memref<10112x128xf32, #tpu.memory_space<vmem_shared>> -> memref<80x128xf32, #tpu.memory_space<vmem_shared>>
      %dma_wait3A_80 = arith.constant 0 : i32
      %dma_wait3A_81 = arith.constant 0 : i32
      %dma_wait3A_82 = tpu.memref_slice %arg8[%dma_wait3A_80, %dma_wait3A_81] : memref<80x128xf32, #tpu.memory_space<vmem>> -> memref<80x128xf32, #tpu.memory_space<vmem>>
      tpu.wait_dma2 semaphore(%run_scoped3A : memref<!tpu.dma_semaphore, #tpu.memory_space<semaphore_mem>>) src(%dma_wait3A_82 : memref<80x128xf32, #tpu.memory_space<vmem>>) dst(%dma_wait3A_79 : memref<80x128xf32, #tpu.memory_space<vmem_shared>>)
      tpu.yield
    }) : () -> ()
    %add3A_20 = arith.constant 480 : i32
    %add3A_21 = arith.addi %mul3A_2, %add3A_20 : i32
    "tpu.region"() ({
      %run_scoped3A = tpu.sem_alloc : memref<!tpu.dma_semaphore, #tpu.memory_space<semaphore_mem>>
      %dma_start3A_63 = arith.constant 0 : i32
      %dma_start3A_64 = arith.constant 0 : i32
      %dma_start3A_65 = tpu.memref_slice %arg8[%dma_start3A_63, %dma_start3A_64] : memref<80x128xf32, #tpu.memory_space<vmem>> -> memref<80x128xf32, #tpu.memory_space<vmem>>
      %dma_start3A_66 = arith.constant 0 : i32
      %dma_start3A_67 = tpu.memref_slice %arg10[%add3A_21, %dma_start3A_66] : memref<10112x128xf32, #tpu.memory_space<vmem_shared>> -> memref<80x128xf32, #tpu.memory_space<vmem_shared>>
      %dma_start3A_68 = arith.constant 0 : i32
      %dma_start3A_69 = tpu.memref_slice %arg10[%add3A_21, %dma_start3A_68] : memref<10112x128xf32, #tpu.memory_space<vmem_shared>> -> memref<80x128xf32, #tpu.memory_space<vmem_shared>>
      %dma_start3A_70 = arith.constant 0 : i32
      %dma_start3A_71 = arith.constant 0 : i32
      %dma_start3A_72 = tpu.memref_slice %arg8[%dma_start3A_70, %dma_start3A_71] : memref<80x128xf32, #tpu.memory_space<vmem>> -> memref<80x128xf32, #tpu.memory_space<vmem>>
      tpu.enqueue_dma source(%dma_start3A_72 : memref<80x128xf32, #tpu.memory_space<vmem>>) target(%dma_start3A_69 : memref<80x128xf32, #tpu.memory_space<vmem_shared>>) target_semaphore(%run_scoped3A : memref<!tpu.dma_semaphore, #tpu.memory_space<semaphore_mem>>)
      %dma_wait3A_73 = arith.constant 0 : i32
      %dma_wait3A_74 = arith.constant 0 : i32
      %dma_wait3A_75 = tpu.memref_slice %arg8[%dma_wait3A_73, %dma_wait3A_74] : memref<80x128xf32, #tpu.memory_space<vmem>> -> memref<80x128xf32, #tpu.memory_space<vmem>>
      %dma_wait3A_76 = arith.constant 0 : i32
      %dma_wait3A_77 = tpu.memref_slice %arg10[%add3A_21, %dma_wait3A_76] : memref<10112x128xf32, #tpu.memory_space<vmem_shared>> -> memref<80x128xf32, #tpu.memory_space<vmem_shared>>
      %dma_wait3A_78 = arith.constant 0 : i32
      %dma_wait3A_79 = tpu.memref_slice %arg10[%add3A_21, %dma_wait3A_78] : memref<10112x128xf32, #tpu.memory_space<vmem_shared>> -> memref<80x128xf32, #tpu.memory_space<vmem_shared>>
      %dma_wait3A_80 = arith.constant 0 : i32
      %dma_wait3A_81 = arith.constant 0 : i32
      %dma_wait3A_82 = tpu.memref_slice %arg8[%dma_wait3A_80, %dma_wait3A_81] : memref<80x128xf32, #tpu.memory_space<vmem>> -> memref<80x128xf32, #tpu.memory_space<vmem>>
      tpu.wait_dma2 semaphore(%run_scoped3A : memref<!tpu.dma_semaphore, #tpu.memory_space<semaphore_mem>>) src(%dma_wait3A_82 : memref<80x128xf32, #tpu.memory_space<vmem>>) dst(%dma_wait3A_79 : memref<80x128xf32, #tpu.memory_space<vmem_shared>>)
      tpu.yield
    }) : () -> ()
    %add3A_22 = arith.constant 560 : i32
    %add3A_23 = arith.addi %mul3A_2, %add3A_22 : i32
    "tpu.region"() ({
      %run_scoped3A = tpu.sem_alloc : memref<!tpu.dma_semaphore, #tpu.memory_space<semaphore_mem>>
      %dma_start3A_63 = arith.constant 0 : i32
      %dma_start3A_64 = arith.constant 0 : i32
      %dma_start3A_65 = tpu.memref_slice %arg8[%dma_start3A_63, %dma_start3A_64] : memref<80x128xf32, #tpu.memory_space<vmem>> -> memref<72x128xf32, #tpu.memory_space<vmem>>
      %dma_start3A_66 = arith.constant 0 : i32
      %dma_start3A_67 = tpu.memref_slice %arg10[%add3A_23, %dma_start3A_66] : memref<10112x128xf32, #tpu.memory_space<vmem_shared>> -> memref<72x128xf32, #tpu.memory_space<vmem_shared>>
      %dma_start3A_68 = arith.constant 0 : i32
      %dma_start3A_69 = tpu.memref_slice %arg10[%add3A_23, %dma_start3A_68] : memref<10112x128xf32, #tpu.memory_space<vmem_shared>> -> memref<72x128xf32, #tpu.memory_space<vmem_shared>>
      %dma_start3A_70 = arith.constant 0 : i32
      %dma_start3A_71 = arith.constant 0 : i32
      %dma_start3A_72 = tpu.memref_slice %arg8[%dma_start3A_70, %dma_start3A_71] : memref<80x128xf32, #tpu.memory_space<vmem>> -> memref<72x128xf32, #tpu.memory_space<vmem>>
      tpu.enqueue_dma source(%dma_start3A_72 : memref<72x128xf32, #tpu.memory_space<vmem>>) target(%dma_start3A_69 : memref<72x128xf32, #tpu.memory_space<vmem_shared>>) target_semaphore(%run_scoped3A : memref<!tpu.dma_semaphore, #tpu.memory_space<semaphore_mem>>)
      %dma_wait3A_73 = arith.constant 0 : i32
      %dma_wait3A_74 = arith.constant 0 : i32
      %dma_wait3A_75 = tpu.memref_slice %arg8[%dma_wait3A_73, %dma_wait3A_74] : memref<80x128xf32, #tpu.memory_space<vmem>> -> memref<72x128xf32, #tpu.memory_space<vmem>>
      %dma_wait3A_76 = arith.constant 0 : i32
      %dma_wait3A_77 = tpu.memref_slice %arg10[%add3A_23, %dma_wait3A_76] : memref<10112x128xf32, #tpu.memory_space<vmem_shared>> -> memref<72x128xf32, #tpu.memory_space<vmem_shared>>
      %dma_wait3A_78 = arith.constant 0 : i32
      %dma_wait3A_79 = tpu.memref_slice %arg10[%add3A_23, %dma_wait3A_78] : memref<10112x128xf32, #tpu.memory_space<vmem_shared>> -> memref<72x128xf32, #tpu.memory_space<vmem_shared>>
      %dma_wait3A_80 = arith.constant 0 : i32
      %dma_wait3A_81 = arith.constant 0 : i32
      %dma_wait3A_82 = tpu.memref_slice %arg8[%dma_wait3A_80, %dma_wait3A_81] : memref<80x128xf32, #tpu.memory_space<vmem>> -> memref<72x128xf32, #tpu.memory_space<vmem>>
      tpu.wait_dma2 semaphore(%run_scoped3A : memref<!tpu.dma_semaphore, #tpu.memory_space<semaphore_mem>>) src(%dma_wait3A_82 : memref<72x128xf32, #tpu.memory_space<vmem>>) dst(%dma_wait3A_79 : memref<72x128xf32, #tpu.memory_space<vmem_shared>>)
      tpu.yield
    }) : () -> ()
    %mul3A_24 = arith.constant 10000 : i32
    %mul3A_25 = arith.muli %add3A, %mul3A_24 : i32
    "tpu.region"() ({
      %run_scoped3A = tpu.sem_alloc : memref<!tpu.dma_semaphore, #tpu.memory_space<semaphore_mem>>
      %dma_start3A_63 = tpu.memref_slice %arg2[%mul3A_25] : memref<320000xi32, #tpu.memory_space<hbm>> -> memref<10000xi32, #tpu.memory_space<hbm>>
      %dma_start3A_64 = tpu.memref_slice %arg2[%mul3A_25] : memref<320000xi32, #tpu.memory_space<hbm>> -> memref<10000xi32, #tpu.memory_space<hbm>>
      tpu.enqueue_dma source(%dma_start3A_64 : memref<10000xi32, #tpu.memory_space<hbm>>) target(%arg6 : memref<10000xi32, #tpu.memory_space<vmem>>) target_semaphore(%run_scoped3A : memref<!tpu.dma_semaphore, #tpu.memory_space<semaphore_mem>>)
      %dma_wait3A_65 = tpu.memref_slice %arg2[%mul3A_25] : memref<320000xi32, #tpu.memory_space<hbm>> -> memref<10000xi32, #tpu.memory_space<hbm>>
      %dma_wait3A_66 = tpu.memref_slice %arg2[%mul3A_25] : memref<320000xi32, #tpu.memory_space<hbm>> -> memref<10000xi32, #tpu.memory_space<hbm>>
      tpu.wait_dma2 semaphore(%run_scoped3A : memref<!tpu.dma_semaphore, #tpu.memory_space<semaphore_mem>>) src(%dma_wait3A_66 : memref<10000xi32, #tpu.memory_space<hbm>>) dst(%arg6 : memref<10000xi32, #tpu.memory_space<vmem>>)
      tpu.yield
    }) : () -> ()
    %mul3A_26 = arith.constant 10000 : i32
    %mul3A_27 = arith.muli %add3A, %mul3A_26 : i32
    "tpu.region"() ({
      %run_scoped3A = tpu.sem_alloc : memref<!tpu.dma_semaphore, #tpu.memory_space<semaphore_mem>>
      %dma_start3A_63 = tpu.memref_slice %arg3[%mul3A_27] : memref<320000xi32, #tpu.memory_space<hbm>> -> memref<10000xi32, #tpu.memory_space<hbm>>
      %dma_start3A_64 = tpu.memref_slice %arg3[%mul3A_27] : memref<320000xi32, #tpu.memory_space<hbm>> -> memref<10000xi32, #tpu.memory_space<hbm>>
      tpu.enqueue_dma source(%dma_start3A_64 : memref<10000xi32, #tpu.memory_space<hbm>>) target(%arg7 : memref<10000xi32, #tpu.memory_space<vmem>>) target_semaphore(%run_scoped3A : memref<!tpu.dma_semaphore, #tpu.memory_space<semaphore_mem>>)
      %dma_wait3A_65 = tpu.memref_slice %arg3[%mul3A_27] : memref<320000xi32, #tpu.memory_space<hbm>> -> memref<10000xi32, #tpu.memory_space<hbm>>
      %dma_wait3A_66 = tpu.memref_slice %arg3[%mul3A_27] : memref<320000xi32, #tpu.memory_space<hbm>> -> memref<10000xi32, #tpu.memory_space<hbm>>
      tpu.wait_dma2 semaphore(%run_scoped3A : memref<!tpu.dma_semaphore, #tpu.memory_space<semaphore_mem>>) src(%dma_wait3A_66 : memref<10000xi32, #tpu.memory_space<hbm>>) dst(%arg7 : memref<10000xi32, #tpu.memory_space<vmem>>)
      tpu.yield
    }) : () -> ()
    %barrier3A = arith.constant 0 : index
    tpu.barrier barrier_id(%barrier3A)
    %dma_start3A = arith.constant 0 : i32
    %dma_start3A_28 = tpu.memref_slice %arg6[%dma_start3A] : memref<10000xi32, #tpu.memory_space<vmem>> -> memref<80xi32, #tpu.memory_space<vmem>>
    %dma_start3A_29 = arith.constant 0 : i32
    %dma_start3A_30 = arith.constant 0 : i32
    %dma_start3A_31 = tpu.memref_slice %arg4[%dma_start3A_29, %dma_start3A_30] : memref<10000x128xf32, #tpu.memory_space<hbm>> -> memref<10000x128xf32, #tpu.memory_space<hbm>>
    tpu.enqueue_indirect_dma source(%dma_start3A_31 : memref<10000x128xf32, #tpu.memory_space<hbm>>) target(%arg8 : memref<80x128xf32, #tpu.memory_space<vmem>>) offsets(%dma_start3A_28 : memref<80xi32, #tpu.memory_space<vmem>>) semaphore(%arg11 : memref<!tpu.dma_semaphore, #tpu.memory_space<semaphore_mem>>)
    %dma_start3A_32 = arith.constant 80 : i32
    %dma_start3A_33 = tpu.memref_slice %arg6[%dma_start3A_32] : memref<10000xi32, #tpu.memory_space<vmem>> -> memref<80xi32, #tpu.memory_space<vmem>>
    %dma_start3A_34 = arith.constant 0 : i32
    %dma_start3A_35 = arith.constant 0 : i32
    %dma_start3A_36 = tpu.memref_slice %arg4[%dma_start3A_34, %dma_start3A_35] : memref<10000x128xf32, #tpu.memory_space<hbm>> -> memref<10000x128xf32, #tpu.memory_space<hbm>>
    tpu.enqueue_indirect_dma source(%dma_start3A_36 : memref<10000x128xf32, #tpu.memory_space<hbm>>) target(%arg9 : memref<80x128xf32, #tpu.memory_space<vmem>>) offsets(%dma_start3A_33 : memref<80xi32, #tpu.memory_space<vmem>>) semaphore(%arg12 : memref<!tpu.dma_semaphore, #tpu.memory_space<semaphore_mem>>)
    %scan3A_37 = arith.constant 0 : i32
    %scan3A_38 = arith.constant 0 : i32
    %scan3A_39 = arith.constant 61 : i32
    %scan3A_40 = arith.addi %scan3A_38, %scan3A_39 : i32
    %scan3A_41 = arith.constant 1 : i32
    scf.for %scan3A_63 = %scan3A_38 to %scan3A_40 step %scan3A_41  : i32 {
      %mul3A_64 = arith.constant 2 : i32
      %mul3A_65 = arith.muli %mul3A_64, %scan3A_63 : i32
      %add3A_66 = arith.constant 0 : i32
      %add3A_67 = arith.addi %mul3A_65, %add3A_66 : i32
      %mul3A_68 = arith.constant 80 : i32
      %mul3A_69 = arith.muli %add3A_67, %mul3A_68 : i32
      %dma_wait3A_70 = tpu.memref_slice %arg6[%mul3A_69] : memref<10000xi32, #tpu.memory_space<vmem>> -> memref<80xi32, #tpu.memory_space<vmem>>
      %dma_wait3A_71 = arith.constant 0 : i32
      %dma_wait3A_72 = arith.constant 0 : i32
      %dma_wait3A_73 = tpu.memref_slice %arg4[%dma_wait3A_71, %dma_wait3A_72] : memref<10000x128xf32, #tpu.memory_space<hbm>> -> memref<10000x128xf32, #tpu.memory_space<hbm>>
      tpu.wait_indirect_dma semaphore(%arg11 : memref<!tpu.dma_semaphore, #tpu.memory_space<semaphore_mem>>) src(%dma_wait3A_73 : memref<10000x128xf32, #tpu.memory_space<hbm>>) dst(%arg8 : memref<80x128xf32, #tpu.memory_space<vmem>>)
      %mul3A_74 = arith.constant 80 : i32
      %mul3A_75 = arith.muli %add3A_67, %mul3A_74 : i32
      "tpu.region"() ({
        %run_scoped3A = tpu.sem_alloc : memref<!tpu.dma_semaphore, #tpu.memory_space<semaphore_mem>>
        %dma_start3A_106 = tpu.memref_slice %arg7[%mul3A_75] : memref<10000xi32, #tpu.memory_space<vmem>> -> memref<80xi32, #tpu.memory_space<vmem>>
        %dma_start3A_107 = arith.constant 0 : i32
        %dma_start3A_108 = arith.constant 0 : i32
        %dma_start3A_109 = tpu.memref_slice %arg10[%dma_start3A_107, %dma_start3A_108] : memref<10112x128xf32, #tpu.memory_space<vmem_shared>> -> memref<10112x128xf32, #tpu.memory_space<vmem_shared>>
        tpu.enqueue_indirect_dma source(%arg8 : memref<80x128xf32, #tpu.memory_space<vmem>>) target(%dma_start3A_109 : memref<10112x128xf32, #tpu.memory_space<vmem_shared>>) offsets(%dma_start3A_106 : memref<80xi32, #tpu.memory_space<vmem>>) semaphore(%run_scoped3A : memref<!tpu.dma_semaphore, #tpu.memory_space<semaphore_mem>>) {add = true}
        %dma_wait3A_110 = tpu.memref_slice %arg7[%mul3A_75] : memref<10000xi32, #tpu.memory_space<vmem>> -> memref<80xi32, #tpu.memory_space<vmem>>
        %dma_wait3A_111 = arith.constant 0 : i32
        %dma_wait3A_112 = arith.constant 0 : i32
        %dma_wait3A_113 = tpu.memref_slice %arg10[%dma_wait3A_111, %dma_wait3A_112] : memref<10112x128xf32, #tpu.memory_space<vmem_shared>> -> memref<10112x128xf32, #tpu.memory_space<vmem_shared>>
        tpu.wait_indirect_dma semaphore(%run_scoped3A : memref<!tpu.dma_semaphore, #tpu.memory_space<semaphore_mem>>) src(%arg8 : memref<80x128xf32, #tpu.memory_space<vmem>>) dst(%dma_wait3A_113 : memref<10112x128xf32, #tpu.memory_space<vmem_shared>>)
        tpu.yield
      }) : () -> ()
      %add3A_76 = arith.constant 0 : i32
      %add3A_77 = arith.addi %mul3A_65, %add3A_76 : i32
      %add3A_78 = arith.constant 2 : i32
      %add3A_79 = arith.addi %add3A_77, %add3A_78 : i32
      %mul3A_80 = arith.constant 80 : i32
      %mul3A_81 = arith.muli %add3A_79, %mul3A_80 : i32
      %dma_start3A_82 = tpu.memref_slice %arg6[%mul3A_81] : memref<10000xi32, #tpu.memory_space<vmem>> -> memref<80xi32, #tpu.memory_space<vmem>>
      %dma_start3A_83 = arith.constant 0 : i32
      %dma_start3A_84 = arith.constant 0 : i32
      %dma_start3A_85 = tpu.memref_slice %arg4[%dma_start3A_83, %dma_start3A_84] : memref<10000x128xf32, #tpu.memory_space<hbm>> -> memref<10000x128xf32, #tpu.memory_space<hbm>>
      tpu.enqueue_indirect_dma source(%dma_start3A_85 : memref<10000x128xf32, #tpu.memory_space<hbm>>) target(%arg8 : memref<80x128xf32, #tpu.memory_space<vmem>>) offsets(%dma_start3A_82 : memref<80xi32, #tpu.memory_space<vmem>>) semaphore(%arg11 : memref<!tpu.dma_semaphore, #tpu.memory_space<semaphore_mem>>)
      %add3A_86 = arith.constant 1 : i32
      %add3A_87 = arith.addi %mul3A_65, %add3A_86 : i32
      %mul3A_88 = arith.constant 80 : i32
      %mul3A_89 = arith.muli %add3A_87, %mul3A_88 : i32
      %dma_wait3A_90 = tpu.memref_slice %arg6[%mul3A_89] : memref<10000xi32, #tpu.memory_space<vmem>> -> memref<80xi32, #tpu.memory_space<vmem>>
      %dma_wait3A_91 = arith.constant 0 : i32
      %dma_wait3A_92 = arith.constant 0 : i32
      %dma_wait3A_93 = tpu.memref_slice %arg4[%dma_wait3A_91, %dma_wait3A_92] : memref<10000x128xf32, #tpu.memory_space<hbm>> -> memref<10000x128xf32, #tpu.memory_space<hbm>>
      tpu.wait_indirect_dma semaphore(%arg12 : memref<!tpu.dma_semaphore, #tpu.memory_space<semaphore_mem>>) src(%dma_wait3A_93 : memref<10000x128xf32, #tpu.memory_space<hbm>>) dst(%arg9 : memref<80x128xf32, #tpu.memory_space<vmem>>)
      %mul3A_94 = arith.constant 80 : i32
      %mul3A_95 = arith.muli %add3A_87, %mul3A_94 : i32
      "tpu.region"() ({
        %run_scoped3A = tpu.sem_alloc : memref<!tpu.dma_semaphore, #tpu.memory_space<semaphore_mem>>
        %dma_start3A_106 = tpu.memref_slice %arg7[%mul3A_95] : memref<10000xi32, #tpu.memory_space<vmem>> -> memref<80xi32, #tpu.memory_space<vmem>>
        %dma_start3A_107 = arith.constant 0 : i32
        %dma_start3A_108 = arith.constant 0 : i32
        %dma_start3A_109 = tpu.memref_slice %arg10[%dma_start3A_107, %dma_start3A_108] : memref<10112x128xf32, #tpu.memory_space<vmem_shared>> -> memref<10112x128xf32, #tpu.memory_space<vmem_shared>>
        tpu.enqueue_indirect_dma source(%arg9 : memref<80x128xf32, #tpu.memory_space<vmem>>) target(%dma_start3A_109 : memref<10112x128xf32, #tpu.memory_space<vmem_shared>>) offsets(%dma_start3A_106 : memref<80xi32, #tpu.memory_space<vmem>>) semaphore(%run_scoped3A : memref<!tpu.dma_semaphore, #tpu.memory_space<semaphore_mem>>) {add = true}
        %dma_wait3A_110 = tpu.memref_slice %arg7[%mul3A_95] : memref<10000xi32, #tpu.memory_space<vmem>> -> memref<80xi32, #tpu.memory_space<vmem>>
        %dma_wait3A_111 = arith.constant 0 : i32
        %dma_wait3A_112 = arith.constant 0 : i32
        %dma_wait3A_113 = tpu.memref_slice %arg10[%dma_wait3A_111, %dma_wait3A_112] : memref<10112x128xf32, #tpu.memory_space<vmem_shared>> -> memref<10112x128xf32, #tpu.memory_space<vmem_shared>>
        tpu.wait_indirect_dma semaphore(%run_scoped3A : memref<!tpu.dma_semaphore, #tpu.memory_space<semaphore_mem>>) src(%arg9 : memref<80x128xf32, #tpu.memory_space<vmem>>) dst(%dma_wait3A_113 : memref<10112x128xf32, #tpu.memory_space<vmem_shared>>)
        tpu.yield
      }) : () -> ()
      %add3A_96 = arith.constant 1 : i32
      %add3A_97 = arith.addi %mul3A_65, %add3A_96 : i32
      %add3A_98 = arith.constant 2 : i32
      %add3A_99 = arith.addi %add3A_97, %add3A_98 : i32
      %mul3A_100 = arith.constant 80 : i32
      %mul3A_101 = arith.muli %add3A_99, %mul3A_100 : i32
      %dma_start3A_102 = tpu.memref_slice %arg6[%mul3A_101] : memref<10000xi32, #tpu.memory_space<vmem>> -> memref<80xi32, #tpu.memory_space<vmem>>
      %dma_start3A_103 = arith.constant 0 : i32
      %dma_start3A_104 = arith.constant 0 : i32
      %dma_start3A_105 = tpu.memref_slice %arg4[%dma_start3A_103, %dma_start3A_104] : memref<10000x128xf32, #tpu.memory_space<hbm>> -> memref<10000x128xf32, #tpu.memory_space<hbm>>
      tpu.enqueue_indirect_dma source(%dma_start3A_105 : memref<10000x128xf32, #tpu.memory_space<hbm>>) target(%arg9 : memref<80x128xf32, #tpu.memory_space<vmem>>) offsets(%dma_start3A_102 : memref<80xi32, #tpu.memory_space<vmem>>) semaphore(%arg12 : memref<!tpu.dma_semaphore, #tpu.memory_space<semaphore_mem>>)
    }
    %scan3A_42 = arith.constant 61 : i32
    %dma_wait3A = arith.constant 9760 : i32
    %dma_wait3A_43 = tpu.memref_slice %arg6[%dma_wait3A] : memref<10000xi32, #tpu.memory_space<vmem>> -> memref<80xi32, #tpu.memory_space<vmem>>
    %dma_wait3A_44 = arith.constant 0 : i32
    %dma_wait3A_45 = arith.constant 0 : i32
    %dma_wait3A_46 = tpu.memref_slice %arg4[%dma_wait3A_44, %dma_wait3A_45] : memref<10000x128xf32, #tpu.memory_space<hbm>> -> memref<10000x128xf32, #tpu.memory_space<hbm>>
    tpu.wait_indirect_dma semaphore(%arg11 : memref<!tpu.dma_semaphore, #tpu.memory_space<semaphore_mem>>) src(%dma_wait3A_46 : memref<10000x128xf32, #tpu.memory_space<hbm>>) dst(%arg8 : memref<80x128xf32, #tpu.memory_space<vmem>>)
    "tpu.region"() ({
      %run_scoped3A = tpu.sem_alloc : memref<!tpu.dma_semaphore, #tpu.memory_space<semaphore_mem>>
      %dma_start3A_63 = arith.constant 9760 : i32
      %dma_start3A_64 = tpu.memref_slice %arg7[%dma_start3A_63] : memref<10000xi32, #tpu.memory_space<vmem>> -> memref<80xi32, #tpu.memory_space<vmem>>
      %dma_start3A_65 = arith.constant 0 : i32
      %dma_start3A_66 = arith.constant 0 : i32
      %dma_start3A_67 = tpu.memref_slice %arg10[%dma_start3A_65, %dma_start3A_66] : memref<10112x128xf32, #tpu.memory_space<vmem_shared>> -> memref<10112x128xf32, #tpu.memory_space<vmem_shared>>
      tpu.enqueue_indirect_dma source(%arg8 : memref<80x128xf32, #tpu.memory_space<vmem>>) target(%dma_start3A_67 : memref<10112x128xf32, #tpu.memory_space<vmem_shared>>) offsets(%dma_start3A_64 : memref<80xi32, #tpu.memory_space<vmem>>) semaphore(%run_scoped3A : memref<!tpu.dma_semaphore, #tpu.memory_space<semaphore_mem>>) {add = true}
      %dma_wait3A_68 = arith.constant 9760 : i32
      %dma_wait3A_69 = tpu.memref_slice %arg7[%dma_wait3A_68] : memref<10000xi32, #tpu.memory_space<vmem>> -> memref<80xi32, #tpu.memory_space<vmem>>
      %dma_wait3A_70 = arith.constant 0 : i32
      %dma_wait3A_71 = arith.constant 0 : i32
      %dma_wait3A_72 = tpu.memref_slice %arg10[%dma_wait3A_70, %dma_wait3A_71] : memref<10112x128xf32, #tpu.memory_space<vmem_shared>> -> memref<10112x128xf32, #tpu.memory_space<vmem_shared>>
      tpu.wait_indirect_dma semaphore(%run_scoped3A : memref<!tpu.dma_semaphore, #tpu.memory_space<semaphore_mem>>) src(%arg8 : memref<80x128xf32, #tpu.memory_space<vmem>>) dst(%dma_wait3A_72 : memref<10112x128xf32, #tpu.memory_space<vmem_shared>>)
      tpu.yield
    }) : () -> ()
    %dma_start3A_47 = arith.constant 9920 : i32
    %dma_start3A_48 = tpu.memref_slice %arg6[%dma_start3A_47] : memref<10000xi32, #tpu.memory_space<vmem>> -> memref<80xi32, #tpu.memory_space<vmem>>
    %dma_start3A_49 = arith.constant 0 : i32
    %dma_start3A_50 = arith.constant 0 : i32
    %dma_start3A_51 = tpu.memref_slice %arg4[%dma_start3A_49, %dma_start3A_50] : memref<10000x128xf32, #tpu.memory_space<hbm>> -> memref<10000x128xf32, #tpu.memory_space<hbm>>
    tpu.enqueue_indirect_dma source(%dma_start3A_51 : memref<10000x128xf32, #tpu.memory_space<hbm>>) target(%arg8 : memref<80x128xf32, #tpu.memory_space<vmem>>) offsets(%dma_start3A_48 : memref<80xi32, #tpu.memory_space<vmem>>) semaphore(%arg11 : memref<!tpu.dma_semaphore, #tpu.memory_space<semaphore_mem>>)
    %dma_wait3A_52 = arith.constant 9840 : i32
    %dma_wait3A_53 = tpu.memref_slice %arg6[%dma_wait3A_52] : memref<10000xi32, #tpu.memory_space<vmem>> -> memref<80xi32, #tpu.memory_space<vmem>>
    %dma_wait3A_54 = arith.constant 0 : i32
    %dma_wait3A_55 = arith.constant 0 : i32
    %dma_wait3A_56 = tpu.memref_slice %arg4[%dma_wait3A_54, %dma_wait3A_55] : memref<10000x128xf32, #tpu.memory_space<hbm>> -> memref<10000x128xf32, #tpu.memory_space<hbm>>
    tpu.wait_indirect_dma semaphore(%arg12 : memref<!tpu.dma_semaphore, #tpu.memory_space<semaphore_mem>>) src(%dma_wait3A_56 : memref<10000x128xf32, #tpu.memory_space<hbm>>) dst(%arg9 : memref<80x128xf32, #tpu.memory_space<vmem>>)
    "tpu.region"() ({
      %run_scoped3A = tpu.sem_alloc : memref<!tpu.dma_semaphore, #tpu.memory_space<semaphore_mem>>
      %dma_start3A_63 = arith.constant 9840 : i32
      %dma_start3A_64 = tpu.memref_slice %arg7[%dma_start3A_63] : memref<10000xi32, #tpu.memory_space<vmem>> -> memref<80xi32, #tpu.memory_space<vmem>>
      %dma_start3A_65 = arith.constant 0 : i32
      %dma_start3A_66 = arith.constant 0 : i32
      %dma_start3A_67 = tpu.memref_slice %arg10[%dma_start3A_65, %dma_start3A_66] : memref<10112x128xf32, #tpu.memory_space<vmem_shared>> -> memref<10112x128xf32, #tpu.memory_space<vmem_shared>>
      tpu.enqueue_indirect_dma source(%arg9 : memref<80x128xf32, #tpu.memory_space<vmem>>) target(%dma_start3A_67 : memref<10112x128xf32, #tpu.memory_space<vmem_shared>>) offsets(%dma_start3A_64 : memref<80xi32, #tpu.memory_space<vmem>>) semaphore(%run_scoped3A : memref<!tpu.dma_semaphore, #tpu.memory_space<semaphore_mem>>) {add = true}
      %dma_wait3A_68 = arith.constant 9840 : i32
      %dma_wait3A_69 = tpu.memref_slice %arg7[%dma_wait3A_68] : memref<10000xi32, #tpu.memory_space<vmem>> -> memref<80xi32, #tpu.memory_space<vmem>>
      %dma_wait3A_70 = arith.constant 0 : i32
      %dma_wait3A_71 = arith.constant 0 : i32
      %dma_wait3A_72 = tpu.memref_slice %arg10[%dma_wait3A_70, %dma_wait3A_71] : memref<10112x128xf32, #tpu.memory_space<vmem_shared>> -> memref<10112x128xf32, #tpu.memory_space<vmem_shared>>
      tpu.wait_indirect_dma semaphore(%run_scoped3A : memref<!tpu.dma_semaphore, #tpu.memory_space<semaphore_mem>>) src(%arg9 : memref<80x128xf32, #tpu.memory_space<vmem>>) dst(%dma_wait3A_72 : memref<10112x128xf32, #tpu.memory_space<vmem_shared>>)
      tpu.yield
    }) : () -> ()
    %dma_wait3A_57 = arith.constant 9920 : i32
    %dma_wait3A_58 = tpu.memref_slice %arg6[%dma_wait3A_57] : memref<10000xi32, #tpu.memory_space<vmem>> -> memref<80xi32, #tpu.memory_space<vmem>>
    %dma_wait3A_59 = arith.constant 0 : i32
    %dma_wait3A_60 = arith.constant 0 : i32
    %dma_wait3A_61 = tpu.memref_slice %arg4[%dma_wait3A_59, %dma_wait3A_60] : memref<10000x128xf32, #tpu.memory_space<hbm>> -> memref<10000x128xf32, #tpu.memory_space<hbm>>
    tpu.wait_indirect_dma semaphore(%arg11 : memref<!tpu.dma_semaphore, #tpu.memory_space<semaphore_mem>>) src(%dma_wait3A_61 : memref<10000x128xf32, #tpu.memory_space<hbm>>) dst(%arg8 : memref<80x128xf32, #tpu.memory_space<vmem>>)
    "tpu.region"() ({
      %run_scoped3A = tpu.sem_alloc : memref<!tpu.dma_semaphore, #tpu.memory_space<semaphore_mem>>
      %dma_start3A_63 = arith.constant 9920 : i32
      %dma_start3A_64 = tpu.memref_slice %arg7[%dma_start3A_63] : memref<10000xi32, #tpu.memory_space<vmem>> -> memref<80xi32, #tpu.memory_space<vmem>>
      %dma_start3A_65 = arith.constant 0 : i32
      %dma_start3A_66 = arith.constant 0 : i32
      %dma_start3A_67 = tpu.memref_slice %arg10[%dma_start3A_65, %dma_start3A_66] : memref<10112x128xf32, #tpu.memory_space<vmem_shared>> -> memref<10112x128xf32, #tpu.memory_space<vmem_shared>>
      tpu.enqueue_indirect_dma source(%arg8 : memref<80x128xf32, #tpu.memory_space<vmem>>) target(%dma_start3A_67 : memref<10112x128xf32, #tpu.memory_space<vmem_shared>>) offsets(%dma_start3A_64 : memref<80xi32, #tpu.memory_space<vmem>>) semaphore(%run_scoped3A : memref<!tpu.dma_semaphore, #tpu.memory_space<semaphore_mem>>) {add = true}
      %dma_wait3A_68 = arith.constant 9920 : i32
      %dma_wait3A_69 = tpu.memref_slice %arg7[%dma_wait3A_68] : memref<10000xi32, #tpu.memory_space<vmem>> -> memref<80xi32, #tpu.memory_space<vmem>>
      %dma_wait3A_70 = arith.constant 0 : i32
      %dma_wait3A_71 = arith.constant 0 : i32
      %dma_wait3A_72 = tpu.memref_slice %arg10[%dma_wait3A_70, %dma_wait3A_71] : memref<10112x128xf32, #tpu.memory_space<vmem_shared>> -> memref<10112x128xf32, #tpu.memory_space<vmem_shared>>
      tpu.wait_indirect_dma semaphore(%run_scoped3A : memref<!tpu.dma_semaphore, #tpu.memory_space<semaphore_mem>>) src(%arg8 : memref<80x128xf32, #tpu.memory_space<vmem>>) dst(%dma_wait3A_72 : memref<10112x128xf32, #tpu.memory_space<vmem_shared>>)
      tpu.yield
    }) : () -> ()
    %barrier3A_62 = arith.constant 0 : index
    tpu.barrier barrier_id(%barrier3A_62)
    "tpu.region"() ({
      %run_scoped3A = tpu.sem_alloc : memref<!tpu.dma_semaphore, #tpu.memory_space<semaphore_mem>>
      %dma_start3A_63 = arith.constant 0 : i32
      %dma_start3A_64 = tpu.memref_slice %arg5[%arg0, %mul3A_2, %dma_start3A_63] : memref<2x10112x128xf32, #tpu.memory_space<hbm>> -> memref<1x632x128xf32, #tpu.memory_space<hbm>>
      %dma_start3A_65 = tpu.memref_squeeze %dma_start3A_64 : memref<1x632x128xf32, #tpu.memory_space<hbm>> -> memref<632x128xf32, #tpu.memory_space<hbm>>
      %dma_start3A_66 = arith.constant 0 : i32
      %dma_start3A_67 = tpu.memref_slice %arg10[%mul3A_2, %dma_start3A_66] : memref<10112x128xf32, #tpu.memory_space<vmem_shared>> -> memref<632x128xf32, #tpu.memory_space<vmem_shared>>
      tpu.enqueue_dma source(%dma_start3A_67 : memref<632x128xf32, #tpu.memory_space<vmem_shared>>) target(%dma_start3A_65 : memref<632x128xf32, #tpu.memory_space<hbm>>) target_semaphore(%run_scoped3A : memref<!tpu.dma_semaphore, #tpu.memory_space<semaphore_mem>>)
      %dma_wait3A_68 = arith.constant 0 : i32
      %dma_wait3A_69 = tpu.memref_slice %arg5[%arg0, %mul3A_2, %dma_wait3A_68] : memref<2x10112x128xf32, #tpu.memory_space<hbm>> -> memref<1x632x128xf32, #tpu.memory_space<hbm>>
      %dma_wait3A_70 = tpu.memref_squeeze %dma_wait3A_69 : memref<1x632x128xf32, #tpu.memory_space<hbm>> -> memref<632x128xf32, #tpu.memory_space<hbm>>
      %dma_wait3A_71 = arith.constant 0 : i32
      %dma_wait3A_72 = tpu.memref_slice %arg10[%mul3A_2, %dma_wait3A_71] : memref<10112x128xf32, #tpu.memory_space<vmem_shared>> -> memref<632x128xf32, #tpu.memory_space<vmem_shared>>
      tpu.wait_dma2 semaphore(%run_scoped3A : memref<!tpu.dma_semaphore, #tpu.memory_space<semaphore_mem>>) src(%dma_wait3A_72 : memref<632x128xf32, #tpu.memory_space<vmem_shared>>) dst(%dma_wait3A_70 : memref<632x128xf32, #tpu.memory_space<hbm>>)
      tpu.yield
    }) : () -> ()
    return
  }
}

#map = affine_map<(d0, d1) -> (0)>
#map1 = affine_map<(d0, d1) -> (0, 0)>
#map2 = affine_map<(d0, d1) -> (0, 0, 0)>
module attributes {stable_mosaic.version = 14 : i64} {
  func.func @_sc_agg_body(%arg0: i32, %arg1: i32, %arg2: memref<320000xi32, #tpu.memory_space<hbm>>, %arg3: memref<320000xi32, #tpu.memory_space<hbm>>, %arg4: memref<10000x128xf32, #tpu.memory_space<hbm>>, %arg5: memref<2x10112x128xf32, #tpu.memory_space<hbm>>, %arg6: memref<10000xi32, #tpu.memory_space<vmem>>, %arg7: memref<10000xi32, #tpu.memory_space<vmem>>, %arg8: memref<80x128xf32, #tpu.memory_space<vmem>>, %arg9: memref<80x128xf32, #tpu.memory_space<vmem>>, %arg10: memref<10112x128xf32, #tpu.memory_space<vmem_shared>>, %arg11: memref<!tpu.dma_semaphore, #tpu.memory_space<semaphore_mem>>, %arg12: memref<!tpu.dma_semaphore, #tpu.memory_space<semaphore_mem>>) attributes {dimension_semantics = [#tpu.dimension_semantics<core_parallel>, #tpu.dimension_semantics<subcore_parallel>], iteration_bounds = array<i64: 2, 16>, scalar_prefetch = 0 : i64, scratch_operands = 7 : i64, tpu.core_type = #tpu.core_type<sc_vector_subcore>, window_params = [{transform_indices = #map}, {transform_indices = #map}, {transform_indices = #map1}, {transform_indices = #map2}]} {
    %mul3A = arith.constant 2 : i32
    %mul3A_0 = arith.muli %arg1, %mul3A : i32
    %add3A = arith.addi %mul3A_0, %arg0 : i32
    %mul3A_1 = arith.constant 632 : i32
    %mul3A_2 = arith.muli %arg1, %mul3A_1 : i32
    %scan3A = arith.constant 0 : i32
    %scan3A_3 = arith.constant 0 : i32
    %scan3A_4 = arith.constant 80 : i32
    %scan3A_5 = arith.addi %scan3A_3, %scan3A_4 : i32
    %scan3A_6 = arith.constant 1 : i32
    scf.for %scan3A_63 = %scan3A_3 to %scan3A_5 step %scan3A_6  : i32 {
      %broadcast_in_dim3A = arith.constant 0.000000e+00 : f32
      %broadcast_in_dim3A_64 = vector.broadcast %broadcast_in_dim3A : f32 to vector<16xf32>
      %swap3A = arith.index_cast %scan3A_63 : i32 to index
      %swap3A_65 = arith.constant 0 : index
      %swap3A_66 = tpu.vector_load %arg8[%swap3A, %swap3A_65] {strides = array<i32>} : memref<80x128xf32, #tpu.memory_space<vmem>>, vector<1x16xf32>,
      %swap3A_67 = vector.shape_cast %swap3A_66 : vector<1x16xf32> to vector<16xf32>
      %swap3A_68 = vector.shape_cast %broadcast_in_dim3A_64 : vector<16xf32> to vector<1x16xf32>
      tpu.vector_store %arg8[%swap3A, %swap3A_65], %swap3A_68 {strides = array<i32>} : memref<80x128xf32, #tpu.memory_space<vmem>>, vector<1x16xf32>,
      %broadcast_in_dim3A_69 = arith.constant 0.000000e+00 : f32
      %broadcast_in_dim3A_70 = vector.broadcast %broadcast_in_dim3A_69 : f32 to vector<16xf32>
      %swap3A_71 = arith.index_cast %scan3A_63 : i32 to index
      %swap3A_72 = arith.constant 16 : index
      %swap3A_73 = tpu.vector_load %arg8[%swap3A_71, %swap3A_72] {strides = array<i32>} : memref<80x128xf32, #tpu.memory_space<vmem>>, vector<1x16xf32>,
      %swap3A_74 = vector.shape_cast %swap3A_73 : vector<1x16xf32> to vector<16xf32>
      %swap3A_75 = vector.shape_cast %broadcast_in_dim3A_70 : vector<16xf32> to vector<1x16xf32>
      tpu.vector_store %arg8[%swap3A_71, %swap3A_72], %swap3A_75 {strides = array<i32>} : memref<80x128xf32, #tpu.memory_space<vmem>>, vector<1x16xf32>,
      %broadcast_in_dim3A_76 = arith.constant 0.000000e+00 : f32
      %broadcast_in_dim3A_77 = vector.broadcast %broadcast_in_dim3A_76 : f32 to vector<16xf32>
      %swap3A_78 = arith.index_cast %scan3A_63 : i32 to index
      %swap3A_79 = arith.constant 32 : index
      %swap3A_80 = tpu.vector_load %arg8[%swap3A_78, %swap3A_79] {strides = array<i32>} : memref<80x128xf32, #tpu.memory_space<vmem>>, vector<1x16xf32>,
      %swap3A_81 = vector.shape_cast %swap3A_80 : vector<1x16xf32> to vector<16xf32>
      %swap3A_82 = vector.shape_cast %broadcast_in_dim3A_77 : vector<16xf32> to vector<1x16xf32>
      tpu.vector_store %arg8[%swap3A_78, %swap3A_79], %swap3A_82 {strides = array<i32>} : memref<80x128xf32, #tpu.memory_space<vmem>>, vector<1x16xf32>,
      %broadcast_in_dim3A_83 = arith.constant 0.000000e+00 : f32
      %broadcast_in_dim3A_84 = vector.broadcast %broadcast_in_dim3A_83 : f32 to vector<16xf32>
      %swap3A_85 = arith.index_cast %scan3A_63 : i32 to index
      %swap3A_86 = arith.constant 48 : index
      %swap3A_87 = tpu.vector_load %arg8[%swap3A_85, %swap3A_86] {strides = array<i32>} : memref<80x128xf32, #tpu.memory_space<vmem>>, vector<1x16xf32>,
      %swap3A_88 = vector.shape_cast %swap3A_87 : vector<1x16xf32> to vector<16xf32>
      %swap3A_89 = vector.shape_cast %broadcast_in_dim3A_84 : vector<16xf32> to vector<1x16xf32>
      tpu.vector_store %arg8[%swap3A_85, %swap3A_86], %swap3A_89 {strides = array<i32>} : memref<80x128xf32, #tpu.memory_space<vmem>>, vector<1x16xf32>,
      %broadcast_in_dim3A_90 = arith.constant 0.000000e+00 : f32
      %broadcast_in_dim3A_91 = vector.broadcast %broadcast_in_dim3A_90 : f32 to vector<16xf32>
      %swap3A_92 = arith.index_cast %scan3A_63 : i32 to index
      %swap3A_93 = arith.constant 64 : index
      %swap3A_94 = tpu.vector_load %arg8[%swap3A_92, %swap3A_93] {strides = array<i32>} : memref<80x128xf32, #tpu.memory_space<vmem>>, vector<1x16xf32>,
      %swap3A_95 = vector.shape_cast %swap3A_94 : vector<1x16xf32> to vector<16xf32>
      %swap3A_96 = vector.shape_cast %broadcast_in_dim3A_91 : vector<16xf32> to vector<1x16xf32>
      tpu.vector_store %arg8[%swap3A_92, %swap3A_93], %swap3A_96 {strides = array<i32>} : memref<80x128xf32, #tpu.memory_space<vmem>>, vector<1x16xf32>,
      %broadcast_in_dim3A_97 = arith.constant 0.000000e+00 : f32
      %broadcast_in_dim3A_98 = vector.broadcast %broadcast_in_dim3A_97 : f32 to vector<16xf32>
      %swap3A_99 = arith.index_cast %scan3A_63 : i32 to index
      %swap3A_100 = arith.constant 80 : index
      %swap3A_101 = tpu.vector_load %arg8[%swap3A_99, %swap3A_100] {strides = array<i32>} : memref<80x128xf32, #tpu.memory_space<vmem>>, vector<1x16xf32>,
      %swap3A_102 = vector.shape_cast %swap3A_101 : vector<1x16xf32> to vector<16xf32>
      %swap3A_103 = vector.shape_cast %broadcast_in_dim3A_98 : vector<16xf32> to vector<1x16xf32>
      tpu.vector_store %arg8[%swap3A_99, %swap3A_100], %swap3A_103 {strides = array<i32>} : memref<80x128xf32, #tpu.memory_space<vmem>>, vector<1x16xf32>,
      %broadcast_in_dim3A_104 = arith.constant 0.000000e+00 : f32
      %broadcast_in_dim3A_105 = vector.broadcast %broadcast_in_dim3A_104 : f32 to vector<16xf32>
      %swap3A_106 = arith.index_cast %scan3A_63 : i32 to index
      %swap3A_107 = arith.constant 96 : index
      %swap3A_108 = tpu.vector_load %arg8[%swap3A_106, %swap3A_107] {strides = array<i32>} : memref<80x128xf32, #tpu.memory_space<vmem>>, vector<1x16xf32>,
      %swap3A_109 = vector.shape_cast %swap3A_108 : vector<1x16xf32> to vector<16xf32>
      %swap3A_110 = vector.shape_cast %broadcast_in_dim3A_105 : vector<16xf32> to vector<1x16xf32>
      tpu.vector_store %arg8[%swap3A_106, %swap3A_107], %swap3A_110 {strides = array<i32>} : memref<80x128xf32, #tpu.memory_space<vmem>>, vector<1x16xf32>,
      %broadcast_in_dim3A_111 = arith.constant 0.000000e+00 : f32
      %broadcast_in_dim3A_112 = vector.broadcast %broadcast_in_dim3A_111 : f32 to vector<16xf32>
      %swap3A_113 = arith.index_cast %scan3A_63 : i32 to index
      %swap3A_114 = arith.constant 112 : index
      %swap3A_115 = tpu.vector_load %arg8[%swap3A_113, %swap3A_114] {strides = array<i32>} : memref<80x128xf32, #tpu.memory_space<vmem>>, vector<1x16xf32>,
      %swap3A_116 = vector.shape_cast %swap3A_115 : vector<1x16xf32> to vector<16xf32>
      %swap3A_117 = vector.shape_cast %broadcast_in_dim3A_112 : vector<16xf32> to vector<1x16xf32>
      tpu.vector_store %arg8[%swap3A_113, %swap3A_114], %swap3A_117 {strides = array<i32>} : memref<80x128xf32, #tpu.memory_space<vmem>>, vector<1x16xf32>,
    }
    %scan3A_7 = arith.constant 80 : i32
    %add3A_8 = arith.constant 0 : i32
    %add3A_9 = arith.addi %mul3A_2, %add3A_8 : i32
    "tpu.region"() ({
      %run_scoped3A = tpu.sem_alloc : memref<!tpu.dma_semaphore, #tpu.memory_space<semaphore_mem>>
      %dma_start3A_63 = arith.constant 0 : i32
      %dma_start3A_64 = arith.constant 0 : i32
      %dma_start3A_65 = tpu.memref_slice %arg8[%dma_start3A_63, %dma_start3A_64] : memref<80x128xf32, #tpu.memory_space<vmem>> -> memref<80x128xf32, #tpu.memory_space<vmem>>
      %dma_start3A_66 = arith.constant 0 : i32
      %dma_start3A_67 = tpu.memref_slice %arg10[%add3A_9, %dma_start3A_66] : memref<10112x128xf32, #tpu.memory_space<vmem_shared>> -> memref<80x128xf32, #tpu.memory_space<vmem_shared>>
      %dma_start3A_68 = arith.constant 0 : i32
      %dma_start3A_69 = tpu.memref_slice %arg10[%add3A_9, %dma_start3A_68] : memref<10112x128xf32, #tpu.memory_space<vmem_shared>> -> memref<80x128xf32, #tpu.memory_space<vmem_shared>>
      %dma_start3A_70 = arith.constant 0 : i32
      %dma_start3A_71 = arith.constant 0 : i32
      %dma_start3A_72 = tpu.memref_slice %arg8[%dma_start3A_70, %dma_start3A_71] : memref<80x128xf32, #tpu.memory_space<vmem>> -> memref<80x128xf32, #tpu.memory_space<vmem>>
      tpu.enqueue_dma source(%dma_start3A_72 : memref<80x128xf32, #tpu.memory_space<vmem>>) target(%dma_start3A_69 : memref<80x128xf32, #tpu.memory_space<vmem_shared>>) target_semaphore(%run_scoped3A : memref<!tpu.dma_semaphore, #tpu.memory_space<semaphore_mem>>)
      %dma_wait3A_73 = arith.constant 0 : i32
      %dma_wait3A_74 = arith.constant 0 : i32
      %dma_wait3A_75 = tpu.memref_slice %arg8[%dma_wait3A_73, %dma_wait3A_74] : memref<80x128xf32, #tpu.memory_space<vmem>> -> memref<80x128xf32, #tpu.memory_space<vmem>>
      %dma_wait3A_76 = arith.constant 0 : i32
      %dma_wait3A_77 = tpu.memref_slice %arg10[%add3A_9, %dma_wait3A_76] : memref<10112x128xf32, #tpu.memory_space<vmem_shared>> -> memref<80x128xf32, #tpu.memory_space<vmem_shared>>
      %dma_wait3A_78 = arith.constant 0 : i32
      %dma_wait3A_79 = tpu.memref_slice %arg10[%add3A_9, %dma_wait3A_78] : memref<10112x128xf32, #tpu.memory_space<vmem_shared>> -> memref<80x128xf32, #tpu.memory_space<vmem_shared>>
      %dma_wait3A_80 = arith.constant 0 : i32
      %dma_wait3A_81 = arith.constant 0 : i32
      %dma_wait3A_82 = tpu.memref_slice %arg8[%dma_wait3A_80, %dma_wait3A_81] : memref<80x128xf32, #tpu.memory_space<vmem>> -> memref<80x128xf32, #tpu.memory_space<vmem>>
      tpu.wait_dma2 semaphore(%run_scoped3A : memref<!tpu.dma_semaphore, #tpu.memory_space<semaphore_mem>>) src(%dma_wait3A_82 : memref<80x128xf32, #tpu.memory_space<vmem>>) dst(%dma_wait3A_79 : memref<80x128xf32, #tpu.memory_space<vmem_shared>>)
      tpu.yield
    }) : () -> ()
    %add3A_10 = arith.constant 80 : i32
    %add3A_11 = arith.addi %mul3A_2, %add3A_10 : i32
    "tpu.region"() ({
      %run_scoped3A = tpu.sem_alloc : memref<!tpu.dma_semaphore, #tpu.memory_space<semaphore_mem>>
      %dma_start3A_63 = arith.constant 0 : i32
      %dma_start3A_64 = arith.constant 0 : i32
      %dma_start3A_65 = tpu.memref_slice %arg8[%dma_start3A_63, %dma_start3A_64] : memref<80x128xf32, #tpu.memory_space<vmem>> -> memref<80x128xf32, #tpu.memory_space<vmem>>
      %dma_start3A_66 = arith.constant 0 : i32
      %dma_start3A_67 = tpu.memref_slice %arg10[%add3A_11, %dma_start3A_66] : memref<10112x128xf32, #tpu.memory_space<vmem_shared>> -> memref<80x128xf32, #tpu.memory_space<vmem_shared>>
      %dma_start3A_68 = arith.constant 0 : i32
      %dma_start3A_69 = tpu.memref_slice %arg10[%add3A_11, %dma_start3A_68] : memref<10112x128xf32, #tpu.memory_space<vmem_shared>> -> memref<80x128xf32, #tpu.memory_space<vmem_shared>>
      %dma_start3A_70 = arith.constant 0 : i32
      %dma_start3A_71 = arith.constant 0 : i32
      %dma_start3A_72 = tpu.memref_slice %arg8[%dma_start3A_70, %dma_start3A_71] : memref<80x128xf32, #tpu.memory_space<vmem>> -> memref<80x128xf32, #tpu.memory_space<vmem>>
      tpu.enqueue_dma source(%dma_start3A_72 : memref<80x128xf32, #tpu.memory_space<vmem>>) target(%dma_start3A_69 : memref<80x128xf32, #tpu.memory_space<vmem_shared>>) target_semaphore(%run_scoped3A : memref<!tpu.dma_semaphore, #tpu.memory_space<semaphore_mem>>)
      %dma_wait3A_73 = arith.constant 0 : i32
      %dma_wait3A_74 = arith.constant 0 : i32
      %dma_wait3A_75 = tpu.memref_slice %arg8[%dma_wait3A_73, %dma_wait3A_74] : memref<80x128xf32, #tpu.memory_space<vmem>> -> memref<80x128xf32, #tpu.memory_space<vmem>>
      %dma_wait3A_76 = arith.constant 0 : i32
      %dma_wait3A_77 = tpu.memref_slice %arg10[%add3A_11, %dma_wait3A_76] : memref<10112x128xf32, #tpu.memory_space<vmem_shared>> -> memref<80x128xf32, #tpu.memory_space<vmem_shared>>
      %dma_wait3A_78 = arith.constant 0 : i32
      %dma_wait3A_79 = tpu.memref_slice %arg10[%add3A_11, %dma_wait3A_78] : memref<10112x128xf32, #tpu.memory_space<vmem_shared>> -> memref<80x128xf32, #tpu.memory_space<vmem_shared>>
      %dma_wait3A_80 = arith.constant 0 : i32
      %dma_wait3A_81 = arith.constant 0 : i32
      %dma_wait3A_82 = tpu.memref_slice %arg8[%dma_wait3A_80, %dma_wait3A_81] : memref<80x128xf32, #tpu.memory_space<vmem>> -> memref<80x128xf32, #tpu.memory_space<vmem>>
      tpu.wait_dma2 semaphore(%run_scoped3A : memref<!tpu.dma_semaphore, #tpu.memory_space<semaphore_mem>>) src(%dma_wait3A_82 : memref<80x128xf32, #tpu.memory_space<vmem>>) dst(%dma_wait3A_79 : memref<80x128xf32, #tpu.memory_space<vmem_shared>>)
      tpu.yield
    }) : () -> ()
    %add3A_12 = arith.constant 160 : i32
    %add3A_13 = arith.addi %mul3A_2, %add3A_12 : i32
    "tpu.region"() ({
      %run_scoped3A = tpu.sem_alloc : memref<!tpu.dma_semaphore, #tpu.memory_space<semaphore_mem>>
      %dma_start3A_63 = arith.constant 0 : i32
      %dma_start3A_64 = arith.constant 0 : i32
      %dma_start3A_65 = tpu.memref_slice %arg8[%dma_start3A_63, %dma_start3A_64] : memref<80x128xf32, #tpu.memory_space<vmem>> -> memref<80x128xf32, #tpu.memory_space<vmem>>
      %dma_start3A_66 = arith.constant 0 : i32
      %dma_start3A_67 = tpu.memref_slice %arg10[%add3A_13, %dma_start3A_66] : memref<10112x128xf32, #tpu.memory_space<vmem_shared>> -> memref<80x128xf32, #tpu.memory_space<vmem_shared>>
      %dma_start3A_68 = arith.constant 0 : i32
      %dma_start3A_69 = tpu.memref_slice %arg10[%add3A_13, %dma_start3A_68] : memref<10112x128xf32, #tpu.memory_space<vmem_shared>> -> memref<80x128xf32, #tpu.memory_space<vmem_shared>>
      %dma_start3A_70 = arith.constant 0 : i32
      %dma_start3A_71 = arith.constant 0 : i32
      %dma_start3A_72 = tpu.memref_slice %arg8[%dma_start3A_70, %dma_start3A_71] : memref<80x128xf32, #tpu.memory_space<vmem>> -> memref<80x128xf32, #tpu.memory_space<vmem>>
      tpu.enqueue_dma source(%dma_start3A_72 : memref<80x128xf32, #tpu.memory_space<vmem>>) target(%dma_start3A_69 : memref<80x128xf32, #tpu.memory_space<vmem_shared>>) target_semaphore(%run_scoped3A : memref<!tpu.dma_semaphore, #tpu.memory_space<semaphore_mem>>)
      %dma_wait3A_73 = arith.constant 0 : i32
      %dma_wait3A_74 = arith.constant 0 : i32
      %dma_wait3A_75 = tpu.memref_slice %arg8[%dma_wait3A_73, %dma_wait3A_74] : memref<80x128xf32, #tpu.memory_space<vmem>> -> memref<80x128xf32, #tpu.memory_space<vmem>>
      %dma_wait3A_76 = arith.constant 0 : i32
      %dma_wait3A_77 = tpu.memref_slice %arg10[%add3A_13, %dma_wait3A_76] : memref<10112x128xf32, #tpu.memory_space<vmem_shared>> -> memref<80x128xf32, #tpu.memory_space<vmem_shared>>
      %dma_wait3A_78 = arith.constant 0 : i32
      %dma_wait3A_79 = tpu.memref_slice %arg10[%add3A_13, %dma_wait3A_78] : memref<10112x128xf32, #tpu.memory_space<vmem_shared>> -> memref<80x128xf32, #tpu.memory_space<vmem_shared>>
      %dma_wait3A_80 = arith.constant 0 : i32
      %dma_wait3A_81 = arith.constant 0 : i32
      %dma_wait3A_82 = tpu.memref_slice %arg8[%dma_wait3A_80, %dma_wait3A_81] : memref<80x128xf32, #tpu.memory_space<vmem>> -> memref<80x128xf32, #tpu.memory_space<vmem>>
      tpu.wait_dma2 semaphore(%run_scoped3A : memref<!tpu.dma_semaphore, #tpu.memory_space<semaphore_mem>>) src(%dma_wait3A_82 : memref<80x128xf32, #tpu.memory_space<vmem>>) dst(%dma_wait3A_79 : memref<80x128xf32, #tpu.memory_space<vmem_shared>>)
      tpu.yield
    }) : () -> ()
    %add3A_14 = arith.constant 240 : i32
    %add3A_15 = arith.addi %mul3A_2, %add3A_14 : i32
    "tpu.region"() ({
      %run_scoped3A = tpu.sem_alloc : memref<!tpu.dma_semaphore, #tpu.memory_space<semaphore_mem>>
      %dma_start3A_63 = arith.constant 0 : i32
      %dma_start3A_64 = arith.constant 0 : i32
      %dma_start3A_65 = tpu.memref_slice %arg8[%dma_start3A_63, %dma_start3A_64] : memref<80x128xf32, #tpu.memory_space<vmem>> -> memref<80x128xf32, #tpu.memory_space<vmem>>
      %dma_start3A_66 = arith.constant 0 : i32
      %dma_start3A_67 = tpu.memref_slice %arg10[%add3A_15, %dma_start3A_66] : memref<10112x128xf32, #tpu.memory_space<vmem_shared>> -> memref<80x128xf32, #tpu.memory_space<vmem_shared>>
      %dma_start3A_68 = arith.constant 0 : i32
      %dma_start3A_69 = tpu.memref_slice %arg10[%add3A_15, %dma_start3A_68] : memref<10112x128xf32, #tpu.memory_space<vmem_shared>> -> memref<80x128xf32, #tpu.memory_space<vmem_shared>>
      %dma_start3A_70 = arith.constant 0 : i32
      %dma_start3A_71 = arith.constant 0 : i32
      %dma_start3A_72 = tpu.memref_slice %arg8[%dma_start3A_70, %dma_start3A_71] : memref<80x128xf32, #tpu.memory_space<vmem>> -> memref<80x128xf32, #tpu.memory_space<vmem>>
      tpu.enqueue_dma source(%dma_start3A_72 : memref<80x128xf32, #tpu.memory_space<vmem>>) target(%dma_start3A_69 : memref<80x128xf32, #tpu.memory_space<vmem_shared>>) target_semaphore(%run_scoped3A : memref<!tpu.dma_semaphore, #tpu.memory_space<semaphore_mem>>)
      %dma_wait3A_73 = arith.constant 0 : i32
      %dma_wait3A_74 = arith.constant 0 : i32
      %dma_wait3A_75 = tpu.memref_slice %arg8[%dma_wait3A_73, %dma_wait3A_74] : memref<80x128xf32, #tpu.memory_space<vmem>> -> memref<80x128xf32, #tpu.memory_space<vmem>>
      %dma_wait3A_76 = arith.constant 0 : i32
      %dma_wait3A_77 = tpu.memref_slice %arg10[%add3A_15, %dma_wait3A_76] : memref<10112x128xf32, #tpu.memory_space<vmem_shared>> -> memref<80x128xf32, #tpu.memory_space<vmem_shared>>
      %dma_wait3A_78 = arith.constant 0 : i32
      %dma_wait3A_79 = tpu.memref_slice %arg10[%add3A_15, %dma_wait3A_78] : memref<10112x128xf32, #tpu.memory_space<vmem_shared>> -> memref<80x128xf32, #tpu.memory_space<vmem_shared>>
      %dma_wait3A_80 = arith.constant 0 : i32
      %dma_wait3A_81 = arith.constant 0 : i32
      %dma_wait3A_82 = tpu.memref_slice %arg8[%dma_wait3A_80, %dma_wait3A_81] : memref<80x128xf32, #tpu.memory_space<vmem>> -> memref<80x128xf32, #tpu.memory_space<vmem>>
      tpu.wait_dma2 semaphore(%run_scoped3A : memref<!tpu.dma_semaphore, #tpu.memory_space<semaphore_mem>>) src(%dma_wait3A_82 : memref<80x128xf32, #tpu.memory_space<vmem>>) dst(%dma_wait3A_79 : memref<80x128xf32, #tpu.memory_space<vmem_shared>>)
      tpu.yield
    }) : () -> ()
    %add3A_16 = arith.constant 320 : i32
    %add3A_17 = arith.addi %mul3A_2, %add3A_16 : i32
    "tpu.region"() ({
      %run_scoped3A = tpu.sem_alloc : memref<!tpu.dma_semaphore, #tpu.memory_space<semaphore_mem>>
      %dma_start3A_63 = arith.constant 0 : i32
      %dma_start3A_64 = arith.constant 0 : i32
      %dma_start3A_65 = tpu.memref_slice %arg8[%dma_start3A_63, %dma_start3A_64] : memref<80x128xf32, #tpu.memory_space<vmem>> -> memref<80x128xf32, #tpu.memory_space<vmem>>
      %dma_start3A_66 = arith.constant 0 : i32
      %dma_start3A_67 = tpu.memref_slice %arg10[%add3A_17, %dma_start3A_66] : memref<10112x128xf32, #tpu.memory_space<vmem_shared>> -> memref<80x128xf32, #tpu.memory_space<vmem_shared>>
      %dma_start3A_68 = arith.constant 0 : i32
      %dma_start3A_69 = tpu.memref_slice %arg10[%add3A_17, %dma_start3A_68] : memref<10112x128xf32, #tpu.memory_space<vmem_shared>> -> memref<80x128xf32, #tpu.memory_space<vmem_shared>>
      %dma_start3A_70 = arith.constant 0 : i32
      %dma_start3A_71 = arith.constant 0 : i32
      %dma_start3A_72 = tpu.memref_slice %arg8[%dma_start3A_70, %dma_start3A_71] : memref<80x128xf32, #tpu.memory_space<vmem>> -> memref<80x128xf32, #tpu.memory_space<vmem>>
      tpu.enqueue_dma source(%dma_start3A_72 : memref<80x128xf32, #tpu.memory_space<vmem>>) target(%dma_start3A_69 : memref<80x128xf32, #tpu.memory_space<vmem_shared>>) target_semaphore(%run_scoped3A : memref<!tpu.dma_semaphore, #tpu.memory_space<semaphore_mem>>)
      %dma_wait3A_73 = arith.constant 0 : i32
      %dma_wait3A_74 = arith.constant 0 : i32
      %dma_wait3A_75 = tpu.memref_slice %arg8[%dma_wait3A_73, %dma_wait3A_74] : memref<80x128xf32, #tpu.memory_space<vmem>> -> memref<80x128xf32, #tpu.memory_space<vmem>>
      %dma_wait3A_76 = arith.constant 0 : i32
      %dma_wait3A_77 = tpu.memref_slice %arg10[%add3A_17, %dma_wait3A_76] : memref<10112x128xf32, #tpu.memory_space<vmem_shared>> -> memref<80x128xf32, #tpu.memory_space<vmem_shared>>
      %dma_wait3A_78 = arith.constant 0 : i32
      %dma_wait3A_79 = tpu.memref_slice %arg10[%add3A_17, %dma_wait3A_78] : memref<10112x128xf32, #tpu.memory_space<vmem_shared>> -> memref<80x128xf32, #tpu.memory_space<vmem_shared>>
      %dma_wait3A_80 = arith.constant 0 : i32
      %dma_wait3A_81 = arith.constant 0 : i32
      %dma_wait3A_82 = tpu.memref_slice %arg8[%dma_wait3A_80, %dma_wait3A_81] : memref<80x128xf32, #tpu.memory_space<vmem>> -> memref<80x128xf32, #tpu.memory_space<vmem>>
      tpu.wait_dma2 semaphore(%run_scoped3A : memref<!tpu.dma_semaphore, #tpu.memory_space<semaphore_mem>>) src(%dma_wait3A_82 : memref<80x128xf32, #tpu.memory_space<vmem>>) dst(%dma_wait3A_79 : memref<80x128xf32, #tpu.memory_space<vmem_shared>>)
      tpu.yield
    }) : () -> ()
    %add3A_18 = arith.constant 400 : i32
    %add3A_19 = arith.addi %mul3A_2, %add3A_18 : i32
    "tpu.region"() ({
      %run_scoped3A = tpu.sem_alloc : memref<!tpu.dma_semaphore, #tpu.memory_space<semaphore_mem>>
      %dma_start3A_63 = arith.constant 0 : i32
      %dma_start3A_64 = arith.constant 0 : i32
      %dma_start3A_65 = tpu.memref_slice %arg8[%dma_start3A_63, %dma_start3A_64] : memref<80x128xf32, #tpu.memory_space<vmem>> -> memref<80x128xf32, #tpu.memory_space<vmem>>
      %dma_start3A_66 = arith.constant 0 : i32
      %dma_start3A_67 = tpu.memref_slice %arg10[%add3A_19, %dma_start3A_66] : memref<10112x128xf32, #tpu.memory_space<vmem_shared>> -> memref<80x128xf32, #tpu.memory_space<vmem_shared>>
      %dma_start3A_68 = arith.constant 0 : i32
      %dma_start3A_69 = tpu.memref_slice %arg10[%add3A_19, %dma_start3A_68] : memref<10112x128xf32, #tpu.memory_space<vmem_shared>> -> memref<80x128xf32, #tpu.memory_space<vmem_shared>>
      %dma_start3A_70 = arith.constant 0 : i32
      %dma_start3A_71 = arith.constant 0 : i32
      %dma_start3A_72 = tpu.memref_slice %arg8[%dma_start3A_70, %dma_start3A_71] : memref<80x128xf32, #tpu.memory_space<vmem>> -> memref<80x128xf32, #tpu.memory_space<vmem>>
      tpu.enqueue_dma source(%dma_start3A_72 : memref<80x128xf32, #tpu.memory_space<vmem>>) target(%dma_start3A_69 : memref<80x128xf32, #tpu.memory_space<vmem_shared>>) target_semaphore(%run_scoped3A : memref<!tpu.dma_semaphore, #tpu.memory_space<semaphore_mem>>)
      %dma_wait3A_73 = arith.constant 0 : i32
      %dma_wait3A_74 = arith.constant 0 : i32
      %dma_wait3A_75 = tpu.memref_slice %arg8[%dma_wait3A_73, %dma_wait3A_74] : memref<80x128xf32, #tpu.memory_space<vmem>> -> memref<80x128xf32, #tpu.memory_space<vmem>>
      %dma_wait3A_76 = arith.constant 0 : i32
      %dma_wait3A_77 = tpu.memref_slice %arg10[%add3A_19, %dma_wait3A_76] : memref<10112x128xf32, #tpu.memory_space<vmem_shared>> -> memref<80x128xf32, #tpu.memory_space<vmem_shared>>
      %dma_wait3A_78 = arith.constant 0 : i32
      %dma_wait3A_79 = tpu.memref_slice %arg10[%add3A_19, %dma_wait3A_78] : memref<10112x128xf32, #tpu.memory_space<vmem_shared>> -> memref<80x128xf32, #tpu.memory_space<vmem_shared>>
      %dma_wait3A_80 = arith.constant 0 : i32
      %dma_wait3A_81 = arith.constant 0 : i32
      %dma_wait3A_82 = tpu.memref_slice %arg8[%dma_wait3A_80, %dma_wait3A_81] : memref<80x128xf32, #tpu.memory_space<vmem>> -> memref<80x128xf32, #tpu.memory_space<vmem>>
      tpu.wait_dma2 semaphore(%run_scoped3A : memref<!tpu.dma_semaphore, #tpu.memory_space<semaphore_mem>>) src(%dma_wait3A_82 : memref<80x128xf32, #tpu.memory_space<vmem>>) dst(%dma_wait3A_79 : memref<80x128xf32, #tpu.memory_space<vmem_shared>>)
      tpu.yield
    }) : () -> ()
    %add3A_20 = arith.constant 480 : i32
    %add3A_21 = arith.addi %mul3A_2, %add3A_20 : i32
    "tpu.region"() ({
      %run_scoped3A = tpu.sem_alloc : memref<!tpu.dma_semaphore, #tpu.memory_space<semaphore_mem>>
      %dma_start3A_63 = arith.constant 0 : i32
      %dma_start3A_64 = arith.constant 0 : i32
      %dma_start3A_65 = tpu.memref_slice %arg8[%dma_start3A_63, %dma_start3A_64] : memref<80x128xf32, #tpu.memory_space<vmem>> -> memref<80x128xf32, #tpu.memory_space<vmem>>
      %dma_start3A_66 = arith.constant 0 : i32
      %dma_start3A_67 = tpu.memref_slice %arg10[%add3A_21, %dma_start3A_66] : memref<10112x128xf32, #tpu.memory_space<vmem_shared>> -> memref<80x128xf32, #tpu.memory_space<vmem_shared>>
      %dma_start3A_68 = arith.constant 0 : i32
      %dma_start3A_69 = tpu.memref_slice %arg10[%add3A_21, %dma_start3A_68] : memref<10112x128xf32, #tpu.memory_space<vmem_shared>> -> memref<80x128xf32, #tpu.memory_space<vmem_shared>>
      %dma_start3A_70 = arith.constant 0 : i32
      %dma_start3A_71 = arith.constant 0 : i32
      %dma_start3A_72 = tpu.memref_slice %arg8[%dma_start3A_70, %dma_start3A_71] : memref<80x128xf32, #tpu.memory_space<vmem>> -> memref<80x128xf32, #tpu.memory_space<vmem>>
      tpu.enqueue_dma source(%dma_start3A_72 : memref<80x128xf32, #tpu.memory_space<vmem>>) target(%dma_start3A_69 : memref<80x128xf32, #tpu.memory_space<vmem_shared>>) target_semaphore(%run_scoped3A : memref<!tpu.dma_semaphore, #tpu.memory_space<semaphore_mem>>)
      %dma_wait3A_73 = arith.constant 0 : i32
      %dma_wait3A_74 = arith.constant 0 : i32
      %dma_wait3A_75 = tpu.memref_slice %arg8[%dma_wait3A_73, %dma_wait3A_74] : memref<80x128xf32, #tpu.memory_space<vmem>> -> memref<80x128xf32, #tpu.memory_space<vmem>>
      %dma_wait3A_76 = arith.constant 0 : i32
      %dma_wait3A_77 = tpu.memref_slice %arg10[%add3A_21, %dma_wait3A_76] : memref<10112x128xf32, #tpu.memory_space<vmem_shared>> -> memref<80x128xf32, #tpu.memory_space<vmem_shared>>
      %dma_wait3A_78 = arith.constant 0 : i32
      %dma_wait3A_79 = tpu.memref_slice %arg10[%add3A_21, %dma_wait3A_78] : memref<10112x128xf32, #tpu.memory_space<vmem_shared>> -> memref<80x128xf32, #tpu.memory_space<vmem_shared>>
      %dma_wait3A_80 = arith.constant 0 : i32
      %dma_wait3A_81 = arith.constant 0 : i32
      %dma_wait3A_82 = tpu.memref_slice %arg8[%dma_wait3A_80, %dma_wait3A_81] : memref<80x128xf32, #tpu.memory_space<vmem>> -> memref<80x128xf32, #tpu.memory_space<vmem>>
      tpu.wait_dma2 semaphore(%run_scoped3A : memref<!tpu.dma_semaphore, #tpu.memory_space<semaphore_mem>>) src(%dma_wait3A_82 : memref<80x128xf32, #tpu.memory_space<vmem>>) dst(%dma_wait3A_79 : memref<80x128xf32, #tpu.memory_space<vmem_shared>>)
      tpu.yield
    }) : () -> ()
    %add3A_22 = arith.constant 560 : i32
    %add3A_23 = arith.addi %mul3A_2, %add3A_22 : i32
    "tpu.region"() ({
      %run_scoped3A = tpu.sem_alloc : memref<!tpu.dma_semaphore, #tpu.memory_space<semaphore_mem>>
      %dma_start3A_63 = arith.constant 0 : i32
      %dma_start3A_64 = arith.constant 0 : i32
      %dma_start3A_65 = tpu.memref_slice %arg8[%dma_start3A_63, %dma_start3A_64] : memref<80x128xf32, #tpu.memory_space<vmem>> -> memref<72x128xf32, #tpu.memory_space<vmem>>
      %dma_start3A_66 = arith.constant 0 : i32
      %dma_start3A_67 = tpu.memref_slice %arg10[%add3A_23, %dma_start3A_66] : memref<10112x128xf32, #tpu.memory_space<vmem_shared>> -> memref<72x128xf32, #tpu.memory_space<vmem_shared>>
      %dma_start3A_68 = arith.constant 0 : i32
      %dma_start3A_69 = tpu.memref_slice %arg10[%add3A_23, %dma_start3A_68] : memref<10112x128xf32, #tpu.memory_space<vmem_shared>> -> memref<72x128xf32, #tpu.memory_space<vmem_shared>>
      %dma_start3A_70 = arith.constant 0 : i32
      %dma_start3A_71 = arith.constant 0 : i32
      %dma_start3A_72 = tpu.memref_slice %arg8[%dma_start3A_70, %dma_start3A_71] : memref<80x128xf32, #tpu.memory_space<vmem>> -> memref<72x128xf32, #tpu.memory_space<vmem>>
      tpu.enqueue_dma source(%dma_start3A_72 : memref<72x128xf32, #tpu.memory_space<vmem>>) target(%dma_start3A_69 : memref<72x128xf32, #tpu.memory_space<vmem_shared>>) target_semaphore(%run_scoped3A : memref<!tpu.dma_semaphore, #tpu.memory_space<semaphore_mem>>)
      %dma_wait3A_73 = arith.constant 0 : i32
      %dma_wait3A_74 = arith.constant 0 : i32
      %dma_wait3A_75 = tpu.memref_slice %arg8[%dma_wait3A_73, %dma_wait3A_74] : memref<80x128xf32, #tpu.memory_space<vmem>> -> memref<72x128xf32, #tpu.memory_space<vmem>>
      %dma_wait3A_76 = arith.constant 0 : i32
      %dma_wait3A_77 = tpu.memref_slice %arg10[%add3A_23, %dma_wait3A_76] : memref<10112x128xf32, #tpu.memory_space<vmem_shared>> -> memref<72x128xf32, #tpu.memory_space<vmem_shared>>
      %dma_wait3A_78 = arith.constant 0 : i32
      %dma_wait3A_79 = tpu.memref_slice %arg10[%add3A_23, %dma_wait3A_78] : memref<10112x128xf32, #tpu.memory_space<vmem_shared>> -> memref<72x128xf32, #tpu.memory_space<vmem_shared>>
      %dma_wait3A_80 = arith.constant 0 : i32
      %dma_wait3A_81 = arith.constant 0 : i32
      %dma_wait3A_82 = tpu.memref_slice %arg8[%dma_wait3A_80, %dma_wait3A_81] : memref<80x128xf32, #tpu.memory_space<vmem>> -> memref<72x128xf32, #tpu.memory_space<vmem>>
      tpu.wait_dma2 semaphore(%run_scoped3A : memref<!tpu.dma_semaphore, #tpu.memory_space<semaphore_mem>>) src(%dma_wait3A_82 : memref<72x128xf32, #tpu.memory_space<vmem>>) dst(%dma_wait3A_79 : memref<72x128xf32, #tpu.memory_space<vmem_shared>>)
      tpu.yield
    }) : () -> ()
    %mul3A_24 = arith.constant 10000 : i32
    %mul3A_25 = arith.muli %add3A, %mul3A_24 : i32
    "tpu.region"() ({
      %run_scoped3A = tpu.sem_alloc : memref<!tpu.dma_semaphore, #tpu.memory_space<semaphore_mem>>
      %dma_start3A_63 = tpu.memref_slice %arg2[%mul3A_25] : memref<320000xi32, #tpu.memory_space<hbm>> -> memref<10000xi32, #tpu.memory_space<hbm>>
      %dma_start3A_64 = tpu.memref_slice %arg2[%mul3A_25] : memref<320000xi32, #tpu.memory_space<hbm>> -> memref<10000xi32, #tpu.memory_space<hbm>>
      tpu.enqueue_dma source(%dma_start3A_64 : memref<10000xi32, #tpu.memory_space<hbm>>) target(%arg6 : memref<10000xi32, #tpu.memory_space<vmem>>) target_semaphore(%run_scoped3A : memref<!tpu.dma_semaphore, #tpu.memory_space<semaphore_mem>>)
      %dma_wait3A_65 = tpu.memref_slice %arg2[%mul3A_25] : memref<320000xi32, #tpu.memory_space<hbm>> -> memref<10000xi32, #tpu.memory_space<hbm>>
      %dma_wait3A_66 = tpu.memref_slice %arg2[%mul3A_25] : memref<320000xi32, #tpu.memory_space<hbm>> -> memref<10000xi32, #tpu.memory_space<hbm>>
      tpu.wait_dma2 semaphore(%run_scoped3A : memref<!tpu.dma_semaphore, #tpu.memory_space<semaphore_mem>>) src(%dma_wait3A_66 : memref<10000xi32, #tpu.memory_space<hbm>>) dst(%arg6 : memref<10000xi32, #tpu.memory_space<vmem>>)
      tpu.yield
    }) : () -> ()
    %mul3A_26 = arith.constant 10000 : i32
    %mul3A_27 = arith.muli %add3A, %mul3A_26 : i32
    "tpu.region"() ({
      %run_scoped3A = tpu.sem_alloc : memref<!tpu.dma_semaphore, #tpu.memory_space<semaphore_mem>>
      %dma_start3A_63 = tpu.memref_slice %arg3[%mul3A_27] : memref<320000xi32, #tpu.memory_space<hbm>> -> memref<10000xi32, #tpu.memory_space<hbm>>
      %dma_start3A_64 = tpu.memref_slice %arg3[%mul3A_27] : memref<320000xi32, #tpu.memory_space<hbm>> -> memref<10000xi32, #tpu.memory_space<hbm>>
      tpu.enqueue_dma source(%dma_start3A_64 : memref<10000xi32, #tpu.memory_space<hbm>>) target(%arg7 : memref<10000xi32, #tpu.memory_space<vmem>>) target_semaphore(%run_scoped3A : memref<!tpu.dma_semaphore, #tpu.memory_space<semaphore_mem>>)
      %dma_wait3A_65 = tpu.memref_slice %arg3[%mul3A_27] : memref<320000xi32, #tpu.memory_space<hbm>> -> memref<10000xi32, #tpu.memory_space<hbm>>
      %dma_wait3A_66 = tpu.memref_slice %arg3[%mul3A_27] : memref<320000xi32, #tpu.memory_space<hbm>> -> memref<10000xi32, #tpu.memory_space<hbm>>
      tpu.wait_dma2 semaphore(%run_scoped3A : memref<!tpu.dma_semaphore, #tpu.memory_space<semaphore_mem>>) src(%dma_wait3A_66 : memref<10000xi32, #tpu.memory_space<hbm>>) dst(%arg7 : memref<10000xi32, #tpu.memory_space<vmem>>)
      tpu.yield
    }) : () -> ()
    %barrier3A = arith.constant 0 : index
    tpu.barrier barrier_id(%barrier3A)
    %dma_start3A = arith.constant 0 : i32
    %dma_start3A_28 = tpu.memref_slice %arg6[%dma_start3A] : memref<10000xi32, #tpu.memory_space<vmem>> -> memref<80xi32, #tpu.memory_space<vmem>>
    %dma_start3A_29 = arith.constant 0 : i32
    %dma_start3A_30 = arith.constant 0 : i32
    %dma_start3A_31 = tpu.memref_slice %arg4[%dma_start3A_29, %dma_start3A_30] : memref<10000x128xf32, #tpu.memory_space<hbm>> -> memref<10000x128xf32, #tpu.memory_space<hbm>>
    tpu.enqueue_indirect_dma source(%dma_start3A_31 : memref<10000x128xf32, #tpu.memory_space<hbm>>) target(%arg8 : memref<80x128xf32, #tpu.memory_space<vmem>>) offsets(%dma_start3A_28 : memref<80xi32, #tpu.memory_space<vmem>>) semaphore(%arg11 : memref<!tpu.dma_semaphore, #tpu.memory_space<semaphore_mem>>)
    %dma_start3A_32 = arith.constant 80 : i32
    %dma_start3A_33 = tpu.memref_slice %arg6[%dma_start3A_32] : memref<10000xi32, #tpu.memory_space<vmem>> -> memref<80xi32, #tpu.memory_space<vmem>>
    %dma_start3A_34 = arith.constant 0 : i32
    %dma_start3A_35 = arith.constant 0 : i32
    %dma_start3A_36 = tpu.memref_slice %arg4[%dma_start3A_34, %dma_start3A_35] : memref<10000x128xf32, #tpu.memory_space<hbm>> -> memref<10000x128xf32, #tpu.memory_space<hbm>>
    tpu.enqueue_indirect_dma source(%dma_start3A_36 : memref<10000x128xf32, #tpu.memory_space<hbm>>) target(%arg9 : memref<80x128xf32, #tpu.memory_space<vmem>>) offsets(%dma_start3A_33 : memref<80xi32, #tpu.memory_space<vmem>>) semaphore(%arg12 : memref<!tpu.dma_semaphore, #tpu.memory_space<semaphore_mem>>)
    %scan3A_37 = arith.constant 0 : i32
    %scan3A_38 = arith.constant 0 : i32
    %scan3A_39 = arith.constant 61 : i32
    %scan3A_40 = arith.addi %scan3A_38, %scan3A_39 : i32
    %scan3A_41 = arith.constant 1 : i32
    scf.for %scan3A_63 = %scan3A_38 to %scan3A_40 step %scan3A_41  : i32 {
      %mul3A_64 = arith.constant 2 : i32
      %mul3A_65 = arith.muli %mul3A_64, %scan3A_63 : i32
      %add3A_66 = arith.constant 0 : i32
      %add3A_67 = arith.addi %mul3A_65, %add3A_66 : i32
      %mul3A_68 = arith.constant 80 : i32
      %mul3A_69 = arith.muli %add3A_67, %mul3A_68 : i32
      %dma_wait3A_70 = tpu.memref_slice %arg6[%mul3A_69] : memref<10000xi32, #tpu.memory_space<vmem>> -> memref<80xi32, #tpu.memory_space<vmem>>
      %dma_wait3A_71 = arith.constant 0 : i32
      %dma_wait3A_72 = arith.constant 0 : i32
      %dma_wait3A_73 = tpu.memref_slice %arg4[%dma_wait3A_71, %dma_wait3A_72] : memref<10000x128xf32, #tpu.memory_space<hbm>> -> memref<10000x128xf32, #tpu.memory_space<hbm>>
      tpu.wait_indirect_dma semaphore(%arg11 : memref<!tpu.dma_semaphore, #tpu.memory_space<semaphore_mem>>) src(%dma_wait3A_73 : memref<10000x128xf32, #tpu.memory_space<hbm>>) dst(%arg8 : memref<80x128xf32, #tpu.memory_space<vmem>>)
      %mul3A_74 = arith.constant 80 : i32
      %mul3A_75 = arith.muli %add3A_67, %mul3A_74 : i32
      "tpu.region"() ({
        %run_scoped3A = tpu.sem_alloc : memref<!tpu.dma_semaphore, #tpu.memory_space<semaphore_mem>>
        %dma_start3A_106 = tpu.memref_slice %arg7[%mul3A_75] : memref<10000xi32, #tpu.memory_space<vmem>> -> memref<80xi32, #tpu.memory_space<vmem>>
        %dma_start3A_107 = arith.constant 0 : i32
        %dma_start3A_108 = arith.constant 0 : i32
        %dma_start3A_109 = tpu.memref_slice %arg10[%dma_start3A_107, %dma_start3A_108] : memref<10112x128xf32, #tpu.memory_space<vmem_shared>> -> memref<10112x128xf32, #tpu.memory_space<vmem_shared>>
        tpu.enqueue_indirect_dma source(%arg8 : memref<80x128xf32, #tpu.memory_space<vmem>>) target(%dma_start3A_109 : memref<10112x128xf32, #tpu.memory_space<vmem_shared>>) offsets(%dma_start3A_106 : memref<80xi32, #tpu.memory_space<vmem>>) semaphore(%run_scoped3A : memref<!tpu.dma_semaphore, #tpu.memory_space<semaphore_mem>>) {add = true}
        %dma_wait3A_110 = tpu.memref_slice %arg7[%mul3A_75] : memref<10000xi32, #tpu.memory_space<vmem>> -> memref<80xi32, #tpu.memory_space<vmem>>
        %dma_wait3A_111 = arith.constant 0 : i32
        %dma_wait3A_112 = arith.constant 0 : i32
        %dma_wait3A_113 = tpu.memref_slice %arg10[%dma_wait3A_111, %dma_wait3A_112] : memref<10112x128xf32, #tpu.memory_space<vmem_shared>> -> memref<10112x128xf32, #tpu.memory_space<vmem_shared>>
        tpu.wait_indirect_dma semaphore(%run_scoped3A : memref<!tpu.dma_semaphore, #tpu.memory_space<semaphore_mem>>) src(%arg8 : memref<80x128xf32, #tpu.memory_space<vmem>>) dst(%dma_wait3A_113 : memref<10112x128xf32, #tpu.memory_space<vmem_shared>>)
        tpu.yield
      }) : () -> ()
      %add3A_76 = arith.constant 0 : i32
      %add3A_77 = arith.addi %mul3A_65, %add3A_76 : i32
      %add3A_78 = arith.constant 2 : i32
      %add3A_79 = arith.addi %add3A_77, %add3A_78 : i32
      %mul3A_80 = arith.constant 80 : i32
      %mul3A_81 = arith.muli %add3A_79, %mul3A_80 : i32
      %dma_start3A_82 = tpu.memref_slice %arg6[%mul3A_81] : memref<10000xi32, #tpu.memory_space<vmem>> -> memref<80xi32, #tpu.memory_space<vmem>>
      %dma_start3A_83 = arith.constant 0 : i32
      %dma_start3A_84 = arith.constant 0 : i32
      %dma_start3A_85 = tpu.memref_slice %arg4[%dma_start3A_83, %dma_start3A_84] : memref<10000x128xf32, #tpu.memory_space<hbm>> -> memref<10000x128xf32, #tpu.memory_space<hbm>>
      tpu.enqueue_indirect_dma source(%dma_start3A_85 : memref<10000x128xf32, #tpu.memory_space<hbm>>) target(%arg8 : memref<80x128xf32, #tpu.memory_space<vmem>>) offsets(%dma_start3A_82 : memref<80xi32, #tpu.memory_space<vmem>>) semaphore(%arg11 : memref<!tpu.dma_semaphore, #tpu.memory_space<semaphore_mem>>)
      %add3A_86 = arith.constant 1 : i32
      %add3A_87 = arith.addi %mul3A_65, %add3A_86 : i32
      %mul3A_88 = arith.constant 80 : i32
      %mul3A_89 = arith.muli %add3A_87, %mul3A_88 : i32
      %dma_wait3A_90 = tpu.memref_slice %arg6[%mul3A_89] : memref<10000xi32, #tpu.memory_space<vmem>> -> memref<80xi32, #tpu.memory_space<vmem>>
      %dma_wait3A_91 = arith.constant 0 : i32
      %dma_wait3A_92 = arith.constant 0 : i32
      %dma_wait3A_93 = tpu.memref_slice %arg4[%dma_wait3A_91, %dma_wait3A_92] : memref<10000x128xf32, #tpu.memory_space<hbm>> -> memref<10000x128xf32, #tpu.memory_space<hbm>>
      tpu.wait_indirect_dma semaphore(%arg12 : memref<!tpu.dma_semaphore, #tpu.memory_space<semaphore_mem>>) src(%dma_wait3A_93 : memref<10000x128xf32, #tpu.memory_space<hbm>>) dst(%arg9 : memref<80x128xf32, #tpu.memory_space<vmem>>)
      %mul3A_94 = arith.constant 80 : i32
      %mul3A_95 = arith.muli %add3A_87, %mul3A_94 : i32
      "tpu.region"() ({
        %run_scoped3A = tpu.sem_alloc : memref<!tpu.dma_semaphore, #tpu.memory_space<semaphore_mem>>
        %dma_start3A_106 = tpu.memref_slice %arg7[%mul3A_95] : memref<10000xi32, #tpu.memory_space<vmem>> -> memref<80xi32, #tpu.memory_space<vmem>>
        %dma_start3A_107 = arith.constant 0 : i32
        %dma_start3A_108 = arith.constant 0 : i32
        %dma_start3A_109 = tpu.memref_slice %arg10[%dma_start3A_107, %dma_start3A_108] : memref<10112x128xf32, #tpu.memory_space<vmem_shared>> -> memref<10112x128xf32, #tpu.memory_space<vmem_shared>>
        tpu.enqueue_indirect_dma source(%arg9 : memref<80x128xf32, #tpu.memory_space<vmem>>) target(%dma_start3A_109 : memref<10112x128xf32, #tpu.memory_space<vmem_shared>>) offsets(%dma_start3A_106 : memref<80xi32, #tpu.memory_space<vmem>>) semaphore(%run_scoped3A : memref<!tpu.dma_semaphore, #tpu.memory_space<semaphore_mem>>) {add = true}
        %dma_wait3A_110 = tpu.memref_slice %arg7[%mul3A_95] : memref<10000xi32, #tpu.memory_space<vmem>> -> memref<80xi32, #tpu.memory_space<vmem>>
        %dma_wait3A_111 = arith.constant 0 : i32
        %dma_wait3A_112 = arith.constant 0 : i32
        %dma_wait3A_113 = tpu.memref_slice %arg10[%dma_wait3A_111, %dma_wait3A_112] : memref<10112x128xf32, #tpu.memory_space<vmem_shared>> -> memref<10112x128xf32, #tpu.memory_space<vmem_shared>>
        tpu.wait_indirect_dma semaphore(%run_scoped3A : memref<!tpu.dma_semaphore, #tpu.memory_space<semaphore_mem>>) src(%arg9 : memref<80x128xf32, #tpu.memory_space<vmem>>) dst(%dma_wait3A_113 : memref<10112x128xf32, #tpu.memory_space<vmem_shared>>)
        tpu.yield
      }) : () -> ()
      %add3A_96 = arith.constant 1 : i32
      %add3A_97 = arith.addi %mul3A_65, %add3A_96 : i32
      %add3A_98 = arith.constant 2 : i32
      %add3A_99 = arith.addi %add3A_97, %add3A_98 : i32
      %mul3A_100 = arith.constant 80 : i32
      %mul3A_101 = arith.muli %add3A_99, %mul3A_100 : i32
      %dma_start3A_102 = tpu.memref_slice %arg6[%mul3A_101] : memref<10000xi32, #tpu.memory_space<vmem>> -> memref<80xi32, #tpu.memory_space<vmem>>
      %dma_start3A_103 = arith.constant 0 : i32
      %dma_start3A_104 = arith.constant 0 : i32
      %dma_start3A_105 = tpu.memref_slice %arg4[%dma_start3A_103, %dma_start3A_104] : memref<10000x128xf32, #tpu.memory_space<hbm>> -> memref<10000x128xf32, #tpu.memory_space<hbm>>
      tpu.enqueue_indirect_dma source(%dma_start3A_105 : memref<10000x128xf32, #tpu.memory_space<hbm>>) target(%arg9 : memref<80x128xf32, #tpu.memory_space<vmem>>) offsets(%dma_start3A_102 : memref<80xi32, #tpu.memory_space<vmem>>) semaphore(%arg12 : memref<!tpu.dma_semaphore, #tpu.memory_space<semaphore_mem>>)
    }
    %scan3A_42 = arith.constant 61 : i32
    %dma_wait3A = arith.constant 9760 : i32
    %dma_wait3A_43 = tpu.memref_slice %arg6[%dma_wait3A] : memref<10000xi32, #tpu.memory_space<vmem>> -> memref<80xi32, #tpu.memory_space<vmem>>
    %dma_wait3A_44 = arith.constant 0 : i32
    %dma_wait3A_45 = arith.constant 0 : i32
    %dma_wait3A_46 = tpu.memref_slice %arg4[%dma_wait3A_44, %dma_wait3A_45] : memref<10000x128xf32, #tpu.memory_space<hbm>> -> memref<10000x128xf32, #tpu.memory_space<hbm>>
    tpu.wait_indirect_dma semaphore(%arg11 : memref<!tpu.dma_semaphore, #tpu.memory_space<semaphore_mem>>) src(%dma_wait3A_46 : memref<10000x128xf32, #tpu.memory_space<hbm>>) dst(%arg8 : memref<80x128xf32, #tpu.memory_space<vmem>>)
    "tpu.region"() ({
      %run_scoped3A = tpu.sem_alloc : memref<!tpu.dma_semaphore, #tpu.memory_space<semaphore_mem>>
      %dma_start3A_63 = arith.constant 9760 : i32
      %dma_start3A_64 = tpu.memref_slice %arg7[%dma_start3A_63] : memref<10000xi32, #tpu.memory_space<vmem>> -> memref<80xi32, #tpu.memory_space<vmem>>
      %dma_start3A_65 = arith.constant 0 : i32
      %dma_start3A_66 = arith.constant 0 : i32
      %dma_start3A_67 = tpu.memref_slice %arg10[%dma_start3A_65, %dma_start3A_66] : memref<10112x128xf32, #tpu.memory_space<vmem_shared>> -> memref<10112x128xf32, #tpu.memory_space<vmem_shared>>
      tpu.enqueue_indirect_dma source(%arg8 : memref<80x128xf32, #tpu.memory_space<vmem>>) target(%dma_start3A_67 : memref<10112x128xf32, #tpu.memory_space<vmem_shared>>) offsets(%dma_start3A_64 : memref<80xi32, #tpu.memory_space<vmem>>) semaphore(%run_scoped3A : memref<!tpu.dma_semaphore, #tpu.memory_space<semaphore_mem>>) {add = true}
      %dma_wait3A_68 = arith.constant 9760 : i32
      %dma_wait3A_69 = tpu.memref_slice %arg7[%dma_wait3A_68] : memref<10000xi32, #tpu.memory_space<vmem>> -> memref<80xi32, #tpu.memory_space<vmem>>
      %dma_wait3A_70 = arith.constant 0 : i32
      %dma_wait3A_71 = arith.constant 0 : i32
      %dma_wait3A_72 = tpu.memref_slice %arg10[%dma_wait3A_70, %dma_wait3A_71] : memref<10112x128xf32, #tpu.memory_space<vmem_shared>> -> memref<10112x128xf32, #tpu.memory_space<vmem_shared>>
      tpu.wait_indirect_dma semaphore(%run_scoped3A : memref<!tpu.dma_semaphore, #tpu.memory_space<semaphore_mem>>) src(%arg8 : memref<80x128xf32, #tpu.memory_space<vmem>>) dst(%dma_wait3A_72 : memref<10112x128xf32, #tpu.memory_space<vmem_shared>>)
      tpu.yield
    }) : () -> ()
    %dma_start3A_47 = arith.constant 9920 : i32
    %dma_start3A_48 = tpu.memref_slice %arg6[%dma_start3A_47] : memref<10000xi32, #tpu.memory_space<vmem>> -> memref<80xi32, #tpu.memory_space<vmem>>
    %dma_start3A_49 = arith.constant 0 : i32
    %dma_start3A_50 = arith.constant 0 : i32
    %dma_start3A_51 = tpu.memref_slice %arg4[%dma_start3A_49, %dma_start3A_50] : memref<10000x128xf32, #tpu.memory_space<hbm>> -> memref<10000x128xf32, #tpu.memory_space<hbm>>
    tpu.enqueue_indirect_dma source(%dma_start3A_51 : memref<10000x128xf32, #tpu.memory_space<hbm>>) target(%arg8 : memref<80x128xf32, #tpu.memory_space<vmem>>) offsets(%dma_start3A_48 : memref<80xi32, #tpu.memory_space<vmem>>) semaphore(%arg11 : memref<!tpu.dma_semaphore, #tpu.memory_space<semaphore_mem>>)
    %dma_wait3A_52 = arith.constant 9840 : i32
    %dma_wait3A_53 = tpu.memref_slice %arg6[%dma_wait3A_52] : memref<10000xi32, #tpu.memory_space<vmem>> -> memref<80xi32, #tpu.memory_space<vmem>>
    %dma_wait3A_54 = arith.constant 0 : i32
    %dma_wait3A_55 = arith.constant 0 : i32
    %dma_wait3A_56 = tpu.memref_slice %arg4[%dma_wait3A_54, %dma_wait3A_55] : memref<10000x128xf32, #tpu.memory_space<hbm>> -> memref<10000x128xf32, #tpu.memory_space<hbm>>
    tpu.wait_indirect_dma semaphore(%arg12 : memref<!tpu.dma_semaphore, #tpu.memory_space<semaphore_mem>>) src(%dma_wait3A_56 : memref<10000x128xf32, #tpu.memory_space<hbm>>) dst(%arg9 : memref<80x128xf32, #tpu.memory_space<vmem>>)
    "tpu.region"() ({
      %run_scoped3A = tpu.sem_alloc : memref<!tpu.dma_semaphore, #tpu.memory_space<semaphore_mem>>
      %dma_start3A_63 = arith.constant 9840 : i32
      %dma_start3A_64 = tpu.memref_slice %arg7[%dma_start3A_63] : memref<10000xi32, #tpu.memory_space<vmem>> -> memref<80xi32, #tpu.memory_space<vmem>>
      %dma_start3A_65 = arith.constant 0 : i32
      %dma_start3A_66 = arith.constant 0 : i32
      %dma_start3A_67 = tpu.memref_slice %arg10[%dma_start3A_65, %dma_start3A_66] : memref<10112x128xf32, #tpu.memory_space<vmem_shared>> -> memref<10112x128xf32, #tpu.memory_space<vmem_shared>>
      tpu.enqueue_indirect_dma source(%arg9 : memref<80x128xf32, #tpu.memory_space<vmem>>) target(%dma_start3A_67 : memref<10112x128xf32, #tpu.memory_space<vmem_shared>>) offsets(%dma_start3A_64 : memref<80xi32, #tpu.memory_space<vmem>>) semaphore(%run_scoped3A : memref<!tpu.dma_semaphore, #tpu.memory_space<semaphore_mem>>) {add = true}
      %dma_wait3A_68 = arith.constant 9840 : i32
      %dma_wait3A_69 = tpu.memref_slice %arg7[%dma_wait3A_68] : memref<10000xi32, #tpu.memory_space<vmem>> -> memref<80xi32, #tpu.memory_space<vmem>>
      %dma_wait3A_70 = arith.constant 0 : i32
      %dma_wait3A_71 = arith.constant 0 : i32
      %dma_wait3A_72 = tpu.memref_slice %arg10[%dma_wait3A_70, %dma_wait3A_71] : memref<10112x128xf32, #tpu.memory_space<vmem_shared>> -> memref<10112x128xf32, #tpu.memory_space<vmem_shared>>
      tpu.wait_indirect_dma semaphore(%run_scoped3A : memref<!tpu.dma_semaphore, #tpu.memory_space<semaphore_mem>>) src(%arg9 : memref<80x128xf32, #tpu.memory_space<vmem>>) dst(%dma_wait3A_72 : memref<10112x128xf32, #tpu.memory_space<vmem_shared>>)
      tpu.yield
    }) : () -> ()
    %dma_wait3A_57 = arith.constant 9920 : i32
    %dma_wait3A_58 = tpu.memref_slice %arg6[%dma_wait3A_57] : memref<10000xi32, #tpu.memory_space<vmem>> -> memref<80xi32, #tpu.memory_space<vmem>>
    %dma_wait3A_59 = arith.constant 0 : i32
    %dma_wait3A_60 = arith.constant 0 : i32
    %dma_wait3A_61 = tpu.memref_slice %arg4[%dma_wait3A_59, %dma_wait3A_60] : memref<10000x128xf32, #tpu.memory_space<hbm>> -> memref<10000x128xf32, #tpu.memory_space<hbm>>
    tpu.wait_indirect_dma semaphore(%arg11 : memref<!tpu.dma_semaphore, #tpu.memory_space<semaphore_mem>>) src(%dma_wait3A_61 : memref<10000x128xf32, #tpu.memory_space<hbm>>) dst(%arg8 : memref<80x128xf32, #tpu.memory_space<vmem>>)
    "tpu.region"() ({
      %run_scoped3A = tpu.sem_alloc : memref<!tpu.dma_semaphore, #tpu.memory_space<semaphore_mem>>
      %dma_start3A_63 = arith.constant 9920 : i32
      %dma_start3A_64 = tpu.memref_slice %arg7[%dma_start3A_63] : memref<10000xi32, #tpu.memory_space<vmem>> -> memref<80xi32, #tpu.memory_space<vmem>>
      %dma_start3A_65 = arith.constant 0 : i32
      %dma_start3A_66 = arith.constant 0 : i32
      %dma_start3A_67 = tpu.memref_slice %arg10[%dma_start3A_65, %dma_start3A_66] : memref<10112x128xf32, #tpu.memory_space<vmem_shared>> -> memref<10112x128xf32, #tpu.memory_space<vmem_shared>>
      tpu.enqueue_indirect_dma source(%arg8 : memref<80x128xf32, #tpu.memory_space<vmem>>) target(%dma_start3A_67 : memref<10112x128xf32, #tpu.memory_space<vmem_shared>>) offsets(%dma_start3A_64 : memref<80xi32, #tpu.memory_space<vmem>>) semaphore(%run_scoped3A : memref<!tpu.dma_semaphore, #tpu.memory_space<semaphore_mem>>) {add = true}
      %dma_wait3A_68 = arith.constant 9920 : i32
      %dma_wait3A_69 = tpu.memref_slice %arg7[%dma_wait3A_68] : memref<10000xi32, #tpu.memory_space<vmem>> -> memref<80xi32, #tpu.memory_space<vmem>>
      %dma_wait3A_70 = arith.constant 0 : i32
      %dma_wait3A_71 = arith.constant 0 : i32
      %dma_wait3A_72 = tpu.memref_slice %arg10[%dma_wait3A_70, %dma_wait3A_71] : memref<10112x128xf32, #tpu.memory_space<vmem_shared>> -> memref<10112x128xf32, #tpu.memory_space<vmem_shared>>
      tpu.wait_indirect_dma semaphore(%run_scoped3A : memref<!tpu.dma_semaphore, #tpu.memory_space<semaphore_mem>>) src(%arg8 : memref<80x128xf32, #tpu.memory_space<vmem>>) dst(%dma_wait3A_72 : memref<10112x128xf32, #tpu.memory_space<vmem_shared>>)
      tpu.yield
    }) : () -> ()
    %barrier3A_62 = arith.constant 0 : index
    tpu.barrier barrier_id(%barrier3A_62)
    "tpu.region"() ({
      %run_scoped3A = tpu.sem_alloc : memref<!tpu.dma_semaphore, #tpu.memory_space<semaphore_mem>>
      %dma_start3A_63 = arith.constant 0 : i32
      %dma_start3A_64 = tpu.memref_slice %arg5[%arg0, %mul3A_2, %dma_start3A_63] : memref<2x10112x128xf32, #tpu.memory_space<hbm>> -> memref<1x632x128xf32, #tpu.memory_space<hbm>>
      %dma_start3A_65 = tpu.memref_squeeze %dma_start3A_64 : memref<1x632x128xf32, #tpu.memory_space<hbm>> -> memref<632x128xf32, #tpu.memory_space<hbm>>
      %dma_start3A_66 = arith.constant 0 : i32
      %dma_start3A_67 = tpu.memref_slice %arg10[%mul3A_2, %dma_start3A_66] : memref<10112x128xf32, #tpu.memory_space<vmem_shared>> -> memref<632x128xf32, #tpu.memory_space<vmem_shared>>
      tpu.enqueue_dma source(%dma_start3A_67 : memref<632x128xf32, #tpu.memory_space<vmem_shared>>) target(%dma_start3A_65 : memref<632x128xf32, #tpu.memory_space<hbm>>) target_semaphore(%run_scoped3A : memref<!tpu.dma_semaphore, #tpu.memory_space<semaphore_mem>>)
      %dma_wait3A_68 = arith.constant 0 : i32
      %dma_wait3A_69 = tpu.memref_slice %arg5[%arg0, %mul3A_2, %dma_wait3A_68] : memref<2x10112x128xf32, #tpu.memory_space<hbm>> -> memref<1x632x128xf32, #tpu.memory_space<hbm>>
      %dma_wait3A_70 = tpu.memref_squeeze %dma_wait3A_69 : memref<1x632x128xf32, #tpu.memory_space<hbm>> -> memref<632x128xf32, #tpu.memory_space<hbm>>
      %dma_wait3A_71 = arith.constant 0 : i32
      %dma_wait3A_72 = tpu.memref_slice %arg10[%mul3A_2, %dma_wait3A_71] : memref<10112x128xf32, #tpu.memory_space<vmem_shared>> -> memref<632x128xf32, #tpu.memory_space<vmem_shared>>
      tpu.wait_dma2 semaphore(%run_scoped3A : memref<!tpu.dma_semaphore, #tpu.memory_space<semaphore_mem>>) src(%dma_wait3A_72 : memref<632x128xf32, #tpu.memory_space<vmem_shared>>) dst(%dma_wait3A_70 : memref<632x128xf32, #tpu.memory_space<hbm>>)
      tpu.yield
    }) : () -> ()
    return
  }
}

#map = affine_map<(d0, d1) -> (0)>
#map1 = affine_map<(d0, d1) -> (0, 0)>
#map2 = affine_map<(d0, d1) -> (0, 0, 0)>
module attributes {stable_mosaic.version = 14 : i64} {
  func.func @_sc_agg_body(%arg0: i32, %arg1: i32, %arg2: memref<320000xi32, #tpu.memory_space<hbm>>, %arg3: memref<320000xi32, #tpu.memory_space<hbm>>, %arg4: memref<10000x128xf32, #tpu.memory_space<hbm>>, %arg5: memref<2x10112x128xf32, #tpu.memory_space<hbm>>, %arg6: memref<10000xi32, #tpu.memory_space<vmem>>, %arg7: memref<10000xi32, #tpu.memory_space<vmem>>, %arg8: memref<80x128xf32, #tpu.memory_space<vmem>>, %arg9: memref<80x128xf32, #tpu.memory_space<vmem>>, %arg10: memref<10112x128xf32, #tpu.memory_space<vmem_shared>>, %arg11: memref<!tpu.dma_semaphore, #tpu.memory_space<semaphore_mem>>, %arg12: memref<!tpu.dma_semaphore, #tpu.memory_space<semaphore_mem>>) attributes {dimension_semantics = [#tpu.dimension_semantics<core_parallel>, #tpu.dimension_semantics<subcore_parallel>], iteration_bounds = array<i64: 2, 16>, scalar_prefetch = 0 : i64, scratch_operands = 7 : i64, tpu.core_type = #tpu.core_type<sc_vector_subcore>, window_params = [{transform_indices = #map}, {transform_indices = #map}, {transform_indices = #map1}, {transform_indices = #map2}]} {
    %mul3A = arith.constant 2 : i32
    %mul3A_0 = arith.muli %arg1, %mul3A : i32
    %add3A = arith.addi %mul3A_0, %arg0 : i32
    %mul3A_1 = arith.constant 632 : i32
    %mul3A_2 = arith.muli %arg1, %mul3A_1 : i32
    %scan3A = arith.constant 0 : i32
    %scan3A_3 = arith.constant 0 : i32
    %scan3A_4 = arith.constant 80 : i32
    %scan3A_5 = arith.addi %scan3A_3, %scan3A_4 : i32
    %scan3A_6 = arith.constant 1 : i32
    scf.for %scan3A_63 = %scan3A_3 to %scan3A_5 step %scan3A_6  : i32 {
      %broadcast_in_dim3A = arith.constant 0.000000e+00 : f32
      %broadcast_in_dim3A_64 = vector.broadcast %broadcast_in_dim3A : f32 to vector<16xf32>
      %swap3A = arith.index_cast %scan3A_63 : i32 to index
      %swap3A_65 = arith.constant 0 : index
      %swap3A_66 = tpu.vector_load %arg8[%swap3A, %swap3A_65] {strides = array<i32>} : memref<80x128xf32, #tpu.memory_space<vmem>>, vector<1x16xf32>,
      %swap3A_67 = vector.shape_cast %swap3A_66 : vector<1x16xf32> to vector<16xf32>
      %swap3A_68 = vector.shape_cast %broadcast_in_dim3A_64 : vector<16xf32> to vector<1x16xf32>
      tpu.vector_store %arg8[%swap3A, %swap3A_65], %swap3A_68 {strides = array<i32>} : memref<80x128xf32, #tpu.memory_space<vmem>>, vector<1x16xf32>,
      %broadcast_in_dim3A_69 = arith.constant 0.000000e+00 : f32
      %broadcast_in_dim3A_70 = vector.broadcast %broadcast_in_dim3A_69 : f32 to vector<16xf32>
      %swap3A_71 = arith.index_cast %scan3A_63 : i32 to index
      %swap3A_72 = arith.constant 16 : index
      %swap3A_73 = tpu.vector_load %arg8[%swap3A_71, %swap3A_72] {strides = array<i32>} : memref<80x128xf32, #tpu.memory_space<vmem>>, vector<1x16xf32>,
      %swap3A_74 = vector.shape_cast %swap3A_73 : vector<1x16xf32> to vector<16xf32>
      %swap3A_75 = vector.shape_cast %broadcast_in_dim3A_70 : vector<16xf32> to vector<1x16xf32>
      tpu.vector_store %arg8[%swap3A_71, %swap3A_72], %swap3A_75 {strides = array<i32>} : memref<80x128xf32, #tpu.memory_space<vmem>>, vector<1x16xf32>,
      %broadcast_in_dim3A_76 = arith.constant 0.000000e+00 : f32
      %broadcast_in_dim3A_77 = vector.broadcast %broadcast_in_dim3A_76 : f32 to vector<16xf32>
      %swap3A_78 = arith.index_cast %scan3A_63 : i32 to index
      %swap3A_79 = arith.constant 32 : index
      %swap3A_80 = tpu.vector_load %arg8[%swap3A_78, %swap3A_79] {strides = array<i32>} : memref<80x128xf32, #tpu.memory_space<vmem>>, vector<1x16xf32>,
      %swap3A_81 = vector.shape_cast %swap3A_80 : vector<1x16xf32> to vector<16xf32>
      %swap3A_82 = vector.shape_cast %broadcast_in_dim3A_77 : vector<16xf32> to vector<1x16xf32>
      tpu.vector_store %arg8[%swap3A_78, %swap3A_79], %swap3A_82 {strides = array<i32>} : memref<80x128xf32, #tpu.memory_space<vmem>>, vector<1x16xf32>,
      %broadcast_in_dim3A_83 = arith.constant 0.000000e+00 : f32
      %broadcast_in_dim3A_84 = vector.broadcast %broadcast_in_dim3A_83 : f32 to vector<16xf32>
      %swap3A_85 = arith.index_cast %scan3A_63 : i32 to index
      %swap3A_86 = arith.constant 48 : index
      %swap3A_87 = tpu.vector_load %arg8[%swap3A_85, %swap3A_86] {strides = array<i32>} : memref<80x128xf32, #tpu.memory_space<vmem>>, vector<1x16xf32>,
      %swap3A_88 = vector.shape_cast %swap3A_87 : vector<1x16xf32> to vector<16xf32>
      %swap3A_89 = vector.shape_cast %broadcast_in_dim3A_84 : vector<16xf32> to vector<1x16xf32>
      tpu.vector_store %arg8[%swap3A_85, %swap3A_86], %swap3A_89 {strides = array<i32>} : memref<80x128xf32, #tpu.memory_space<vmem>>, vector<1x16xf32>,
      %broadcast_in_dim3A_90 = arith.constant 0.000000e+00 : f32
      %broadcast_in_dim3A_91 = vector.broadcast %broadcast_in_dim3A_90 : f32 to vector<16xf32>
      %swap3A_92 = arith.index_cast %scan3A_63 : i32 to index
      %swap3A_93 = arith.constant 64 : index
      %swap3A_94 = tpu.vector_load %arg8[%swap3A_92, %swap3A_93] {strides = array<i32>} : memref<80x128xf32, #tpu.memory_space<vmem>>, vector<1x16xf32>,
      %swap3A_95 = vector.shape_cast %swap3A_94 : vector<1x16xf32> to vector<16xf32>
      %swap3A_96 = vector.shape_cast %broadcast_in_dim3A_91 : vector<16xf32> to vector<1x16xf32>
      tpu.vector_store %arg8[%swap3A_92, %swap3A_93], %swap3A_96 {strides = array<i32>} : memref<80x128xf32, #tpu.memory_space<vmem>>, vector<1x16xf32>,
      %broadcast_in_dim3A_97 = arith.constant 0.000000e+00 : f32
      %broadcast_in_dim3A_98 = vector.broadcast %broadcast_in_dim3A_97 : f32 to vector<16xf32>
      %swap3A_99 = arith.index_cast %scan3A_63 : i32 to index
      %swap3A_100 = arith.constant 80 : index
      %swap3A_101 = tpu.vector_load %arg8[%swap3A_99, %swap3A_100] {strides = array<i32>} : memref<80x128xf32, #tpu.memory_space<vmem>>, vector<1x16xf32>,
      %swap3A_102 = vector.shape_cast %swap3A_101 : vector<1x16xf32> to vector<16xf32>
      %swap3A_103 = vector.shape_cast %broadcast_in_dim3A_98 : vector<16xf32> to vector<1x16xf32>
      tpu.vector_store %arg8[%swap3A_99, %swap3A_100], %swap3A_103 {strides = array<i32>} : memref<80x128xf32, #tpu.memory_space<vmem>>, vector<1x16xf32>,
      %broadcast_in_dim3A_104 = arith.constant 0.000000e+00 : f32
      %broadcast_in_dim3A_105 = vector.broadcast %broadcast_in_dim3A_104 : f32 to vector<16xf32>
      %swap3A_106 = arith.index_cast %scan3A_63 : i32 to index
      %swap3A_107 = arith.constant 96 : index
      %swap3A_108 = tpu.vector_load %arg8[%swap3A_106, %swap3A_107] {strides = array<i32>} : memref<80x128xf32, #tpu.memory_space<vmem>>, vector<1x16xf32>,
      %swap3A_109 = vector.shape_cast %swap3A_108 : vector<1x16xf32> to vector<16xf32>
      %swap3A_110 = vector.shape_cast %broadcast_in_dim3A_105 : vector<16xf32> to vector<1x16xf32>
      tpu.vector_store %arg8[%swap3A_106, %swap3A_107], %swap3A_110 {strides = array<i32>} : memref<80x128xf32, #tpu.memory_space<vmem>>, vector<1x16xf32>,
      %broadcast_in_dim3A_111 = arith.constant 0.000000e+00 : f32
      %broadcast_in_dim3A_112 = vector.broadcast %broadcast_in_dim3A_111 : f32 to vector<16xf32>
      %swap3A_113 = arith.index_cast %scan3A_63 : i32 to index
      %swap3A_114 = arith.constant 112 : index
      %swap3A_115 = tpu.vector_load %arg8[%swap3A_113, %swap3A_114] {strides = array<i32>} : memref<80x128xf32, #tpu.memory_space<vmem>>, vector<1x16xf32>,
      %swap3A_116 = vector.shape_cast %swap3A_115 : vector<1x16xf32> to vector<16xf32>
      %swap3A_117 = vector.shape_cast %broadcast_in_dim3A_112 : vector<16xf32> to vector<1x16xf32>
      tpu.vector_store %arg8[%swap3A_113, %swap3A_114], %swap3A_117 {strides = array<i32>} : memref<80x128xf32, #tpu.memory_space<vmem>>, vector<1x16xf32>,
    }
    %scan3A_7 = arith.constant 80 : i32
    %add3A_8 = arith.constant 0 : i32
    %add3A_9 = arith.addi %mul3A_2, %add3A_8 : i32
    "tpu.region"() ({
      %run_scoped3A = tpu.sem_alloc : memref<!tpu.dma_semaphore, #tpu.memory_space<semaphore_mem>>
      %dma_start3A_63 = arith.constant 0 : i32
      %dma_start3A_64 = arith.constant 0 : i32
      %dma_start3A_65 = tpu.memref_slice %arg8[%dma_start3A_63, %dma_start3A_64] : memref<80x128xf32, #tpu.memory_space<vmem>> -> memref<80x128xf32, #tpu.memory_space<vmem>>
      %dma_start3A_66 = arith.constant 0 : i32
      %dma_start3A_67 = tpu.memref_slice %arg10[%add3A_9, %dma_start3A_66] : memref<10112x128xf32, #tpu.memory_space<vmem_shared>> -> memref<80x128xf32, #tpu.memory_space<vmem_shared>>
      %dma_start3A_68 = arith.constant 0 : i32
      %dma_start3A_69 = tpu.memref_slice %arg10[%add3A_9, %dma_start3A_68] : memref<10112x128xf32, #tpu.memory_space<vmem_shared>> -> memref<80x128xf32, #tpu.memory_space<vmem_shared>>
      %dma_start3A_70 = arith.constant 0 : i32
      %dma_start3A_71 = arith.constant 0 : i32
      %dma_start3A_72 = tpu.memref_slice %arg8[%dma_start3A_70, %dma_start3A_71] : memref<80x128xf32, #tpu.memory_space<vmem>> -> memref<80x128xf32, #tpu.memory_space<vmem>>
      tpu.enqueue_dma source(%dma_start3A_72 : memref<80x128xf32, #tpu.memory_space<vmem>>) target(%dma_start3A_69 : memref<80x128xf32, #tpu.memory_space<vmem_shared>>) target_semaphore(%run_scoped3A : memref<!tpu.dma_semaphore, #tpu.memory_space<semaphore_mem>>)
      %dma_wait3A_73 = arith.constant 0 : i32
      %dma_wait3A_74 = arith.constant 0 : i32
      %dma_wait3A_75 = tpu.memref_slice %arg8[%dma_wait3A_73, %dma_wait3A_74] : memref<80x128xf32, #tpu.memory_space<vmem>> -> memref<80x128xf32, #tpu.memory_space<vmem>>
      %dma_wait3A_76 = arith.constant 0 : i32
      %dma_wait3A_77 = tpu.memref_slice %arg10[%add3A_9, %dma_wait3A_76] : memref<10112x128xf32, #tpu.memory_space<vmem_shared>> -> memref<80x128xf32, #tpu.memory_space<vmem_shared>>
      %dma_wait3A_78 = arith.constant 0 : i32
      %dma_wait3A_79 = tpu.memref_slice %arg10[%add3A_9, %dma_wait3A_78] : memref<10112x128xf32, #tpu.memory_space<vmem_shared>> -> memref<80x128xf32, #tpu.memory_space<vmem_shared>>
      %dma_wait3A_80 = arith.constant 0 : i32
      %dma_wait3A_81 = arith.constant 0 : i32
      %dma_wait3A_82 = tpu.memref_slice %arg8[%dma_wait3A_80, %dma_wait3A_81] : memref<80x128xf32, #tpu.memory_space<vmem>> -> memref<80x128xf32, #tpu.memory_space<vmem>>
      tpu.wait_dma2 semaphore(%run_scoped3A : memref<!tpu.dma_semaphore, #tpu.memory_space<semaphore_mem>>) src(%dma_wait3A_82 : memref<80x128xf32, #tpu.memory_space<vmem>>) dst(%dma_wait3A_79 : memref<80x128xf32, #tpu.memory_space<vmem_shared>>)
      tpu.yield
    }) : () -> ()
    %add3A_10 = arith.constant 80 : i32
    %add3A_11 = arith.addi %mul3A_2, %add3A_10 : i32
    "tpu.region"() ({
      %run_scoped3A = tpu.sem_alloc : memref<!tpu.dma_semaphore, #tpu.memory_space<semaphore_mem>>
      %dma_start3A_63 = arith.constant 0 : i32
      %dma_start3A_64 = arith.constant 0 : i32
      %dma_start3A_65 = tpu.memref_slice %arg8[%dma_start3A_63, %dma_start3A_64] : memref<80x128xf32, #tpu.memory_space<vmem>> -> memref<80x128xf32, #tpu.memory_space<vmem>>
      %dma_start3A_66 = arith.constant 0 : i32
      %dma_start3A_67 = tpu.memref_slice %arg10[%add3A_11, %dma_start3A_66] : memref<10112x128xf32, #tpu.memory_space<vmem_shared>> -> memref<80x128xf32, #tpu.memory_space<vmem_shared>>
      %dma_start3A_68 = arith.constant 0 : i32
      %dma_start3A_69 = tpu.memref_slice %arg10[%add3A_11, %dma_start3A_68] : memref<10112x128xf32, #tpu.memory_space<vmem_shared>> -> memref<80x128xf32, #tpu.memory_space<vmem_shared>>
      %dma_start3A_70 = arith.constant 0 : i32
      %dma_start3A_71 = arith.constant 0 : i32
      %dma_start3A_72 = tpu.memref_slice %arg8[%dma_start3A_70, %dma_start3A_71] : memref<80x128xf32, #tpu.memory_space<vmem>> -> memref<80x128xf32, #tpu.memory_space<vmem>>
      tpu.enqueue_dma source(%dma_start3A_72 : memref<80x128xf32, #tpu.memory_space<vmem>>) target(%dma_start3A_69 : memref<80x128xf32, #tpu.memory_space<vmem_shared>>) target_semaphore(%run_scoped3A : memref<!tpu.dma_semaphore, #tpu.memory_space<semaphore_mem>>)
      %dma_wait3A_73 = arith.constant 0 : i32
      %dma_wait3A_74 = arith.constant 0 : i32
      %dma_wait3A_75 = tpu.memref_slice %arg8[%dma_wait3A_73, %dma_wait3A_74] : memref<80x128xf32, #tpu.memory_space<vmem>> -> memref<80x128xf32, #tpu.memory_space<vmem>>
      %dma_wait3A_76 = arith.constant 0 : i32
      %dma_wait3A_77 = tpu.memref_slice %arg10[%add3A_11, %dma_wait3A_76] : memref<10112x128xf32, #tpu.memory_space<vmem_shared>> -> memref<80x128xf32, #tpu.memory_space<vmem_shared>>
      %dma_wait3A_78 = arith.constant 0 : i32
      %dma_wait3A_79 = tpu.memref_slice %arg10[%add3A_11, %dma_wait3A_78] : memref<10112x128xf32, #tpu.memory_space<vmem_shared>> -> memref<80x128xf32, #tpu.memory_space<vmem_shared>>
      %dma_wait3A_80 = arith.constant 0 : i32
      %dma_wait3A_81 = arith.constant 0 : i32
      %dma_wait3A_82 = tpu.memref_slice %arg8[%dma_wait3A_80, %dma_wait3A_81] : memref<80x128xf32, #tpu.memory_space<vmem>> -> memref<80x128xf32, #tpu.memory_space<vmem>>
      tpu.wait_dma2 semaphore(%run_scoped3A : memref<!tpu.dma_semaphore, #tpu.memory_space<semaphore_mem>>) src(%dma_wait3A_82 : memref<80x128xf32, #tpu.memory_space<vmem>>) dst(%dma_wait3A_79 : memref<80x128xf32, #tpu.memory_space<vmem_shared>>)
      tpu.yield
    }) : () -> ()
    %add3A_12 = arith.constant 160 : i32
    %add3A_13 = arith.addi %mul3A_2, %add3A_12 : i32
    "tpu.region"() ({
      %run_scoped3A = tpu.sem_alloc : memref<!tpu.dma_semaphore, #tpu.memory_space<semaphore_mem>>
      %dma_start3A_63 = arith.constant 0 : i32
      %dma_start3A_64 = arith.constant 0 : i32
      %dma_start3A_65 = tpu.memref_slice %arg8[%dma_start3A_63, %dma_start3A_64] : memref<80x128xf32, #tpu.memory_space<vmem>> -> memref<80x128xf32, #tpu.memory_space<vmem>>
      %dma_start3A_66 = arith.constant 0 : i32
      %dma_start3A_67 = tpu.memref_slice %arg10[%add3A_13, %dma_start3A_66] : memref<10112x128xf32, #tpu.memory_space<vmem_shared>> -> memref<80x128xf32, #tpu.memory_space<vmem_shared>>
      %dma_start3A_68 = arith.constant 0 : i32
      %dma_start3A_69 = tpu.memref_slice %arg10[%add3A_13, %dma_start3A_68] : memref<10112x128xf32, #tpu.memory_space<vmem_shared>> -> memref<80x128xf32, #tpu.memory_space<vmem_shared>>
      %dma_start3A_70 = arith.constant 0 : i32
      %dma_start3A_71 = arith.constant 0 : i32
      %dma_start3A_72 = tpu.memref_slice %arg8[%dma_start3A_70, %dma_start3A_71] : memref<80x128xf32, #tpu.memory_space<vmem>> -> memref<80x128xf32, #tpu.memory_space<vmem>>
      tpu.enqueue_dma source(%dma_start3A_72 : memref<80x128xf32, #tpu.memory_space<vmem>>) target(%dma_start3A_69 : memref<80x128xf32, #tpu.memory_space<vmem_shared>>) target_semaphore(%run_scoped3A : memref<!tpu.dma_semaphore, #tpu.memory_space<semaphore_mem>>)
      %dma_wait3A_73 = arith.constant 0 : i32
      %dma_wait3A_74 = arith.constant 0 : i32
      %dma_wait3A_75 = tpu.memref_slice %arg8[%dma_wait3A_73, %dma_wait3A_74] : memref<80x128xf32, #tpu.memory_space<vmem>> -> memref<80x128xf32, #tpu.memory_space<vmem>>
      %dma_wait3A_76 = arith.constant 0 : i32
      %dma_wait3A_77 = tpu.memref_slice %arg10[%add3A_13, %dma_wait3A_76] : memref<10112x128xf32, #tpu.memory_space<vmem_shared>> -> memref<80x128xf32, #tpu.memory_space<vmem_shared>>
      %dma_wait3A_78 = arith.constant 0 : i32
      %dma_wait3A_79 = tpu.memref_slice %arg10[%add3A_13, %dma_wait3A_78] : memref<10112x128xf32, #tpu.memory_space<vmem_shared>> -> memref<80x128xf32, #tpu.memory_space<vmem_shared>>
      %dma_wait3A_80 = arith.constant 0 : i32
      %dma_wait3A_81 = arith.constant 0 : i32
      %dma_wait3A_82 = tpu.memref_slice %arg8[%dma_wait3A_80, %dma_wait3A_81] : memref<80x128xf32, #tpu.memory_space<vmem>> -> memref<80x128xf32, #tpu.memory_space<vmem>>
      tpu.wait_dma2 semaphore(%run_scoped3A : memref<!tpu.dma_semaphore, #tpu.memory_space<semaphore_mem>>) src(%dma_wait3A_82 : memref<80x128xf32, #tpu.memory_space<vmem>>) dst(%dma_wait3A_79 : memref<80x128xf32, #tpu.memory_space<vmem_shared>>)
      tpu.yield
    }) : () -> ()
    %add3A_14 = arith.constant 240 : i32
    %add3A_15 = arith.addi %mul3A_2, %add3A_14 : i32
    "tpu.region"() ({
      %run_scoped3A = tpu.sem_alloc : memref<!tpu.dma_semaphore, #tpu.memory_space<semaphore_mem>>
      %dma_start3A_63 = arith.constant 0 : i32
      %dma_start3A_64 = arith.constant 0 : i32
      %dma_start3A_65 = tpu.memref_slice %arg8[%dma_start3A_63, %dma_start3A_64] : memref<80x128xf32, #tpu.memory_space<vmem>> -> memref<80x128xf32, #tpu.memory_space<vmem>>
      %dma_start3A_66 = arith.constant 0 : i32
      %dma_start3A_67 = tpu.memref_slice %arg10[%add3A_15, %dma_start3A_66] : memref<10112x128xf32, #tpu.memory_space<vmem_shared>> -> memref<80x128xf32, #tpu.memory_space<vmem_shared>>
      %dma_start3A_68 = arith.constant 0 : i32
      %dma_start3A_69 = tpu.memref_slice %arg10[%add3A_15, %dma_start3A_68] : memref<10112x128xf32, #tpu.memory_space<vmem_shared>> -> memref<80x128xf32, #tpu.memory_space<vmem_shared>>
      %dma_start3A_70 = arith.constant 0 : i32
      %dma_start3A_71 = arith.constant 0 : i32
      %dma_start3A_72 = tpu.memref_slice %arg8[%dma_start3A_70, %dma_start3A_71] : memref<80x128xf32, #tpu.memory_space<vmem>> -> memref<80x128xf32, #tpu.memory_space<vmem>>
      tpu.enqueue_dma source(%dma_start3A_72 : memref<80x128xf32, #tpu.memory_space<vmem>>) target(%dma_start3A_69 : memref<80x128xf32, #tpu.memory_space<vmem_shared>>) target_semaphore(%run_scoped3A : memref<!tpu.dma_semaphore, #tpu.memory_space<semaphore_mem>>)
      %dma_wait3A_73 = arith.constant 0 : i32
      %dma_wait3A_74 = arith.constant 0 : i32
      %dma_wait3A_75 = tpu.memref_slice %arg8[%dma_wait3A_73, %dma_wait3A_74] : memref<80x128xf32, #tpu.memory_space<vmem>> -> memref<80x128xf32, #tpu.memory_space<vmem>>
      %dma_wait3A_76 = arith.constant 0 : i32
      %dma_wait3A_77 = tpu.memref_slice %arg10[%add3A_15, %dma_wait3A_76] : memref<10112x128xf32, #tpu.memory_space<vmem_shared>> -> memref<80x128xf32, #tpu.memory_space<vmem_shared>>
      %dma_wait3A_78 = arith.constant 0 : i32
      %dma_wait3A_79 = tpu.memref_slice %arg10[%add3A_15, %dma_wait3A_78] : memref<10112x128xf32, #tpu.memory_space<vmem_shared>> -> memref<80x128xf32, #tpu.memory_space<vmem_shared>>
      %dma_wait3A_80 = arith.constant 0 : i32
      %dma_wait3A_81 = arith.constant 0 : i32
      %dma_wait3A_82 = tpu.memref_slice %arg8[%dma_wait3A_80, %dma_wait3A_81] : memref<80x128xf32, #tpu.memory_space<vmem>> -> memref<80x128xf32, #tpu.memory_space<vmem>>
      tpu.wait_dma2 semaphore(%run_scoped3A : memref<!tpu.dma_semaphore, #tpu.memory_space<semaphore_mem>>) src(%dma_wait3A_82 : memref<80x128xf32, #tpu.memory_space<vmem>>) dst(%dma_wait3A_79 : memref<80x128xf32, #tpu.memory_space<vmem_shared>>)
      tpu.yield
    }) : () -> ()
    %add3A_16 = arith.constant 320 : i32
    %add3A_17 = arith.addi %mul3A_2, %add3A_16 : i32
    "tpu.region"() ({
      %run_scoped3A = tpu.sem_alloc : memref<!tpu.dma_semaphore, #tpu.memory_space<semaphore_mem>>
      %dma_start3A_63 = arith.constant 0 : i32
      %dma_start3A_64 = arith.constant 0 : i32
      %dma_start3A_65 = tpu.memref_slice %arg8[%dma_start3A_63, %dma_start3A_64] : memref<80x128xf32, #tpu.memory_space<vmem>> -> memref<80x128xf32, #tpu.memory_space<vmem>>
      %dma_start3A_66 = arith.constant 0 : i32
      %dma_start3A_67 = tpu.memref_slice %arg10[%add3A_17, %dma_start3A_66] : memref<10112x128xf32, #tpu.memory_space<vmem_shared>> -> memref<80x128xf32, #tpu.memory_space<vmem_shared>>
      %dma_start3A_68 = arith.constant 0 : i32
      %dma_start3A_69 = tpu.memref_slice %arg10[%add3A_17, %dma_start3A_68] : memref<10112x128xf32, #tpu.memory_space<vmem_shared>> -> memref<80x128xf32, #tpu.memory_space<vmem_shared>>
      %dma_start3A_70 = arith.constant 0 : i32
      %dma_start3A_71 = arith.constant 0 : i32
      %dma_start3A_72 = tpu.memref_slice %arg8[%dma_start3A_70, %dma_start3A_71] : memref<80x128xf32, #tpu.memory_space<vmem>> -> memref<80x128xf32, #tpu.memory_space<vmem>>
      tpu.enqueue_dma source(%dma_start3A_72 : memref<80x128xf32, #tpu.memory_space<vmem>>) target(%dma_start3A_69 : memref<80x128xf32, #tpu.memory_space<vmem_shared>>) target_semaphore(%run_scoped3A : memref<!tpu.dma_semaphore, #tpu.memory_space<semaphore_mem>>)
      %dma_wait3A_73 = arith.constant 0 : i32
      %dma_wait3A_74 = arith.constant 0 : i32
      %dma_wait3A_75 = tpu.memref_slice %arg8[%dma_wait3A_73, %dma_wait3A_74] : memref<80x128xf32, #tpu.memory_space<vmem>> -> memref<80x128xf32, #tpu.memory_space<vmem>>
      %dma_wait3A_76 = arith.constant 0 : i32
      %dma_wait3A_77 = tpu.memref_slice %arg10[%add3A_17, %dma_wait3A_76] : memref<10112x128xf32, #tpu.memory_space<vmem_shared>> -> memref<80x128xf32, #tpu.memory_space<vmem_shared>>
      %dma_wait3A_78 = arith.constant 0 : i32
      %dma_wait3A_79 = tpu.memref_slice %arg10[%add3A_17, %dma_wait3A_78] : memref<10112x128xf32, #tpu.memory_space<vmem_shared>> -> memref<80x128xf32, #tpu.memory_space<vmem_shared>>
      %dma_wait3A_80 = arith.constant 0 : i32
      %dma_wait3A_81 = arith.constant 0 : i32
      %dma_wait3A_82 = tpu.memref_slice %arg8[%dma_wait3A_80, %dma_wait3A_81] : memref<80x128xf32, #tpu.memory_space<vmem>> -> memref<80x128xf32, #tpu.memory_space<vmem>>
      tpu.wait_dma2 semaphore(%run_scoped3A : memref<!tpu.dma_semaphore, #tpu.memory_space<semaphore_mem>>) src(%dma_wait3A_82 : memref<80x128xf32, #tpu.memory_space<vmem>>) dst(%dma_wait3A_79 : memref<80x128xf32, #tpu.memory_space<vmem_shared>>)
      tpu.yield
    }) : () -> ()
    %add3A_18 = arith.constant 400 : i32
    %add3A_19 = arith.addi %mul3A_2, %add3A_18 : i32
    "tpu.region"() ({
      %run_scoped3A = tpu.sem_alloc : memref<!tpu.dma_semaphore, #tpu.memory_space<semaphore_mem>>
      %dma_start3A_63 = arith.constant 0 : i32
      %dma_start3A_64 = arith.constant 0 : i32
      %dma_start3A_65 = tpu.memref_slice %arg8[%dma_start3A_63, %dma_start3A_64] : memref<80x128xf32, #tpu.memory_space<vmem>> -> memref<80x128xf32, #tpu.memory_space<vmem>>
      %dma_start3A_66 = arith.constant 0 : i32
      %dma_start3A_67 = tpu.memref_slice %arg10[%add3A_19, %dma_start3A_66] : memref<10112x128xf32, #tpu.memory_space<vmem_shared>> -> memref<80x128xf32, #tpu.memory_space<vmem_shared>>
      %dma_start3A_68 = arith.constant 0 : i32
      %dma_start3A_69 = tpu.memref_slice %arg10[%add3A_19, %dma_start3A_68] : memref<10112x128xf32, #tpu.memory_space<vmem_shared>> -> memref<80x128xf32, #tpu.memory_space<vmem_shared>>
      %dma_start3A_70 = arith.constant 0 : i32
      %dma_start3A_71 = arith.constant 0 : i32
      %dma_start3A_72 = tpu.memref_slice %arg8[%dma_start3A_70, %dma_start3A_71] : memref<80x128xf32, #tpu.memory_space<vmem>> -> memref<80x128xf32, #tpu.memory_space<vmem>>
      tpu.enqueue_dma source(%dma_start3A_72 : memref<80x128xf32, #tpu.memory_space<vmem>>) target(%dma_start3A_69 : memref<80x128xf32, #tpu.memory_space<vmem_shared>>) target_semaphore(%run_scoped3A : memref<!tpu.dma_semaphore, #tpu.memory_space<semaphore_mem>>)
      %dma_wait3A_73 = arith.constant 0 : i32
      %dma_wait3A_74 = arith.constant 0 : i32
      %dma_wait3A_75 = tpu.memref_slice %arg8[%dma_wait3A_73, %dma_wait3A_74] : memref<80x128xf32, #tpu.memory_space<vmem>> -> memref<80x128xf32, #tpu.memory_space<vmem>>
      %dma_wait3A_76 = arith.constant 0 : i32
      %dma_wait3A_77 = tpu.memref_slice %arg10[%add3A_19, %dma_wait3A_76] : memref<10112x128xf32, #tpu.memory_space<vmem_shared>> -> memref<80x128xf32, #tpu.memory_space<vmem_shared>>
      %dma_wait3A_78 = arith.constant 0 : i32
      %dma_wait3A_79 = tpu.memref_slice %arg10[%add3A_19, %dma_wait3A_78] : memref<10112x128xf32, #tpu.memory_space<vmem_shared>> -> memref<80x128xf32, #tpu.memory_space<vmem_shared>>
      %dma_wait3A_80 = arith.constant 0 : i32
      %dma_wait3A_81 = arith.constant 0 : i32
      %dma_wait3A_82 = tpu.memref_slice %arg8[%dma_wait3A_80, %dma_wait3A_81] : memref<80x128xf32, #tpu.memory_space<vmem>> -> memref<80x128xf32, #tpu.memory_space<vmem>>
      tpu.wait_dma2 semaphore(%run_scoped3A : memref<!tpu.dma_semaphore, #tpu.memory_space<semaphore_mem>>) src(%dma_wait3A_82 : memref<80x128xf32, #tpu.memory_space<vmem>>) dst(%dma_wait3A_79 : memref<80x128xf32, #tpu.memory_space<vmem_shared>>)
      tpu.yield
    }) : () -> ()
    %add3A_20 = arith.constant 480 : i32
    %add3A_21 = arith.addi %mul3A_2, %add3A_20 : i32
    "tpu.region"() ({
      %run_scoped3A = tpu.sem_alloc : memref<!tpu.dma_semaphore, #tpu.memory_space<semaphore_mem>>
      %dma_start3A_63 = arith.constant 0 : i32
      %dma_start3A_64 = arith.constant 0 : i32
      %dma_start3A_65 = tpu.memref_slice %arg8[%dma_start3A_63, %dma_start3A_64] : memref<80x128xf32, #tpu.memory_space<vmem>> -> memref<80x128xf32, #tpu.memory_space<vmem>>
      %dma_start3A_66 = arith.constant 0 : i32
      %dma_start3A_67 = tpu.memref_slice %arg10[%add3A_21, %dma_start3A_66] : memref<10112x128xf32, #tpu.memory_space<vmem_shared>> -> memref<80x128xf32, #tpu.memory_space<vmem_shared>>
      %dma_start3A_68 = arith.constant 0 : i32
      %dma_start3A_69 = tpu.memref_slice %arg10[%add3A_21, %dma_start3A_68] : memref<10112x128xf32, #tpu.memory_space<vmem_shared>> -> memref<80x128xf32, #tpu.memory_space<vmem_shared>>
      %dma_start3A_70 = arith.constant 0 : i32
      %dma_start3A_71 = arith.constant 0 : i32
      %dma_start3A_72 = tpu.memref_slice %arg8[%dma_start3A_70, %dma_start3A_71] : memref<80x128xf32, #tpu.memory_space<vmem>> -> memref<80x128xf32, #tpu.memory_space<vmem>>
      tpu.enqueue_dma source(%dma_start3A_72 : memref<80x128xf32, #tpu.memory_space<vmem>>) target(%dma_start3A_69 : memref<80x128xf32, #tpu.memory_space<vmem_shared>>) target_semaphore(%run_scoped3A : memref<!tpu.dma_semaphore, #tpu.memory_space<semaphore_mem>>)
      %dma_wait3A_73 = arith.constant 0 : i32
      %dma_wait3A_74 = arith.constant 0 : i32
      %dma_wait3A_75 = tpu.memref_slice %arg8[%dma_wait3A_73, %dma_wait3A_74] : memref<80x128xf32, #tpu.memory_space<vmem>> -> memref<80x128xf32, #tpu.memory_space<vmem>>
      %dma_wait3A_76 = arith.constant 0 : i32
      %dma_wait3A_77 = tpu.memref_slice %arg10[%add3A_21, %dma_wait3A_76] : memref<10112x128xf32, #tpu.memory_space<vmem_shared>> -> memref<80x128xf32, #tpu.memory_space<vmem_shared>>
      %dma_wait3A_78 = arith.constant 0 : i32
      %dma_wait3A_79 = tpu.memref_slice %arg10[%add3A_21, %dma_wait3A_78] : memref<10112x128xf32, #tpu.memory_space<vmem_shared>> -> memref<80x128xf32, #tpu.memory_space<vmem_shared>>
      %dma_wait3A_80 = arith.constant 0 : i32
      %dma_wait3A_81 = arith.constant 0 : i32
      %dma_wait3A_82 = tpu.memref_slice %arg8[%dma_wait3A_80, %dma_wait3A_81] : memref<80x128xf32, #tpu.memory_space<vmem>> -> memref<80x128xf32, #tpu.memory_space<vmem>>
      tpu.wait_dma2 semaphore(%run_scoped3A : memref<!tpu.dma_semaphore, #tpu.memory_space<semaphore_mem>>) src(%dma_wait3A_82 : memref<80x128xf32, #tpu.memory_space<vmem>>) dst(%dma_wait3A_79 : memref<80x128xf32, #tpu.memory_space<vmem_shared>>)
      tpu.yield
    }) : () -> ()
    %add3A_22 = arith.constant 560 : i32
    %add3A_23 = arith.addi %mul3A_2, %add3A_22 : i32
    "tpu.region"() ({
      %run_scoped3A = tpu.sem_alloc : memref<!tpu.dma_semaphore, #tpu.memory_space<semaphore_mem>>
      %dma_start3A_63 = arith.constant 0 : i32
      %dma_start3A_64 = arith.constant 0 : i32
      %dma_start3A_65 = tpu.memref_slice %arg8[%dma_start3A_63, %dma_start3A_64] : memref<80x128xf32, #tpu.memory_space<vmem>> -> memref<72x128xf32, #tpu.memory_space<vmem>>
      %dma_start3A_66 = arith.constant 0 : i32
      %dma_start3A_67 = tpu.memref_slice %arg10[%add3A_23, %dma_start3A_66] : memref<10112x128xf32, #tpu.memory_space<vmem_shared>> -> memref<72x128xf32, #tpu.memory_space<vmem_shared>>
      %dma_start3A_68 = arith.constant 0 : i32
      %dma_start3A_69 = tpu.memref_slice %arg10[%add3A_23, %dma_start3A_68] : memref<10112x128xf32, #tpu.memory_space<vmem_shared>> -> memref<72x128xf32, #tpu.memory_space<vmem_shared>>
      %dma_start3A_70 = arith.constant 0 : i32
      %dma_start3A_71 = arith.constant 0 : i32
      %dma_start3A_72 = tpu.memref_slice %arg8[%dma_start3A_70, %dma_start3A_71] : memref<80x128xf32, #tpu.memory_space<vmem>> -> memref<72x128xf32, #tpu.memory_space<vmem>>
      tpu.enqueue_dma source(%dma_start3A_72 : memref<72x128xf32, #tpu.memory_space<vmem>>) target(%dma_start3A_69 : memref<72x128xf32, #tpu.memory_space<vmem_shared>>) target_semaphore(%run_scoped3A : memref<!tpu.dma_semaphore, #tpu.memory_space<semaphore_mem>>)
      %dma_wait3A_73 = arith.constant 0 : i32
      %dma_wait3A_74 = arith.constant 0 : i32
      %dma_wait3A_75 = tpu.memref_slice %arg8[%dma_wait3A_73, %dma_wait3A_74] : memref<80x128xf32, #tpu.memory_space<vmem>> -> memref<72x128xf32, #tpu.memory_space<vmem>>
      %dma_wait3A_76 = arith.constant 0 : i32
      %dma_wait3A_77 = tpu.memref_slice %arg10[%add3A_23, %dma_wait3A_76] : memref<10112x128xf32, #tpu.memory_space<vmem_shared>> -> memref<72x128xf32, #tpu.memory_space<vmem_shared>>
      %dma_wait3A_78 = arith.constant 0 : i32
      %dma_wait3A_79 = tpu.memref_slice %arg10[%add3A_23, %dma_wait3A_78] : memref<10112x128xf32, #tpu.memory_space<vmem_shared>> -> memref<72x128xf32, #tpu.memory_space<vmem_shared>>
      %dma_wait3A_80 = arith.constant 0 : i32
      %dma_wait3A_81 = arith.constant 0 : i32
      %dma_wait3A_82 = tpu.memref_slice %arg8[%dma_wait3A_80, %dma_wait3A_81] : memref<80x128xf32, #tpu.memory_space<vmem>> -> memref<72x128xf32, #tpu.memory_space<vmem>>
      tpu.wait_dma2 semaphore(%run_scoped3A : memref<!tpu.dma_semaphore, #tpu.memory_space<semaphore_mem>>) src(%dma_wait3A_82 : memref<72x128xf32, #tpu.memory_space<vmem>>) dst(%dma_wait3A_79 : memref<72x128xf32, #tpu.memory_space<vmem_shared>>)
      tpu.yield
    }) : () -> ()
    %mul3A_24 = arith.constant 10000 : i32
    %mul3A_25 = arith.muli %add3A, %mul3A_24 : i32
    "tpu.region"() ({
      %run_scoped3A = tpu.sem_alloc : memref<!tpu.dma_semaphore, #tpu.memory_space<semaphore_mem>>
      %dma_start3A_63 = tpu.memref_slice %arg2[%mul3A_25] : memref<320000xi32, #tpu.memory_space<hbm>> -> memref<10000xi32, #tpu.memory_space<hbm>>
      %dma_start3A_64 = tpu.memref_slice %arg2[%mul3A_25] : memref<320000xi32, #tpu.memory_space<hbm>> -> memref<10000xi32, #tpu.memory_space<hbm>>
      tpu.enqueue_dma source(%dma_start3A_64 : memref<10000xi32, #tpu.memory_space<hbm>>) target(%arg6 : memref<10000xi32, #tpu.memory_space<vmem>>) target_semaphore(%run_scoped3A : memref<!tpu.dma_semaphore, #tpu.memory_space<semaphore_mem>>)
      %dma_wait3A_65 = tpu.memref_slice %arg2[%mul3A_25] : memref<320000xi32, #tpu.memory_space<hbm>> -> memref<10000xi32, #tpu.memory_space<hbm>>
      %dma_wait3A_66 = tpu.memref_slice %arg2[%mul3A_25] : memref<320000xi32, #tpu.memory_space<hbm>> -> memref<10000xi32, #tpu.memory_space<hbm>>
      tpu.wait_dma2 semaphore(%run_scoped3A : memref<!tpu.dma_semaphore, #tpu.memory_space<semaphore_mem>>) src(%dma_wait3A_66 : memref<10000xi32, #tpu.memory_space<hbm>>) dst(%arg6 : memref<10000xi32, #tpu.memory_space<vmem>>)
      tpu.yield
    }) : () -> ()
    %mul3A_26 = arith.constant 10000 : i32
    %mul3A_27 = arith.muli %add3A, %mul3A_26 : i32
    "tpu.region"() ({
      %run_scoped3A = tpu.sem_alloc : memref<!tpu.dma_semaphore, #tpu.memory_space<semaphore_mem>>
      %dma_start3A_63 = tpu.memref_slice %arg3[%mul3A_27] : memref<320000xi32, #tpu.memory_space<hbm>> -> memref<10000xi32, #tpu.memory_space<hbm>>
      %dma_start3A_64 = tpu.memref_slice %arg3[%mul3A_27] : memref<320000xi32, #tpu.memory_space<hbm>> -> memref<10000xi32, #tpu.memory_space<hbm>>
      tpu.enqueue_dma source(%dma_start3A_64 : memref<10000xi32, #tpu.memory_space<hbm>>) target(%arg7 : memref<10000xi32, #tpu.memory_space<vmem>>) target_semaphore(%run_scoped3A : memref<!tpu.dma_semaphore, #tpu.memory_space<semaphore_mem>>)
      %dma_wait3A_65 = tpu.memref_slice %arg3[%mul3A_27] : memref<320000xi32, #tpu.memory_space<hbm>> -> memref<10000xi32, #tpu.memory_space<hbm>>
      %dma_wait3A_66 = tpu.memref_slice %arg3[%mul3A_27] : memref<320000xi32, #tpu.memory_space<hbm>> -> memref<10000xi32, #tpu.memory_space<hbm>>
      tpu.wait_dma2 semaphore(%run_scoped3A : memref<!tpu.dma_semaphore, #tpu.memory_space<semaphore_mem>>) src(%dma_wait3A_66 : memref<10000xi32, #tpu.memory_space<hbm>>) dst(%arg7 : memref<10000xi32, #tpu.memory_space<vmem>>)
      tpu.yield
    }) : () -> ()
    %barrier3A = arith.constant 0 : index
    tpu.barrier barrier_id(%barrier3A)
    %dma_start3A = arith.constant 0 : i32
    %dma_start3A_28 = tpu.memref_slice %arg6[%dma_start3A] : memref<10000xi32, #tpu.memory_space<vmem>> -> memref<80xi32, #tpu.memory_space<vmem>>
    %dma_start3A_29 = arith.constant 0 : i32
    %dma_start3A_30 = arith.constant 0 : i32
    %dma_start3A_31 = tpu.memref_slice %arg4[%dma_start3A_29, %dma_start3A_30] : memref<10000x128xf32, #tpu.memory_space<hbm>> -> memref<10000x128xf32, #tpu.memory_space<hbm>>
    tpu.enqueue_indirect_dma source(%dma_start3A_31 : memref<10000x128xf32, #tpu.memory_space<hbm>>) target(%arg8 : memref<80x128xf32, #tpu.memory_space<vmem>>) offsets(%dma_start3A_28 : memref<80xi32, #tpu.memory_space<vmem>>) semaphore(%arg11 : memref<!tpu.dma_semaphore, #tpu.memory_space<semaphore_mem>>)
    %dma_start3A_32 = arith.constant 80 : i32
    %dma_start3A_33 = tpu.memref_slice %arg6[%dma_start3A_32] : memref<10000xi32, #tpu.memory_space<vmem>> -> memref<80xi32, #tpu.memory_space<vmem>>
    %dma_start3A_34 = arith.constant 0 : i32
    %dma_start3A_35 = arith.constant 0 : i32
    %dma_start3A_36 = tpu.memref_slice %arg4[%dma_start3A_34, %dma_start3A_35] : memref<10000x128xf32, #tpu.memory_space<hbm>> -> memref<10000x128xf32, #tpu.memory_space<hbm>>
    tpu.enqueue_indirect_dma source(%dma_start3A_36 : memref<10000x128xf32, #tpu.memory_space<hbm>>) target(%arg9 : memref<80x128xf32, #tpu.memory_space<vmem>>) offsets(%dma_start3A_33 : memref<80xi32, #tpu.memory_space<vmem>>) semaphore(%arg12 : memref<!tpu.dma_semaphore, #tpu.memory_space<semaphore_mem>>)
    %scan3A_37 = arith.constant 0 : i32
    %scan3A_38 = arith.constant 0 : i32
    %scan3A_39 = arith.constant 61 : i32
    %scan3A_40 = arith.addi %scan3A_38, %scan3A_39 : i32
    %scan3A_41 = arith.constant 1 : i32
    scf.for %scan3A_63 = %scan3A_38 to %scan3A_40 step %scan3A_41  : i32 {
      %mul3A_64 = arith.constant 2 : i32
      %mul3A_65 = arith.muli %mul3A_64, %scan3A_63 : i32
      %add3A_66 = arith.constant 0 : i32
      %add3A_67 = arith.addi %mul3A_65, %add3A_66 : i32
      %mul3A_68 = arith.constant 80 : i32
      %mul3A_69 = arith.muli %add3A_67, %mul3A_68 : i32
      %dma_wait3A_70 = tpu.memref_slice %arg6[%mul3A_69] : memref<10000xi32, #tpu.memory_space<vmem>> -> memref<80xi32, #tpu.memory_space<vmem>>
      %dma_wait3A_71 = arith.constant 0 : i32
      %dma_wait3A_72 = arith.constant 0 : i32
      %dma_wait3A_73 = tpu.memref_slice %arg4[%dma_wait3A_71, %dma_wait3A_72] : memref<10000x128xf32, #tpu.memory_space<hbm>> -> memref<10000x128xf32, #tpu.memory_space<hbm>>
      tpu.wait_indirect_dma semaphore(%arg11 : memref<!tpu.dma_semaphore, #tpu.memory_space<semaphore_mem>>) src(%dma_wait3A_73 : memref<10000x128xf32, #tpu.memory_space<hbm>>) dst(%arg8 : memref<80x128xf32, #tpu.memory_space<vmem>>)
      %mul3A_74 = arith.constant 80 : i32
      %mul3A_75 = arith.muli %add3A_67, %mul3A_74 : i32
      "tpu.region"() ({
        %run_scoped3A = tpu.sem_alloc : memref<!tpu.dma_semaphore, #tpu.memory_space<semaphore_mem>>
        %dma_start3A_106 = tpu.memref_slice %arg7[%mul3A_75] : memref<10000xi32, #tpu.memory_space<vmem>> -> memref<80xi32, #tpu.memory_space<vmem>>
        %dma_start3A_107 = arith.constant 0 : i32
        %dma_start3A_108 = arith.constant 0 : i32
        %dma_start3A_109 = tpu.memref_slice %arg10[%dma_start3A_107, %dma_start3A_108] : memref<10112x128xf32, #tpu.memory_space<vmem_shared>> -> memref<10112x128xf32, #tpu.memory_space<vmem_shared>>
        tpu.enqueue_indirect_dma source(%arg8 : memref<80x128xf32, #tpu.memory_space<vmem>>) target(%dma_start3A_109 : memref<10112x128xf32, #tpu.memory_space<vmem_shared>>) offsets(%dma_start3A_106 : memref<80xi32, #tpu.memory_space<vmem>>) semaphore(%run_scoped3A : memref<!tpu.dma_semaphore, #tpu.memory_space<semaphore_mem>>) {add = true}
        %dma_wait3A_110 = tpu.memref_slice %arg7[%mul3A_75] : memref<10000xi32, #tpu.memory_space<vmem>> -> memref<80xi32, #tpu.memory_space<vmem>>
        %dma_wait3A_111 = arith.constant 0 : i32
        %dma_wait3A_112 = arith.constant 0 : i32
        %dma_wait3A_113 = tpu.memref_slice %arg10[%dma_wait3A_111, %dma_wait3A_112] : memref<10112x128xf32, #tpu.memory_space<vmem_shared>> -> memref<10112x128xf32, #tpu.memory_space<vmem_shared>>
        tpu.wait_indirect_dma semaphore(%run_scoped3A : memref<!tpu.dma_semaphore, #tpu.memory_space<semaphore_mem>>) src(%arg8 : memref<80x128xf32, #tpu.memory_space<vmem>>) dst(%dma_wait3A_113 : memref<10112x128xf32, #tpu.memory_space<vmem_shared>>)
        tpu.yield
      }) : () -> ()
      %add3A_76 = arith.constant 0 : i32
      %add3A_77 = arith.addi %mul3A_65, %add3A_76 : i32
      %add3A_78 = arith.constant 2 : i32
      %add3A_79 = arith.addi %add3A_77, %add3A_78 : i32
      %mul3A_80 = arith.constant 80 : i32
      %mul3A_81 = arith.muli %add3A_79, %mul3A_80 : i32
      %dma_start3A_82 = tpu.memref_slice %arg6[%mul3A_81] : memref<10000xi32, #tpu.memory_space<vmem>> -> memref<80xi32, #tpu.memory_space<vmem>>
      %dma_start3A_83 = arith.constant 0 : i32
      %dma_start3A_84 = arith.constant 0 : i32
      %dma_start3A_85 = tpu.memref_slice %arg4[%dma_start3A_83, %dma_start3A_84] : memref<10000x128xf32, #tpu.memory_space<hbm>> -> memref<10000x128xf32, #tpu.memory_space<hbm>>
      tpu.enqueue_indirect_dma source(%dma_start3A_85 : memref<10000x128xf32, #tpu.memory_space<hbm>>) target(%arg8 : memref<80x128xf32, #tpu.memory_space<vmem>>) offsets(%dma_start3A_82 : memref<80xi32, #tpu.memory_space<vmem>>) semaphore(%arg11 : memref<!tpu.dma_semaphore, #tpu.memory_space<semaphore_mem>>)
      %add3A_86 = arith.constant 1 : i32
      %add3A_87 = arith.addi %mul3A_65, %add3A_86 : i32
      %mul3A_88 = arith.constant 80 : i32
      %mul3A_89 = arith.muli %add3A_87, %mul3A_88 : i32
      %dma_wait3A_90 = tpu.memref_slice %arg6[%mul3A_89] : memref<10000xi32, #tpu.memory_space<vmem>> -> memref<80xi32, #tpu.memory_space<vmem>>
      %dma_wait3A_91 = arith.constant 0 : i32
      %dma_wait3A_92 = arith.constant 0 : i32
      %dma_wait3A_93 = tpu.memref_slice %arg4[%dma_wait3A_91, %dma_wait3A_92] : memref<10000x128xf32, #tpu.memory_space<hbm>> -> memref<10000x128xf32, #tpu.memory_space<hbm>>
      tpu.wait_indirect_dma semaphore(%arg12 : memref<!tpu.dma_semaphore, #tpu.memory_space<semaphore_mem>>) src(%dma_wait3A_93 : memref<10000x128xf32, #tpu.memory_space<hbm>>) dst(%arg9 : memref<80x128xf32, #tpu.memory_space<vmem>>)
      %mul3A_94 = arith.constant 80 : i32
      %mul3A_95 = arith.muli %add3A_87, %mul3A_94 : i32
      "tpu.region"() ({
        %run_scoped3A = tpu.sem_alloc : memref<!tpu.dma_semaphore, #tpu.memory_space<semaphore_mem>>
        %dma_start3A_106 = tpu.memref_slice %arg7[%mul3A_95] : memref<10000xi32, #tpu.memory_space<vmem>> -> memref<80xi32, #tpu.memory_space<vmem>>
        %dma_start3A_107 = arith.constant 0 : i32
        %dma_start3A_108 = arith.constant 0 : i32
        %dma_start3A_109 = tpu.memref_slice %arg10[%dma_start3A_107, %dma_start3A_108] : memref<10112x128xf32, #tpu.memory_space<vmem_shared>> -> memref<10112x128xf32, #tpu.memory_space<vmem_shared>>
        tpu.enqueue_indirect_dma source(%arg9 : memref<80x128xf32, #tpu.memory_space<vmem>>) target(%dma_start3A_109 : memref<10112x128xf32, #tpu.memory_space<vmem_shared>>) offsets(%dma_start3A_106 : memref<80xi32, #tpu.memory_space<vmem>>) semaphore(%run_scoped3A : memref<!tpu.dma_semaphore, #tpu.memory_space<semaphore_mem>>) {add = true}
        %dma_wait3A_110 = tpu.memref_slice %arg7[%mul3A_95] : memref<10000xi32, #tpu.memory_space<vmem>> -> memref<80xi32, #tpu.memory_space<vmem>>
        %dma_wait3A_111 = arith.constant 0 : i32
        %dma_wait3A_112 = arith.constant 0 : i32
        %dma_wait3A_113 = tpu.memref_slice %arg10[%dma_wait3A_111, %dma_wait3A_112] : memref<10112x128xf32, #tpu.memory_space<vmem_shared>> -> memref<10112x128xf32, #tpu.memory_space<vmem_shared>>
        tpu.wait_indirect_dma semaphore(%run_scoped3A : memref<!tpu.dma_semaphore, #tpu.memory_space<semaphore_mem>>) src(%arg9 : memref<80x128xf32, #tpu.memory_space<vmem>>) dst(%dma_wait3A_113 : memref<10112x128xf32, #tpu.memory_space<vmem_shared>>)
        tpu.yield
      }) : () -> ()
      %add3A_96 = arith.constant 1 : i32
      %add3A_97 = arith.addi %mul3A_65, %add3A_96 : i32
      %add3A_98 = arith.constant 2 : i32
      %add3A_99 = arith.addi %add3A_97, %add3A_98 : i32
      %mul3A_100 = arith.constant 80 : i32
      %mul3A_101 = arith.muli %add3A_99, %mul3A_100 : i32
      %dma_start3A_102 = tpu.memref_slice %arg6[%mul3A_101] : memref<10000xi32, #tpu.memory_space<vmem>> -> memref<80xi32, #tpu.memory_space<vmem>>
      %dma_start3A_103 = arith.constant 0 : i32
      %dma_start3A_104 = arith.constant 0 : i32
      %dma_start3A_105 = tpu.memref_slice %arg4[%dma_start3A_103, %dma_start3A_104] : memref<10000x128xf32, #tpu.memory_space<hbm>> -> memref<10000x128xf32, #tpu.memory_space<hbm>>
      tpu.enqueue_indirect_dma source(%dma_start3A_105 : memref<10000x128xf32, #tpu.memory_space<hbm>>) target(%arg9 : memref<80x128xf32, #tpu.memory_space<vmem>>) offsets(%dma_start3A_102 : memref<80xi32, #tpu.memory_space<vmem>>) semaphore(%arg12 : memref<!tpu.dma_semaphore, #tpu.memory_space<semaphore_mem>>)
    }
    %scan3A_42 = arith.constant 61 : i32
    %dma_wait3A = arith.constant 9760 : i32
    %dma_wait3A_43 = tpu.memref_slice %arg6[%dma_wait3A] : memref<10000xi32, #tpu.memory_space<vmem>> -> memref<80xi32, #tpu.memory_space<vmem>>
    %dma_wait3A_44 = arith.constant 0 : i32
    %dma_wait3A_45 = arith.constant 0 : i32
    %dma_wait3A_46 = tpu.memref_slice %arg4[%dma_wait3A_44, %dma_wait3A_45] : memref<10000x128xf32, #tpu.memory_space<hbm>> -> memref<10000x128xf32, #tpu.memory_space<hbm>>
    tpu.wait_indirect_dma semaphore(%arg11 : memref<!tpu.dma_semaphore, #tpu.memory_space<semaphore_mem>>) src(%dma_wait3A_46 : memref<10000x128xf32, #tpu.memory_space<hbm>>) dst(%arg8 : memref<80x128xf32, #tpu.memory_space<vmem>>)
    "tpu.region"() ({
      %run_scoped3A = tpu.sem_alloc : memref<!tpu.dma_semaphore, #tpu.memory_space<semaphore_mem>>
      %dma_start3A_63 = arith.constant 9760 : i32
      %dma_start3A_64 = tpu.memref_slice %arg7[%dma_start3A_63] : memref<10000xi32, #tpu.memory_space<vmem>> -> memref<80xi32, #tpu.memory_space<vmem>>
      %dma_start3A_65 = arith.constant 0 : i32
      %dma_start3A_66 = arith.constant 0 : i32
      %dma_start3A_67 = tpu.memref_slice %arg10[%dma_start3A_65, %dma_start3A_66] : memref<10112x128xf32, #tpu.memory_space<vmem_shared>> -> memref<10112x128xf32, #tpu.memory_space<vmem_shared>>
      tpu.enqueue_indirect_dma source(%arg8 : memref<80x128xf32, #tpu.memory_space<vmem>>) target(%dma_start3A_67 : memref<10112x128xf32, #tpu.memory_space<vmem_shared>>) offsets(%dma_start3A_64 : memref<80xi32, #tpu.memory_space<vmem>>) semaphore(%run_scoped3A : memref<!tpu.dma_semaphore, #tpu.memory_space<semaphore_mem>>) {add = true}
      %dma_wait3A_68 = arith.constant 9760 : i32
      %dma_wait3A_69 = tpu.memref_slice %arg7[%dma_wait3A_68] : memref<10000xi32, #tpu.memory_space<vmem>> -> memref<80xi32, #tpu.memory_space<vmem>>
      %dma_wait3A_70 = arith.constant 0 : i32
      %dma_wait3A_71 = arith.constant 0 : i32
      %dma_wait3A_72 = tpu.memref_slice %arg10[%dma_wait3A_70, %dma_wait3A_71] : memref<10112x128xf32, #tpu.memory_space<vmem_shared>> -> memref<10112x128xf32, #tpu.memory_space<vmem_shared>>
      tpu.wait_indirect_dma semaphore(%run_scoped3A : memref<!tpu.dma_semaphore, #tpu.memory_space<semaphore_mem>>) src(%arg8 : memref<80x128xf32, #tpu.memory_space<vmem>>) dst(%dma_wait3A_72 : memref<10112x128xf32, #tpu.memory_space<vmem_shared>>)
      tpu.yield
    }) : () -> ()
    %dma_start3A_47 = arith.constant 9920 : i32
    %dma_start3A_48 = tpu.memref_slice %arg6[%dma_start3A_47] : memref<10000xi32, #tpu.memory_space<vmem>> -> memref<80xi32, #tpu.memory_space<vmem>>
    %dma_start3A_49 = arith.constant 0 : i32
    %dma_start3A_50 = arith.constant 0 : i32
    %dma_start3A_51 = tpu.memref_slice %arg4[%dma_start3A_49, %dma_start3A_50] : memref<10000x128xf32, #tpu.memory_space<hbm>> -> memref<10000x128xf32, #tpu.memory_space<hbm>>
    tpu.enqueue_indirect_dma source(%dma_start3A_51 : memref<10000x128xf32, #tpu.memory_space<hbm>>) target(%arg8 : memref<80x128xf32, #tpu.memory_space<vmem>>) offsets(%dma_start3A_48 : memref<80xi32, #tpu.memory_space<vmem>>) semaphore(%arg11 : memref<!tpu.dma_semaphore, #tpu.memory_space<semaphore_mem>>)
    %dma_wait3A_52 = arith.constant 9840 : i32
    %dma_wait3A_53 = tpu.memref_slice %arg6[%dma_wait3A_52] : memref<10000xi32, #tpu.memory_space<vmem>> -> memref<80xi32, #tpu.memory_space<vmem>>
    %dma_wait3A_54 = arith.constant 0 : i32
    %dma_wait3A_55 = arith.constant 0 : i32
    %dma_wait3A_56 = tpu.memref_slice %arg4[%dma_wait3A_54, %dma_wait3A_55] : memref<10000x128xf32, #tpu.memory_space<hbm>> -> memref<10000x128xf32, #tpu.memory_space<hbm>>
    tpu.wait_indirect_dma semaphore(%arg12 : memref<!tpu.dma_semaphore, #tpu.memory_space<semaphore_mem>>) src(%dma_wait3A_56 : memref<10000x128xf32, #tpu.memory_space<hbm>>) dst(%arg9 : memref<80x128xf32, #tpu.memory_space<vmem>>)
    "tpu.region"() ({
      %run_scoped3A = tpu.sem_alloc : memref<!tpu.dma_semaphore, #tpu.memory_space<semaphore_mem>>
      %dma_start3A_63 = arith.constant 9840 : i32
      %dma_start3A_64 = tpu.memref_slice %arg7[%dma_start3A_63] : memref<10000xi32, #tpu.memory_space<vmem>> -> memref<80xi32, #tpu.memory_space<vmem>>
      %dma_start3A_65 = arith.constant 0 : i32
      %dma_start3A_66 = arith.constant 0 : i32
      %dma_start3A_67 = tpu.memref_slice %arg10[%dma_start3A_65, %dma_start3A_66] : memref<10112x128xf32, #tpu.memory_space<vmem_shared>> -> memref<10112x128xf32, #tpu.memory_space<vmem_shared>>
      tpu.enqueue_indirect_dma source(%arg9 : memref<80x128xf32, #tpu.memory_space<vmem>>) target(%dma_start3A_67 : memref<10112x128xf32, #tpu.memory_space<vmem_shared>>) offsets(%dma_start3A_64 : memref<80xi32, #tpu.memory_space<vmem>>) semaphore(%run_scoped3A : memref<!tpu.dma_semaphore, #tpu.memory_space<semaphore_mem>>) {add = true}
      %dma_wait3A_68 = arith.constant 9840 : i32
      %dma_wait3A_69 = tpu.memref_slice %arg7[%dma_wait3A_68] : memref<10000xi32, #tpu.memory_space<vmem>> -> memref<80xi32, #tpu.memory_space<vmem>>
      %dma_wait3A_70 = arith.constant 0 : i32
      %dma_wait3A_71 = arith.constant 0 : i32
      %dma_wait3A_72 = tpu.memref_slice %arg10[%dma_wait3A_70, %dma_wait3A_71] : memref<10112x128xf32, #tpu.memory_space<vmem_shared>> -> memref<10112x128xf32, #tpu.memory_space<vmem_shared>>
      tpu.wait_indirect_dma semaphore(%run_scoped3A : memref<!tpu.dma_semaphore, #tpu.memory_space<semaphore_mem>>) src(%arg9 : memref<80x128xf32, #tpu.memory_space<vmem>>) dst(%dma_wait3A_72 : memref<10112x128xf32, #tpu.memory_space<vmem_shared>>)
      tpu.yield
    }) : () -> ()
    %dma_wait3A_57 = arith.constant 9920 : i32
    %dma_wait3A_58 = tpu.memref_slice %arg6[%dma_wait3A_57] : memref<10000xi32, #tpu.memory_space<vmem>> -> memref<80xi32, #tpu.memory_space<vmem>>
    %dma_wait3A_59 = arith.constant 0 : i32
    %dma_wait3A_60 = arith.constant 0 : i32
    %dma_wait3A_61 = tpu.memref_slice %arg4[%dma_wait3A_59, %dma_wait3A_60] : memref<10000x128xf32, #tpu.memory_space<hbm>> -> memref<10000x128xf32, #tpu.memory_space<hbm>>
    tpu.wait_indirect_dma semaphore(%arg11 : memref<!tpu.dma_semaphore, #tpu.memory_space<semaphore_mem>>) src(%dma_wait3A_61 : memref<10000x128xf32, #tpu.memory_space<hbm>>) dst(%arg8 : memref<80x128xf32, #tpu.memory_space<vmem>>)
    "tpu.region"() ({
      %run_scoped3A = tpu.sem_alloc : memref<!tpu.dma_semaphore, #tpu.memory_space<semaphore_mem>>
      %dma_start3A_63 = arith.constant 9920 : i32
      %dma_start3A_64 = tpu.memref_slice %arg7[%dma_start3A_63] : memref<10000xi32, #tpu.memory_space<vmem>> -> memref<80xi32, #tpu.memory_space<vmem>>
      %dma_start3A_65 = arith.constant 0 : i32
      %dma_start3A_66 = arith.constant 0 : i32
      %dma_start3A_67 = tpu.memref_slice %arg10[%dma_start3A_65, %dma_start3A_66] : memref<10112x128xf32, #tpu.memory_space<vmem_shared>> -> memref<10112x128xf32, #tpu.memory_space<vmem_shared>>
      tpu.enqueue_indirect_dma source(%arg8 : memref<80x128xf32, #tpu.memory_space<vmem>>) target(%dma_start3A_67 : memref<10112x128xf32, #tpu.memory_space<vmem_shared>>) offsets(%dma_start3A_64 : memref<80xi32, #tpu.memory_space<vmem>>) semaphore(%run_scoped3A : memref<!tpu.dma_semaphore, #tpu.memory_space<semaphore_mem>>) {add = true}
      %dma_wait3A_68 = arith.constant 9920 : i32
      %dma_wait3A_69 = tpu.memref_slice %arg7[%dma_wait3A_68] : memref<10000xi32, #tpu.memory_space<vmem>> -> memref<80xi32, #tpu.memory_space<vmem>>
      %dma_wait3A_70 = arith.constant 0 : i32
      %dma_wait3A_71 = arith.constant 0 : i32
      %dma_wait3A_72 = tpu.memref_slice %arg10[%dma_wait3A_70, %dma_wait3A_71] : memref<10112x128xf32, #tpu.memory_space<vmem_shared>> -> memref<10112x128xf32, #tpu.memory_space<vmem_shared>>
      tpu.wait_indirect_dma semaphore(%run_scoped3A : memref<!tpu.dma_semaphore, #tpu.memory_space<semaphore_mem>>) src(%arg8 : memref<80x128xf32, #tpu.memory_space<vmem>>) dst(%dma_wait3A_72 : memref<10112x128xf32, #tpu.memory_space<vmem_shared>>)
      tpu.yield
    }) : () -> ()
    %barrier3A_62 = arith.constant 0 : index
    tpu.barrier barrier_id(%barrier3A_62)
    "tpu.region"() ({
      %run_scoped3A = tpu.sem_alloc : memref<!tpu.dma_semaphore, #tpu.memory_space<semaphore_mem>>
      %dma_start3A_63 = arith.constant 0 : i32
      %dma_start3A_64 = tpu.memref_slice %arg5[%arg0, %mul3A_2, %dma_start3A_63] : memref<2x10112x128xf32, #tpu.memory_space<hbm>> -> memref<1x632x128xf32, #tpu.memory_space<hbm>>
      %dma_start3A_65 = tpu.memref_squeeze %dma_start3A_64 : memref<1x632x128xf32, #tpu.memory_space<hbm>> -> memref<632x128xf32, #tpu.memory_space<hbm>>
      %dma_start3A_66 = arith.constant 0 : i32
      %dma_start3A_67 = tpu.memref_slice %arg10[%mul3A_2, %dma_start3A_66] : memref<10112x128xf32, #tpu.memory_space<vmem_shared>> -> memref<632x128xf32, #tpu.memory_space<vmem_shared>>
      tpu.enqueue_dma source(%dma_start3A_67 : memref<632x128xf32, #tpu.memory_space<vmem_shared>>) target(%dma_start3A_65 : memref<632x128xf32, #tpu.memory_space<hbm>>) target_semaphore(%run_scoped3A : memref<!tpu.dma_semaphore, #tpu.memory_space<semaphore_mem>>)
      %dma_wait3A_68 = arith.constant 0 : i32
      %dma_wait3A_69 = tpu.memref_slice %arg5[%arg0, %mul3A_2, %dma_wait3A_68] : memref<2x10112x128xf32, #tpu.memory_space<hbm>> -> memref<1x632x128xf32, #tpu.memory_space<hbm>>
      %dma_wait3A_70 = tpu.memref_squeeze %dma_wait3A_69 : memref<1x632x128xf32, #tpu.memory_space<hbm>> -> memref<632x128xf32, #tpu.memory_space<hbm>>
      %dma_wait3A_71 = arith.constant 0 : i32
      %dma_wait3A_72 = tpu.memref_slice %arg10[%mul3A_2, %dma_wait3A_71] : memref<10112x128xf32, #tpu.memory_space<vmem_shared>> -> memref<632x128xf32, #tpu.memory_space<vmem_shared>>
      tpu.wait_dma2 semaphore(%run_scoped3A : memref<!tpu.dma_semaphore, #tpu.memory_space<semaphore_mem>>) src(%dma_wait3A_72 : memref<632x128xf32, #tpu.memory_space<vmem_shared>>) dst(%dma_wait3A_70 : memref<632x128xf32, #tpu.memory_space<hbm>>)
      tpu.yield
    }) : () -> ()
    return
  }
}

module attributes {stable_mosaic.version = 14 : i64} {
  func.func @_tc_mid_body(%arg0: i32, %arg1: memref<2x1000x128xf32, #tpu.memory_space<vmem>>, %arg2: memref<1000x128xf32, #tpu.memory_space<vmem>>, %arg3: memref<1000x1xf32, #tpu.memory_space<vmem>>, %arg4: memref<1x128xf32, #tpu.memory_space<vmem>>, %arg5: memref<128x128xf32, #tpu.memory_space<vmem>>, %arg6: memref<1000x128xf32, #tpu.memory_space<vmem>>) attributes {dimension_semantics = [#tpu.dimension_semantics<arbitrary>], iteration_bounds = array<i64: 10>, scalar_prefetch = 0 : i64, scratch_operands = 0 : i64, tpu.core_type = #tpu.core_type<tc>, window_params = [{transform_indices = @transform_0, window_bounds = array<i64: 2, 1000, 128>}, {transform_indices = @transform_1, window_bounds = array<i64: 1000, 128>}, {transform_indices = @transform_2, window_bounds = array<i64: 1000, 1>}, {pipeline_mode = #tpu.pipeline_mode<synchronous>, transform_indices = @transform_3, window_bounds = array<i64: 1, 128>}, {pipeline_mode = #tpu.pipeline_mode<synchronous>, transform_indices = @transform_4, window_bounds = array<i64: 128, 128>}, {transform_indices = @transform_5, window_bounds = array<i64: 1000, 128>}]} {
    %get3A = arith.constant 0 : index
    %get3A_0 = arith.constant 0 : index
    %get3A_1 = vector.load %arg3[%get3A, %get3A_0] : memref<1000x1xf32, #tpu.memory_space<vmem>>, vector<1000x1xf32>
    %get3A_2 = arith.constant 0 : index
    %get3A_3 = arith.constant 0 : index
    %get3A_4 = arith.constant 0 : index
    %get3A_5 = vector.load %arg1[%get3A_2, %get3A_3, %get3A_4] : memref<2x1000x128xf32, #tpu.memory_space<vmem>>, vector<1x1000x128xf32>
    %get3A_6 = vector.shape_cast %get3A_5 : vector<1x1000x128xf32> to vector<1000x128xf32>
    %get3A_7 = arith.constant 1 : index
    %get3A_8 = arith.constant 0 : index
    %get3A_9 = arith.constant 0 : index
    %get3A_10 = vector.load %arg1[%get3A_7, %get3A_8, %get3A_9] : memref<2x1000x128xf32, #tpu.memory_space<vmem>>, vector<1x1000x128xf32>
    %get3A_11 = vector.shape_cast %get3A_10 : vector<1x1000x128xf32> to vector<1000x128xf32>
    %add3A = arith.addf %get3A_6, %get3A_11 : vector<1000x128xf32>
    %get3A_12 = arith.constant 0 : index
    %get3A_13 = arith.constant 0 : index
    %get3A_14 = vector.load %arg2[%get3A_12, %get3A_13] : memref<1000x128xf32, #tpu.memory_space<vmem>>, vector<1000x128xf32>
    %add3A_15 = arith.addf %add3A, %get3A_14 : vector<1000x128xf32>
    %mul3A = vector.broadcast %get3A_1 : vector<1000x1xf32> to vector<1000x128xf32>
    %mul3A_16 = arith.mulf %add3A_15, %mul3A : vector<1000x128xf32>
    %get3A_17 = arith.constant 0 : index
    %get3A_18 = arith.constant 0 : index
    %get3A_19 = vector.load %arg4[%get3A_17, %get3A_18] : memref<1x128xf32, #tpu.memory_space<vmem>>, vector<1x128xf32>
    %add3A_20 = vector.broadcast %get3A_19 : vector<1x128xf32> to vector<1000x128xf32>
    %add3A_21 = arith.addf %mul3A_16, %add3A_20 : vector<1000x128xf32>
    %max3A = arith.constant 0.000000e+00 : f32
    %max3A_22 = vector.broadcast %max3A : f32 to vector<1000x128xf32>
    %max3A_23 = arith.maximumf %add3A_21, %max3A_22 : vector<1000x128xf32>
    %get3A_24 = arith.constant 0 : index
    %get3A_25 = arith.constant 0 : index
    %get3A_26 = vector.load %arg5[%get3A_24, %get3A_25] : memref<128x128xf32, #tpu.memory_space<vmem>>, vector<128x128xf32>
    %dot_general3A = arith.constant dense<0.000000e+00> : vector<1000x128xf32>
    %dot_general3A_27 = tpu.matmul %max3A_23, %get3A_26, %dot_general3A {dimension_numbers = #tpu.dot_dimension_numbers<[1], [0], [0], [1], [0, 0, 1, 1], [], []>, transpose_lhs_hint = false} : vector<1000x128xf32>, vector<128x128xf32>, vector<1000x128xf32> -> vector<1000x128xf32>
    %mul3A_28 = vector.broadcast %get3A_1 : vector<1000x1xf32> to vector<1000x128xf32>
    %mul3A_29 = arith.mulf %dot_general3A_27, %mul3A_28 : vector<1000x128xf32>
    %swap3A = arith.constant 0 : index
    %swap3A_30 = arith.constant 0 : index
    %swap3A_31 = vector.load %arg6[%swap3A, %swap3A_30] : memref<1000x128xf32, #tpu.memory_space<vmem>>, vector<1000x128xf32>
    tpu.vector_store %arg6[%swap3A, %swap3A_30], %mul3A_29 {strides = array<i32>} : memref<1000x128xf32, #tpu.memory_space<vmem>>, vector<1000x128xf32>,
    return
  }
  func.func @transform_0(%arg0: i32) -> (i32, i32, i32) {
    %c0_i32 = arith.constant 0 : i32
    %c0_i32_0 = arith.constant 0 : i32
    %c0_i32_1 = arith.constant 0 : i32
    return %c0_i32, %arg0, %c0_i32_0 : i32, i32, i32
  }
  func.func @transform_1(%arg0: i32) -> (i32, i32) {
    %c0_i32 = arith.constant 0 : i32
    %c0_i32_0 = arith.constant 0 : i32
    return %arg0, %c0_i32 : i32, i32
  }
  func.func @transform_2(%arg0: i32) -> (i32, i32) {
    %c0_i32 = arith.constant 0 : i32
    %c0_i32_0 = arith.constant 0 : i32
    return %arg0, %c0_i32 : i32, i32
  }
  func.func @transform_3(%arg0: i32) -> (i32, i32) {
    %c0_i32 = arith.constant 0 : i32
    %c0_i32_0 = arith.constant 0 : i32
    %c0_i32_1 = arith.constant 0 : i32
    return %c0_i32, %c0_i32_0 : i32, i32
  }
  func.func @transform_4(%arg0: i32) -> (i32, i32) {
    %c0_i32 = arith.constant 0 : i32
    %c0_i32_0 = arith.constant 0 : i32
    %c0_i32_1 = arith.constant 0 : i32
    return %c0_i32, %c0_i32_0 : i32, i32
  }
  func.func @transform_5(%arg0: i32) -> (i32, i32) {
    %c0_i32 = arith.constant 0 : i32
    %c0_i32_0 = arith.constant 0 : i32
    return %arg0, %c0_i32 : i32, i32
  }
}

module attributes {stable_mosaic.version = 14 : i64} {
  func.func @_tc_mm_body(%arg0: i32, %arg1: memref<1000x128xf32, #tpu.memory_space<vmem>>, %arg2: memref<128x128xf32, #tpu.memory_space<vmem>>, %arg3: memref<1000x128xf32, #tpu.memory_space<vmem>>) attributes {dimension_semantics = [#tpu.dimension_semantics<arbitrary>], iteration_bounds = array<i64: 10>, scalar_prefetch = 0 : i64, scratch_operands = 0 : i64, tpu.core_type = #tpu.core_type<tc>, window_params = [{transform_indices = @transform_0, window_bounds = array<i64: 1000, 128>}, {pipeline_mode = #tpu.pipeline_mode<synchronous>, transform_indices = @transform_1, window_bounds = array<i64: 128, 128>}, {transform_indices = @transform_2, window_bounds = array<i64: 1000, 128>}]} {
    %get3A = arith.constant 0 : index
    %get3A_0 = arith.constant 0 : index
    %get3A_1 = vector.load %arg1[%get3A, %get3A_0] : memref<1000x128xf32, #tpu.memory_space<vmem>>, vector<1000x128xf32>
    %get3A_2 = arith.constant 0 : index
    %get3A_3 = arith.constant 0 : index
    %get3A_4 = vector.load %arg2[%get3A_2, %get3A_3] : memref<128x128xf32, #tpu.memory_space<vmem>>, vector<128x128xf32>
    %dot_general3A = arith.constant dense<0.000000e+00> : vector<1000x128xf32>
    %dot_general3A_5 = tpu.matmul %get3A_1, %get3A_4, %dot_general3A {dimension_numbers = #tpu.dot_dimension_numbers<[1], [0], [0], [1], [0, 0, 1, 1], [], []>, transpose_lhs_hint = false} : vector<1000x128xf32>, vector<128x128xf32>, vector<1000x128xf32> -> vector<1000x128xf32>
    %swap3A = arith.constant 0 : index
    %swap3A_6 = arith.constant 0 : index
    %swap3A_7 = vector.load %arg3[%swap3A, %swap3A_6] : memref<1000x128xf32, #tpu.memory_space<vmem>>, vector<1000x128xf32>
    tpu.vector_store %arg3[%swap3A, %swap3A_6], %dot_general3A_5 {strides = array<i32>} : memref<1000x128xf32, #tpu.memory_space<vmem>>, vector<1000x128xf32>,
    return
  }
  func.func @transform_0(%arg0: i32) -> (i32, i32) {
    %c0_i32 = arith.constant 0 : i32
    %c0_i32_0 = arith.constant 0 : i32
    return %arg0, %c0_i32 : i32, i32
  }
  func.func @transform_1(%arg0: i32) -> (i32, i32) {
    %c0_i32 = arith.constant 0 : i32
    %c0_i32_0 = arith.constant 0 : i32
    %c0_i32_1 = arith.constant 0 : i32
    return %c0_i32, %c0_i32_0 : i32, i32
  }
  func.func @transform_2(%arg0: i32) -> (i32, i32) {
    %c0_i32 = arith.constant 0 : i32
    %c0_i32_0 = arith.constant 0 : i32
    return %arg0, %c0_i32 : i32, i32
  }
}

module attributes {stable_mosaic.version = 14 : i64} {
  func.func @_tc_pre_body(%arg0: i32, %arg1: memref<2x1000x16xf32, #tpu.memory_space<vmem>>, %arg2: memref<1000x128xf32, #tpu.memory_space<vmem>>, %arg3: memref<1000x1xf32, #tpu.memory_space<vmem>>, %arg4: memref<1000x128xf32, #tpu.memory_space<vmem>>) attributes {dimension_semantics = [#tpu.dimension_semantics<arbitrary>], iteration_bounds = array<i64: 10>, scalar_prefetch = 0 : i64, scratch_operands = 0 : i64, tpu.core_type = #tpu.core_type<tc>, window_params = [{transform_indices = @transform_0, window_bounds = array<i64: 2, 1000, 16>}, {transform_indices = @transform_1, window_bounds = array<i64: 1000, 128>}, {transform_indices = @transform_2, window_bounds = array<i64: 1000, 1>}, {transform_indices = @transform_3, window_bounds = array<i64: 1000, 128>}]} {
    %get3A = arith.constant 0 : index
    %get3A_0 = arith.constant 0 : index
    %get3A_1 = arith.constant 0 : index
    %get3A_2 = vector.load %arg1[%get3A, %get3A_0, %get3A_1] : memref<2x1000x16xf32, #tpu.memory_space<vmem>>, vector<1x1000x1xf32>
    %get3A_3 = vector.shape_cast %get3A_2 : vector<1x1000x1xf32> to vector<1000x1xf32>
    %get3A_4 = arith.constant 1 : index
    %get3A_5 = arith.constant 0 : index
    %get3A_6 = arith.constant 0 : index
    %get3A_7 = vector.load %arg1[%get3A_4, %get3A_5, %get3A_6] : memref<2x1000x16xf32, #tpu.memory_space<vmem>>, vector<1x1000x1xf32>
    %get3A_8 = vector.shape_cast %get3A_7 : vector<1x1000x1xf32> to vector<1000x1xf32>
    %add3A = arith.addf %get3A_3, %get3A_8 : vector<1000x1xf32>
    %add3A_9 = arith.constant 1.000000e+00 : f32
    %add3A_10 = vector.broadcast %add3A_9 : f32 to vector<1000x1xf32>
    %add3A_11 = arith.addf %add3A, %add3A_10 : vector<1000x1xf32>
    %rsqrt3A = math.rsqrt %add3A_11 : vector<1000x1xf32>
    %swap3A = arith.constant 0 : index
    %swap3A_12 = arith.constant 0 : index
    %swap3A_13 = vector.load %arg3[%swap3A, %swap3A_12] : memref<1000x1xf32, #tpu.memory_space<vmem>>, vector<1000x1xf32>
    tpu.vector_store %arg3[%swap3A, %swap3A_12], %rsqrt3A {strides = array<i32>} : memref<1000x1xf32, #tpu.memory_space<vmem>>, vector<1000x1xf32>,
    %get3A_14 = arith.constant 0 : index
    %get3A_15 = arith.constant 0 : index
    %get3A_16 = vector.load %arg2[%get3A_14, %get3A_15] : memref<1000x128xf32, #tpu.memory_space<vmem>>, vector<1000x128xf32>
    %mul3A = vector.broadcast %rsqrt3A : vector<1000x1xf32> to vector<1000x128xf32>
    %mul3A_17 = arith.mulf %get3A_16, %mul3A : vector<1000x128xf32>
    %swap3A_18 = arith.constant 0 : index
    %swap3A_19 = arith.constant 0 : index
    %swap3A_20 = vector.load %arg4[%swap3A_18, %swap3A_19] : memref<1000x128xf32, #tpu.memory_space<vmem>>, vector<1000x128xf32>
    tpu.vector_store %arg4[%swap3A_18, %swap3A_19], %mul3A_17 {strides = array<i32>} : memref<1000x128xf32, #tpu.memory_space<vmem>>, vector<1000x128xf32>,
    return
  }
  func.func @transform_0(%arg0: i32) -> (i32, i32, i32) {
    %c0_i32 = arith.constant 0 : i32
    %c0_i32_0 = arith.constant 0 : i32
    %c0_i32_1 = arith.constant 0 : i32
    return %c0_i32, %arg0, %c0_i32_0 : i32, i32, i32
  }
  func.func @transform_1(%arg0: i32) -> (i32, i32) {
    %c0_i32 = arith.constant 0 : i32
    %c0_i32_0 = arith.constant 0 : i32
    return %arg0, %c0_i32 : i32, i32
  }
  func.func @transform_2(%arg0: i32) -> (i32, i32) {
    %c0_i32 = arith.constant 0 : i32
    %c0_i32_0 = arith.constant 0 : i32
    return %arg0, %c0_i32 : i32, i32
  }
  func.func @transform_3(%arg0: i32) -> (i32, i32) {
    %c0_i32 = arith.constant 0 : i32
    %c0_i32_0 = arith.constant 0 : i32
    return %arg0, %c0_i32 : i32, i32
  }
}

module attributes {stable_mosaic.version = 14 : i64} {
  func.func @_tc_fin_body(%arg0: i32, %arg1: memref<2x1000x128xf32, #tpu.memory_space<vmem>>, %arg2: memref<1000x128xf32, #tpu.memory_space<vmem>>, %arg3: memref<1000x1xf32, #tpu.memory_space<vmem>>, %arg4: memref<1x128xf32, #tpu.memory_space<vmem>>, %arg5: memref<1000x1xi32, #tpu.memory_space<vmem>>, %arg6: memref<128x16xf32, #tpu.memory_space<vmem>>, %arg7: memref<1x16xf32, #tpu.memory_space<vmem>>, %arg8: memref<64x16xf32, #tpu.memory_space<vmem>>, %arg9: memref<64x128xf32, #tpu.memory_space<vmem>>, %arg10: memref<64x1xf32, #tpu.memory_space<vmem>>) attributes {dimension_semantics = [#tpu.dimension_semantics<arbitrary>], iteration_bounds = array<i64: 10>, scalar_prefetch = 0 : i64, scratch_operands = 2 : i64, tpu.core_type = #tpu.core_type<tc>, window_params = [{transform_indices = @transform_0, window_bounds = array<i64: 2, 1000, 128>}, {transform_indices = @transform_1, window_bounds = array<i64: 1000, 128>}, {transform_indices = @transform_2, window_bounds = array<i64: 1000, 1>}, {pipeline_mode = #tpu.pipeline_mode<synchronous>, transform_indices = @transform_3, window_bounds = array<i64: 1, 128>}, {transform_indices = @transform_4, window_bounds = array<i64: 1000, 1>}, {pipeline_mode = #tpu.pipeline_mode<synchronous>, transform_indices = @transform_5, window_bounds = array<i64: 128, 16>}, {pipeline_mode = #tpu.pipeline_mode<synchronous>, transform_indices = @transform_6, window_bounds = array<i64: 1, 16>}, {pipeline_mode = #tpu.pipeline_mode<synchronous>, transform_indices = @transform_7, window_bounds = array<i64: 64, 16>}]} {
    %eq3A = arith.constant 0 : i32
    %eq3A_0 = arith.cmpi eq, %arg0, %eq3A : i32
    %convert_element_type3A = arith.extui %eq3A_0 : i1 to i32
    %cond3A = arith.constant 0 : i32
    %cond3A_1 = arith.cmpi ne, %convert_element_type3A, %cond3A : i32
    scf.if %cond3A_1 {
      %broadcast_in_dim3A_55 = arith.constant 0.000000e+00 : f32
      %broadcast_in_dim3A_56 = vector.broadcast %broadcast_in_dim3A_55 : f32 to vector<64x128xf32>
      %swap3A_57 = arith.constant 0 : index
      %swap3A_58 = arith.constant 0 : index
      %swap3A_59 = vector.load %arg9[%swap3A_57, %swap3A_58] : memref<64x128xf32, #tpu.memory_space<vmem>>, vector<64x128xf32>
      tpu.vector_store %arg9[%swap3A_57, %swap3A_58], %broadcast_in_dim3A_56 {strides = array<i32>} : memref<64x128xf32, #tpu.memory_space<vmem>>, vector<64x128xf32>,
      %broadcast_in_dim3A_60 = arith.constant 0.000000e+00 : f32
      %broadcast_in_dim3A_61 = vector.broadcast %broadcast_in_dim3A_60 : f32 to vector<64x1xf32>
      %swap3A_62 = arith.constant 0 : index
      %swap3A_63 = arith.constant 0 : index
      %swap3A_64 = vector.load %arg10[%swap3A_62, %swap3A_63] : memref<64x1xf32, #tpu.memory_space<vmem>>, vector<64x1xf32>
      tpu.vector_store %arg10[%swap3A_62, %swap3A_63], %broadcast_in_dim3A_61 {strides = array<i32>} : memref<64x1xf32, #tpu.memory_space<vmem>>, vector<64x1xf32>,
    } else {
    }
    %get3A = arith.constant 0 : index
    %get3A_2 = arith.constant 0 : index
    %get3A_3 = arith.constant 0 : index
    %get3A_4 = vector.load %arg1[%get3A, %get3A_2, %get3A_3] : memref<2x1000x128xf32, #tpu.memory_space<vmem>>, vector<1x1000x128xf32>
    %get3A_5 = vector.shape_cast %get3A_4 : vector<1x1000x128xf32> to vector<1000x128xf32>
    %get3A_6 = arith.constant 1 : index
    %get3A_7 = arith.constant 0 : index
    %get3A_8 = arith.constant 0 : index
    %get3A_9 = vector.load %arg1[%get3A_6, %get3A_7, %get3A_8] : memref<2x1000x128xf32, #tpu.memory_space<vmem>>, vector<1x1000x128xf32>
    %get3A_10 = vector.shape_cast %get3A_9 : vector<1x1000x128xf32> to vector<1000x128xf32>
    %add3A = arith.addf %get3A_5, %get3A_10 : vector<1000x128xf32>
    %get3A_11 = arith.constant 0 : index
    %get3A_12 = arith.constant 0 : index
    %get3A_13 = vector.load %arg2[%get3A_11, %get3A_12] : memref<1000x128xf32, #tpu.memory_space<vmem>>, vector<1000x128xf32>
    %add3A_14 = arith.addf %add3A, %get3A_13 : vector<1000x128xf32>
    %get3A_15 = arith.constant 0 : index
    %get3A_16 = arith.constant 0 : index
    %get3A_17 = vector.load %arg3[%get3A_15, %get3A_16] : memref<1000x1xf32, #tpu.memory_space<vmem>>, vector<1000x1xf32>
    %mul3A = vector.broadcast %get3A_17 : vector<1000x1xf32> to vector<1000x128xf32>
    %mul3A_18 = arith.mulf %add3A_14, %mul3A : vector<1000x128xf32>
    %get3A_19 = arith.constant 0 : index
    %get3A_20 = arith.constant 0 : index
    %get3A_21 = vector.load %arg4[%get3A_19, %get3A_20] : memref<1x128xf32, #tpu.memory_space<vmem>>, vector<1x128xf32>
    %add3A_22 = vector.broadcast %get3A_21 : vector<1x128xf32> to vector<1000x128xf32>
    %add3A_23 = arith.addf %mul3A_18, %add3A_22 : vector<1000x128xf32>
    %max3A = arith.constant 0.000000e+00 : f32
    %max3A_24 = vector.broadcast %max3A : f32 to vector<1000x128xf32>
    %max3A_25 = arith.maximumf %add3A_23, %max3A_24 : vector<1000x128xf32>
    %get3A_26 = arith.constant 0 : index
    %get3A_27 = arith.constant 0 : index
    %get3A_28 = vector.load %arg5[%get3A_26, %get3A_27] : memref<1000x1xi32, #tpu.memory_space<vmem>>, vector<1000x1xi32>
    %iota3A = tpu.iota {dimensions = array<i32: 1>} : vector<1000x64xi32>
    %eq3A_29 = vector.broadcast %get3A_28 : vector<1000x1xi32> to vector<1000x64xi32>
    %eq3A_30 = arith.cmpi eq, %eq3A_29, %iota3A : vector<1000x64xi32>
    %convert_element_type3A_31 = arith.extui %eq3A_30 : vector<1000x64xi1> to vector<1000x64xi32>
    %convert_element_type3A_32 = arith.sitofp %convert_element_type3A_31 : vector<1000x64xi32> to vector<1000x64xf32>
    %get3A_33 = arith.constant 0 : index
    %get3A_34 = arith.constant 0 : index
    %get3A_35 = vector.load %arg9[%get3A_33, %get3A_34] : memref<64x128xf32, #tpu.memory_space<vmem>>, vector<64x128xf32>
    %dot_general3A = arith.constant dense<0.000000e+00> : vector<64x128xf32>
    %dot_general3A_36 = tpu.matmul %convert_element_type3A_32, %max3A_25, %dot_general3A {dimension_numbers = #tpu.dot_dimension_numbers<[0], [0], [1], [1], [0, 1, 1, 1], [], []>, transpose_lhs_hint = false} : vector<1000x64xf32>, vector<1000x128xf32>, vector<64x128xf32> -> vector<64x128xf32>
    %add3A_37 = arith.addf %get3A_35, %dot_general3A_36 : vector<64x128xf32>
    %swap3A = arith.constant 0 : index
    %swap3A_38 = arith.constant 0 : index
    %swap3A_39 = vector.load %arg9[%swap3A, %swap3A_38] : memref<64x128xf32, #tpu.memory_space<vmem>>, vector<64x128xf32>
    tpu.vector_store %arg9[%swap3A, %swap3A_38], %add3A_37 {strides = array<i32>} : memref<64x128xf32, #tpu.memory_space<vmem>>, vector<64x128xf32>,
    %broadcast_in_dim3A = arith.constant 1.000000e+00 : f32
    %broadcast_in_dim3A_40 = vector.broadcast %broadcast_in_dim3A : f32 to vector<1000x1xf32>
    %get3A_41 = arith.constant 0 : index
    %get3A_42 = arith.constant 0 : index
    %get3A_43 = vector.load %arg10[%get3A_41, %get3A_42] : memref<64x1xf32, #tpu.memory_space<vmem>>, vector<64x1xf32>
    %dot_general3A_44 = arith.constant dense<0.000000e+00> : vector<64x1xf32>
    %dot_general3A_45 = tpu.matmul %convert_element_type3A_32, %broadcast_in_dim3A_40, %dot_general3A_44 {dimension_numbers = #tpu.dot_dimension_numbers<[0], [0], [1], [1], [0, 1, 1, 1], [], []>, transpose_lhs_hint = false} : vector<1000x64xf32>, vector<1000x1xf32>, vector<64x1xf32> -> vector<64x1xf32>
    %add3A_46 = arith.addf %get3A_43, %dot_general3A_45 : vector<64x1xf32>
    %swap3A_47 = arith.constant 0 : index
    %swap3A_48 = arith.constant 0 : index
    %swap3A_49 = vector.load %arg10[%swap3A_47, %swap3A_48] : memref<64x1xf32, #tpu.memory_space<vmem>>, vector<64x1xf32>
    tpu.vector_store %arg10[%swap3A_47, %swap3A_48], %add3A_46 {strides = array<i32>} : memref<64x1xf32, #tpu.memory_space<vmem>>, vector<64x1xf32>,
    %eq3A_50 = arith.constant 9 : i32
    %eq3A_51 = arith.cmpi eq, %arg0, %eq3A_50 : i32
    %convert_element_type3A_52 = arith.extui %eq3A_51 : i1 to i32
    %cond3A_53 = arith.constant 0 : i32
    %cond3A_54 = arith.cmpi ne, %convert_element_type3A_52, %cond3A_53 : i32
    scf.if %cond3A_54 {
      %get3A_55 = arith.constant 0 : index
      %get3A_56 = arith.constant 0 : index
      %get3A_57 = vector.load %arg9[%get3A_55, %get3A_56] : memref<64x128xf32, #tpu.memory_space<vmem>>, vector<64x128xf32>
      %get3A_58 = arith.constant 0 : index
      %get3A_59 = arith.constant 0 : index
      %get3A_60 = vector.load %arg10[%get3A_58, %get3A_59] : memref<64x1xf32, #tpu.memory_space<vmem>>, vector<64x1xf32>
      %max3A_61 = arith.constant 1.000000e+00 : f32
      %max3A_62 = vector.broadcast %max3A_61 : f32 to vector<64x1xf32>
      %max3A_63 = arith.maximumf %get3A_60, %max3A_62 : vector<64x1xf32>
      %div3A = vector.broadcast %max3A_63 : vector<64x1xf32> to vector<64x128xf32>
      %div3A_64 = arith.divf %get3A_57, %div3A : vector<64x128xf32>
      %get3A_65 = arith.constant 0 : index
      %get3A_66 = arith.constant 0 : index
      %get3A_67 = vector.load %arg6[%get3A_65, %get3A_66] : memref<128x16xf32, #tpu.memory_space<vmem>>, vector<128x16xf32>
      %dot_general3A_68 = arith.constant dense<0.000000e+00> : vector<64x16xf32>
      %dot_general3A_69 = tpu.matmul %div3A_64, %get3A_67, %dot_general3A_68 {dimension_numbers = #tpu.dot_dimension_numbers<[1], [0], [0], [1], [0, 0, 1, 1], [], []>, transpose_lhs_hint = false} : vector<64x128xf32>, vector<128x16xf32>, vector<64x16xf32> -> vector<64x16xf32>
      %get3A_70 = arith.constant 0 : index
      %get3A_71 = arith.constant 0 : index
      %get3A_72 = vector.load %arg7[%get3A_70, %get3A_71] : memref<1x16xf32, #tpu.memory_space<vmem>>, vector<1x16xf32>
      %add3A_73 = vector.broadcast %get3A_72 : vector<1x16xf32> to vector<64x16xf32>
      %add3A_74 = arith.addf %dot_general3A_69, %add3A_73 : vector<64x16xf32>
      %reduce_max3A = arith.constant dense<0xFF800000> : vector<64xf32>
      %reduce_max3A_75 = vector.multi_reduction <maximumf>, %add3A_74, %reduce_max3A [1] : vector<64x16xf32> to vector<64xf32>
      %broadcast_in_dim3A_76 = vector.shape_cast %reduce_max3A_75 : vector<64xf32> to vector<64x1xf32>
      %sub3A = vector.broadcast %broadcast_in_dim3A_76 : vector<64x1xf32> to vector<64x16xf32>
      %sub3A_77 = arith.subf %add3A_74, %sub3A : vector<64x16xf32>
      %exp3A = math.exp %sub3A_77 : vector<64x16xf32>
      %reduce_sum3A = arith.constant dense<0.000000e+00> : vector<64xf32>
      %reduce_sum3A_78 = vector.multi_reduction <add>, %exp3A, %reduce_sum3A [1] : vector<64x16xf32> to vector<64xf32>
      %broadcast_in_dim3A_79 = vector.shape_cast %reduce_sum3A_78 : vector<64xf32> to vector<64x1xf32>
      %log3A = math.log %broadcast_in_dim3A_79 : vector<64x1xf32>
      %sub3A_80 = vector.broadcast %log3A : vector<64x1xf32> to vector<64x16xf32>
      %sub3A_81 = arith.subf %sub3A_77, %sub3A_80 : vector<64x16xf32>
      %swap3A_82 = arith.constant 0 : index
      %swap3A_83 = arith.constant 0 : index
      %swap3A_84 = vector.load %arg8[%swap3A_82, %swap3A_83] : memref<64x16xf32, #tpu.memory_space<vmem>>, vector<64x16xf32>
      tpu.vector_store %arg8[%swap3A_82, %swap3A_83], %sub3A_81 {strides = array<i32>} : memref<64x16xf32, #tpu.memory_space<vmem>>, vector<64x16xf32>,
    } else {
    }
    return
  }
  func.func @transform_0(%arg0: i32) -> (i32, i32, i32) {
    %c0_i32 = arith.constant 0 : i32
    %c0_i32_0 = arith.constant 0 : i32
    %c0_i32_1 = arith.constant 0 : i32
    return %c0_i32, %arg0, %c0_i32_0 : i32, i32, i32
  }
  func.func @transform_1(%arg0: i32) -> (i32, i32) {
    %c0_i32 = arith.constant 0 : i32
    %c0_i32_0 = arith.constant 0 : i32
    return %arg0, %c0_i32 : i32, i32
  }
  func.func @transform_2(%arg0: i32) -> (i32, i32) {
    %c0_i32 = arith.constant 0 : i32
    %c0_i32_0 = arith.constant 0 : i32
    return %arg0, %c0_i32 : i32, i32
  }
  func.func @transform_3(%arg0: i32) -> (i32, i32) {
    %c0_i32 = arith.constant 0 : i32
    %c0_i32_0 = arith.constant 0 : i32
    %c0_i32_1 = arith.constant 0 : i32
    return %c0_i32, %c0_i32_0 : i32, i32
  }
  func.func @transform_4(%arg0: i32) -> (i32, i32) {
    %c0_i32 = arith.constant 0 : i32
    %c0_i32_0 = arith.constant 0 : i32
    return %arg0, %c0_i32 : i32, i32
  }
  func.func @transform_5(%arg0: i32) -> (i32, i32) {
    %c0_i32 = arith.constant 0 : i32
    %c0_i32_0 = arith.constant 0 : i32
    %c0_i32_1 = arith.constant 0 : i32
    return %c0_i32, %c0_i32_0 : i32, i32
  }
  func.func @transform_6(%arg0: i32) -> (i32, i32) {
    %c0_i32 = arith.constant 0 : i32
    %c0_i32_0 = arith.constant 0 : i32
    %c0_i32_1 = arith.constant 0 : i32
    return %c0_i32, %c0_i32_0 : i32, i32
  }
  func.func @transform_7(%arg0: i32) -> (i32, i32) {
    %c0_i32 = arith.constant 0 : i32
    %c0_i32_0 = arith.constant 0 : i32
    %c0_i32_1 = arith.constant 0 : i32
    return %c0_i32, %c0_i32_0 : i32, i32
  }
}

</mosaic_0001>

<sc_bundles>
// kernel: kernel.15.cloned.1.call-start
scs
__scs_entry_jumppad:
0x0: {  	(pc) =	sbr.rel $0x88, $3  }
0x1: {  	(tag) =	ssettag $0x0;
	lr =	simm.s32 $0x1  }
0x2: {  	[smem:$0x3F98] =	sst lr;
	_ =	strace $0xD0000000  }
0x3: {  	_ = 	snop  }
0x4: {  	_ = 	snop  }
0x5: {  	_ = 	snop  }
0x6: {  	_ = 	snop  }
0x7: {  	_ = 	snop  }
__scs_overlays_trampoline_lowered:
0x8: {  	[smem:$0x3FA7] =	sst s0  }
0x9: {  	[smem:$0x3FA8] =	sst s1  }
0xa: {  	[smem:$0x3FA9] =	sst s2  }
0xb: {  	[smem:$0x3FAA] =	sst s3  }
0xc: {  	[smem:$0x3FAB] =	sst s4  }
0xd: {  	[smem:$0x3FAC] =	sst s5  }
0xe: {  	[smem:$0x3FAD] =	sst s6  }
0xf: {  	[smem:$0x3FAE] =	sst s7  }
0x10: {  	[smem:$0x3FAF] =	sst s8  }
0x11: {  	[smem:$0x3FB0] =	sst s9;
	s0 =	simm.s32 @!p0 $0x0  }
0x12: {  	s1 =	sld [smem:$0x3F96];
	s0 =	simm.s32 @p0 $0x1  }
0x13: {  	[smem:$0x3FB1] =	sst s0;
	s0 =	simm.s32 @!p1 $0x0  }
0x14: {  	s2 =	sld [smem:$0x3F95];
	s0 =	simm.s32 @p1 $0x1  }
0x15: {  	[smem:$0x3FB2] =	sst s0;
	s0 =	simm.s32 @!p2 $0x0  }
0x16: {  	s3 =	sld [smem:$0x3FDB];
	s0 =	simm.s32 @p2 $0x1  }
0x17: {  	s4 =	simm.s32 $0x1BF5;
	[smem:$0x3FB4] =	sst s0  }
0x18: {  	s0 =	sld [smem:$0x3F97];
	_ =	swait.ge [sflag:s4], $0x0  }
0x19: {  	s7 =	sld [smem:$0x3F98]  }
0x1a: {  	s8 =	sadd.s32 $0xFFFFE003, lr  }
0x1b: {  	s9 =	sadd.s32 $0xFFFFFEF7, lr;
	s5 =	simm.s32 $0xFFFFFFFF;
	p2 =	slt.u32 s8, $0xFFFFF086  }
0x1c: {  	p1 =	slt.u32 s9, $0xF7A;
	s5 =	simm.s32 @!p2 $0x0  }
0x1d: {  	s5 =	simm.s32 @p1 $0x1;
	p0 =	seq.s32 s7, s2  }
0x1e: {  	s7 =	smul.u32 @!p0 $0xF7A, s2;
	p2 =	seq.s32 @!p0 s5, $0x0  }
0x1f: {  	s9 =	smul.u32 $0xF7A, s1;
	s8 =	simm.s32 @!p0 $0x1BF5;
	p2 =	por !p2, p0  }
0x20: {  	[sflag:s8] =	ssyncset.s32 @!p0 $0xFFFFF086;
	s6 =	sadd.s32 @!p0 s3, s7;
	s7 =	simm.s32 @!p0 $0x108  }
0x21: {  	s3 =	sadd.s32 s3, s9;
	s6 =	sadd.s32 @!p0 $0x88, s6;
	s7 =	simm.s32 @p2 $0x1082  }
0x22: {  	[simem:s7], [sflag:s8] =	dma.local @!p0 [hbm:s6], $0xF7A  }
0x23: {  	s9 =	sor.u32 $0xD0000000, s2;
	s6 =	simm.s32 $0x108;
	_ =	swait.ge @!p0 [sflag:s8], $0x0  }
0x24: {  	s3 =	sadd.s32 $0x88, s3;
	s6 =	simm.s32 @!p1 $0x1082;
	[sflag:s4] =	ssyncset.s32 $0xFFFFF086  }
0x25: {  	[simem:s6], [sflag:s4] =	dma.local [hbm:s3], $0xF7A  }
0x26: {  	[smem:$0x3F98] =	sst s1;
	(tag) =	ssettag s2;
	_ =	strace s9  }
0x27: {  	s1 =	sld [smem:$0x3FA8]  }
0x28: {  	s2 =	sld [smem:$0x3FA9]  }
0x29: {  	s4 =	sld [smem:$0x3FAB]  }
0x2a: {  	p0 =	seq.s32 s5, $0x0;
	s5 =	sld [smem:$0x3FAC]  }
0x2b: {  	s6 =	sld [smem:$0x3FAD]  }
0x2c: {  	s7 =	sld [smem:$0x3FAE]  }
0x2d: {  	s3 =	simm.s32 $0x108;
	s8 =	sld [smem:$0x3FAF]  }
0x2e: {  	s3 =	simm.s32 @!p0 $0x1082;
	s9 =	sld [smem:$0x3FB0]  }
0x2f: {  	lr =	sadd.s32 s0, s3;
	s0 =	sld [smem:$0x3FA7]  }
0x30: {  	s3 =	sld [smem:$0x3FAA]  }
0x31: {  	[smem:$0x3FB3] =	sst s10  }
0x32: {  	s10 =	sld [smem:$0x3FB1];
	_ =	sdelay $0x3  }
0x33: {  	p0 =	seq.s32 s10, $0x1;
	s10 =	sld [smem:$0x3FB3];
	_ =	sdelay $0x3  }
0x34: {  	[smem:$0x3FB3] =	sst s10  }
0x35: {  	s10 =	sld [smem:$0x3FB2];
	_ =	sdelay $0x3  }
0x36: {  	p1 =	seq.s32 s10, $0x1;
	s10 =	sld [smem:$0x3FB3];
	_ =	sdelay $0x3  }
0x37: {  	[smem:$0x3FB3] =	sst s10  }
0x38: {  	s10 =	sld [smem:$0x3FB4]  }
0x39: {  	_ = 	snop;
	(pc) =	sbr.ind lr, $3  }
0x3a: {  	_ = 	snop  }
0x3b: {  	_ = 	snop  }
0x3c: {  	p2 =	seq.s32 s10, $0x1;
	s10 =	sld [smem:$0x3FB3]  }
0x3d: {  	_ =	shalt  }
0x3e: {  	_ =	shalt  }
0x3f: {  	_ =	shalt  }
0x40: {  	_ =	shalt  }
0x41: {  	_ =	shalt  }
0x42: {  	_ =	shalt  }
0x43: {  	_ =	shalt  }
0x44: {  	_ =	shalt  }
0x45: {  	_ =	shalt  }
0x46: {  	_ =	shalt  }
0x47: {  	_ =	shalt  }
0x48: {  	_ =	shalt  }
0x49: {  	_ =	shalt  }
0x4a: {  	_ =	shalt  }
0x4b: {  	_ =	shalt  }
0x4c: {  	_ =	shalt  }
0x4d: {  	_ =	shalt  }
0x4e: {  	_ =	shalt  }
0x4f: {  	_ =	shalt  }
0x50: {  	_ =	shalt  }
0x51: {  	_ =	shalt  }
0x52: {  	_ =	shalt  }
0x53: {  	_ =	shalt  }
0x54: {  	_ =	shalt  }
0x55: {  	_ =	shalt  }
0x56: {  	_ =	shalt  }
0x57: {  	_ =	shalt  }
0x58: {  	_ =	shalt  }
0x59: {  	_ =	shalt  }
0x5a: {  	_ =	shalt  }
0x5b: {  	_ =	shalt  }
0x5c: {  	_ =	shalt  }
0x5d: {  	_ =	shalt  }
0x5e: {  	_ =	shalt  }
0x5f: {  	_ =	shalt  }
0x60: {  	_ =	shalt  }
0x61: {  	_ =	shalt  }
0x62: {  	_ =	shalt  }
0x63: {  	_ =	shalt  }
0x64: {  	_ =	shalt  }
0x65: {  	_ =	shalt  }
0x66: {  	_ =	shalt  }
0x67: {  	_ =	shalt  }
0x68: {  	_ =	shalt  }
0x69: {  	_ =	shalt  }
0x6a: {  	_ =	shalt  }
0x6b: {  	_ =	shalt  }
0x6c: {  	_ =	shalt  }
0x6d: {  	_ =	shalt  }
0x6e: {  	_ =	shalt  }
0x6f: {  	_ =	shalt  }
0x70: {  	_ =	shalt  }
0x71: {  	_ =	shalt  }
0x72: {  	_ =	shalt  }
0x73: {  	_ =	shalt  }
0x74: {  	_ =	shalt  }
0x75: {  	_ =	shalt  }
0x76: {  	_ =	shalt  }
0x77: {  	_ =	shalt  }
0x78: {  	_ =	shalt  }
0x79: {  	_ =	shalt  }
0x7a: {  	_ =	shalt  }
0x7b: {  	_ =	shalt  }
0x7c: {  	_ =	shalt  }
0x7d: {  	_ =	shalt  }
0x7e: {  	_ =	shalt  }
0x7f: {  	_ =	shalt  }
0x80: {  	_ =	shalt  }
0x81: {  	_ =	shalt  }
0x82: {  	_ =	shalt  }
0x83: {  	_ =	shalt  }
0x84: {  	_ =	shalt  }
0x85: {  	_ =	shalt  }
0x86: {  	_ =	shalt  }
0x87: {  	_ =	shalt  }
.Lfunc_end0:
.L_simem_size_0:
called_computation_lowered:
.L_overlay_start_0:
0x88: {  	s2 =	sld [smem:$0x3FD9]  }
0x89: {  	s3 =	sld [smem:$0x3FFE];
	_ =	sdelay $0x1  }
0x8a: {  	s1 =	srdreg.scid  }
0x8b: {  	s0 =	sand.u32 $0x1, s1  }
0x8c: {  	s16 =	sshll.u32 s0, $0xA;
	s2 =	sadd.s32 s3, s2  }
0x8d: {  	s2 =	sadd.s32 s2, s16  }
0x8e: {  	[smem:$0x3FBF] =	sst s2  }
0x8f: {  	_ = 	snop  }
0x90: {  	(tm) =	ssettm $0x1  }
0x91: {  	s17 =	sld [smem:$0x3FFB];
	_ =	sdelay $0x3  }
0x92: {  	_ =	strace s17  }
0x93: {  	s2 =	sld [smem:$0x3FFC];
	_ =	sdelay $0x3  }
0x94: {  	_ =	strace s2  }
0x95: {  	s2 =	sld [smem:$0x3FFD];
	_ =	sdelay $0x3  }
0x96: {  	_ =	strace s2  }
0x97: {  	_ =	strace $0x8FFFFFFF  }
0x98: {  	s18 =	sld [smem:$0x3FDB];
	_ =	sdelay $0x1  }
0x99: {  	s19 =	simm.s32 $_scs_section_size  }
0x9a: {  	s4 =	simm.s32 $_size__tile_overlayer_lowered;
	s5 =	simm.s32 $_tile_overlayer_lowered  }
0x9b: {  	s22 =	simm.s32 $0x1BFF;
	s21 =	sshll.u32 s5, $0x1;
	s2 =	sadd.s32 s19, s18  }
0x9c: {  	s6 =	simm.s32 $0x0;
	s20 =	sshll.u32 s4, $0x1;
	s4 =	sadd.s32 s21, s2  }
0x9d: {  	[timem:s6], [sflag:s22] =	dma.local [hbm:s4], s20  }
0x9e: {  	_ =	swait.ge [sflag:s22], s20  }
0x9f: {  	s3 =	ssub.s32 $0x0, s20;
	[sflag:s22] =	ssyncset.done $0x0  }
0xa0: {  	[sflag:s22] =	ssyncadd.s32 s3;
	_ =	sdelay $0x1  }
0xa1: {  	s23 =	simm.s32 $0x1B8B  }
0xa2: {  	_ =	swait.ge [sflag:s23], $0x1  }
0xa3: {  	[sflag:s23] =	ssyncset.done $0x0  }
0xa4: {  	s25 =	simm.s32 $0x1B8E;
	s24 =	sld [smem:$0x3FFE];
	[sflag:s23] =	ssyncadd.s32 $0xFFFFFFFF  }
0xa5: {  	s26 =	simm.s32 $execute0_lowered;
	[smem:$0x3FD2] =	sst s25  }
0xa6: {  	s4 =	sshll.u32 s26, $0x1;
	_ =	strace $0x80000046;
	[dreg:$0x1] =	wrdreg $0xFFFFFFFF  }
0xa7: {  	s28 =	simm.s32 $_size_execute0_lowered;
	s2 =	sadd.s32 s2, s4;
	[dreg:$0x0] =	wrdreg $0x0  }
0xa8: {  	s4 =	sshll.u32 s28, $0x1;
	[dreg:$0x2] =	wrdreg s2  }
0xa9: {  	[dreg:$0x3] =	wrdreg s4  }
0xaa: {  	[dreg:$0x4] =	wrdreg $0xC0  }
0xab: {  	_ =	task [dreg:s6], $0x5FFFF  }
0xac: {  	[dreg:$0x1] =	wrdreg $0xFFFFFFFF  }
0xad: {  	[dreg:$0x0] =	wrdreg $0x60  }
0xae: {  	[dreg:$0x2] =	wrdreg s24  }
0xaf: {  	[dreg:$0x3] =	wrdreg $0x77800  }
0xb0: {  	[dreg:$0x4] =	wrdreg $0x9  }
0xb1: {  	_ =	task.clear_ibuf [dreg:s6], $0x5FFFF;
	_ =	strace $0x90000046  }
0xb2: {  	s29 =	simm.s32 $0x9;
	_ =	strace $0x80000048  }
0xb3: {  	_ =	swait.ge [sflag:s29], $0x1  }
0xb4: {  	[sflag:s29] =	ssyncadd.s32 $0xFFFFFFFF  }
0xb5: {  	_ =	strace $0x90000048  }
0xb6: {  	_ =	sfence  }
0xb7: {  	s30 =	sld [smem:$0x0];
	_ =	sdelay $0x2  }
0xb8: {  	s31 =	sshll.u32 s1, $0xD;
	s1 =	sshrl.u32 s1, $0x2  }
0xb9: {  	s3 =	sand.u32 $0x4000, s31;
	s1 =	sadd.s32 s1, s30  }
0xba: {  	s0 =	sor.u32 s3, s0;
	s1 =	sshll.u32 s1, $0x11  }
0xbb: {  	s0 =	sor.u32 s1, s0  }
0xbc: {  	s0 =	sadd.s32 $0x8F2B, s0  }
0xbd: {  	[sflag:s0] =	ssyncadd.remote.s32 $0x1  }
0xbe: {  	_ =	sfence.sel $0xFFFF  }
0xbf: {  	[dreg:$0x0] =	wrdreg $0xFFFFFFFF;
	(pc) =	sbr.abs _section_cstart, $3  }
0xc0: {  	[dreg:$0x1] =	wrdreg $0xFFFFFFFF  }
0xc1: {  	_ =	task.clear_ibuf [dreg:s6], $0x2FFFF;
	_ =	strace $0x9FFFFFFF  }
0xc2: {  	(tm) =	ssettm $0x7FFFFFFF  }
0xc3: {  	_ =	shalt  }
tec
execute0_lowered:
.L_overlay_start_1:
0x0: {  	(tag) =	ssettag $0x1  }
0x1: {  	s1 =	srdreg.scid;
	s5 =	rddreg [dreg:$0x0]  }
0x2: {  	s0 =	stileid.u32;
	s2 =	rddreg [dreg:$0x1];
	s3 =	simm.s32 $0x0  }
0x3: {  	s15 =	simm.s32 $0x1;
	s16 =	simm.s32 $0x4F80;
	s17 =	simm.s32 $0x50  }
0x4: {  	s18 =	simm.s32 $0x2780;
	s4 =	sand.u32 $0x1, s1;
	s8 =	smul.u32 $0x13C00, s0  }
0x5: {  	s28 =	sshll.u32 s0, $0x1;
	[smem:$0x7FF] =	sst s3;
	s9 =	smul.u32 $0x4F000, s0  }
0x6: {  	s19 =	sshll.u32 s0, $0x6;
	s1 =	sor.u32 s4, s28;
	s7 =	smul.u32 $0x13C000, s4  }
0x7: {  	s29 =	ssub.s32 $0x2, s4;
	s19 =	sor.u32 $0x1C01, s19;
	s6 =	smul.u32 $0x4E2, s1  }
0x8: {  	s1 =	rddreg [dreg:$0x2];
	_ =	strace $0x80000047;
	s30 =	sshrl.u32 s9, $0x2  }
0x9: {  	s31 =	sshrl.u32 s29, $0x1;
	s7 =	sadd.s32 s8, s7;
	s4 =	sadd.s32 s30, s2  }
0xa: {  	s14 =	ssub.s32 s29, s31;
	s6 =	sadd.s32 s6, s5;
	s7 =	sshrl.u32 s7, $0x3  }
0xb: {  	s8 =	sadd.s32 $0x7800, s4;
	s9 =	sadd.s32 $0xA000, s4;
	s10 =	sadd.s32 $0xC800, s4  }
0xc: {  	s11 =	sadd.s32 $0xF000, s4;
	s12 =	sadd.s32 $0x11800, s4;
	s14 =	smax.u32 s14, $0x1  }
0xd: {  	s20 =	sshrl.u32 s4, $0x3;
	s13 =	sadd.s32 s7, s5;
	s5 =	sadd.s32 $0x4000, s6  }
0xe: {  	v0 =	vimm.f32 $0.0e+00;
	v1 =	vimm.f32 $1.000000000e+00;
	s6 =	sadd.s32 $0x2800, s4;
	s7 =	sadd.s32 $0x5000, s4;
	s13 =	sadd.s32 $0x17C00, s13  }
.LBB2_1:
0xf: {  	s21 =	simm.s32 $0x200;
	s22 =	simm.s32 $0x0  }
.LBB2_2:
0x10: {  	p0 =	sne.s32 s21, $0x9E00;
	[tilespmem:s22+$0x4F80] =	vst v0;
	s23 =	smov.u32 s21;
	s21 =	sadd.s32 $0x200, s21  }
.Ltmp0:
0x11: {  	[tilespmem:s22+$0x2780] =	vst v1;
	(pc) =	sbr.rel @p0 .LBB2_2-.Ltmp0, $2  }
0x12: {  	_ =	sdelay $0x2  }
0x13: {  	s22 =	sshra.s32 s23, $0x2  }
0x14: {  	[tilespmem:s22+$0x4F80] =	vst v0  }
0x15: {  	[tilespmem:s22+$0x2780] =	vst v1;
	s21 =	simm.s32 $0x0  }
0x16: {  	[tilespmem:s21], [sflag:$0x1] =	stream.linear.gather [hbm4b:s5+s21], $0x2710, $0x38;
	[tilespmem:$0x9F00] =	vst v63  }
0x17: {  	_ =	swait.ge [sflag:s15], $0x2710  }
0x18: {  	[sflag:s15] =	ssyncset.done $0x0  }
0x19: {  	[sflag:s15] =	ssyncadd.s32 $0xFFFFD8F0  }
0x1a: {  	[spmem:s4] =	stream.linear.scatter [tilespmem:s16], [sflag:$0x1], $0x2800, $0x38;
	[tilespmem:$0x9F00] =	vst v63  }
0x1b: {  	_ =	swait.ge [sflag:s15], $0x2800  }
0x1c: {  	[sflag:s15] =	ssyncset.done $0x0  }
0x1d: {  	[sflag:s15] =	ssyncadd.s32 $0xFFFFD800  }
0x1e: {  	[spmem:s6] =	stream.linear.scatter [tilespmem:s16], [sflag:$0x1], $0x2800, $0x38;
	[tilespmem:$0x9F00] =	vst v63  }
0x1f: {  	_ =	swait.ge [sflag:s15], $0x2800  }
0x20: {  	[sflag:s15] =	ssyncset.done $0x0  }
0x21: {  	[sflag:s15] =	ssyncadd.s32 $0xFFFFD800  }
0x22: {  	[spmem:s7] =	stream.linear.scatter [tilespmem:s16], [sflag:$0x1], $0x2800, $0x38;
	[tilespmem:$0x9F00] =	vst v63  }
0x23: {  	_ =	swait.ge [sflag:s15], $0x2800  }
0x24: {  	[sflag:s15] =	ssyncset.done $0x0  }
0x25: {  	[sflag:s15] =	ssyncadd.s32 $0xFFFFD800  }
0x26: {  	[spmem:s8] =	stream.linear.scatter [tilespmem:s16], [sflag:$0x1], $0x2800, $0x38;
	[tilespmem:$0x9F00] =	vst v63  }
0x27: {  	_ =	swait.ge [sflag:s15], $0x2800  }
0x28: {  	[sflag:s15] =	ssyncset.done $0x0  }
0x29: {  	[sflag:s15] =	ssyncadd.s32 $0xFFFFD800  }
0x2a: {  	[spmem:s9] =	stream.linear.scatter [tilespmem:s16], [sflag:$0x1], $0x2800, $0x38;
	[tilespmem:$0x9F00] =	vst v63  }
0x2b: {  	_ =	swait.ge [sflag:s15], $0x2800  }
0x2c: {  	[sflag:s15] =	ssyncset.done $0x0  }
0x2d: {  	[sflag:s15] =	ssyncadd.s32 $0xFFFFD800  }
0x2e: {  	[spmem:s10] =	stream.linear.scatter [tilespmem:s16], [sflag:$0x1], $0x2800, $0x38;
	[tilespmem:$0x9F00] =	vst v63  }
0x2f: {  	_ =	swait.ge [sflag:s15], $0x2800  }
0x30: {  	[sflag:s15] =	ssyncset.done $0x0  }
0x31: {  	[sflag:s15] =	ssyncadd.s32 $0xFFFFD800  }
0x32: {  	[spmem:s11] =	stream.linear.scatter [tilespmem:s16], [sflag:$0x1], $0x2800, $0x38;
	[tilespmem:$0x9F00] =	vst v63  }
0x33: {  	_ =	swait.ge [sflag:s15], $0x2800  }
0x34: {  	[sflag:s15] =	ssyncset.done $0x0  }
0x35: {  	[sflag:s15] =	ssyncadd.s32 $0xFFFFD800  }
0x36: {  	[spmem:s12] =	stream.linear.scatter [tilespmem:s16], [sflag:$0x1], $0x2400, $0x38;
	[tilespmem:$0x9F00] =	vst v63  }
0x37: {  	_ =	swait.ge [sflag:s15], $0x2400  }
0x38: {  	[sflag:s15] =	ssyncset.done $0x0  }
0x39: {  	[sflag:s15] =	ssyncadd.s32 $0xFFFFDC00  }
0x3a: {  	s31 =	simm.s32 $0x0;
	[bflag:$0x0] =	sbarrier.arrive $0xFFFF  }
0x3b: {  	[spmem:s2] =	stream.indirect.scatter.add.f32 [tilespmem:s18], [sflag:$0x1], $0x10, s31, s17, $0xb8;
	[tilespmem:$0x9F00] =	vst v63  }
0x3c: {  	_ =	swait.ge [sflag:s15], $0x500  }
0x3d: {  	s21 =	simm.s32 $0x140;
	[sflag:s15] =	ssyncset.done $0x0  }
.LBB2_4:
0x3e: {  	s22 =	sshra.s32 s21, $0x2;
	[sflag:s15] =	ssyncadd.s32 $0xFFFFFB00;
	p0 =	sne.s32 s21, $0x9B00  }
0x3f: {  	[spmem:s2] =	stream.indirect.scatter.add.f32 [tilespmem:s18], [sflag:$0x1], $0x10, s22, s17, $0xb8;
	[tilespmem:$0x9F00] =	vst v63  }
.Ltmp1:
0x40: {  	_ = 	snop;
	(pc) =	sbr.rel @p0 .LBB2_4-.Ltmp1, $4  }
0x41: {  	_ = 	snop  }
0x42: {  	s21 =	sadd.s32 $0x140, s21  }
0x43: {  	_ =	swait.ge [sflag:s15], $0x500  }
0x44: {  	[sflag:s15] =	ssyncset.done $0x0  }
0x45: {  	s3 =	sadd.s32 $0x1, s3  }
0x46: {  	[sflag:s15] =	ssyncadd.s32 $0xFFFFFB00;
	p0 =	sne.s32 s3, s14  }
.Ltmp2:
0x47: {  	[bflag:$0x0] =	sbarrier.arrive $0xFFFF;
	(pc) =	sbr.rel @p0 .LBB2_1-.Ltmp2, $4  }
0x48: {  	[hbm:s13], [sflag:s19] =	dma.local [spmem:s20], $0x2780  }
0x49: {  	_ =	swait.ge [sflag:s15], $0x2780  }
0x4a: {  	[sflag:s15] =	ssyncset.done $0x0  }
0x4b: {  	[sflag:s15] =	ssyncadd.s32 $0xFFFFD880  }
0x4c: {  	_ =	sfence.sel $0x180000  }
0x4d: {  	[bflag:$0x0] =	sbarrier.arrive $0xFFFF  }
0x4e: {  	p0 =	sne.s32 s0, $0x0;
	_ =	strace $0x90000047  }
0x4f: {  	s0 =	sadd.s32 @!p0 $0x100000, s1;
	[bflag:$0x2] =	sbarrier.arrive $0xFFFF  }
0x50: {  	[sflag:s0] =	ssyncadd.tile.s32 @!p0 $0x1;
	_ =	shalt  }
.Lfunc_end2:
_tile_overlayer_lowered:
.L_overlay_start_2:
0x51: {  	(tag) =	ssettag $0x2  }
0x52: {  	s0 =	rddreg [dreg:$0x0];
	s2 =	stileid.u32  }
0x53: {  	s1 =	rddreg [dreg:$0x1];
	p0 =	sne.s32 s2, $0x0  }
0x54: {  	s3 =	rddreg [dreg:$0x2];
	[bflag:$0x3] =	sbarrier.arrive $0xFFFF;
	s2 =	simm.s32 @!p0 $0x1C01  }
0x55: {  	[timem:s3], [sflag:s2] =	dma.local @!p0 [hbm:s0], s1  }
0x56: {  	s0 =	simm.s32 @!p0 $0x1  }
0x57: {  	_ =	swait.ge @!p0 [sflag:s0], s1  }
0x58: {  	s1 =	ssub.s32 @!p0 $0x0, s1;
	[sflag:s0] =	ssyncset.done @!p0 $0x0  }
0x59: {  	[sflag:s0] =	ssyncadd.s32 @!p0 s1  }
0x5a: {  	[bflag:$0x3] =	sbarrier.arrive $0xFFFF  }
0x5b: {  	_ =	shalt  }

// kernel: kernel.18.cloned.1.call-start
scs
__scs_entry_jumppad:
0x0: {  	(pc) =	sbr.rel $0x88, $3  }
0x1: {  	(tag) =	ssettag $0x0;
	lr =	simm.s32 $0x1  }
0x2: {  	[smem:$0x3F98] =	sst lr;
	_ =	strace $0xD0000000  }
0x3: {  	_ = 	snop  }
0x4: {  	_ = 	snop  }
0x5: {  	_ = 	snop  }
0x6: {  	_ = 	snop  }
0x7: {  	_ = 	snop  }
__scs_overlays_trampoline_lowered:
0x8: {  	[smem:$0x3FA7] =	sst s0  }
0x9: {  	[smem:$0x3FA8] =	sst s1  }
0xa: {  	[smem:$0x3FA9] =	sst s2  }
0xb: {  	[smem:$0x3FAA] =	sst s3  }
0xc: {  	[smem:$0x3FAB] =	sst s4  }
0xd: {  	[smem:$0x3FAC] =	sst s5  }
0xe: {  	[smem:$0x3FAD] =	sst s6  }
0xf: {  	[smem:$0x3FAE] =	sst s7  }
0x10: {  	[smem:$0x3FAF] =	sst s8  }
0x11: {  	[smem:$0x3FB0] =	sst s9;
	s0 =	simm.s32 @!p0 $0x0  }
0x12: {  	s1 =	sld [smem:$0x3F96];
	s0 =	simm.s32 @p0 $0x1  }
0x13: {  	[smem:$0x3FB1] =	sst s0;
	s0 =	simm.s32 @!p1 $0x0  }
0x14: {  	s2 =	sld [smem:$0x3F95];
	s0 =	simm.s32 @p1 $0x1  }
0x15: {  	[smem:$0x3FB2] =	sst s0;
	s0 =	simm.s32 @!p2 $0x0  }
0x16: {  	s3 =	sld [smem:$0x3FDB];
	s0 =	simm.s32 @p2 $0x1  }
0x17: {  	s4 =	simm.s32 $0x1BF5;
	[smem:$0x3FB4] =	sst s0  }
0x18: {  	s0 =	sld [smem:$0x3F97];
	_ =	swait.ge [sflag:s4], $0x0  }
0x19: {  	s7 =	sld [smem:$0x3F98]  }
0x1a: {  	s8 =	sadd.s32 $0xFFFFE003, lr  }
0x1b: {  	s9 =	sadd.s32 $0xFFFFFEF7, lr;
	s5 =	simm.s32 $0xFFFFFFFF;
	p2 =	slt.u32 s8, $0xFFFFF086  }
0x1c: {  	p1 =	slt.u32 s9, $0xF7A;
	s5 =	simm.s32 @!p2 $0x0  }
0x1d: {  	s5 =	simm.s32 @p1 $0x1;
	p0 =	seq.s32 s7, s2  }
0x1e: {  	s7 =	smul.u32 @!p0 $0xF7A, s2;
	p2 =	seq.s32 @!p0 s5, $0x0  }
0x1f: {  	s9 =	smul.u32 $0xF7A, s1;
	s8 =	simm.s32 @!p0 $0x1BF5;
	p2 =	por !p2, p0  }
0x20: {  	[sflag:s8] =	ssyncset.s32 @!p0 $0xFFFFF086;
	s6 =	sadd.s32 @!p0 s3, s7;
	s7 =	simm.s32 @!p0 $0x108  }
0x21: {  	s3 =	sadd.s32 s3, s9;
	s6 =	sadd.s32 @!p0 $0x88, s6;
	s7 =	simm.s32 @p2 $0x1082  }
0x22: {  	[simem:s7], [sflag:s8] =	dma.local @!p0 [hbm:s6], $0xF7A  }
0x23: {  	s9 =	sor.u32 $0xD0000000, s2;
	s6 =	simm.s32 $0x108;
	_ =	swait.ge @!p0 [sflag:s8], $0x0  }
0x24: {  	s3 =	sadd.s32 $0x88, s3;
	s6 =	simm.s32 @!p1 $0x1082;
	[sflag:s4] =	ssyncset.s32 $0xFFFFF086  }
0x25: {  	[simem:s6], [sflag:s4] =	dma.local [hbm:s3], $0xF7A  }
0x26: {  	[smem:$0x3F98] =	sst s1;
	(tag) =	ssettag s2;
	_ =	strace s9  }
0x27: {  	s1 =	sld [smem:$0x3FA8]  }
0x28: {  	s2 =	sld [smem:$0x3FA9]  }
0x29: {  	s4 =	sld [smem:$0x3FAB]  }
0x2a: {  	p0 =	seq.s32 s5, $0x0;
	s5 =	sld [smem:$0x3FAC]  }
0x2b: {  	s6 =	sld [smem:$0x3FAD]  }
0x2c: {  	s7 =	sld [smem:$0x3FAE]  }
0x2d: {  	s3 =	simm.s32 $0x108;
	s8 =	sld [smem:$0x3FAF]  }
0x2e: {  	s3 =	simm.s32 @!p0 $0x1082;
	s9 =	sld [smem:$0x3FB0]  }
0x2f: {  	lr =	sadd.s32 s0, s3;
	s0 =	sld [smem:$0x3FA7]  }
0x30: {  	s3 =	sld [smem:$0x3FAA]  }
0x31: {  	[smem:$0x3FB3] =	sst s10  }
0x32: {  	s10 =	sld [smem:$0x3FB1];
	_ =	sdelay $0x3  }
0x33: {  	p0 =	seq.s32 s10, $0x1;
	s10 =	sld [smem:$0x3FB3];
	_ =	sdelay $0x3  }
0x34: {  	[smem:$0x3FB3] =	sst s10  }
0x35: {  	s10 =	sld [smem:$0x3FB2];
	_ =	sdelay $0x3  }
0x36: {  	p1 =	seq.s32 s10, $0x1;
	s10 =	sld [smem:$0x3FB3];
	_ =	sdelay $0x3  }
0x37: {  	[smem:$0x3FB3] =	sst s10  }
0x38: {  	s10 =	sld [smem:$0x3FB4]  }
0x39: {  	_ = 	snop;
	(pc) =	sbr.ind lr, $3  }
0x3a: {  	_ = 	snop  }
0x3b: {  	_ = 	snop  }
0x3c: {  	p2 =	seq.s32 s10, $0x1;
	s10 =	sld [smem:$0x3FB3]  }
0x3d: {  	_ =	shalt  }
0x3e: {  	_ =	shalt  }
0x3f: {  	_ =	shalt  }
0x40: {  	_ =	shalt  }
0x41: {  	_ =	shalt  }
0x42: {  	_ =	shalt  }
0x43: {  	_ =	shalt  }
0x44: {  	_ =	shalt  }
0x45: {  	_ =	shalt  }
0x46: {  	_ =	shalt  }
0x47: {  	_ =	shalt  }
0x48: {  	_ =	shalt  }
0x49: {  	_ =	shalt  }
0x4a: {  	_ =	shalt  }
0x4b: {  	_ =	shalt  }
0x4c: {  	_ =	shalt  }
0x4d: {  	_ =	shalt  }
0x4e: {  	_ =	shalt  }
0x4f: {  	_ =	shalt  }
0x50: {  	_ =	shalt  }
0x51: {  	_ =	shalt  }
0x52: {  	_ =	shalt  }
0x53: {  	_ =	shalt  }
0x54: {  	_ =	shalt  }
0x55: {  	_ =	shalt  }
0x56: {  	_ =	shalt  }
0x57: {  	_ =	shalt  }
0x58: {  	_ =	shalt  }
0x59: {  	_ =	shalt  }
0x5a: {  	_ =	shalt  }
0x5b: {  	_ =	shalt  }
0x5c: {  	_ =	shalt  }
0x5d: {  	_ =	shalt  }
0x5e: {  	_ =	shalt  }
0x5f: {  	_ =	shalt  }
0x60: {  	_ =	shalt  }
0x61: {  	_ =	shalt  }
0x62: {  	_ =	shalt  }
0x63: {  	_ =	shalt  }
0x64: {  	_ =	shalt  }
0x65: {  	_ =	shalt  }
0x66: {  	_ =	shalt  }
0x67: {  	_ =	shalt  }
0x68: {  	_ =	shalt  }
0x69: {  	_ =	shalt  }
0x6a: {  	_ =	shalt  }
0x6b: {  	_ =	shalt  }
0x6c: {  	_ =	shalt  }
0x6d: {  	_ =	shalt  }
0x6e: {  	_ =	shalt  }
0x6f: {  	_ =	shalt  }
0x70: {  	_ =	shalt  }
0x71: {  	_ =	shalt  }
0x72: {  	_ =	shalt  }
0x73: {  	_ =	shalt  }
0x74: {  	_ =	shalt  }
0x75: {  	_ =	shalt  }
0x76: {  	_ =	shalt  }
0x77: {  	_ =	shalt  }
0x78: {  	_ =	shalt  }
0x79: {  	_ =	shalt  }
0x7a: {  	_ =	shalt  }
0x7b: {  	_ =	shalt  }
0x7c: {  	_ =	shalt  }
0x7d: {  	_ =	shalt  }
0x7e: {  	_ =	shalt  }
0x7f: {  	_ =	shalt  }
0x80: {  	_ =	shalt  }
0x81: {  	_ =	shalt  }
0x82: {  	_ =	shalt  }
0x83: {  	_ =	shalt  }
0x84: {  	_ =	shalt  }
0x85: {  	_ =	shalt  }
0x86: {  	_ =	shalt  }
0x87: {  	_ =	shalt  }
.Lfunc_end0:
.L_simem_size_0:
called_computation.1_lowered:
.L_overlay_start_0:
0x88: {  	s2 =	sld [smem:$0x3FD9]  }
0x89: {  	s3 =	sld [smem:$0x3FFE];
	_ =	sdelay $0x1  }
0x8a: {  	s1 =	srdreg.scid  }
0x8b: {  	s0 =	sand.u32 $0x1, s1  }
0x8c: {  	s16 =	sshll.u32 s0, $0xA;
	s2 =	sadd.s32 s3, s2  }
0x8d: {  	s2 =	sadd.s32 s2, s16  }
0x8e: {  	[smem:$0x3FBF] =	sst s2  }
0x8f: {  	_ = 	snop  }
0x90: {  	(tm) =	ssettm $0x1  }
0x91: {  	s17 =	sld [smem:$0x3FFB];
	_ =	sdelay $0x3  }
0x92: {  	_ =	strace s17  }
0x93: {  	s2 =	sld [smem:$0x3FFC];
	_ =	sdelay $0x3  }
0x94: {  	_ =	strace s2  }
0x95: {  	s2 =	sld [smem:$0x3FFD];
	_ =	sdelay $0x3  }
0x96: {  	_ =	strace s2  }
0x97: {  	_ =	strace $0x8FFFFFFF  }
0x98: {  	s18 =	sld [smem:$0x3FDB];
	_ =	sdelay $0x1  }
0x99: {  	s19 =	simm.s32 $_scs_section_size  }
0x9a: {  	s4 =	simm.s32 $_size__tile_overlayer_lowered;
	s5 =	simm.s32 $_tile_overlayer_lowered  }
0x9b: {  	s22 =	simm.s32 $0x1BFF;
	s21 =	sshll.u32 s5, $0x1;
	s2 =	sadd.s32 s19, s18  }
0x9c: {  	s6 =	simm.s32 $0x0;
	s20 =	sshll.u32 s4, $0x1;
	s4 =	sadd.s32 s21, s2  }
0x9d: {  	[timem:s6], [sflag:s22] =	dma.local [hbm:s4], s20  }
0x9e: {  	_ =	swait.ge [sflag:s22], s20  }
0x9f: {  	s3 =	ssub.s32 $0x0, s20;
	[sflag:s22] =	ssyncset.done $0x0  }
0xa0: {  	[sflag:s22] =	ssyncadd.s32 s3;
	_ =	sdelay $0x1  }
0xa1: {  	s23 =	simm.s32 $0x1B8B  }
0xa2: {  	_ =	swait.ge [sflag:s23], $0x1  }
0xa3: {  	[sflag:s23] =	ssyncset.done $0x0  }
0xa4: {  	s25 =	simm.s32 $0x1B8E;
	s24 =	sld [smem:$0x3FFE];
	[sflag:s23] =	ssyncadd.s32 $0xFFFFFFFF  }
0xa5: {  	s26 =	simm.s32 $execute0_lowered;
	[smem:$0x3FD2] =	sst s25  }
0xa6: {  	s4 =	sshll.u32 s26, $0x1;
	_ =	strace $0x80000049;
	[dreg:$0x1] =	wrdreg $0xFFFFFFFF  }
0xa7: {  	s28 =	simm.s32 $_size_execute0_lowered;
	s2 =	sadd.s32 s2, s4;
	[dreg:$0x0] =	wrdreg $0x0  }
0xa8: {  	s4 =	sshll.u32 s28, $0x1;
	[dreg:$0x2] =	wrdreg s2  }
0xa9: {  	[dreg:$0x3] =	wrdreg s4  }
0xaa: {  	[dreg:$0x4] =	wrdreg $0xC0  }
0xab: {  	_ =	task [dreg:s6], $0x5FFFF  }
0xac: {  	[dreg:$0x1] =	wrdreg $0xFFFFFFFF  }
0xad: {  	[dreg:$0x0] =	wrdreg $0x60  }
0xae: {  	[dreg:$0x2] =	wrdreg s24  }
0xaf: {  	[dreg:$0x3] =	wrdreg $0x9F000  }
0xb0: {  	[dreg:$0x4] =	wrdreg $0x9  }
0xb1: {  	_ =	task.clear_ibuf [dreg:s6], $0x5FFFF;
	_ =	strace $0x90000049  }
0xb2: {  	s29 =	simm.s32 $0x9;
	_ =	strace $0x8000004B  }
0xb3: {  	_ =	swait.ge [sflag:s29], $0x1  }
0xb4: {  	[sflag:s29] =	ssyncadd.s32 $0xFFFFFFFF  }
0xb5: {  	_ =	strace $0x9000004B  }
0xb6: {  	_ =	sfence  }
0xb7: {  	s30 =	sld [smem:$0x0];
	_ =	sdelay $0x2  }
0xb8: {  	s31 =	sshll.u32 s1, $0xD;
	s1 =	sshrl.u32 s1, $0x2  }
0xb9: {  	s3 =	sand.u32 $0x4000, s31;
	s1 =	sadd.s32 s1, s30  }
0xba: {  	s0 =	sor.u32 s3, s0;
	s1 =	sshll.u32 s1, $0x11  }
0xbb: {  	s0 =	sor.u32 s1, s0  }
0xbc: {  	s0 =	sadd.s32 $0x8F2B, s0  }
0xbd: {  	[sflag:s0] =	ssyncadd.remote.s32 $0x1  }
0xbe: {  	_ =	sfence.sel $0xFFFF  }
0xbf: {  	[dreg:$0x0] =	wrdreg $0xFFFFFFFF;
	(pc) =	sbr.abs _section_cstart, $3  }
0xc0: {  	[dreg:$0x1] =	wrdreg $0xFFFFFFFF  }
0xc1: {  	_ =	task.clear_ibuf [dreg:s6], $0x2FFFF;
	_ =	strace $0x9FFFFFFF  }
0xc2: {  	(tm) =	ssettm $0x7FFFFFFF  }
0xc3: {  	_ =	shalt  }
tec
execute0_lowered:
.L_overlay_start_1:
0x0: {  	(tag) =	ssettag $0x1  }
0x1: {  	s1 =	srdreg.scid;
	s6 =	rddreg [dreg:$0x0]  }
0x2: {  	s0 =	stileid.u32;
	s2 =	rddreg [dreg:$0x1];
	s3 =	simm.s32 $0x0  }
0x3: {  	s17 =	simm.s32 $0x4F00;
	s18 =	simm.s32 $0x3;
	s19 =	simm.s32 $0x2780  }
0x4: {  	s20 =	simm.s32 $0x50;
	s21 =	simm.s32 $0x7700;
	s22 =	simm.s32 $0x1  }
0x5: {  	s23 =	simm.s32 $0x2;
	s24 =	simm.s32 $0x4DA0;
	s25 =	simm.s32 $0x26C0  }
0x6: {  	s28 =	simm.s32 $0x4E40;
	s5 =	sand.u32 $0x1, s1;
	s8 =	smul.u32 $0x13C00, s0  }
0x7: {  	s26 =	sshll.u32 s0, $0x1;
	[smem:$0x7FF] =	sst s3;
	s9 =	smul.u32 $0x4F000, s0  }
0x8: {  	s1 =	sor.u32 s5, s26;
	s7 =	smul.u32 $0x13C000, s5;
	s29 =	ssub.s32 $0x2, s5  }
0x9: {  	s26 =	simm.s32 $0x4DF0;
	s4 =	smul.u32 $0x4E2, s1;
	s1 =	rddreg [dreg:$0x2]  }
0xa: {  	_ =	strace $0x8000004A;
	s30 =	sshrl.u32 s9, $0x2;
	s31 =	sshrl.u32 s29, $0x1  }
0xb: {  	s7 =	sadd.s32 s8, s7;
	s5 =	sadd.s32 s30, s2;
	s16 =	ssub.s32 s29, s31  }
0xc: {  	s14 =	sadd.s32 s4, s6;
	s4 =	sadd.s32 $0x17C00, s6;
	s7 =	sshrl.u32 s7, $0x3  }
0xd: {  	s8 =	sadd.s32 $0x7800, s5;
	s9 =	sadd.s32 $0xA000, s5;
	s10 =	sadd.s32 $0xC800, s5  }
0xe: {  	s11 =	sadd.s32 $0xF000, s5;
	s12 =	sadd.s32 $0x11800, s5;
	s16 =	smax.u32 s16, $0x1  }
0xf: {  	s15 =	sadd.s32 s7, s6;
	s6 =	sadd.s32 $0x2800, s5;
	s7 =	sadd.s32 $0x5000, s5  }
0x10: {  	v0 =	vimm.f32 $0.0e+00;
	s13 =	sadd.s32 $0xDE00, s14;
	s14 =	sadd.s32 $0x4000, s14;
	s15 =	sadd.s32 $0x3EE00, s15  }
.LBB2_1:
0x11: {  	s29 =	simm.s32 $0x0;
	s30 =	simm.s32 $0x200  }
.LBB2_2:
0x12: {  	p0 =	sne.s32 s30, $0x9E00;
	[tilespmem:s29+$0x4F70] =	vst v0  }
0x13: {  	[tilespmem:s29+$0x4F00] =	vst v0  }
0x14: {  	[tilespmem:s29+$0x4F10] =	vst v0  }
.Ltmp0:
0x15: {  	[tilespmem:s29+$0x4F20] =	vst v0;
	(pc) =	sbr.rel @p0 .LBB2_2-.Ltmp0, $4  }
0x16: {  	[tilespmem:s29+$0x4F30] =	vst v0  }
0x17: {  	[tilespmem:s29+$0x4F40] =	vst v0  }
0x18: {  	[tilespmem:s29+$0x4F50] =	vst v0  }
0x19: {  	[tilespmem:s29+$0x4F60] =	vst v0;
	s29 =	sshra.s32 s30, $0x2;
	s30 =	sadd.s32 $0x200, s30  }
0x1a: {  	[tilespmem:s29+$0x4F70] =	vst v0  }
0x1b: {  	[tilespmem:s29+$0x4F00] =	vst v0  }
0x1c: {  	[tilespmem:s29+$0x4F10] =	vst v0  }
0x1d: {  	[tilespmem:s29+$0x4F20] =	vst v0  }
0x1e: {  	[tilespmem:s29+$0x4F30] =	vst v0  }
0x1f: {  	[tilespmem:s29+$0x4F40] =	vst v0  }
0x20: {  	[tilespmem:s29+$0x4F50] =	vst v0  }
0x21: {  	[tilespmem:s29+$0x4F60] =	vst v0  }
0x22: {  	[spmem:s5] =	stream.linear.scatter [tilespmem:s17], [sflag:$0x3], $0x2800, $0x38;
	[tilespmem:$0x1DB00] =	vst v63  }
0x23: {  	_ =	swait.ge [sflag:s18], $0x2800  }
0x24: {  	[sflag:s18] =	ssyncset.done $0x0  }
0x25: {  	[sflag:s18] =	ssyncadd.s32 $0xFFFFD800  }
0x26: {  	[spmem:s6] =	stream.linear.scatter [tilespmem:s17], [sflag:$0x3], $0x2800, $0x38;
	[tilespmem:$0x1DB00] =	vst v63  }
0x27: {  	_ =	swait.ge [sflag:s18], $0x2800  }
0x28: {  	[sflag:s18] =	ssyncset.done $0x0  }
0x29: {  	[sflag:s18] =	ssyncadd.s32 $0xFFFFD800  }
0x2a: {  	[spmem:s7] =	stream.linear.scatter [tilespmem:s17], [sflag:$0x3], $0x2800, $0x38;
	[tilespmem:$0x1DB00] =	vst v63  }
0x2b: {  	_ =	swait.ge [sflag:s18], $0x2800  }
0x2c: {  	[sflag:s18] =	ssyncset.done $0x0  }
0x2d: {  	[sflag:s18] =	ssyncadd.s32 $0xFFFFD800  }
0x2e: {  	[spmem:s8] =	stream.linear.scatter [tilespmem:s17], [sflag:$0x3], $0x2800, $0x38;
	[tilespmem:$0x1DB00] =	vst v63  }
0x2f: {  	_ =	swait.ge [sflag:s18], $0x2800  }
0x30: {  	[sflag:s18] =	ssyncset.done $0x0  }
0x31: {  	[sflag:s18] =	ssyncadd.s32 $0xFFFFD800  }
0x32: {  	[spmem:s9] =	stream.linear.scatter [tilespmem:s17], [sflag:$0x3], $0x2800, $0x38;
	[tilespmem:$0x1DB00] =	vst v63  }
0x33: {  	_ =	swait.ge [sflag:s18], $0x2800  }
0x34: {  	[sflag:s18] =	ssyncset.done $0x0  }
0x35: {  	[sflag:s18] =	ssyncadd.s32 $0xFFFFD800  }
0x36: {  	[spmem:s10] =	stream.linear.scatter [tilespmem:s17], [sflag:$0x3], $0x2800, $0x38;
	[tilespmem:$0x1DB00] =	vst v63  }
0x37: {  	_ =	swait.ge [sflag:s18], $0x2800  }
0x38: {  	[sflag:s18] =	ssyncset.done $0x0  }
0x39: {  	[sflag:s18] =	ssyncadd.s32 $0xFFFFD800  }
0x3a: {  	[spmem:s11] =	stream.linear.scatter [tilespmem:s17], [sflag:$0x3], $0x2800, $0x38;
	[tilespmem:$0x1DB00] =	vst v63  }
0x3b: {  	_ =	swait.ge [sflag:s18], $0x2800  }
0x3c: {  	[sflag:s18] =	ssyncset.done $0x0  }
0x3d: {  	[sflag:s18] =	ssyncadd.s32 $0xFFFFD800  }
0x3e: {  	[spmem:s12] =	stream.linear.scatter [tilespmem:s17], [sflag:$0x3], $0x2400, $0x38;
	[tilespmem:$0x1DB00] =	vst v63  }
0x3f: {  	_ =	swait.ge [sflag:s18], $0x2400  }
0x40: {  	[sflag:s18] =	ssyncset.done $0x0  }
0x41: {  	s29 =	simm.s32 $0x0;
	[sflag:s18] =	ssyncadd.s32 $0xFFFFDC00  }
0x42: {  	[tilespmem:s29], [sflag:$0x3] =	stream.linear.gather [hbm4b:s13+s29], $0x2710, $0x38;
	[tilespmem:$0x1DB00] =	vst v63  }
0x43: {  	_ =	swait.ge [sflag:s18], $0x2710  }
0x44: {  	[sflag:s18] =	ssyncset.done $0x0  }
0x45: {  	[sflag:s18] =	ssyncadd.s32 $0xFFFFD8F0  }
0x46: {  	[tilespmem:s19], [sflag:$0x3] =	stream.linear.gather [hbm4b:s14+s29], $0x2710, $0x38;
	[tilespmem:$0x1DB00] =	vst v63  }
0x47: {  	_ =	swait.ge [sflag:s18], $0x2710  }
0x48: {  	[sflag:s18] =	ssyncset.done $0x0  }
0x49: {  	[sflag:s18] =	ssyncadd.s32 $0xFFFFD8F0  }
0x4a: {  	[bflag:$0x0] =	sbarrier.arrive $0xFFFF  }
0x4b: {  	[tilespmem:s17], [sflag:$0x1] =	stream.indirect.gather [hbm4b:s4+s20], $0x80, s29, s20, $0xb8;
	[tilespmem:$0x1DB00] =	vst v63  }
0x4c: {  	_ = 	snop  }
0x4d: {  	[tilespmem:s21], [sflag:$0x2] =	stream.indirect.gather [hbm4b:s4+s20], $0x80, s20, s20, $0xb8;
	[tilespmem:$0x1DB00] =	vst v63  }
0x4e: {  	_ =	swait.ge [sflag:s22], $0x2800  }
0x4f: {  	[sflag:s22] =	ssyncset.done $0x0  }
0x50: {  	s29 =	simm.s32 $0x2780;
	[sflag:s22] =	ssyncadd.s32 $0xFFFFD800  }
0x51: {  	[spmem:s2] =	stream.indirect.scatter.add.f32 [tilespmem:s17], [sflag:$0x3], $0x80, s29, s20, $0xb8;
	[tilespmem:$0x1DB00] =	vst v63  }
0x52: {  	_ =	swait.ge [sflag:s18], $0x2800  }
0x53: {  	[sflag:s18] =	ssyncset.done $0x0  }
0x54: {  	s29 =	simm.s32 $0xA0;
	[sflag:s18] =	ssyncadd.s32 $0xFFFFD800  }
0x55: {  	[tilespmem:s17], [sflag:$0x1] =	stream.indirect.gather [hbm4b:s4+s20], $0x80, s29, s20, $0xb8;
	[tilespmem:$0x1DB00] =	vst v63  }
0x56: {  	_ =	swait.ge [sflag:s23], $0x2800  }
0x57: {  	[sflag:s23] =	ssyncset.done $0x0  }
0x58: {  	s29 =	simm.s32 $0x27D0;
	[sflag:s23] =	ssyncadd.s32 $0xFFFFD800  }
0x59: {  	[spmem:s2] =	stream.indirect.scatter.add.f32 [tilespmem:s21], [sflag:$0x3], $0x80, s29, s20, $0xb8;
	[tilespmem:$0x1DB00] =	vst v63  }
0x5a: {  	_ =	swait.ge [sflag:s18], $0x2800  }
0x5b: {  	[sflag:s18] =	ssyncset.done $0x0  }
0x5c: {  	s30 =	simm.s32 $0xF0;
	s29 =	simm.s32 $0x280;
	[sflag:s18] =	ssyncadd.s32 $0xFFFFD800  }
.LBB2_4:
0x5d: {  	[tilespmem:s21], [sflag:$0x2] =	stream.indirect.gather [hbm4b:s4+s20], $0x80, s30, s20, $0xb8;
	[tilespmem:$0x1DB00] =	vst v63  }
0x5e: {  	s30 =	smov.u32 s29  }
0x5f: {  	p0 =	sne.s32 s29, $0x9600;
	s29 =	sadd.s32 $0x280, s29;
	_ =	swait.ge [sflag:s22], $0x2800  }
0x60: {  	s30 =	sshra.s32 s30, $0x2;
	[sflag:s22] =	ssyncset.done $0x0  }
0x61: {  	s31 =	sadd.s32 $0x2780, s30;
	[sflag:s22] =	ssyncadd.s32 $0xFFFFD800  }
0x62: {  	[spmem:s2] =	stream.indirect.scatter.add.f32 [tilespmem:s17], [sflag:$0x3], $0x80, s31, s20, $0xb8;
	[tilespmem:$0x1DB00] =	vst v63  }
0x63: {  	_ =	swait.ge [sflag:s18], $0x2800  }
0x64: {  	[sflag:s18] =	ssyncset.done $0x0  }
0x65: {  	s31 =	sadd.s32 $0xA0, s30;
	[sflag:s18] =	ssyncadd.s32 $0xFFFFD800  }
0x66: {  	[tilespmem:s17], [sflag:$0x1] =	stream.indirect.gather [hbm4b:s4+s20], $0x80, s31, s20, $0xb8;
	[tilespmem:$0x1DB00] =	vst v63  }
0x67: {  	_ =	swait.ge [sflag:s23], $0x2800  }
0x68: {  	[sflag:s23] =	ssyncset.done $0x0  }
.Ltmp1:
0x69: {  	s31 =	sadd.s32 $0x27D0, s30;
	[sflag:s23] =	ssyncadd.s32 $0xFFFFD800;
	(pc) =	sbr.rel @p0 .LBB2_4-.Ltmp1, $4  }
0x6a: {  	[spmem:s2] =	stream.indirect.scatter.add.f32 [tilespmem:s21], [sflag:$0x3], $0x80, s31, s20, $0xb8;
	[tilespmem:$0x1DB00] =	vst v63  }
0x6b: {  	_ =	swait.ge [sflag:s18], $0x2800  }
0x6c: {  	[sflag:s18] =	ssyncset.done $0x0  }
0x6d: {  	s30 =	sadd.s32 $0xF0, s30;
	[sflag:s18] =	ssyncadd.s32 $0xFFFFD800  }
0x6e: {  	[tilespmem:s21], [sflag:$0x2] =	stream.indirect.gather [hbm4b:s4+s20], $0x80, s30, s20, $0xb8;
	[tilespmem:$0x1DB00] =	vst v63  }
0x6f: {  	_ =	swait.ge [sflag:s22], $0x2800  }
0x70: {  	[sflag:s22] =	ssyncset.done $0x0  }
0x71: {  	[sflag:s22] =	ssyncadd.s32 $0xFFFFD800  }
0x72: {  	[spmem:s2] =	stream.indirect.scatter.add.f32 [tilespmem:s17], [sflag:$0x3], $0x80, s24, s20, $0xb8;
	[tilespmem:$0x1DB00] =	vst v63  }
0x73: {  	_ =	swait.ge [sflag:s18], $0x2800  }
0x74: {  	[sflag:s18] =	ssyncset.done $0x0  }
0x75: {  	[sflag:s18] =	ssyncadd.s32 $0xFFFFD800  }
0x76: {  	[tilespmem:s17], [sflag:$0x1] =	stream.indirect.gather [hbm4b:s4+s20], $0x80, s25, s20, $0xb8;
	[tilespmem:$0x1DB00] =	vst v63  }
0x77: {  	_ =	swait.ge [sflag:s23], $0x2800  }
0x78: {  	[sflag:s23] =	ssyncset.done $0x0  }
0x79: {  	[sflag:s23] =	ssyncadd.s32 $0xFFFFD800  }
0x7a: {  	[spmem:s2] =	stream.indirect.scatter.add.f32 [tilespmem:s21], [sflag:$0x3], $0x80, s26, s20, $0xb8;
	[tilespmem:$0x1DB00] =	vst v63  }
0x7b: {  	_ =	swait.ge [sflag:s18], $0x2800  }
0x7c: {  	[sflag:s18] =	ssyncset.done $0x0  }
0x7d: {  	[sflag:s18] =	ssyncadd.s32 $0xFFFFD800  }
0x7e: {  	_ =	swait.ge [sflag:s22], $0x2800  }
0x7f: {  	[sflag:s22] =	ssyncset.done $0x0  }
0x80: {  	[sflag:s22] =	ssyncadd.s32 $0xFFFFD800  }
0x81: {  	[spmem:s2] =	stream.indirect.scatter.add.f32 [tilespmem:s17], [sflag:$0x3], $0x80, s28, s20, $0xb8;
	[tilespmem:$0x1DB00] =	vst v63  }
0x82: {  	_ =	swait.ge [sflag:s18], $0x2800  }
0x83: {  	s29 =	sshll.u32 s0, $0x6;
	s3 =	sadd.s32 $0x1, s3;
	[sflag:s18] =	ssyncset.done $0x0  }
0x84: {  	s31 =	sshrl.u32 s5, $0x3;
	p0 =	sne.s32 s3, s16;
	[sflag:s18] =	ssyncadd.s32 $0xFFFFD800  }
.Ltmp2:
0x85: {  	s29 =	sor.u32 $0x1C03, s29;
	[bflag:$0x0] =	sbarrier.arrive $0xFFFF;
	(pc) =	sbr.rel @p0 .LBB2_1-.Ltmp2, $4  }
0x86: {  	[hbm:s15], [sflag:s29] =	dma.local [spmem:s31], $0x2780  }
0x87: {  	_ =	swait.ge [sflag:s18], $0x2780  }
0x88: {  	[sflag:s18] =	ssyncset.done $0x0  }
0x89: {  	[sflag:s18] =	ssyncadd.s32 $0xFFFFD880  }
0x8a: {  	_ =	sfence.sel $0x180000  }
0x8b: {  	[bflag:$0x0] =	sbarrier.arrive $0xFFFF  }
0x8c: {  	p0 =	sne.s32 s0, $0x0;
	_ =	strace $0x9000004A  }
0x8d: {  	s0 =	sadd.s32 @!p0 $0x100000, s1;
	[bflag:$0x2] =	sbarrier.arrive $0xFFFF  }
0x8e: {  	[sflag:s0] =	ssyncadd.tile.s32 @!p0 $0x1;
	_ =	shalt  }
.Lfunc_end2:
_tile_overlayer_lowered:
.L_overlay_start_2:
0x8f: {  	(tag) =	ssettag $0x2  }
0x90: {  	s0 =	rddreg [dreg:$0x0];
	s2 =	stileid.u32  }
0x91: {  	s1 =	rddreg [dreg:$0x1];
	p0 =	sne.s32 s2, $0x0  }
0x92: {  	s3 =	rddreg [dreg:$0x2];
	[bflag:$0x3] =	sbarrier.arrive $0xFFFF;
	s2 =	simm.s32 @!p0 $0x1C03  }
0x93: {  	[timem:s3], [sflag:s2] =	dma.local @!p0 [hbm:s0], s1  }
0x94: {  	s0 =	simm.s32 @!p0 $0x3  }
0x95: {  	_ =	swait.ge @!p0 [sflag:s0], s1  }
0x96: {  	s1 =	ssub.s32 @!p0 $0x0, s1;
	[sflag:s0] =	ssyncset.done @!p0 $0x0  }
0x97: {  	[sflag:s0] =	ssyncadd.s32 @!p0 s1  }
0x98: {  	[bflag:$0x3] =	sbarrier.arrive $0xFFFF  }
0x99: {  	_ =	shalt  }

// kernel: kernel.21.cloned.1.call-start
scs
__scs_entry_jumppad:
0x0: {  	(pc) =	sbr.rel $0x88, $3  }
0x1: {  	(tag) =	ssettag $0x0;
	lr =	simm.s32 $0x1  }
0x2: {  	[smem:$0x3F98] =	sst lr;
	_ =	strace $0xD0000000  }
0x3: {  	_ = 	snop  }
0x4: {  	_ = 	snop  }
0x5: {  	_ = 	snop  }
0x6: {  	_ = 	snop  }
0x7: {  	_ = 	snop  }
__scs_overlays_trampoline_lowered:
0x8: {  	[smem:$0x3FA7] =	sst s0  }
0x9: {  	[smem:$0x3FA8] =	sst s1  }
0xa: {  	[smem:$0x3FA9] =	sst s2  }
0xb: {  	[smem:$0x3FAA] =	sst s3  }
0xc: {  	[smem:$0x3FAB] =	sst s4  }
0xd: {  	[smem:$0x3FAC] =	sst s5  }
0xe: {  	[smem:$0x3FAD] =	sst s6  }
0xf: {  	[smem:$0x3FAE] =	sst s7  }
0x10: {  	[smem:$0x3FAF] =	sst s8  }
0x11: {  	[smem:$0x3FB0] =	sst s9;
	s0 =	simm.s32 @!p0 $0x0  }
0x12: {  	s1 =	sld [smem:$0x3F96];
	s0 =	simm.s32 @p0 $0x1  }
0x13: {  	[smem:$0x3FB1] =	sst s0;
	s0 =	simm.s32 @!p1 $0x0  }
0x14: {  	s2 =	sld [smem:$0x3F95];
	s0 =	simm.s32 @p1 $0x1  }
0x15: {  	[smem:$0x3FB2] =	sst s0;
	s0 =	simm.s32 @!p2 $0x0  }
0x16: {  	s3 =	sld [smem:$0x3FDB];
	s0 =	simm.s32 @p2 $0x1  }
0x17: {  	s4 =	simm.s32 $0x1BF5;
	[smem:$0x3FB4] =	sst s0  }
0x18: {  	s0 =	sld [smem:$0x3F97];
	_ =	swait.ge [sflag:s4], $0x0  }
0x19: {  	s7 =	sld [smem:$0x3F98]  }
0x1a: {  	s8 =	sadd.s32 $0xFFFFE003, lr  }
0x1b: {  	s9 =	sadd.s32 $0xFFFFFEF7, lr;
	s5 =	simm.s32 $0xFFFFFFFF;
	p2 =	slt.u32 s8, $0xFFFFF086  }
0x1c: {  	p1 =	slt.u32 s9, $0xF7A;
	s5 =	simm.s32 @!p2 $0x0  }
0x1d: {  	s5 =	simm.s32 @p1 $0x1;
	p0 =	seq.s32 s7, s2  }
0x1e: {  	s7 =	smul.u32 @!p0 $0xF7A, s2;
	p2 =	seq.s32 @!p0 s5, $0x0  }
0x1f: {  	s9 =	smul.u32 $0xF7A, s1;
	s8 =	simm.s32 @!p0 $0x1BF5;
	p2 =	por !p2, p0  }
0x20: {  	[sflag:s8] =	ssyncset.s32 @!p0 $0xFFFFF086;
	s6 =	sadd.s32 @!p0 s3, s7;
	s7 =	simm.s32 @!p0 $0x108  }
0x21: {  	s3 =	sadd.s32 s3, s9;
	s6 =	sadd.s32 @!p0 $0x88, s6;
	s7 =	simm.s32 @p2 $0x1082  }
0x22: {  	[simem:s7], [sflag:s8] =	dma.local @!p0 [hbm:s6], $0xF7A  }
0x23: {  	s9 =	sor.u32 $0xD0000000, s2;
	s6 =	simm.s32 $0x108;
	_ =	swait.ge @!p0 [sflag:s8], $0x0  }
0x24: {  	s3 =	sadd.s32 $0x88, s3;
	s6 =	simm.s32 @!p1 $0x1082;
	[sflag:s4] =	ssyncset.s32 $0xFFFFF086  }
0x25: {  	[simem:s6], [sflag:s4] =	dma.local [hbm:s3], $0xF7A  }
0x26: {  	[smem:$0x3F98] =	sst s1;
	(tag) =	ssettag s2;
	_ =	strace s9  }
0x27: {  	s1 =	sld [smem:$0x3FA8]  }
0x28: {  	s2 =	sld [smem:$0x3FA9]  }
0x29: {  	s4 =	sld [smem:$0x3FAB]  }
0x2a: {  	p0 =	seq.s32 s5, $0x0;
	s5 =	sld [smem:$0x3FAC]  }
0x2b: {  	s6 =	sld [smem:$0x3FAD]  }
0x2c: {  	s7 =	sld [smem:$0x3FAE]  }
0x2d: {  	s3 =	simm.s32 $0x108;
	s8 =	sld [smem:$0x3FAF]  }
0x2e: {  	s3 =	simm.s32 @!p0 $0x1082;
	s9 =	sld [smem:$0x3FB0]  }
0x2f: {  	lr =	sadd.s32 s0, s3;
	s0 =	sld [smem:$0x3FA7]  }
0x30: {  	s3 =	sld [smem:$0x3FAA]  }
0x31: {  	[smem:$0x3FB3] =	sst s10  }
0x32: {  	s10 =	sld [smem:$0x3FB1];
	_ =	sdelay $0x3  }
0x33: {  	p0 =	seq.s32 s10, $0x1;
	s10 =	sld [smem:$0x3FB3];
	_ =	sdelay $0x3  }
0x34: {  	[smem:$0x3FB3] =	sst s10  }
0x35: {  	s10 =	sld [smem:$0x3FB2];
	_ =	sdelay $0x3  }
0x36: {  	p1 =	seq.s32 s10, $0x1;
	s10 =	sld [smem:$0x3FB3];
	_ =	sdelay $0x3  }
0x37: {  	[smem:$0x3FB3] =	sst s10  }
0x38: {  	s10 =	sld [smem:$0x3FB4]  }
0x39: {  	_ = 	snop;
	(pc) =	sbr.ind lr, $3  }
0x3a: {  	_ = 	snop  }
0x3b: {  	_ = 	snop  }
0x3c: {  	p2 =	seq.s32 s10, $0x1;
	s10 =	sld [smem:$0x3FB3]  }
0x3d: {  	_ =	shalt  }
0x3e: {  	_ =	shalt  }
0x3f: {  	_ =	shalt  }
0x40: {  	_ =	shalt  }
0x41: {  	_ =	shalt  }
0x42: {  	_ =	shalt  }
0x43: {  	_ =	shalt  }
0x44: {  	_ =	shalt  }
0x45: {  	_ =	shalt  }
0x46: {  	_ =	shalt  }
0x47: {  	_ =	shalt  }
0x48: {  	_ =	shalt  }
0x49: {  	_ =	shalt  }
0x4a: {  	_ =	shalt  }
0x4b: {  	_ =	shalt  }
0x4c: {  	_ =	shalt  }
0x4d: {  	_ =	shalt  }
0x4e: {  	_ =	shalt  }
0x4f: {  	_ =	shalt  }
0x50: {  	_ =	shalt  }
0x51: {  	_ =	shalt  }
0x52: {  	_ =	shalt  }
0x53: {  	_ =	shalt  }
0x54: {  	_ =	shalt  }
0x55: {  	_ =	shalt  }
0x56: {  	_ =	shalt  }
0x57: {  	_ =	shalt  }
0x58: {  	_ =	shalt  }
0x59: {  	_ =	shalt  }
0x5a: {  	_ =	shalt  }
0x5b: {  	_ =	shalt  }
0x5c: {  	_ =	shalt  }
0x5d: {  	_ =	shalt  }
0x5e: {  	_ =	shalt  }
0x5f: {  	_ =	shalt  }
0x60: {  	_ =	shalt  }
0x61: {  	_ =	shalt  }
0x62: {  	_ =	shalt  }
0x63: {  	_ =	shalt  }
0x64: {  	_ =	shalt  }
0x65: {  	_ =	shalt  }
0x66: {  	_ =	shalt  }
0x67: {  	_ =	shalt  }
0x68: {  	_ =	shalt  }
0x69: {  	_ =	shalt  }
0x6a: {  	_ =	shalt  }
0x6b: {  	_ =	shalt  }
0x6c: {  	_ =	shalt  }
0x6d: {  	_ =	shalt  }
0x6e: {  	_ =	shalt  }
0x6f: {  	_ =	shalt  }
0x70: {  	_ =	shalt  }
0x71: {  	_ =	shalt  }
0x72: {  	_ =	shalt  }
0x73: {  	_ =	shalt  }
0x74: {  	_ =	shalt  }
0x75: {  	_ =	shalt  }
0x76: {  	_ =	shalt  }
0x77: {  	_ =	shalt  }
0x78: {  	_ =	shalt  }
0x79: {  	_ =	shalt  }
0x7a: {  	_ =	shalt  }
0x7b: {  	_ =	shalt  }
0x7c: {  	_ =	shalt  }
0x7d: {  	_ =	shalt  }
0x7e: {  	_ =	shalt  }
0x7f: {  	_ =	shalt  }
0x80: {  	_ =	shalt  }
0x81: {  	_ =	shalt  }
0x82: {  	_ =	shalt  }
0x83: {  	_ =	shalt  }
0x84: {  	_ =	shalt  }
0x85: {  	_ =	shalt  }
0x86: {  	_ =	shalt  }
0x87: {  	_ =	shalt  }
.Lfunc_end0:
.L_simem_size_0:
called_computation.2_lowered:
.L_overlay_start_0:
0x88: {  	s2 =	sld [smem:$0x3FD9]  }
0x89: {  	s3 =	sld [smem:$0x3FFE];
	_ =	sdelay $0x1  }
0x8a: {  	s1 =	srdreg.scid  }
0x8b: {  	s0 =	sand.u32 $0x1, s1  }
0x8c: {  	s16 =	sshll.u32 s0, $0xA;
	s2 =	sadd.s32 s3, s2  }
0x8d: {  	s2 =	sadd.s32 s2, s16  }
0x8e: {  	[smem:$0x3FBF] =	sst s2  }
0x8f: {  	_ = 	snop  }
0x90: {  	(tm) =	ssettm $0x1  }
0x91: {  	s17 =	sld [smem:$0x3FFB];
	_ =	sdelay $0x3  }
0x92: {  	_ =	strace s17  }
0x93: {  	s2 =	sld [smem:$0x3FFC];
	_ =	sdelay $0x3  }
0x94: {  	_ =	strace s2  }
0x95: {  	s2 =	sld [smem:$0x3FFD];
	_ =	sdelay $0x3  }
0x96: {  	_ =	strace s2  }
0x97: {  	_ =	strace $0x8FFFFFFF  }
0x98: {  	s18 =	sld [smem:$0x3FDB];
	_ =	sdelay $0x1  }
0x99: {  	s19 =	simm.s32 $_scs_section_size  }
0x9a: {  	s4 =	simm.s32 $_size__tile_overlayer_lowered;
	s5 =	simm.s32 $_tile_overlayer_lowered  }
0x9b: {  	s22 =	simm.s32 $0x1BFF;
	s21 =	sshll.u32 s5, $0x1;
	s2 =	sadd.s32 s19, s18  }
0x9c: {  	s6 =	simm.s32 $0x0;
	s20 =	sshll.u32 s4, $0x1;
	s4 =	sadd.s32 s21, s2  }
0x9d: {  	[timem:s6], [sflag:s22] =	dma.local [hbm:s4], s20  }
0x9e: {  	_ =	swait.ge [sflag:s22], s20  }
0x9f: {  	s3 =	ssub.s32 $0x0, s20;
	[sflag:s22] =	ssyncset.done $0x0  }
0xa0: {  	[sflag:s22] =	ssyncadd.s32 s3;
	_ =	sdelay $0x1  }
0xa1: {  	s23 =	simm.s32 $0x1B8B  }
0xa2: {  	_ =	swait.ge [sflag:s23], $0x1  }
0xa3: {  	[sflag:s23] =	ssyncset.done $0x0  }
0xa4: {  	s25 =	simm.s32 $0x1B8E;
	s24 =	sld [smem:$0x3FFE];
	[sflag:s23] =	ssyncadd.s32 $0xFFFFFFFF  }
0xa5: {  	s26 =	simm.s32 $execute0_lowered;
	[smem:$0x3FD2] =	sst s25  }
0xa6: {  	s4 =	sshll.u32 s26, $0x1;
	_ =	strace $0x8000004C;
	[dreg:$0x1] =	wrdreg $0xFFFFFFFF  }
0xa7: {  	s28 =	simm.s32 $_size_execute0_lowered;
	s2 =	sadd.s32 s2, s4;
	[dreg:$0x0] =	wrdreg $0x0  }
0xa8: {  	s4 =	sshll.u32 s28, $0x1;
	[dreg:$0x2] =	wrdreg s2  }
0xa9: {  	[dreg:$0x3] =	wrdreg s4  }
0xaa: {  	[dreg:$0x4] =	wrdreg $0xC0  }
0xab: {  	_ =	task [dreg:s6], $0x5FFFF  }
0xac: {  	[dreg:$0x1] =	wrdreg $0xFFFFFFFF  }
0xad: {  	[dreg:$0x0] =	wrdreg $0x60  }
0xae: {  	[dreg:$0x2] =	wrdreg s24  }
0xaf: {  	[dreg:$0x3] =	wrdreg $0x9F000  }
0xb0: {  	[dreg:$0x4] =	wrdreg $0x9  }
0xb1: {  	_ =	task.clear_ibuf [dreg:s6], $0x5FFFF;
	_ =	strace $0x9000004C  }
0xb2: {  	s29 =	simm.s32 $0x9;
	_ =	strace $0x8000004E  }
0xb3: {  	_ =	swait.ge [sflag:s29], $0x1  }
0xb4: {  	[sflag:s29] =	ssyncadd.s32 $0xFFFFFFFF  }
0xb5: {  	_ =	strace $0x9000004E  }
0xb6: {  	_ =	sfence  }
0xb7: {  	s30 =	sld [smem:$0x0];
	_ =	sdelay $0x2  }
0xb8: {  	s31 =	sshll.u32 s1, $0xD;
	s1 =	sshrl.u32 s1, $0x2  }
0xb9: {  	s3 =	sand.u32 $0x4000, s31;
	s1 =	sadd.s32 s1, s30  }
0xba: {  	s0 =	sor.u32 s3, s0;
	s1 =	sshll.u32 s1, $0x11  }
0xbb: {  	s0 =	sor.u32 s1, s0  }
0xbc: {  	s0 =	sadd.s32 $0x8F2B, s0  }
0xbd: {  	[sflag:s0] =	ssyncadd.remote.s32 $0x1  }
0xbe: {  	_ =	sfence.sel $0xFFFF  }
0xbf: {  	[dreg:$0x0] =	wrdreg $0xFFFFFFFF;
	(pc) =	sbr.abs _section_cstart, $3  }
0xc0: {  	[dreg:$0x1] =	wrdreg $0xFFFFFFFF  }
0xc1: {  	_ =	task.clear_ibuf [dreg:s6], $0x2FFFF;
	_ =	strace $0x9FFFFFFF  }
0xc2: {  	(tm) =	ssettm $0x7FFFFFFF  }
0xc3: {  	_ =	shalt  }
tec
execute0_lowered:
.L_overlay_start_1:
0x0: {  	(tag) =	ssettag $0x1  }
0x1: {  	s1 =	srdreg.scid;
	s6 =	rddreg [dreg:$0x0]  }
0x2: {  	s0 =	stileid.u32;
	s2 =	rddreg [dreg:$0x1];
	s3 =	simm.s32 $0x0  }
0x3: {  	s17 =	simm.s32 $0x4F00;
	s18 =	simm.s32 $0x3;
	s19 =	simm.s32 $0x2780  }
0x4: {  	s20 =	simm.s32 $0x50;
	s21 =	simm.s32 $0x7700;
	s22 =	simm.s32 $0x1  }
0x5: {  	s23 =	simm.s32 $0x2;
	s24 =	simm.s32 $0x4DA0;
	s25 =	simm.s32 $0x26C0  }
0x6: {  	s28 =	simm.s32 $0x4E40;
	s5 =	sand.u32 $0x1, s1;
	s8 =	smul.u32 $0x13C00, s0  }
0x7: {  	s26 =	sshll.u32 s0, $0x1;
	[smem:$0x7FF] =	sst s3;
	s9 =	smul.u32 $0x4F000, s0  }
0x8: {  	s1 =	sor.u32 s5, s26;
	s7 =	smul.u32 $0x13C000, s5;
	s29 =	ssub.s32 $0x2, s5  }
0x9: {  	s26 =	simm.s32 $0x4DF0;
	s4 =	smul.u32 $0x4E2, s1;
	s1 =	rddreg [dreg:$0x2]  }
0xa: {  	_ =	strace $0x8000004D;
	s30 =	sshrl.u32 s9, $0x2;
	s31 =	sshrl.u32 s29, $0x1  }
0xb: {  	s7 =	sadd.s32 s8, s7;
	s5 =	sadd.s32 s30, s2;
	s16 =	ssub.s32 s29, s31  }
0xc: {  	s14 =	sadd.s32 s4, s6;
	s4 =	sadd.s32 $0x17C00, s6;
	s7 =	sshrl.u32 s7, $0x3  }
0xd: {  	s8 =	sadd.s32 $0x7800, s5;
	s9 =	sadd.s32 $0xA000, s5;
	s10 =	sadd.s32 $0xC800, s5  }
0xe: {  	s11 =	sadd.s32 $0xF000, s5;
	s12 =	sadd.s32 $0x11800, s5;
	s16 =	smax.u32 s16, $0x1  }
0xf: {  	s15 =	sadd.s32 s7, s6;
	s6 =	sadd.s32 $0x2800, s5;
	s7 =	sadd.s32 $0x5000, s5  }
0x10: {  	v0 =	vimm.f32 $0.0e+00;
	s13 =	sadd.s32 $0xDE00, s14;
	s14 =	sadd.s32 $0x4000, s14;
	s15 =	sadd.s32 $0x3EE00, s15  }
.LBB2_1:
0x11: {  	s29 =	simm.s32 $0x0;
	s30 =	simm.s32 $0x200  }
.LBB2_2:
0x12: {  	p0 =	sne.s32 s30, $0x9E00;
	[tilespmem:s29+$0x4F70] =	vst v0  }
0x13: {  	[tilespmem:s29+$0x4F00] =	vst v0  }
0x14: {  	[tilespmem:s29+$0x4F10] =	vst v0  }
.Ltmp0:
0x15: {  	[tilespmem:s29+$0x4F20] =	vst v0;
	(pc) =	sbr.rel @p0 .LBB2_2-.Ltmp0, $4  }
0x16: {  	[tilespmem:s29+$0x4F30] =	vst v0  }
0x17: {  	[tilespmem:s29+$0x4F40] =	vst v0  }
0x18: {  	[tilespmem:s29+$0x4F50] =	vst v0  }
0x19: {  	[tilespmem:s29+$0x4F60] =	vst v0;
	s29 =	sshra.s32 s30, $0x2;
	s30 =	sadd.s32 $0x200, s30  }
0x1a: {  	[tilespmem:s29+$0x4F70] =	vst v0  }
0x1b: {  	[tilespmem:s29+$0x4F00] =	vst v0  }
0x1c: {  	[tilespmem:s29+$0x4F10] =	vst v0  }
0x1d: {  	[tilespmem:s29+$0x4F20] =	vst v0  }
0x1e: {  	[tilespmem:s29+$0x4F30] =	vst v0  }
0x1f: {  	[tilespmem:s29+$0x4F40] =	vst v0  }
0x20: {  	[tilespmem:s29+$0x4F50] =	vst v0  }
0x21: {  	[tilespmem:s29+$0x4F60] =	vst v0  }
0x22: {  	[spmem:s5] =	stream.linear.scatter [tilespmem:s17], [sflag:$0x3], $0x2800, $0x38;
	[tilespmem:$0x1DB00] =	vst v63  }
0x23: {  	_ =	swait.ge [sflag:s18], $0x2800  }
0x24: {  	[sflag:s18] =	ssyncset.done $0x0  }
0x25: {  	[sflag:s18] =	ssyncadd.s32 $0xFFFFD800  }
0x26: {  	[spmem:s6] =	stream.linear.scatter [tilespmem:s17], [sflag:$0x3], $0x2800, $0x38;
	[tilespmem:$0x1DB00] =	vst v63  }
0x27: {  	_ =	swait.ge [sflag:s18], $0x2800  }
0x28: {  	[sflag:s18] =	ssyncset.done $0x0  }
0x29: {  	[sflag:s18] =	ssyncadd.s32 $0xFFFFD800  }
0x2a: {  	[spmem:s7] =	stream.linear.scatter [tilespmem:s17], [sflag:$0x3], $0x2800, $0x38;
	[tilespmem:$0x1DB00] =	vst v63  }
0x2b: {  	_ =	swait.ge [sflag:s18], $0x2800  }
0x2c: {  	[sflag:s18] =	ssyncset.done $0x0  }
0x2d: {  	[sflag:s18] =	ssyncadd.s32 $0xFFFFD800  }
0x2e: {  	[spmem:s8] =	stream.linear.scatter [tilespmem:s17], [sflag:$0x3], $0x2800, $0x38;
	[tilespmem:$0x1DB00] =	vst v63  }
0x2f: {  	_ =	swait.ge [sflag:s18], $0x2800  }
0x30: {  	[sflag:s18] =	ssyncset.done $0x0  }
0x31: {  	[sflag:s18] =	ssyncadd.s32 $0xFFFFD800  }
0x32: {  	[spmem:s9] =	stream.linear.scatter [tilespmem:s17], [sflag:$0x3], $0x2800, $0x38;
	[tilespmem:$0x1DB00] =	vst v63  }
0x33: {  	_ =	swait.ge [sflag:s18], $0x2800  }
0x34: {  	[sflag:s18] =	ssyncset.done $0x0  }
0x35: {  	[sflag:s18] =	ssyncadd.s32 $0xFFFFD800  }
0x36: {  	[spmem:s10] =	stream.linear.scatter [tilespmem:s17], [sflag:$0x3], $0x2800, $0x38;
	[tilespmem:$0x1DB00] =	vst v63  }
0x37: {  	_ =	swait.ge [sflag:s18], $0x2800  }
0x38: {  	[sflag:s18] =	ssyncset.done $0x0  }
0x39: {  	[sflag:s18] =	ssyncadd.s32 $0xFFFFD800  }
0x3a: {  	[spmem:s11] =	stream.linear.scatter [tilespmem:s17], [sflag:$0x3], $0x2800, $0x38;
	[tilespmem:$0x1DB00] =	vst v63  }
0x3b: {  	_ =	swait.ge [sflag:s18], $0x2800  }
0x3c: {  	[sflag:s18] =	ssyncset.done $0x0  }
0x3d: {  	[sflag:s18] =	ssyncadd.s32 $0xFFFFD800  }
0x3e: {  	[spmem:s12] =	stream.linear.scatter [tilespmem:s17], [sflag:$0x3], $0x2400, $0x38;
	[tilespmem:$0x1DB00] =	vst v63  }
0x3f: {  	_ =	swait.ge [sflag:s18], $0x2400  }
0x40: {  	[sflag:s18] =	ssyncset.done $0x0  }
0x41: {  	s29 =	simm.s32 $0x0;
	[sflag:s18] =	ssyncadd.s32 $0xFFFFDC00  }
0x42: {  	[tilespmem:s29], [sflag:$0x3] =	stream.linear.gather [hbm4b:s13+s29], $0x2710, $0x38;
	[tilespmem:$0x1DB00] =	vst v63  }
0x43: {  	_ =	swait.ge [sflag:s18], $0x2710  }
0x44: {  	[sflag:s18] =	ssyncset.done $0x0  }
0x45: {  	[sflag:s18] =	ssyncadd.s32 $0xFFFFD8F0  }
0x46: {  	[tilespmem:s19], [sflag:$0x3] =	stream.linear.gather [hbm4b:s14+s29], $0x2710, $0x38;
	[tilespmem:$0x1DB00] =	vst v63  }
0x47: {  	_ =	swait.ge [sflag:s18], $0x2710  }
0x48: {  	[sflag:s18] =	ssyncset.done $0x0  }
0x49: {  	[sflag:s18] =	ssyncadd.s32 $0xFFFFD8F0  }
0x4a: {  	[bflag:$0x0] =	sbarrier.arrive $0xFFFF  }
0x4b: {  	[tilespmem:s17], [sflag:$0x1] =	stream.indirect.gather [hbm4b:s4+s20], $0x80, s29, s20, $0xb8;
	[tilespmem:$0x1DB00] =	vst v63  }
0x4c: {  	_ = 	snop  }
0x4d: {  	[tilespmem:s21], [sflag:$0x2] =	stream.indirect.gather [hbm4b:s4+s20], $0x80, s20, s20, $0xb8;
	[tilespmem:$0x1DB00] =	vst v63  }
0x4e: {  	_ =	swait.ge [sflag:s22], $0x2800  }
0x4f: {  	[sflag:s22] =	ssyncset.done $0x0  }
0x50: {  	s29 =	simm.s32 $0x2780;
	[sflag:s22] =	ssyncadd.s32 $0xFFFFD800  }
0x51: {  	[spmem:s2] =	stream.indirect.scatter.add.f32 [tilespmem:s17], [sflag:$0x3], $0x80, s29, s20, $0xb8;
	[tilespmem:$0x1DB00] =	vst v63  }
0x52: {  	_ =	swait.ge [sflag:s18], $0x2800  }
0x53: {  	[sflag:s18] =	ssyncset.done $0x0  }
0x54: {  	s29 =	simm.s32 $0xA0;
	[sflag:s18] =	ssyncadd.s32 $0xFFFFD800  }
0x55: {  	[tilespmem:s17], [sflag:$0x1] =	stream.indirect.gather [hbm4b:s4+s20], $0x80, s29, s20, $0xb8;
	[tilespmem:$0x1DB00] =	vst v63  }
0x56: {  	_ =	swait.ge [sflag:s23], $0x2800  }
0x57: {  	[sflag:s23] =	ssyncset.done $0x0  }
0x58: {  	s29 =	simm.s32 $0x27D0;
	[sflag:s23] =	ssyncadd.s32 $0xFFFFD800  }
0x59: {  	[spmem:s2] =	stream.indirect.scatter.add.f32 [tilespmem:s21], [sflag:$0x3], $0x80, s29, s20, $0xb8;
	[tilespmem:$0x1DB00] =	vst v63  }
0x5a: {  	_ =	swait.ge [sflag:s18], $0x2800  }
0x5b: {  	[sflag:s18] =	ssyncset.done $0x0  }
0x5c: {  	s30 =	simm.s32 $0xF0;
	s29 =	simm.s32 $0x280;
	[sflag:s18] =	ssyncadd.s32 $0xFFFFD800  }
.LBB2_4:
0x5d: {  	[tilespmem:s21], [sflag:$0x2] =	stream.indirect.gather [hbm4b:s4+s20], $0x80, s30, s20, $0xb8;
	[tilespmem:$0x1DB00] =	vst v63  }
0x5e: {  	s30 =	smov.u32 s29  }
0x5f: {  	p0 =	sne.s32 s29, $0x9600;
	s29 =	sadd.s32 $0x280, s29;
	_ =	swait.ge [sflag:s22], $0x2800  }
0x60: {  	s30 =	sshra.s32 s30, $0x2;
	[sflag:s22] =	ssyncset.done $0x0  }
0x61: {  	s31 =	sadd.s32 $0x2780, s30;
	[sflag:s22] =	ssyncadd.s32 $0xFFFFD800  }
0x62: {  	[spmem:s2] =	stream.indirect.scatter.add.f32 [tilespmem:s17], [sflag:$0x3], $0x80, s31, s20, $0xb8;
	[tilespmem:$0x1DB00] =	vst v63  }
0x63: {  	_ =	swait.ge [sflag:s18], $0x2800  }
0x64: {  	[sflag:s18] =	ssyncset.done $0x0  }
0x65: {  	s31 =	sadd.s32 $0xA0, s30;
	[sflag:s18] =	ssyncadd.s32 $0xFFFFD800  }
0x66: {  	[tilespmem:s17], [sflag:$0x1] =	stream.indirect.gather [hbm4b:s4+s20], $0x80, s31, s20, $0xb8;
	[tilespmem:$0x1DB00] =	vst v63  }
0x67: {  	_ =	swait.ge [sflag:s23], $0x2800  }
0x68: {  	[sflag:s23] =	ssyncset.done $0x0  }
.Ltmp1:
0x69: {  	s31 =	sadd.s32 $0x27D0, s30;
	[sflag:s23] =	ssyncadd.s32 $0xFFFFD800;
	(pc) =	sbr.rel @p0 .LBB2_4-.Ltmp1, $4  }
0x6a: {  	[spmem:s2] =	stream.indirect.scatter.add.f32 [tilespmem:s21], [sflag:$0x3], $0x80, s31, s20, $0xb8;
	[tilespmem:$0x1DB00] =	vst v63  }
0x6b: {  	_ =	swait.ge [sflag:s18], $0x2800  }
0x6c: {  	[sflag:s18] =	ssyncset.done $0x0  }
0x6d: {  	s30 =	sadd.s32 $0xF0, s30;
	[sflag:s18] =	ssyncadd.s32 $0xFFFFD800  }
0x6e: {  	[tilespmem:s21], [sflag:$0x2] =	stream.indirect.gather [hbm4b:s4+s20], $0x80, s30, s20, $0xb8;
	[tilespmem:$0x1DB00] =	vst v63  }
0x6f: {  	_ =	swait.ge [sflag:s22], $0x2800  }
0x70: {  	[sflag:s22] =	ssyncset.done $0x0  }
0x71: {  	[sflag:s22] =	ssyncadd.s32 $0xFFFFD800  }
0x72: {  	[spmem:s2] =	stream.indirect.scatter.add.f32 [tilespmem:s17], [sflag:$0x3], $0x80, s24, s20, $0xb8;
	[tilespmem:$0x1DB00] =	vst v63  }
0x73: {  	_ =	swait.ge [sflag:s18], $0x2800  }
0x74: {  	[sflag:s18] =	ssyncset.done $0x0  }
0x75: {  	[sflag:s18] =	ssyncadd.s32 $0xFFFFD800  }
0x76: {  	[tilespmem:s17], [sflag:$0x1] =	stream.indirect.gather [hbm4b:s4+s20], $0x80, s25, s20, $0xb8;
	[tilespmem:$0x1DB00] =	vst v63  }
0x77: {  	_ =	swait.ge [sflag:s23], $0x2800  }
0x78: {  	[sflag:s23] =	ssyncset.done $0x0  }
0x79: {  	[sflag:s23] =	ssyncadd.s32 $0xFFFFD800  }
0x7a: {  	[spmem:s2] =	stream.indirect.scatter.add.f32 [tilespmem:s21], [sflag:$0x3], $0x80, s26, s20, $0xb8;
	[tilespmem:$0x1DB00] =	vst v63  }
0x7b: {  	_ =	swait.ge [sflag:s18], $0x2800  }
0x7c: {  	[sflag:s18] =	ssyncset.done $0x0  }
0x7d: {  	[sflag:s18] =	ssyncadd.s32 $0xFFFFD800  }
0x7e: {  	_ =	swait.ge [sflag:s22], $0x2800  }
0x7f: {  	[sflag:s22] =	ssyncset.done $0x0  }
0x80: {  	[sflag:s22] =	ssyncadd.s32 $0xFFFFD800  }
0x81: {  	[spmem:s2] =	stream.indirect.scatter.add.f32 [tilespmem:s17], [sflag:$0x3], $0x80, s28, s20, $0xb8;
	[tilespmem:$0x1DB00] =	vst v63  }
0x82: {  	_ =	swait.ge [sflag:s18], $0x2800  }
0x83: {  	s29 =	sshll.u32 s0, $0x6;
	s3 =	sadd.s32 $0x1, s3;
	[sflag:s18] =	ssyncset.done $0x0  }
0x84: {  	s31 =	sshrl.u32 s5, $0x3;
	p0 =	sne.s32 s3, s16;
	[sflag:s18] =	ssyncadd.s32 $0xFFFFD800  }
.Ltmp2:
0x85: {  	s29 =	sor.u32 $0x1C03, s29;
	[bflag:$0x0] =	sbarrier.arrive $0xFFFF;
	(pc) =	sbr.rel @p0 .LBB2_1-.Ltmp2, $4  }
0x86: {  	[hbm:s15], [sflag:s29] =	dma.local [spmem:s31], $0x2780  }
0x87: {  	_ =	swait.ge [sflag:s18], $0x2780  }
0x88: {  	[sflag:s18] =	ssyncset.done $0x0  }
0x89: {  	[sflag:s18] =	ssyncadd.s32 $0xFFFFD880  }
0x8a: {  	_ =	sfence.sel $0x180000  }
0x8b: {  	[bflag:$0x0] =	sbarrier.arrive $0xFFFF  }
0x8c: {  	p0 =	sne.s32 s0, $0x0;
	_ =	strace $0x9000004D  }
0x8d: {  	s0 =	sadd.s32 @!p0 $0x100000, s1;
	[bflag:$0x2] =	sbarrier.arrive $0xFFFF  }
0x8e: {  	[sflag:s0] =	ssyncadd.tile.s32 @!p0 $0x1;
	_ =	shalt  }
.Lfunc_end2:
_tile_overlayer_lowered:
.L_overlay_start_2:
0x8f: {  	(tag) =	ssettag $0x2  }
0x90: {  	s0 =	rddreg [dreg:$0x0];
	s2 =	stileid.u32  }
0x91: {  	s1 =	rddreg [dreg:$0x1];
	p0 =	sne.s32 s2, $0x0  }
0x92: {  	s3 =	rddreg [dreg:$0x2];
	[bflag:$0x3] =	sbarrier.arrive $0xFFFF;
	s2 =	simm.s32 @!p0 $0x1C03  }
0x93: {  	[timem:s3], [sflag:s2] =	dma.local @!p0 [hbm:s0], s1  }
0x94: {  	s0 =	simm.s32 @!p0 $0x3  }
0x95: {  	_ =	swait.ge @!p0 [sflag:s0], s1  }
0x96: {  	s1 =	ssub.s32 @!p0 $0x0, s1;
	[sflag:s0] =	ssyncset.done @!p0 $0x0  }
0x97: {  	[sflag:s0] =	ssyncadd.s32 @!p0 s1  }
0x98: {  	[bflag:$0x3] =	sbarrier.arrive $0xFFFF  }
0x99: {  	_ =	shalt  }

// kernel: kernel.24.cloned.1.call-start
scs
__scs_entry_jumppad:
0x0: {  	(pc) =	sbr.rel $0x88, $3  }
0x1: {  	(tag) =	ssettag $0x0;
	lr =	simm.s32 $0x1  }
0x2: {  	[smem:$0x3F98] =	sst lr;
	_ =	strace $0xD0000000  }
0x3: {  	_ = 	snop  }
0x4: {  	_ = 	snop  }
0x5: {  	_ = 	snop  }
0x6: {  	_ = 	snop  }
0x7: {  	_ = 	snop  }
__scs_overlays_trampoline_lowered:
0x8: {  	[smem:$0x3FA7] =	sst s0  }
0x9: {  	[smem:$0x3FA8] =	sst s1  }
0xa: {  	[smem:$0x3FA9] =	sst s2  }
0xb: {  	[smem:$0x3FAA] =	sst s3  }
0xc: {  	[smem:$0x3FAB] =	sst s4  }
0xd: {  	[smem:$0x3FAC] =	sst s5  }
0xe: {  	[smem:$0x3FAD] =	sst s6  }
0xf: {  	[smem:$0x3FAE] =	sst s7  }
0x10: {  	[smem:$0x3FAF] =	sst s8  }
0x11: {  	[smem:$0x3FB0] =	sst s9;
	s0 =	simm.s32 @!p0 $0x0  }
0x12: {  	s1 =	sld [smem:$0x3F96];
	s0 =	simm.s32 @p0 $0x1  }
0x13: {  	[smem:$0x3FB1] =	sst s0;
	s0 =	simm.s32 @!p1 $0x0  }
0x14: {  	s2 =	sld [smem:$0x3F95];
	s0 =	simm.s32 @p1 $0x1  }
0x15: {  	[smem:$0x3FB2] =	sst s0;
	s0 =	simm.s32 @!p2 $0x0  }
0x16: {  	s3 =	sld [smem:$0x3FDB];
	s0 =	simm.s32 @p2 $0x1  }
0x17: {  	s4 =	simm.s32 $0x1BF5;
	[smem:$0x3FB4] =	sst s0  }
0x18: {  	s0 =	sld [smem:$0x3F97];
	_ =	swait.ge [sflag:s4], $0x0  }
0x19: {  	s7 =	sld [smem:$0x3F98]  }
0x1a: {  	s8 =	sadd.s32 $0xFFFFE003, lr  }
0x1b: {  	s9 =	sadd.s32 $0xFFFFFEF7, lr;
	s5 =	simm.s32 $0xFFFFFFFF;
	p2 =	slt.u32 s8, $0xFFFFF086  }
0x1c: {  	p1 =	slt.u32 s9, $0xF7A;
	s5 =	simm.s32 @!p2 $0x0  }
0x1d: {  	s5 =	simm.s32 @p1 $0x1;
	p0 =	seq.s32 s7, s2  }
0x1e: {  	s7 =	smul.u32 @!p0 $0xF7A, s2;
	p2 =	seq.s32 @!p0 s5, $0x0  }
0x1f: {  	s9 =	smul.u32 $0xF7A, s1;
	s8 =	simm.s32 @!p0 $0x1BF5;
	p2 =	por !p2, p0  }
0x20: {  	[sflag:s8] =	ssyncset.s32 @!p0 $0xFFFFF086;
	s6 =	sadd.s32 @!p0 s3, s7;
	s7 =	simm.s32 @!p0 $0x108  }
0x21: {  	s3 =	sadd.s32 s3, s9;
	s6 =	sadd.s32 @!p0 $0x88, s6;
	s7 =	simm.s32 @p2 $0x1082  }
0x22: {  	[simem:s7], [sflag:s8] =	dma.local @!p0 [hbm:s6], $0xF7A  }
0x23: {  	s9 =	sor.u32 $0xD0000000, s2;
	s6 =	simm.s32 $0x108;
	_ =	swait.ge @!p0 [sflag:s8], $0x0  }
0x24: {  	s3 =	sadd.s32 $0x88, s3;
	s6 =	simm.s32 @!p1 $0x1082;
	[sflag:s4] =	ssyncset.s32 $0xFFFFF086  }
0x25: {  	[simem:s6], [sflag:s4] =	dma.local [hbm:s3], $0xF7A  }
0x26: {  	[smem:$0x3F98] =	sst s1;
	(tag) =	ssettag s2;
	_ =	strace s9  }
0x27: {  	s1 =	sld [smem:$0x3FA8]  }
0x28: {  	s2 =	sld [smem:$0x3FA9]  }
0x29: {  	s4 =	sld [smem:$0x3FAB]  }
0x2a: {  	p0 =	seq.s32 s5, $0x0;
	s5 =	sld [smem:$0x3FAC]  }
0x2b: {  	s6 =	sld [smem:$0x3FAD]  }
0x2c: {  	s7 =	sld [smem:$0x3FAE]  }
0x2d: {  	s3 =	simm.s32 $0x108;
	s8 =	sld [smem:$0x3FAF]  }
0x2e: {  	s3 =	simm.s32 @!p0 $0x1082;
	s9 =	sld [smem:$0x3FB0]  }
0x2f: {  	lr =	sadd.s32 s0, s3;
	s0 =	sld [smem:$0x3FA7]  }
0x30: {  	s3 =	sld [smem:$0x3FAA]  }
0x31: {  	[smem:$0x3FB3] =	sst s10  }
0x32: {  	s10 =	sld [smem:$0x3FB1];
	_ =	sdelay $0x3  }
0x33: {  	p0 =	seq.s32 s10, $0x1;
	s10 =	sld [smem:$0x3FB3];
	_ =	sdelay $0x3  }
0x34: {  	[smem:$0x3FB3] =	sst s10  }
0x35: {  	s10 =	sld [smem:$0x3FB2];
	_ =	sdelay $0x3  }
0x36: {  	p1 =	seq.s32 s10, $0x1;
	s10 =	sld [smem:$0x3FB3];
	_ =	sdelay $0x3  }
0x37: {  	[smem:$0x3FB3] =	sst s10  }
0x38: {  	s10 =	sld [smem:$0x3FB4]  }
0x39: {  	_ = 	snop;
	(pc) =	sbr.ind lr, $3  }
0x3a: {  	_ = 	snop  }
0x3b: {  	_ = 	snop  }
0x3c: {  	p2 =	seq.s32 s10, $0x1;
	s10 =	sld [smem:$0x3FB3]  }
0x3d: {  	_ =	shalt  }
0x3e: {  	_ =	shalt  }
0x3f: {  	_ =	shalt  }
0x40: {  	_ =	shalt  }
0x41: {  	_ =	shalt  }
0x42: {  	_ =	shalt  }
0x43: {  	_ =	shalt  }
0x44: {  	_ =	shalt  }
0x45: {  	_ =	shalt  }
0x46: {  	_ =	shalt  }
0x47: {  	_ =	shalt  }
0x48: {  	_ =	shalt  }
0x49: {  	_ =	shalt  }
0x4a: {  	_ =	shalt  }
0x4b: {  	_ =	shalt  }
0x4c: {  	_ =	shalt  }
0x4d: {  	_ =	shalt  }
0x4e: {  	_ =	shalt  }
0x4f: {  	_ =	shalt  }
0x50: {  	_ =	shalt  }
0x51: {  	_ =	shalt  }
0x52: {  	_ =	shalt  }
0x53: {  	_ =	shalt  }
0x54: {  	_ =	shalt  }
0x55: {  	_ =	shalt  }
0x56: {  	_ =	shalt  }
0x57: {  	_ =	shalt  }
0x58: {  	_ =	shalt  }
0x59: {  	_ =	shalt  }
0x5a: {  	_ =	shalt  }
0x5b: {  	_ =	shalt  }
0x5c: {  	_ =	shalt  }
0x5d: {  	_ =	shalt  }
0x5e: {  	_ =	shalt  }
0x5f: {  	_ =	shalt  }
0x60: {  	_ =	shalt  }
0x61: {  	_ =	shalt  }
0x62: {  	_ =	shalt  }
0x63: {  	_ =	shalt  }
0x64: {  	_ =	shalt  }
0x65: {  	_ =	shalt  }
0x66: {  	_ =	shalt  }
0x67: {  	_ =	shalt  }
0x68: {  	_ =	shalt  }
0x69: {  	_ =	shalt  }
0x6a: {  	_ =	shalt  }
0x6b: {  	_ =	shalt  }
0x6c: {  	_ =	shalt  }
0x6d: {  	_ =	shalt  }
0x6e: {  	_ =	shalt  }
0x6f: {  	_ =	shalt  }
0x70: {  	_ =	shalt  }
0x71: {  	_ =	shalt  }
0x72: {  	_ =	shalt  }
0x73: {  	_ =	shalt  }
0x74: {  	_ =	shalt  }
0x75: {  	_ =	shalt  }
0x76: {  	_ =	shalt  }
0x77: {  	_ =	shalt  }
0x78: {  	_ =	shalt  }
0x79: {  	_ =	shalt  }
0x7a: {  	_ =	shalt  }
0x7b: {  	_ =	shalt  }
0x7c: {  	_ =	shalt  }
0x7d: {  	_ =	shalt  }
0x7e: {  	_ =	shalt  }
0x7f: {  	_ =	shalt  }
0x80: {  	_ =	shalt  }
0x81: {  	_ =	shalt  }
0x82: {  	_ =	shalt  }
0x83: {  	_ =	shalt  }
0x84: {  	_ =	shalt  }
0x85: {  	_ =	shalt  }
0x86: {  	_ =	shalt  }
0x87: {  	_ =	shalt  }
.Lfunc_end0:
.L_simem_size_0:
called_computation.3_lowered:
.L_overlay_start_0:
0x88: {  	s2 =	sld [smem:$0x3FD9]  }
0x89: {  	s3 =	sld [smem:$0x3FFE];
	_ =	sdelay $0x1  }
0x8a: {  	s1 =	srdreg.scid  }
0x8b: {  	s0 =	sand.u32 $0x1, s1  }
0x8c: {  	s16 =	sshll.u32 s0, $0xA;
	s2 =	sadd.s32 s3, s2  }
0x8d: {  	s2 =	sadd.s32 s2, s16  }
0x8e: {  	[smem:$0x3FBF] =	sst s2  }
0x8f: {  	_ = 	snop  }
0x90: {  	(tm) =	ssettm $0x1  }
0x91: {  	s17 =	sld [smem:$0x3FFB];
	_ =	sdelay $0x3  }
0x92: {  	_ =	strace s17  }
0x93: {  	s2 =	sld [smem:$0x3FFC];
	_ =	sdelay $0x3  }
0x94: {  	_ =	strace s2  }
0x95: {  	s2 =	sld [smem:$0x3FFD];
	_ =	sdelay $0x3  }
0x96: {  	_ =	strace s2  }
0x97: {  	_ =	strace $0x8FFFFFFF  }
0x98: {  	s18 =	sld [smem:$0x3FDB];
	_ =	sdelay $0x1  }
0x99: {  	s19 =	simm.s32 $_scs_section_size  }
0x9a: {  	s4 =	simm.s32 $_size__tile_overlayer_lowered;
	s5 =	simm.s32 $_tile_overlayer_lowered  }
0x9b: {  	s22 =	simm.s32 $0x1BFF;
	s21 =	sshll.u32 s5, $0x1;
	s2 =	sadd.s32 s19, s18  }
0x9c: {  	s6 =	simm.s32 $0x0;
	s20 =	sshll.u32 s4, $0x1;
	s4 =	sadd.s32 s21, s2  }
0x9d: {  	[timem:s6], [sflag:s22] =	dma.local [hbm:s4], s20  }
0x9e: {  	_ =	swait.ge [sflag:s22], s20  }
0x9f: {  	s3 =	ssub.s32 $0x0, s20;
	[sflag:s22] =	ssyncset.done $0x0  }
0xa0: {  	[sflag:s22] =	ssyncadd.s32 s3;
	_ =	sdelay $0x1  }
0xa1: {  	s23 =	simm.s32 $0x1B8B  }
0xa2: {  	_ =	swait.ge [sflag:s23], $0x1  }
0xa3: {  	[sflag:s23] =	ssyncset.done $0x0  }
0xa4: {  	s25 =	simm.s32 $0x1B8E;
	s24 =	sld [smem:$0x3FFE];
	[sflag:s23] =	ssyncadd.s32 $0xFFFFFFFF  }
0xa5: {  	s26 =	simm.s32 $execute0_lowered;
	[smem:$0x3FD2] =	sst s25  }
0xa6: {  	s4 =	sshll.u32 s26, $0x1;
	_ =	strace $0x8000004F;
	[dreg:$0x1] =	wrdreg $0xFFFFFFFF  }
0xa7: {  	s28 =	simm.s32 $_size_execute0_lowered;
	s2 =	sadd.s32 s2, s4;
	[dreg:$0x0] =	wrdreg $0x0  }
0xa8: {  	s4 =	sshll.u32 s28, $0x1;
	[dreg:$0x2] =	wrdreg s2  }
0xa9: {  	[dreg:$0x3] =	wrdreg s4  }
0xaa: {  	[dreg:$0x4] =	wrdreg $0xC0  }
0xab: {  	_ =	task [dreg:s6], $0x5FFFF  }
0xac: {  	[dreg:$0x1] =	wrdreg $0xFFFFFFFF  }
0xad: {  	[dreg:$0x0] =	wrdreg $0x60  }
0xae: {  	[dreg:$0x2] =	wrdreg s24  }
0xaf: {  	[dreg:$0x3] =	wrdreg $0x9F000  }
0xb0: {  	[dreg:$0x4] =	wrdreg $0x9  }
0xb1: {  	_ =	task.clear_ibuf [dreg:s6], $0x5FFFF;
	_ =	strace $0x9000004F  }
0xb2: {  	s29 =	simm.s32 $0x9;
	_ =	strace $0x80000051  }
0xb3: {  	_ =	swait.ge [sflag:s29], $0x1  }
0xb4: {  	[sflag:s29] =	ssyncadd.s32 $0xFFFFFFFF  }
0xb5: {  	_ =	strace $0x90000051  }
0xb6: {  	_ =	sfence  }
0xb7: {  	s30 =	sld [smem:$0x0];
	_ =	sdelay $0x2  }
0xb8: {  	s31 =	sshll.u32 s1, $0xD;
	s1 =	sshrl.u32 s1, $0x2  }
0xb9: {  	s3 =	sand.u32 $0x4000, s31;
	s1 =	sadd.s32 s1, s30  }
0xba: {  	s0 =	sor.u32 s3, s0;
	s1 =	sshll.u32 s1, $0x11  }
0xbb: {  	s0 =	sor.u32 s1, s0  }
0xbc: {  	s0 =	sadd.s32 $0x8F2B, s0  }
0xbd: {  	[sflag:s0] =	ssyncadd.remote.s32 $0x1  }
0xbe: {  	_ =	sfence.sel $0xFFFF  }
0xbf: {  	[dreg:$0x0] =	wrdreg $0xFFFFFFFF;
	(pc) =	sbr.abs _section_cstart, $3  }
0xc0: {  	[dreg:$0x1] =	wrdreg $0xFFFFFFFF  }
0xc1: {  	_ =	task.clear_ibuf [dreg:s6], $0x2FFFF;
	_ =	strace $0x9FFFFFFF  }
0xc2: {  	(tm) =	ssettm $0x7FFFFFFF  }
0xc3: {  	_ =	shalt  }
tec
execute0_lowered:
.L_overlay_start_1:
0x0: {  	(tag) =	ssettag $0x1  }
0x1: {  	s1 =	srdreg.scid;
	s6 =	rddreg [dreg:$0x0]  }
0x2: {  	s0 =	stileid.u32;
	s2 =	rddreg [dreg:$0x1];
	s3 =	simm.s32 $0x0  }
0x3: {  	s17 =	simm.s32 $0x4F00;
	s18 =	simm.s32 $0x3;
	s19 =	simm.s32 $0x2780  }
0x4: {  	s20 =	simm.s32 $0x50;
	s21 =	simm.s32 $0x7700;
	s22 =	simm.s32 $0x1  }
0x5: {  	s23 =	simm.s32 $0x2;
	s24 =	simm.s32 $0x4DA0;
	s25 =	simm.s32 $0x26C0  }
0x6: {  	s28 =	simm.s32 $0x4E40;
	s5 =	sand.u32 $0x1, s1;
	s8 =	smul.u32 $0x13C00, s0  }
0x7: {  	s26 =	sshll.u32 s0, $0x1;
	[smem:$0x7FF] =	sst s3;
	s9 =	smul.u32 $0x4F000, s0  }
0x8: {  	s1 =	sor.u32 s5, s26;
	s7 =	smul.u32 $0x13C000, s5;
	s29 =	ssub.s32 $0x2, s5  }
0x9: {  	s26 =	simm.s32 $0x4DF0;
	s4 =	smul.u32 $0x4E2, s1;
	s1 =	rddreg [dreg:$0x2]  }
0xa: {  	_ =	strace $0x80000050;
	s30 =	sshrl.u32 s9, $0x2;
	s31 =	sshrl.u32 s29, $0x1  }
0xb: {  	s7 =	sadd.s32 s8, s7;
	s5 =	sadd.s32 s30, s2;
	s16 =	ssub.s32 s29, s31  }
0xc: {  	s14 =	sadd.s32 s4, s6;
	s4 =	sadd.s32 $0x17C00, s6;
	s7 =	sshrl.u32 s7, $0x3  }
0xd: {  	s8 =	sadd.s32 $0x7800, s5;
	s9 =	sadd.s32 $0xA000, s5;
	s10 =	sadd.s32 $0xC800, s5  }
0xe: {  	s11 =	sadd.s32 $0xF000, s5;
	s12 =	sadd.s32 $0x11800, s5;
	s16 =	smax.u32 s16, $0x1  }
0xf: {  	s15 =	sadd.s32 s7, s6;
	s6 =	sadd.s32 $0x2800, s5;
	s7 =	sadd.s32 $0x5000, s5  }
0x10: {  	v0 =	vimm.f32 $0.0e+00;
	s13 =	sadd.s32 $0xDE00, s14;
	s14 =	sadd.s32 $0x4000, s14;
	s15 =	sadd.s32 $0x3EE00, s15  }
.LBB2_1:
0x11: {  	s29 =	simm.s32 $0x0;
	s30 =	simm.s32 $0x200  }
.LBB2_2:
0x12: {  	p0 =	sne.s32 s30, $0x9E00;
	[tilespmem:s29+$0x4F70] =	vst v0  }
0x13: {  	[tilespmem:s29+$0x4F00] =	vst v0  }
0x14: {  	[tilespmem:s29+$0x4F10] =	vst v0  }
.Ltmp0:
0x15: {  	[tilespmem:s29+$0x4F20] =	vst v0;
	(pc) =	sbr.rel @p0 .LBB2_2-.Ltmp0, $4  }
0x16: {  	[tilespmem:s29+$0x4F30] =	vst v0  }
0x17: {  	[tilespmem:s29+$0x4F40] =	vst v0  }
0x18: {  	[tilespmem:s29+$0x4F50] =	vst v0  }
0x19: {  	[tilespmem:s29+$0x4F60] =	vst v0;
	s29 =	sshra.s32 s30, $0x2;
	s30 =	sadd.s32 $0x200, s30  }
0x1a: {  	[tilespmem:s29+$0x4F70] =	vst v0  }
0x1b: {  	[tilespmem:s29+$0x4F00] =	vst v0  }
0x1c: {  	[tilespmem:s29+$0x4F10] =	vst v0  }
0x1d: {  	[tilespmem:s29+$0x4F20] =	vst v0  }
0x1e: {  	[tilespmem:s29+$0x4F30] =	vst v0  }
0x1f: {  	[tilespmem:s29+$0x4F40] =	vst v0  }
0x20: {  	[tilespmem:s29+$0x4F50] =	vst v0  }
0x21: {  	[tilespmem:s29+$0x4F60] =	vst v0  }
0x22: {  	[spmem:s5] =	stream.linear.scatter [tilespmem:s17], [sflag:$0x3], $0x2800, $0x38;
	[tilespmem:$0x1DB00] =	vst v63  }
0x23: {  	_ =	swait.ge [sflag:s18], $0x2800  }
0x24: {  	[sflag:s18] =	ssyncset.done $0x0  }
0x25: {  	[sflag:s18] =	ssyncadd.s32 $0xFFFFD800  }
0x26: {  	[spmem:s6] =	stream.linear.scatter [tilespmem:s17], [sflag:$0x3], $0x2800, $0x38;
	[tilespmem:$0x1DB00] =	vst v63  }
0x27: {  	_ =	swait.ge [sflag:s18], $0x2800  }
0x28: {  	[sflag:s18] =	ssyncset.done $0x0  }
0x29: {  	[sflag:s18] =	ssyncadd.s32 $0xFFFFD800  }
0x2a: {  	[spmem:s7] =	stream.linear.scatter [tilespmem:s17], [sflag:$0x3], $0x2800, $0x38;
	[tilespmem:$0x1DB00] =	vst v63  }
0x2b: {  	_ =	swait.ge [sflag:s18], $0x2800  }
0x2c: {  	[sflag:s18] =	ssyncset.done $0x0  }
0x2d: {  	[sflag:s18] =	ssyncadd.s32 $0xFFFFD800  }
0x2e: {  	[spmem:s8] =	stream.linear.scatter [tilespmem:s17], [sflag:$0x3], $0x2800, $0x38;
	[tilespmem:$0x1DB00] =	vst v63  }
0x2f: {  	_ =	swait.ge [sflag:s18], $0x2800  }
0x30: {  	[sflag:s18] =	ssyncset.done $0x0  }
0x31: {  	[sflag:s18] =	ssyncadd.s32 $0xFFFFD800  }
0x32: {  	[spmem:s9] =	stream.linear.scatter [tilespmem:s17], [sflag:$0x3], $0x2800, $0x38;
	[tilespmem:$0x1DB00] =	vst v63  }
0x33: {  	_ =	swait.ge [sflag:s18], $0x2800  }
0x34: {  	[sflag:s18] =	ssyncset.done $0x0  }
0x35: {  	[sflag:s18] =	ssyncadd.s32 $0xFFFFD800  }
0x36: {  	[spmem:s10] =	stream.linear.scatter [tilespmem:s17], [sflag:$0x3], $0x2800, $0x38;
	[tilespmem:$0x1DB00] =	vst v63  }
0x37: {  	_ =	swait.ge [sflag:s18], $0x2800  }
0x38: {  	[sflag:s18] =	ssyncset.done $0x0  }
0x39: {  	[sflag:s18] =	ssyncadd.s32 $0xFFFFD800  }
0x3a: {  	[spmem:s11] =	stream.linear.scatter [tilespmem:s17], [sflag:$0x3], $0x2800, $0x38;
	[tilespmem:$0x1DB00] =	vst v63  }
0x3b: {  	_ =	swait.ge [sflag:s18], $0x2800  }
0x3c: {  	[sflag:s18] =	ssyncset.done $0x0  }
0x3d: {  	[sflag:s18] =	ssyncadd.s32 $0xFFFFD800  }
0x3e: {  	[spmem:s12] =	stream.linear.scatter [tilespmem:s17], [sflag:$0x3], $0x2400, $0x38;
	[tilespmem:$0x1DB00] =	vst v63  }
0x3f: {  	_ =	swait.ge [sflag:s18], $0x2400  }
0x40: {  	[sflag:s18] =	ssyncset.done $0x0  }
0x41: {  	s29 =	simm.s32 $0x0;
	[sflag:s18] =	ssyncadd.s32 $0xFFFFDC00  }
0x42: {  	[tilespmem:s29], [sflag:$0x3] =	stream.linear.gather [hbm4b:s13+s29], $0x2710, $0x38;
	[tilespmem:$0x1DB00] =	vst v63  }
0x43: {  	_ =	swait.ge [sflag:s18], $0x2710  }
0x44: {  	[sflag:s18] =	ssyncset.done $0x0  }
0x45: {  	[sflag:s18] =	ssyncadd.s32 $0xFFFFD8F0  }
0x46: {  	[tilespmem:s19], [sflag:$0x3] =	stream.linear.gather [hbm4b:s14+s29], $0x2710, $0x38;
	[tilespmem:$0x1DB00] =	vst v63  }
0x47: {  	_ =	swait.ge [sflag:s18], $0x2710  }
0x48: {  	[sflag:s18] =	ssyncset.done $0x0  }
0x49: {  	[sflag:s18] =	ssyncadd.s32 $0xFFFFD8F0  }
0x4a: {  	[bflag:$0x0] =	sbarrier.arrive $0xFFFF  }
0x4b: {  	[tilespmem:s17], [sflag:$0x1] =	stream.indirect.gather [hbm4b:s4+s20], $0x80, s29, s20, $0xb8;
	[tilespmem:$0x1DB00] =	vst v63  }
0x4c: {  	_ = 	snop  }
0x4d: {  	[tilespmem:s21], [sflag:$0x2] =	stream.indirect.gather [hbm4b:s4+s20], $0x80, s20, s20, $0xb8;
	[tilespmem:$0x1DB00] =	vst v63  }
0x4e: {  	_ =	swait.ge [sflag:s22], $0x2800  }
0x4f: {  	[sflag:s22] =	ssyncset.done $0x0  }
0x50: {  	s29 =	simm.s32 $0x2780;
	[sflag:s22] =	ssyncadd.s32 $0xFFFFD800  }
0x51: {  	[spmem:s2] =	stream.indirect.scatter.add.f32 [tilespmem:s17], [sflag:$0x3], $0x80, s29, s20, $0xb8;
	[tilespmem:$0x1DB00] =	vst v63  }
0x52: {  	_ =	swait.ge [sflag:s18], $0x2800  }
0x53: {  	[sflag:s18] =	ssyncset.done $0x0  }
0x54: {  	s29 =	simm.s32 $0xA0;
	[sflag:s18] =	ssyncadd.s32 $0xFFFFD800  }
0x55: {  	[tilespmem:s17], [sflag:$0x1] =	stream.indirect.gather [hbm4b:s4+s20], $0x80, s29, s20, $0xb8;
	[tilespmem:$0x1DB00] =	vst v63  }
0x56: {  	_ =	swait.ge [sflag:s23], $0x2800  }
0x57: {  	[sflag:s23] =	ssyncset.done $0x0  }
0x58: {  	s29 =	simm.s32 $0x27D0;
	[sflag:s23] =	ssyncadd.s32 $0xFFFFD800  }
0x59: {  	[spmem:s2] =	stream.indirect.scatter.add.f32 [tilespmem:s21], [sflag:$0x3], $0x80, s29, s20, $0xb8;
	[tilespmem:$0x1DB00] =	vst v63  }
0x5a: {  	_ =	swait.ge [sflag:s18], $0x2800  }
0x5b: {  	[sflag:s18] =	ssyncset.done $0x0  }
0x5c: {  	s30 =	simm.s32 $0xF0;
	s29 =	simm.s32 $0x280;
	[sflag:s18] =	ssyncadd.s32 $0xFFFFD800  }
.LBB2_4:
0x5d: {  	[tilespmem:s21], [sflag:$0x2] =	stream.indirect.gather [hbm4b:s4+s20], $0x80, s30, s20, $0xb8;
	[tilespmem:$0x1DB00] =	vst v63  }
0x5e: {  	s30 =	smov.u32 s29  }
0x5f: {  	p0 =	sne.s32 s29, $0x9600;
	s29 =	sadd.s32 $0x280, s29;
	_ =	swait.ge [sflag:s22], $0x2800  }
0x60: {  	s30 =	sshra.s32 s30, $0x2;
	[sflag:s22] =	ssyncset.done $0x0  }
0x61: {  	s31 =	sadd.s32 $0x2780, s30;
	[sflag:s22] =	ssyncadd.s32 $0xFFFFD800  }
0x62: {  	[spmem:s2] =	stream.indirect.scatter.add.f32 [tilespmem:s17], [sflag:$0x3], $0x80, s31, s20, $0xb8;
	[tilespmem:$0x1DB00] =	vst v63  }
0x63: {  	_ =	swait.ge [sflag:s18], $0x2800  }
0x64: {  	[sflag:s18] =	ssyncset.done $0x0  }
0x65: {  	s31 =	sadd.s32 $0xA0, s30;
	[sflag:s18] =	ssyncadd.s32 $0xFFFFD800  }
0x66: {  	[tilespmem:s17], [sflag:$0x1] =	stream.indirect.gather [hbm4b:s4+s20], $0x80, s31, s20, $0xb8;
	[tilespmem:$0x1DB00] =	vst v63  }
0x67: {  	_ =	swait.ge [sflag:s23], $0x2800  }
0x68: {  	[sflag:s23] =	ssyncset.done $0x0  }
.Ltmp1:
0x69: {  	s31 =	sadd.s32 $0x27D0, s30;
	[sflag:s23] =	ssyncadd.s32 $0xFFFFD800;
	(pc) =	sbr.rel @p0 .LBB2_4-.Ltmp1, $4  }
0x6a: {  	[spmem:s2] =	stream.indirect.scatter.add.f32 [tilespmem:s21], [sflag:$0x3], $0x80, s31, s20, $0xb8;
	[tilespmem:$0x1DB00] =	vst v63  }
0x6b: {  	_ =	swait.ge [sflag:s18], $0x2800  }
0x6c: {  	[sflag:s18] =	ssyncset.done $0x0  }
0x6d: {  	s30 =	sadd.s32 $0xF0, s30;
	[sflag:s18] =	ssyncadd.s32 $0xFFFFD800  }
0x6e: {  	[tilespmem:s21], [sflag:$0x2] =	stream.indirect.gather [hbm4b:s4+s20], $0x80, s30, s20, $0xb8;
	[tilespmem:$0x1DB00] =	vst v63  }
0x6f: {  	_ =	swait.ge [sflag:s22], $0x2800  }
0x70: {  	[sflag:s22] =	ssyncset.done $0x0  }
0x71: {  	[sflag:s22] =	ssyncadd.s32 $0xFFFFD800  }
0x72: {  	[spmem:s2] =	stream.indirect.scatter.add.f32 [tilespmem:s17], [sflag:$0x3], $0x80, s24, s20, $0xb8;
	[tilespmem:$0x1DB00] =	vst v63  }
0x73: {  	_ =	swait.ge [sflag:s18], $0x2800  }
0x74: {  	[sflag:s18] =	ssyncset.done $0x0  }
0x75: {  	[sflag:s18] =	ssyncadd.s32 $0xFFFFD800  }
0x76: {  	[tilespmem:s17], [sflag:$0x1] =	stream.indirect.gather [hbm4b:s4+s20], $0x80, s25, s20, $0xb8;
	[tilespmem:$0x1DB00] =	vst v63  }
0x77: {  	_ =	swait.ge [sflag:s23], $0x2800  }
0x78: {  	[sflag:s23] =	ssyncset.done $0x0  }
0x79: {  	[sflag:s23] =	ssyncadd.s32 $0xFFFFD800  }
0x7a: {  	[spmem:s2] =	stream.indirect.scatter.add.f32 [tilespmem:s21], [sflag:$0x3], $0x80, s26, s20, $0xb8;
	[tilespmem:$0x1DB00] =	vst v63  }
0x7b: {  	_ =	swait.ge [sflag:s18], $0x2800  }
0x7c: {  	[sflag:s18] =	ssyncset.done $0x0  }
0x7d: {  	[sflag:s18] =	ssyncadd.s32 $0xFFFFD800  }
0x7e: {  	_ =	swait.ge [sflag:s22], $0x2800  }
0x7f: {  	[sflag:s22] =	ssyncset.done $0x0  }
0x80: {  	[sflag:s22] =	ssyncadd.s32 $0xFFFFD800  }
0x81: {  	[spmem:s2] =	stream.indirect.scatter.add.f32 [tilespmem:s17], [sflag:$0x3], $0x80, s28, s20, $0xb8;
	[tilespmem:$0x1DB00] =	vst v63  }
0x82: {  	_ =	swait.ge [sflag:s18], $0x2800  }
0x83: {  	s29 =	sshll.u32 s0, $0x6;
	s3 =	sadd.s32 $0x1, s3;
	[sflag:s18] =	ssyncset.done $0x0  }
0x84: {  	s31 =	sshrl.u32 s5, $0x3;
	p0 =	sne.s32 s3, s16;
	[sflag:s18] =	ssyncadd.s32 $0xFFFFD800  }
.Ltmp2:
0x85: {  	s29 =	sor.u32 $0x1C03, s29;
	[bflag:$0x0] =	sbarrier.arrive $0xFFFF;
	(pc) =	sbr.rel @p0 .LBB2_1-.Ltmp2, $4  }
0x86: {  	[hbm:s15], [sflag:s29] =	dma.local [spmem:s31], $0x2780  }
0x87: {  	_ =	swait.ge [sflag:s18], $0x2780  }
0x88: {  	[sflag:s18] =	ssyncset.done $0x0  }
0x89: {  	[sflag:s18] =	ssyncadd.s32 $0xFFFFD880  }
0x8a: {  	_ =	sfence.sel $0x180000  }
0x8b: {  	[bflag:$0x0] =	sbarrier.arrive $0xFFFF  }
0x8c: {  	p0 =	sne.s32 s0, $0x0;
	_ =	strace $0x90000050  }
0x8d: {  	s0 =	sadd.s32 @!p0 $0x100000, s1;
	[bflag:$0x2] =	sbarrier.arrive $0xFFFF  }
0x8e: {  	[sflag:s0] =	ssyncadd.tile.s32 @!p0 $0x1;
	_ =	shalt  }
.Lfunc_end2:
_tile_overlayer_lowered:
.L_overlay_start_2:
0x8f: {  	(tag) =	ssettag $0x2  }
0x90: {  	s0 =	rddreg [dreg:$0x0];
	s2 =	stileid.u32  }
0x91: {  	s1 =	rddreg [dreg:$0x1];
	p0 =	sne.s32 s2, $0x0  }
0x92: {  	s3 =	rddreg [dreg:$0x2];
	[bflag:$0x3] =	sbarrier.arrive $0xFFFF;
	s2 =	simm.s32 @!p0 $0x1C03  }
0x93: {  	[timem:s3], [sflag:s2] =	dma.local @!p0 [hbm:s0], s1  }
0x94: {  	s0 =	simm.s32 @!p0 $0x3  }
0x95: {  	_ =	swait.ge @!p0 [sflag:s0], s1  }
0x96: {  	s1 =	ssub.s32 @!p0 $0x0, s1;
	[sflag:s0] =	ssyncset.done @!p0 $0x0  }
0x97: {  	[sflag:s0] =	ssyncadd.s32 @!p0 s1  }
0x98: {  	[bflag:$0x3] =	sbarrier.arrive $0xFFFF  }
0x99: {  	_ =	shalt  }

// kernel: kernel.27.cloned.1.call-start
scs
__scs_entry_jumppad:
0x0: {  	(pc) =	sbr.rel $0x88, $3  }
0x1: {  	(tag) =	ssettag $0x0;
	lr =	simm.s32 $0x1  }
0x2: {  	[smem:$0x3F98] =	sst lr;
	_ =	strace $0xD0000000  }
0x3: {  	_ = 	snop  }
0x4: {  	_ = 	snop  }
0x5: {  	_ = 	snop  }
0x6: {  	_ = 	snop  }
0x7: {  	_ = 	snop  }
__scs_overlays_trampoline_lowered:
0x8: {  	[smem:$0x3FA7] =	sst s0  }
0x9: {  	[smem:$0x3FA8] =	sst s1  }
0xa: {  	[smem:$0x3FA9] =	sst s2  }
0xb: {  	[smem:$0x3FAA] =	sst s3  }
0xc: {  	[smem:$0x3FAB] =	sst s4  }
0xd: {  	[smem:$0x3FAC] =	sst s5  }
0xe: {  	[smem:$0x3FAD] =	sst s6  }
0xf: {  	[smem:$0x3FAE] =	sst s7  }
0x10: {  	[smem:$0x3FAF] =	sst s8  }
0x11: {  	[smem:$0x3FB0] =	sst s9;
	s0 =	simm.s32 @!p0 $0x0  }
0x12: {  	s1 =	sld [smem:$0x3F96];
	s0 =	simm.s32 @p0 $0x1  }
0x13: {  	[smem:$0x3FB1] =	sst s0;
	s0 =	simm.s32 @!p1 $0x0  }
0x14: {  	s2 =	sld [smem:$0x3F95];
	s0 =	simm.s32 @p1 $0x1  }
0x15: {  	[smem:$0x3FB2] =	sst s0;
	s0 =	simm.s32 @!p2 $0x0  }
0x16: {  	s3 =	sld [smem:$0x3FDB];
	s0 =	simm.s32 @p2 $0x1  }
0x17: {  	s4 =	simm.s32 $0x1BF5;
	[smem:$0x3FB4] =	sst s0  }
0x18: {  	s0 =	sld [smem:$0x3F97];
	_ =	swait.ge [sflag:s4], $0x0  }
0x19: {  	s7 =	sld [smem:$0x3F98]  }
0x1a: {  	s8 =	sadd.s32 $0xFFFFE003, lr  }
0x1b: {  	s9 =	sadd.s32 $0xFFFFFEF7, lr;
	s5 =	simm.s32 $0xFFFFFFFF;
	p2 =	slt.u32 s8, $0xFFFFF086  }
0x1c: {  	p1 =	slt.u32 s9, $0xF7A;
	s5 =	simm.s32 @!p2 $0x0  }
0x1d: {  	s5 =	simm.s32 @p1 $0x1;
	p0 =	seq.s32 s7, s2  }
0x1e: {  	s7 =	smul.u32 @!p0 $0xF7A, s2;
	p2 =	seq.s32 @!p0 s5, $0x0  }
0x1f: {  	s9 =	smul.u32 $0xF7A, s1;
	s8 =	simm.s32 @!p0 $0x1BF5;
	p2 =	por !p2, p0  }
0x20: {  	[sflag:s8] =	ssyncset.s32 @!p0 $0xFFFFF086;
	s6 =	sadd.s32 @!p0 s3, s7;
	s7 =	simm.s32 @!p0 $0x108  }
0x21: {  	s3 =	sadd.s32 s3, s9;
	s6 =	sadd.s32 @!p0 $0x88, s6;
	s7 =	simm.s32 @p2 $0x1082  }
0x22: {  	[simem:s7], [sflag:s8] =	dma.local @!p0 [hbm:s6], $0xF7A  }
0x23: {  	s9 =	sor.u32 $0xD0000000, s2;
	s6 =	simm.s32 $0x108;
	_ =	swait.ge @!p0 [sflag:s8], $0x0  }
0x24: {  	s3 =	sadd.s32 $0x88, s3;
	s6 =	simm.s32 @!p1 $0x1082;
	[sflag:s4] =	ssyncset.s32 $0xFFFFF086  }
0x25: {  	[simem:s6], [sflag:s4] =	dma.local [hbm:s3], $0xF7A  }
0x26: {  	[smem:$0x3F98] =	sst s1;
	(tag) =	ssettag s2;
	_ =	strace s9  }
0x27: {  	s1 =	sld [smem:$0x3FA8]  }
0x28: {  	s2 =	sld [smem:$0x3FA9]  }
0x29: {  	s4 =	sld [smem:$0x3FAB]  }
0x2a: {  	p0 =	seq.s32 s5, $0x0;
	s5 =	sld [smem:$0x3FAC]  }
0x2b: {  	s6 =	sld [smem:$0x3FAD]  }
0x2c: {  	s7 =	sld [smem:$0x3FAE]  }
0x2d: {  	s3 =	simm.s32 $0x108;
	s8 =	sld [smem:$0x3FAF]  }
0x2e: {  	s3 =	simm.s32 @!p0 $0x1082;
	s9 =	sld [smem:$0x3FB0]  }
0x2f: {  	lr =	sadd.s32 s0, s3;
	s0 =	sld [smem:$0x3FA7]  }
0x30: {  	s3 =	sld [smem:$0x3FAA]  }
0x31: {  	[smem:$0x3FB3] =	sst s10  }
0x32: {  	s10 =	sld [smem:$0x3FB1];
	_ =	sdelay $0x3  }
0x33: {  	p0 =	seq.s32 s10, $0x1;
	s10 =	sld [smem:$0x3FB3];
	_ =	sdelay $0x3  }
0x34: {  	[smem:$0x3FB3] =	sst s10  }
0x35: {  	s10 =	sld [smem:$0x3FB2];
	_ =	sdelay $0x3  }
0x36: {  	p1 =	seq.s32 s10, $0x1;
	s10 =	sld [smem:$0x3FB3];
	_ =	sdelay $0x3  }
0x37: {  	[smem:$0x3FB3] =	sst s10  }
0x38: {  	s10 =	sld [smem:$0x3FB4]  }
0x39: {  	_ = 	snop;
	(pc) =	sbr.ind lr, $3  }
0x3a: {  	_ = 	snop  }
0x3b: {  	_ = 	snop  }
0x3c: {  	p2 =	seq.s32 s10, $0x1;
	s10 =	sld [smem:$0x3FB3]  }
0x3d: {  	_ =	shalt  }
0x3e: {  	_ =	shalt  }
0x3f: {  	_ =	shalt  }
0x40: {  	_ =	shalt  }
0x41: {  	_ =	shalt  }
0x42: {  	_ =	shalt  }
0x43: {  	_ =	shalt  }
0x44: {  	_ =	shalt  }
0x45: {  	_ =	shalt  }
0x46: {  	_ =	shalt  }
0x47: {  	_ =	shalt  }
0x48: {  	_ =	shalt  }
0x49: {  	_ =	shalt  }
0x4a: {  	_ =	shalt  }
0x4b: {  	_ =	shalt  }
0x4c: {  	_ =	shalt  }
0x4d: {  	_ =	shalt  }
0x4e: {  	_ =	shalt  }
0x4f: {  	_ =	shalt  }
0x50: {  	_ =	shalt  }
0x51: {  	_ =	shalt  }
0x52: {  	_ =	shalt  }
0x53: {  	_ =	shalt  }
0x54: {  	_ =	shalt  }
0x55: {  	_ =	shalt  }
0x56: {  	_ =	shalt  }
0x57: {  	_ =	shalt  }
0x58: {  	_ =	shalt  }
0x59: {  	_ =	shalt  }
0x5a: {  	_ =	shalt  }
0x5b: {  	_ =	shalt  }
0x5c: {  	_ =	shalt  }
0x5d: {  	_ =	shalt  }
0x5e: {  	_ =	shalt  }
0x5f: {  	_ =	shalt  }
0x60: {  	_ =	shalt  }
0x61: {  	_ =	shalt  }
0x62: {  	_ =	shalt  }
0x63: {  	_ =	shalt  }
0x64: {  	_ =	shalt  }
0x65: {  	_ =	shalt  }
0x66: {  	_ =	shalt  }
0x67: {  	_ =	shalt  }
0x68: {  	_ =	shalt  }
0x69: {  	_ =	shalt  }
0x6a: {  	_ =	shalt  }
0x6b: {  	_ =	shalt  }
0x6c: {  	_ =	shalt  }
0x6d: {  	_ =	shalt  }
0x6e: {  	_ =	shalt  }
0x6f: {  	_ =	shalt  }
0x70: {  	_ =	shalt  }
0x71: {  	_ =	shalt  }
0x72: {  	_ =	shalt  }
0x73: {  	_ =	shalt  }
0x74: {  	_ =	shalt  }
0x75: {  	_ =	shalt  }
0x76: {  	_ =	shalt  }
0x77: {  	_ =	shalt  }
0x78: {  	_ =	shalt  }
0x79: {  	_ =	shalt  }
0x7a: {  	_ =	shalt  }
0x7b: {  	_ =	shalt  }
0x7c: {  	_ =	shalt  }
0x7d: {  	_ =	shalt  }
0x7e: {  	_ =	shalt  }
0x7f: {  	_ =	shalt  }
0x80: {  	_ =	shalt  }
0x81: {  	_ =	shalt  }
0x82: {  	_ =	shalt  }
0x83: {  	_ =	shalt  }
0x84: {  	_ =	shalt  }
0x85: {  	_ =	shalt  }
0x86: {  	_ =	shalt  }
0x87: {  	_ =	shalt  }
.Lfunc_end0:
.L_simem_size_0:
called_computation.4_lowered:
.L_overlay_start_0:
0x88: {  	s2 =	sld [smem:$0x3FD9]  }
0x89: {  	s3 =	sld [smem:$0x3FFE];
	_ =	sdelay $0x1  }
0x8a: {  	s1 =	srdreg.scid  }
0x8b: {  	s0 =	sand.u32 $0x1, s1  }
0x8c: {  	s16 =	sshll.u32 s0, $0xA;
	s2 =	sadd.s32 s3, s2  }
0x8d: {  	s2 =	sadd.s32 s2, s16  }
0x8e: {  	[smem:$0x3FBF] =	sst s2  }
0x8f: {  	_ = 	snop  }
0x90: {  	(tm) =	ssettm $0x1  }
0x91: {  	s17 =	sld [smem:$0x3FFB];
	_ =	sdelay $0x3  }
0x92: {  	_ =	strace s17  }
0x93: {  	s2 =	sld [smem:$0x3FFC];
	_ =	sdelay $0x3  }
0x94: {  	_ =	strace s2  }
0x95: {  	s2 =	sld [smem:$0x3FFD];
	_ =	sdelay $0x3  }
0x96: {  	_ =	strace s2  }
0x97: {  	_ =	strace $0x8FFFFFFF  }
0x98: {  	s18 =	sld [smem:$0x3FDB];
	_ =	sdelay $0x1  }
0x99: {  	s19 =	simm.s32 $_scs_section_size  }
0x9a: {  	s4 =	simm.s32 $_size__tile_overlayer_lowered;
	s5 =	simm.s32 $_tile_overlayer_lowered  }
0x9b: {  	s22 =	simm.s32 $0x1BFF;
	s21 =	sshll.u32 s5, $0x1;
	s2 =	sadd.s32 s19, s18  }
0x9c: {  	s6 =	simm.s32 $0x0;
	s20 =	sshll.u32 s4, $0x1;
	s4 =	sadd.s32 s21, s2  }
0x9d: {  	[timem:s6], [sflag:s22] =	dma.local [hbm:s4], s20  }
0x9e: {  	_ =	swait.ge [sflag:s22], s20  }
0x9f: {  	s3 =	ssub.s32 $0x0, s20;
	[sflag:s22] =	ssyncset.done $0x0  }
0xa0: {  	[sflag:s22] =	ssyncadd.s32 s3;
	_ =	sdelay $0x1  }
0xa1: {  	s23 =	simm.s32 $0x1B8B  }
0xa2: {  	_ =	swait.ge [sflag:s23], $0x1  }
0xa3: {  	[sflag:s23] =	ssyncset.done $0x0  }
0xa4: {  	s25 =	simm.s32 $0x1B8E;
	s24 =	sld [smem:$0x3FFE];
	[sflag:s23] =	ssyncadd.s32 $0xFFFFFFFF  }
0xa5: {  	s26 =	simm.s32 $execute0_lowered;
	[smem:$0x3FD2] =	sst s25  }
0xa6: {  	s4 =	sshll.u32 s26, $0x1;
	_ =	strace $0x80000052;
	[dreg:$0x1] =	wrdreg $0xFFFFFFFF  }
0xa7: {  	s28 =	simm.s32 $_size_execute0_lowered;
	s2 =	sadd.s32 s2, s4;
	[dreg:$0x0] =	wrdreg $0x0  }
0xa8: {  	s4 =	sshll.u32 s28, $0x1;
	[dreg:$0x2] =	wrdreg s2  }
0xa9: {  	[dreg:$0x3] =	wrdreg s4  }
0xaa: {  	[dreg:$0x4] =	wrdreg $0xC0  }
0xab: {  	_ =	task [dreg:s6], $0x5FFFF  }
0xac: {  	[dreg:$0x1] =	wrdreg $0xFFFFFFFF  }
0xad: {  	[dreg:$0x0] =	wrdreg $0x60  }
0xae: {  	[dreg:$0x2] =	wrdreg s24  }
0xaf: {  	[dreg:$0x3] =	wrdreg $0x9F000  }
0xb0: {  	[dreg:$0x4] =	wrdreg $0x9  }
0xb1: {  	_ =	task.clear_ibuf [dreg:s6], $0x5FFFF;
	_ =	strace $0x90000052  }
0xb2: {  	s29 =	simm.s32 $0x9;
	_ =	strace $0x80000054  }
0xb3: {  	_ =	swait.ge [sflag:s29], $0x1  }
0xb4: {  	[sflag:s29] =	ssyncadd.s32 $0xFFFFFFFF  }
0xb5: {  	_ =	strace $0x90000054  }
0xb6: {  	_ =	sfence  }
0xb7: {  	s30 =	sld [smem:$0x0];
	_ =	sdelay $0x2  }
0xb8: {  	s31 =	sshll.u32 s1, $0xD;
	s1 =	sshrl.u32 s1, $0x2  }
0xb9: {  	s3 =	sand.u32 $0x4000, s31;
	s1 =	sadd.s32 s1, s30  }
0xba: {  	s0 =	sor.u32 s3, s0;
	s1 =	sshll.u32 s1, $0x11  }
0xbb: {  	s0 =	sor.u32 s1, s0  }
0xbc: {  	s0 =	sadd.s32 $0x8F2B, s0  }
0xbd: {  	[sflag:s0] =	ssyncadd.remote.s32 $0x1  }
0xbe: {  	_ =	sfence.sel $0xFFFF  }
0xbf: {  	[dreg:$0x0] =	wrdreg $0xFFFFFFFF;
	(pc) =	sbr.abs _section_cstart, $3  }
0xc0: {  	[dreg:$0x1] =	wrdreg $0xFFFFFFFF  }
0xc1: {  	_ =	task.clear_ibuf [dreg:s6], $0x2FFFF;
	_ =	strace $0x9FFFFFFF  }
0xc2: {  	(tm) =	ssettm $0x7FFFFFFF  }
0xc3: {  	_ =	shalt  }
tec
execute0_lowered:
.L_overlay_start_1:
0x0: {  	(tag) =	ssettag $0x1  }
0x1: {  	s1 =	srdreg.scid;
	s6 =	rddreg [dreg:$0x0]  }
0x2: {  	s0 =	stileid.u32;
	s2 =	rddreg [dreg:$0x1];
	s3 =	simm.s32 $0x0  }
0x3: {  	s17 =	simm.s32 $0x4F00;
	s18 =	simm.s32 $0x3;
	s19 =	simm.s32 $0x2780  }
0x4: {  	s20 =	simm.s32 $0x50;
	s21 =	simm.s32 $0x7700;
	s22 =	simm.s32 $0x1  }
0x5: {  	s23 =	simm.s32 $0x2;
	s24 =	simm.s32 $0x4DA0;
	s25 =	simm.s32 $0x26C0  }
0x6: {  	s28 =	simm.s32 $0x4E40;
	s5 =	sand.u32 $0x1, s1;
	s8 =	smul.u32 $0x13C00, s0  }
0x7: {  	s26 =	sshll.u32 s0, $0x1;
	[smem:$0x7FF] =	sst s3;
	s9 =	smul.u32 $0x4F000, s0  }
0x8: {  	s1 =	sor.u32 s5, s26;
	s7 =	smul.u32 $0x13C000, s5;
	s29 =	ssub.s32 $0x2, s5  }
0x9: {  	s26 =	simm.s32 $0x4DF0;
	s4 =	smul.u32 $0x4E2, s1;
	s1 =	rddreg [dreg:$0x2]  }
0xa: {  	_ =	strace $0x80000053;
	s30 =	sshrl.u32 s9, $0x2;
	s31 =	sshrl.u32 s29, $0x1  }
0xb: {  	s7 =	sadd.s32 s8, s7;
	s5 =	sadd.s32 s30, s2;
	s16 =	ssub.s32 s29, s31  }
0xc: {  	s14 =	sadd.s32 s4, s6;
	s4 =	sadd.s32 $0x17C00, s6;
	s7 =	sshrl.u32 s7, $0x3  }
0xd: {  	s8 =	sadd.s32 $0x7800, s5;
	s9 =	sadd.s32 $0xA000, s5;
	s10 =	sadd.s32 $0xC800, s5  }
0xe: {  	s11 =	sadd.s32 $0xF000, s5;
	s12 =	sadd.s32 $0x11800, s5;
	s16 =	smax.u32 s16, $0x1  }
0xf: {  	s15 =	sadd.s32 s7, s6;
	s6 =	sadd.s32 $0x2800, s5;
	s7 =	sadd.s32 $0x5000, s5  }
0x10: {  	v0 =	vimm.f32 $0.0e+00;
	s13 =	sadd.s32 $0xDE00, s14;
	s14 =	sadd.s32 $0x4000, s14;
	s15 =	sadd.s32 $0x3EE00, s15  }
.LBB2_1:
0x11: {  	s29 =	simm.s32 $0x0;
	s30 =	simm.s32 $0x200  }
.LBB2_2:
0x12: {  	p0 =	sne.s32 s30, $0x9E00;
	[tilespmem:s29+$0x4F70] =	vst v0  }
0x13: {  	[tilespmem:s29+$0x4F00] =	vst v0  }
0x14: {  	[tilespmem:s29+$0x4F10] =	vst v0  }
.Ltmp0:
0x15: {  	[tilespmem:s29+$0x4F20] =	vst v0;
	(pc) =	sbr.rel @p0 .LBB2_2-.Ltmp0, $4  }
0x16: {  	[tilespmem:s29+$0x4F30] =	vst v0  }
0x17: {  	[tilespmem:s29+$0x4F40] =	vst v0  }
0x18: {  	[tilespmem:s29+$0x4F50] =	vst v0  }
0x19: {  	[tilespmem:s29+$0x4F60] =	vst v0;
	s29 =	sshra.s32 s30, $0x2;
	s30 =	sadd.s32 $0x200, s30  }
0x1a: {  	[tilespmem:s29+$0x4F70] =	vst v0  }
0x1b: {  	[tilespmem:s29+$0x4F00] =	vst v0  }
0x1c: {  	[tilespmem:s29+$0x4F10] =	vst v0  }
0x1d: {  	[tilespmem:s29+$0x4F20] =	vst v0  }
0x1e: {  	[tilespmem:s29+$0x4F30] =	vst v0  }
0x1f: {  	[tilespmem:s29+$0x4F40] =	vst v0  }
0x20: {  	[tilespmem:s29+$0x4F50] =	vst v0  }
0x21: {  	[tilespmem:s29+$0x4F60] =	vst v0  }
0x22: {  	[spmem:s5] =	stream.linear.scatter [tilespmem:s17], [sflag:$0x3], $0x2800, $0x38;
	[tilespmem:$0x1DB00] =	vst v63  }
0x23: {  	_ =	swait.ge [sflag:s18], $0x2800  }
0x24: {  	[sflag:s18] =	ssyncset.done $0x0  }
0x25: {  	[sflag:s18] =	ssyncadd.s32 $0xFFFFD800  }
0x26: {  	[spmem:s6] =	stream.linear.scatter [tilespmem:s17], [sflag:$0x3], $0x2800, $0x38;
	[tilespmem:$0x1DB00] =	vst v63  }
0x27: {  	_ =	swait.ge [sflag:s18], $0x2800  }
0x28: {  	[sflag:s18] =	ssyncset.done $0x0  }
0x29: {  	[sflag:s18] =	ssyncadd.s32 $0xFFFFD800  }
0x2a: {  	[spmem:s7] =	stream.linear.scatter [tilespmem:s17], [sflag:$0x3], $0x2800, $0x38;
	[tilespmem:$0x1DB00] =	vst v63  }
0x2b: {  	_ =	swait.ge [sflag:s18], $0x2800  }
0x2c: {  	[sflag:s18] =	ssyncset.done $0x0  }
0x2d: {  	[sflag:s18] =	ssyncadd.s32 $0xFFFFD800  }
0x2e: {  	[spmem:s8] =	stream.linear.scatter [tilespmem:s17], [sflag:$0x3], $0x2800, $0x38;
	[tilespmem:$0x1DB00] =	vst v63  }
0x2f: {  	_ =	swait.ge [sflag:s18], $0x2800  }
0x30: {  	[sflag:s18] =	ssyncset.done $0x0  }
0x31: {  	[sflag:s18] =	ssyncadd.s32 $0xFFFFD800  }
0x32: {  	[spmem:s9] =	stream.linear.scatter [tilespmem:s17], [sflag:$0x3], $0x2800, $0x38;
	[tilespmem:$0x1DB00] =	vst v63  }
0x33: {  	_ =	swait.ge [sflag:s18], $0x2800  }
0x34: {  	[sflag:s18] =	ssyncset.done $0x0  }
0x35: {  	[sflag:s18] =	ssyncadd.s32 $0xFFFFD800  }
0x36: {  	[spmem:s10] =	stream.linear.scatter [tilespmem:s17], [sflag:$0x3], $0x2800, $0x38;
	[tilespmem:$0x1DB00] =	vst v63  }
0x37: {  	_ =	swait.ge [sflag:s18], $0x2800  }
0x38: {  	[sflag:s18] =	ssyncset.done $0x0  }
0x39: {  	[sflag:s18] =	ssyncadd.s32 $0xFFFFD800  }
0x3a: {  	[spmem:s11] =	stream.linear.scatter [tilespmem:s17], [sflag:$0x3], $0x2800, $0x38;
	[tilespmem:$0x1DB00] =	vst v63  }
0x3b: {  	_ =	swait.ge [sflag:s18], $0x2800  }
0x3c: {  	[sflag:s18] =	ssyncset.done $0x0  }
0x3d: {  	[sflag:s18] =	ssyncadd.s32 $0xFFFFD800  }
0x3e: {  	[spmem:s12] =	stream.linear.scatter [tilespmem:s17], [sflag:$0x3], $0x2400, $0x38;
	[tilespmem:$0x1DB00] =	vst v63  }
0x3f: {  	_ =	swait.ge [sflag:s18], $0x2400  }
0x40: {  	[sflag:s18] =	ssyncset.done $0x0  }
0x41: {  	s29 =	simm.s32 $0x0;
	[sflag:s18] =	ssyncadd.s32 $0xFFFFDC00  }
0x42: {  	[tilespmem:s29], [sflag:$0x3] =	stream.linear.gather [hbm4b:s13+s29], $0x2710, $0x38;
	[tilespmem:$0x1DB00] =	vst v63  }
0x43: {  	_ =	swait.ge [sflag:s18], $0x2710  }
0x44: {  	[sflag:s18] =	ssyncset.done $0x0  }
0x45: {  	[sflag:s18] =	ssyncadd.s32 $0xFFFFD8F0  }
0x46: {  	[tilespmem:s19], [sflag:$0x3] =	stream.linear.gather [hbm4b:s14+s29], $0x2710, $0x38;
	[tilespmem:$0x1DB00] =	vst v63  }
0x47: {  	_ =	swait.ge [sflag:s18], $0x2710  }
0x48: {  	[sflag:s18] =	ssyncset.done $0x0  }
0x49: {  	[sflag:s18] =	ssyncadd.s32 $0xFFFFD8F0  }
0x4a: {  	[bflag:$0x0] =	sbarrier.arrive $0xFFFF  }
0x4b: {  	[tilespmem:s17], [sflag:$0x1] =	stream.indirect.gather [hbm4b:s4+s20], $0x80, s29, s20, $0xb8;
	[tilespmem:$0x1DB00] =	vst v63  }
0x4c: {  	_ = 	snop  }
0x4d: {  	[tilespmem:s21], [sflag:$0x2] =	stream.indirect.gather [hbm4b:s4+s20], $0x80, s20, s20, $0xb8;
	[tilespmem:$0x1DB00] =	vst v63  }
0x4e: {  	_ =	swait.ge [sflag:s22], $0x2800  }
0x4f: {  	[sflag:s22] =	ssyncset.done $0x0  }
0x50: {  	s29 =	simm.s32 $0x2780;
	[sflag:s22] =	ssyncadd.s32 $0xFFFFD800  }
0x51: {  	[spmem:s2] =	stream.indirect.scatter.add.f32 [tilespmem:s17], [sflag:$0x3], $0x80, s29, s20, $0xb8;
	[tilespmem:$0x1DB00] =	vst v63  }
0x52: {  	_ =	swait.ge [sflag:s18], $0x2800  }
0x53: {  	[sflag:s18] =	ssyncset.done $0x0  }
0x54: {  	s29 =	simm.s32 $0xA0;
	[sflag:s18] =	ssyncadd.s32 $0xFFFFD800  }
0x55: {  	[tilespmem:s17], [sflag:$0x1] =	stream.indirect.gather [hbm4b:s4+s20], $0x80, s29, s20, $0xb8;
	[tilespmem:$0x1DB00] =	vst v63  }
0x56: {  	_ =	swait.ge [sflag:s23], $0x2800  }
0x57: {  	[sflag:s23] =	ssyncset.done $0x0  }
0x58: {  	s29 =	simm.s32 $0x27D0;
	[sflag:s23] =	ssyncadd.s32 $0xFFFFD800  }
0x59: {  	[spmem:s2] =	stream.indirect.scatter.add.f32 [tilespmem:s21], [sflag:$0x3], $0x80, s29, s20, $0xb8;
	[tilespmem:$0x1DB00] =	vst v63  }
0x5a: {  	_ =	swait.ge [sflag:s18], $0x2800  }
0x5b: {  	[sflag:s18] =	ssyncset.done $0x0  }
0x5c: {  	s30 =	simm.s32 $0xF0;
	s29 =	simm.s32 $0x280;
	[sflag:s18] =	ssyncadd.s32 $0xFFFFD800  }
.LBB2_4:
0x5d: {  	[tilespmem:s21], [sflag:$0x2] =	stream.indirect.gather [hbm4b:s4+s20], $0x80, s30, s20, $0xb8;
	[tilespmem:$0x1DB00] =	vst v63  }
0x5e: {  	s30 =	smov.u32 s29  }
0x5f: {  	p0 =	sne.s32 s29, $0x9600;
	s29 =	sadd.s32 $0x280, s29;
	_ =	swait.ge [sflag:s22], $0x2800  }
0x60: {  	s30 =	sshra.s32 s30, $0x2;
	[sflag:s22] =	ssyncset.done $0x0  }
0x61: {  	s31 =	sadd.s32 $0x2780, s30;
	[sflag:s22] =	ssyncadd.s32 $0xFFFFD800  }
0x62: {  	[spmem:s2] =	stream.indirect.scatter.add.f32 [tilespmem:s17], [sflag:$0x3], $0x80, s31, s20, $0xb8;
	[tilespmem:$0x1DB00] =	vst v63  }
0x63: {  	_ =	swait.ge [sflag:s18], $0x2800  }
0x64: {  	[sflag:s18] =	ssyncset.done $0x0  }
0x65: {  	s31 =	sadd.s32 $0xA0, s30;
	[sflag:s18] =	ssyncadd.s32 $0xFFFFD800  }
0x66: {  	[tilespmem:s17], [sflag:$0x1] =	stream.indirect.gather [hbm4b:s4+s20], $0x80, s31, s20, $0xb8;
	[tilespmem:$0x1DB00] =	vst v63  }
0x67: {  	_ =	swait.ge [sflag:s23], $0x2800  }
0x68: {  	[sflag:s23] =	ssyncset.done $0x0  }
.Ltmp1:
0x69: {  	s31 =	sadd.s32 $0x27D0, s30;
	[sflag:s23] =	ssyncadd.s32 $0xFFFFD800;
	(pc) =	sbr.rel @p0 .LBB2_4-.Ltmp1, $4  }
0x6a: {  	[spmem:s2] =	stream.indirect.scatter.add.f32 [tilespmem:s21], [sflag:$0x3], $0x80, s31, s20, $0xb8;
	[tilespmem:$0x1DB00] =	vst v63  }
0x6b: {  	_ =	swait.ge [sflag:s18], $0x2800  }
0x6c: {  	[sflag:s18] =	ssyncset.done $0x0  }
0x6d: {  	s30 =	sadd.s32 $0xF0, s30;
	[sflag:s18] =	ssyncadd.s32 $0xFFFFD800  }
0x6e: {  	[tilespmem:s21], [sflag:$0x2] =	stream.indirect.gather [hbm4b:s4+s20], $0x80, s30, s20, $0xb8;
	[tilespmem:$0x1DB00] =	vst v63  }
0x6f: {  	_ =	swait.ge [sflag:s22], $0x2800  }
0x70: {  	[sflag:s22] =	ssyncset.done $0x0  }
0x71: {  	[sflag:s22] =	ssyncadd.s32 $0xFFFFD800  }
0x72: {  	[spmem:s2] =	stream.indirect.scatter.add.f32 [tilespmem:s17], [sflag:$0x3], $0x80, s24, s20, $0xb8;
	[tilespmem:$0x1DB00] =	vst v63  }
0x73: {  	_ =	swait.ge [sflag:s18], $0x2800  }
0x74: {  	[sflag:s18] =	ssyncset.done $0x0  }
0x75: {  	[sflag:s18] =	ssyncadd.s32 $0xFFFFD800  }
0x76: {  	[tilespmem:s17], [sflag:$0x1] =	stream.indirect.gather [hbm4b:s4+s20], $0x80, s25, s20, $0xb8;
	[tilespmem:$0x1DB00] =	vst v63  }
0x77: {  	_ =	swait.ge [sflag:s23], $0x2800  }
0x78: {  	[sflag:s23] =	ssyncset.done $0x0  }
0x79: {  	[sflag:s23] =	ssyncadd.s32 $0xFFFFD800  }
0x7a: {  	[spmem:s2] =	stream.indirect.scatter.add.f32 [tilespmem:s21], [sflag:$0x3], $0x80, s26, s20, $0xb8;
	[tilespmem:$0x1DB00] =	vst v63  }
0x7b: {  	_ =	swait.ge [sflag:s18], $0x2800  }
0x7c: {  	[sflag:s18] =	ssyncset.done $0x0  }
0x7d: {  	[sflag:s18] =	ssyncadd.s32 $0xFFFFD800  }
0x7e: {  	_ =	swait.ge [sflag:s22], $0x2800  }
0x7f: {  	[sflag:s22] =	ssyncset.done $0x0  }
0x80: {  	[sflag:s22] =	ssyncadd.s32 $0xFFFFD800  }
0x81: {  	[spmem:s2] =	stream.indirect.scatter.add.f32 [tilespmem:s17], [sflag:$0x3], $0x80, s28, s20, $0xb8;
	[tilespmem:$0x1DB00] =	vst v63  }
0x82: {  	_ =	swait.ge [sflag:s18], $0x2800  }
0x83: {  	s29 =	sshll.u32 s0, $0x6;
	s3 =	sadd.s32 $0x1, s3;
	[sflag:s18] =	ssyncset.done $0x0  }
0x84: {  	s31 =	sshrl.u32 s5, $0x3;
	p0 =	sne.s32 s3, s16;
	[sflag:s18] =	ssyncadd.s32 $0xFFFFD800  }
.Ltmp2:
0x85: {  	s29 =	sor.u32 $0x1C03, s29;
	[bflag:$0x0] =	sbarrier.arrive $0xFFFF;
	(pc) =	sbr.rel @p0 .LBB2_1-.Ltmp2, $4  }
0x86: {  	[hbm:s15], [sflag:s29] =	dma.local [spmem:s31], $0x2780  }
0x87: {  	_ =	swait.ge [sflag:s18], $0x2780  }
0x88: {  	[sflag:s18] =	ssyncset.done $0x0  }
0x89: {  	[sflag:s18] =	ssyncadd.s32 $0xFFFFD880  }
0x8a: {  	_ =	sfence.sel $0x180000  }
0x8b: {  	[bflag:$0x0] =	sbarrier.arrive $0xFFFF  }
0x8c: {  	p0 =	sne.s32 s0, $0x0;
	_ =	strace $0x90000053  }
0x8d: {  	s0 =	sadd.s32 @!p0 $0x100000, s1;
	[bflag:$0x2] =	sbarrier.arrive $0xFFFF  }
0x8e: {  	[sflag:s0] =	ssyncadd.tile.s32 @!p0 $0x1;
	_ =	shalt  }
.Lfunc_end2:
_tile_overlayer_lowered:
.L_overlay_start_2:
0x8f: {  	(tag) =	ssettag $0x2  }
0x90: {  	s0 =	rddreg [dreg:$0x0];
	s2 =	stileid.u32  }
0x91: {  	s1 =	rddreg [dreg:$0x1];
	p0 =	sne.s32 s2, $0x0  }
0x92: {  	s3 =	rddreg [dreg:$0x2];
	[bflag:$0x3] =	sbarrier.arrive $0xFFFF;
	s2 =	simm.s32 @!p0 $0x1C03  }
0x93: {  	[timem:s3], [sflag:s2] =	dma.local @!p0 [hbm:s0], s1  }
0x94: {  	s0 =	simm.s32 @!p0 $0x3  }
0x95: {  	_ =	swait.ge @!p0 [sflag:s0], s1  }
0x96: {  	s1 =	ssub.s32 @!p0 $0x0, s1;
	[sflag:s0] =	ssyncset.done @!p0 $0x0  }
0x97: {  	[sflag:s0] =	ssyncadd.s32 @!p0 s1  }
0x98: {  	[bflag:$0x3] =	sbarrier.arrive $0xFFFF  }
0x99: {  	_ =	shalt  }

// kernel: kernel.30.cloned.1.call-start
scs
__scs_entry_jumppad:
0x0: {  	(pc) =	sbr.rel $0x88, $3  }
0x1: {  	(tag) =	ssettag $0x0;
	lr =	simm.s32 $0x1  }
0x2: {  	[smem:$0x3F98] =	sst lr;
	_ =	strace $0xD0000000  }
0x3: {  	_ = 	snop  }
0x4: {  	_ = 	snop  }
0x5: {  	_ = 	snop  }
0x6: {  	_ = 	snop  }
0x7: {  	_ = 	snop  }
__scs_overlays_trampoline_lowered:
0x8: {  	[smem:$0x3FA7] =	sst s0  }
0x9: {  	[smem:$0x3FA8] =	sst s1  }
0xa: {  	[smem:$0x3FA9] =	sst s2  }
0xb: {  	[smem:$0x3FAA] =	sst s3  }
0xc: {  	[smem:$0x3FAB] =	sst s4  }
0xd: {  	[smem:$0x3FAC] =	sst s5  }
0xe: {  	[smem:$0x3FAD] =	sst s6  }
0xf: {  	[smem:$0x3FAE] =	sst s7  }
0x10: {  	[smem:$0x3FAF] =	sst s8  }
0x11: {  	[smem:$0x3FB0] =	sst s9;
	s0 =	simm.s32 @!p0 $0x0  }
0x12: {  	s1 =	sld [smem:$0x3F96];
	s0 =	simm.s32 @p0 $0x1  }
0x13: {  	[smem:$0x3FB1] =	sst s0;
	s0 =	simm.s32 @!p1 $0x0  }
0x14: {  	s2 =	sld [smem:$0x3F95];
	s0 =	simm.s32 @p1 $0x1  }
0x15: {  	[smem:$0x3FB2] =	sst s0;
	s0 =	simm.s32 @!p2 $0x0  }
0x16: {  	s3 =	sld [smem:$0x3FDB];
	s0 =	simm.s32 @p2 $0x1  }
0x17: {  	s4 =	simm.s32 $0x1BF5;
	[smem:$0x3FB4] =	sst s0  }
0x18: {  	s0 =	sld [smem:$0x3F97];
	_ =	swait.ge [sflag:s4], $0x0  }
0x19: {  	s7 =	sld [smem:$0x3F98]  }
0x1a: {  	s8 =	sadd.s32 $0xFFFFE003, lr  }
0x1b: {  	s9 =	sadd.s32 $0xFFFFFEF7, lr;
	s5 =	simm.s32 $0xFFFFFFFF;
	p2 =	slt.u32 s8, $0xFFFFF086  }
0x1c: {  	p1 =	slt.u32 s9, $0xF7A;
	s5 =	simm.s32 @!p2 $0x0  }
0x1d: {  	s5 =	simm.s32 @p1 $0x1;
	p0 =	seq.s32 s7, s2  }
0x1e: {  	s7 =	smul.u32 @!p0 $0xF7A, s2;
	p2 =	seq.s32 @!p0 s5, $0x0  }
0x1f: {  	s9 =	smul.u32 $0xF7A, s1;
	s8 =	simm.s32 @!p0 $0x1BF5;
	p2 =	por !p2, p0  }
0x20: {  	[sflag:s8] =	ssyncset.s32 @!p0 $0xFFFFF086;
	s6 =	sadd.s32 @!p0 s3, s7;
	s7 =	simm.s32 @!p0 $0x108  }
0x21: {  	s3 =	sadd.s32 s3, s9;
	s6 =	sadd.s32 @!p0 $0x88, s6;
	s7 =	simm.s32 @p2 $0x1082  }
0x22: {  	[simem:s7], [sflag:s8] =	dma.local @!p0 [hbm:s6], $0xF7A  }
0x23: {  	s9 =	sor.u32 $0xD0000000, s2;
	s6 =	simm.s32 $0x108;
	_ =	swait.ge @!p0 [sflag:s8], $0x0  }
0x24: {  	s3 =	sadd.s32 $0x88, s3;
	s6 =	simm.s32 @!p1 $0x1082;
	[sflag:s4] =	ssyncset.s32 $0xFFFFF086  }
0x25: {  	[simem:s6], [sflag:s4] =	dma.local [hbm:s3], $0xF7A  }
0x26: {  	[smem:$0x3F98] =	sst s1;
	(tag) =	ssettag s2;
	_ =	strace s9  }
0x27: {  	s1 =	sld [smem:$0x3FA8]  }
0x28: {  	s2 =	sld [smem:$0x3FA9]  }
0x29: {  	s4 =	sld [smem:$0x3FAB]  }
0x2a: {  	p0 =	seq.s32 s5, $0x0;
	s5 =	sld [smem:$0x3FAC]  }
0x2b: {  	s6 =	sld [smem:$0x3FAD]  }
0x2c: {  	s7 =	sld [smem:$0x3FAE]  }
0x2d: {  	s3 =	simm.s32 $0x108;
	s8 =	sld [smem:$0x3FAF]  }
0x2e: {  	s3 =	simm.s32 @!p0 $0x1082;
	s9 =	sld [smem:$0x3FB0]  }
0x2f: {  	lr =	sadd.s32 s0, s3;
	s0 =	sld [smem:$0x3FA7]  }
0x30: {  	s3 =	sld [smem:$0x3FAA]  }
0x31: {  	[smem:$0x3FB3] =	sst s10  }
0x32: {  	s10 =	sld [smem:$0x3FB1];
	_ =	sdelay $0x3  }
0x33: {  	p0 =	seq.s32 s10, $0x1;
	s10 =	sld [smem:$0x3FB3];
	_ =	sdelay $0x3  }
0x34: {  	[smem:$0x3FB3] =	sst s10  }
0x35: {  	s10 =	sld [smem:$0x3FB2];
	_ =	sdelay $0x3  }
0x36: {  	p1 =	seq.s32 s10, $0x1;
	s10 =	sld [smem:$0x3FB3];
	_ =	sdelay $0x3  }
0x37: {  	[smem:$0x3FB3] =	sst s10  }
0x38: {  	s10 =	sld [smem:$0x3FB4]  }
0x39: {  	_ = 	snop;
	(pc) =	sbr.ind lr, $3  }
0x3a: {  	_ = 	snop  }
0x3b: {  	_ = 	snop  }
0x3c: {  	p2 =	seq.s32 s10, $0x1;
	s10 =	sld [smem:$0x3FB3]  }
0x3d: {  	_ =	shalt  }
0x3e: {  	_ =	shalt  }
0x3f: {  	_ =	shalt  }
0x40: {  	_ =	shalt  }
0x41: {  	_ =	shalt  }
0x42: {  	_ =	shalt  }
0x43: {  	_ =	shalt  }
0x44: {  	_ =	shalt  }
0x45: {  	_ =	shalt  }
0x46: {  	_ =	shalt  }
0x47: {  	_ =	shalt  }
0x48: {  	_ =	shalt  }
0x49: {  	_ =	shalt  }
0x4a: {  	_ =	shalt  }
0x4b: {  	_ =	shalt  }
0x4c: {  	_ =	shalt  }
0x4d: {  	_ =	shalt  }
0x4e: {  	_ =	shalt  }
0x4f: {  	_ =	shalt  }
0x50: {  	_ =	shalt  }
0x51: {  	_ =	shalt  }
0x52: {  	_ =	shalt  }
0x53: {  	_ =	shalt  }
0x54: {  	_ =	shalt  }
0x55: {  	_ =	shalt  }
0x56: {  	_ =	shalt  }
0x57: {  	_ =	shalt  }
0x58: {  	_ =	shalt  }
0x59: {  	_ =	shalt  }
0x5a: {  	_ =	shalt  }
0x5b: {  	_ =	shalt  }
0x5c: {  	_ =	shalt  }
0x5d: {  	_ =	shalt  }
0x5e: {  	_ =	shalt  }
0x5f: {  	_ =	shalt  }
0x60: {  	_ =	shalt  }
0x61: {  	_ =	shalt  }
0x62: {  	_ =	shalt  }
0x63: {  	_ =	shalt  }
0x64: {  	_ =	shalt  }
0x65: {  	_ =	shalt  }
0x66: {  	_ =	shalt  }
0x67: {  	_ =	shalt  }
0x68: {  	_ =	shalt  }
0x69: {  	_ =	shalt  }
0x6a: {  	_ =	shalt  }
0x6b: {  	_ =	shalt  }
0x6c: {  	_ =	shalt  }
0x6d: {  	_ =	shalt  }
0x6e: {  	_ =	shalt  }
0x6f: {  	_ =	shalt  }
0x70: {  	_ =	shalt  }
0x71: {  	_ =	shalt  }
0x72: {  	_ =	shalt  }
0x73: {  	_ =	shalt  }
0x74: {  	_ =	shalt  }
0x75: {  	_ =	shalt  }
0x76: {  	_ =	shalt  }
0x77: {  	_ =	shalt  }
0x78: {  	_ =	shalt  }
0x79: {  	_ =	shalt  }
0x7a: {  	_ =	shalt  }
0x7b: {  	_ =	shalt  }
0x7c: {  	_ =	shalt  }
0x7d: {  	_ =	shalt  }
0x7e: {  	_ =	shalt  }
0x7f: {  	_ =	shalt  }
0x80: {  	_ =	shalt  }
0x81: {  	_ =	shalt  }
0x82: {  	_ =	shalt  }
0x83: {  	_ =	shalt  }
0x84: {  	_ =	shalt  }
0x85: {  	_ =	shalt  }
0x86: {  	_ =	shalt  }
0x87: {  	_ =	shalt  }
.Lfunc_end0:
.L_simem_size_0:
called_computation.5_lowered:
.L_overlay_start_0:
0x88: {  	s2 =	sld [smem:$0x3FD9]  }
0x89: {  	s3 =	sld [smem:$0x3FFE];
	_ =	sdelay $0x1  }
0x8a: {  	s1 =	srdreg.scid  }
0x8b: {  	s0 =	sand.u32 $0x1, s1  }
0x8c: {  	s16 =	sshll.u32 s0, $0xA;
	s2 =	sadd.s32 s3, s2  }
0x8d: {  	s2 =	sadd.s32 s2, s16  }
0x8e: {  	[smem:$0x3FBF] =	sst s2  }
0x8f: {  	_ = 	snop  }
0x90: {  	(tm) =	ssettm $0x1  }
0x91: {  	s17 =	sld [smem:$0x3FFB];
	_ =	sdelay $0x3  }
0x92: {  	_ =	strace s17  }
0x93: {  	s2 =	sld [smem:$0x3FFC];
	_ =	sdelay $0x3  }
0x94: {  	_ =	strace s2  }
0x95: {  	s2 =	sld [smem:$0x3FFD];
	_ =	sdelay $0x3  }
0x96: {  	_ =	strace s2  }
0x97: {  	_ =	strace $0x8FFFFFFF  }
0x98: {  	s18 =	sld [smem:$0x3FDB];
	_ =	sdelay $0x1  }
0x99: {  	s19 =	simm.s32 $_scs_section_size  }
0x9a: {  	s4 =	simm.s32 $_size__tile_overlayer_lowered;
	s5 =	simm.s32 $_tile_overlayer_lowered  }
0x9b: {  	s22 =	simm.s32 $0x1BFF;
	s21 =	sshll.u32 s5, $0x1;
	s2 =	sadd.s32 s19, s18  }
0x9c: {  	s6 =	simm.s32 $0x0;
	s20 =	sshll.u32 s4, $0x1;
	s4 =	sadd.s32 s21, s2  }
0x9d: {  	[timem:s6], [sflag:s22] =	dma.local [hbm:s4], s20  }
0x9e: {  	_ =	swait.ge [sflag:s22], s20  }
0x9f: {  	s3 =	ssub.s32 $0x0, s20;
	[sflag:s22] =	ssyncset.done $0x0  }
0xa0: {  	[sflag:s22] =	ssyncadd.s32 s3;
	_ =	sdelay $0x1  }
0xa1: {  	s23 =	simm.s32 $0x1B8B  }
0xa2: {  	_ =	swait.ge [sflag:s23], $0x1  }
0xa3: {  	[sflag:s23] =	ssyncset.done $0x0  }
0xa4: {  	s25 =	simm.s32 $0x1B8E;
	s24 =	sld [smem:$0x3FFE];
	[sflag:s23] =	ssyncadd.s32 $0xFFFFFFFF  }
0xa5: {  	s26 =	simm.s32 $execute0_lowered;
	[smem:$0x3FD2] =	sst s25  }
0xa6: {  	s4 =	sshll.u32 s26, $0x1;
	_ =	strace $0x80000055;
	[dreg:$0x1] =	wrdreg $0xFFFFFFFF  }
0xa7: {  	s28 =	simm.s32 $_size_execute0_lowered;
	s2 =	sadd.s32 s2, s4;
	[dreg:$0x0] =	wrdreg $0x0  }
0xa8: {  	s4 =	sshll.u32 s28, $0x1;
	[dreg:$0x2] =	wrdreg s2  }
0xa9: {  	[dreg:$0x3] =	wrdreg s4  }
0xaa: {  	[dreg:$0x4] =	wrdreg $0xC0  }
0xab: {  	_ =	task [dreg:s6], $0x5FFFF  }
0xac: {  	[dreg:$0x1] =	wrdreg $0xFFFFFFFF  }
0xad: {  	[dreg:$0x0] =	wrdreg $0x60  }
0xae: {  	[dreg:$0x2] =	wrdreg s24  }
0xaf: {  	[dreg:$0x3] =	wrdreg $0x9F000  }
0xb0: {  	[dreg:$0x4] =	wrdreg $0x9  }
0xb1: {  	_ =	task.clear_ibuf [dreg:s6], $0x5FFFF;
	_ =	strace $0x90000055  }
0xb2: {  	s29 =	simm.s32 $0x9;
	_ =	strace $0x80000057  }
0xb3: {  	_ =	swait.ge [sflag:s29], $0x1  }
0xb4: {  	[sflag:s29] =	ssyncadd.s32 $0xFFFFFFFF  }
0xb5: {  	_ =	strace $0x90000057  }
0xb6: {  	_ =	sfence  }
0xb7: {  	s30 =	sld [smem:$0x0];
	_ =	sdelay $0x2  }
0xb8: {  	s31 =	sshll.u32 s1, $0xD;
	s1 =	sshrl.u32 s1, $0x2  }
0xb9: {  	s3 =	sand.u32 $0x4000, s31;
	s1 =	sadd.s32 s1, s30  }
0xba: {  	s0 =	sor.u32 s3, s0;
	s1 =	sshll.u32 s1, $0x11  }
0xbb: {  	s0 =	sor.u32 s1, s0  }
0xbc: {  	s0 =	sadd.s32 $0x8F2B, s0  }
0xbd: {  	[sflag:s0] =	ssyncadd.remote.s32 $0x1  }
0xbe: {  	_ =	sfence.sel $0xFFFF  }
0xbf: {  	[dreg:$0x0] =	wrdreg $0xFFFFFFFF;
	(pc) =	sbr.abs _section_cstart, $3  }
0xc0: {  	[dreg:$0x1] =	wrdreg $0xFFFFFFFF  }
0xc1: {  	_ =	task.clear_ibuf [dreg:s6], $0x2FFFF;
	_ =	strace $0x9FFFFFFF  }
0xc2: {  	(tm) =	ssettm $0x7FFFFFFF  }
0xc3: {  	_ =	shalt  }
tec
execute0_lowered:
.L_overlay_start_1:
0x0: {  	(tag) =	ssettag $0x1  }
0x1: {  	s1 =	srdreg.scid;
	s6 =	rddreg [dreg:$0x0]  }
0x2: {  	s0 =	stileid.u32;
	s2 =	rddreg [dreg:$0x1];
	s3 =	simm.s32 $0x0  }
0x3: {  	s17 =	simm.s32 $0x4F00;
	s18 =	simm.s32 $0x3;
	s19 =	simm.s32 $0x2780  }
0x4: {  	s20 =	simm.s32 $0x50;
	s21 =	simm.s32 $0x7700;
	s22 =	simm.s32 $0x1  }
0x5: {  	s23 =	simm.s32 $0x2;
	s24 =	simm.s32 $0x4DA0;
	s25 =	simm.s32 $0x26C0  }
0x6: {  	s28 =	simm.s32 $0x4E40;
	s5 =	sand.u32 $0x1, s1;
	s8 =	smul.u32 $0x13C00, s0  }
0x7: {  	s26 =	sshll.u32 s0, $0x1;
	[smem:$0x7FF] =	sst s3;
	s9 =	smul.u32 $0x4F000, s0  }
0x8: {  	s1 =	sor.u32 s5, s26;
	s7 =	smul.u32 $0x13C000, s5;
	s29 =	ssub.s32 $0x2, s5  }
0x9: {  	s26 =	simm.s32 $0x4DF0;
	s4 =	smul.u32 $0x4E2, s1;
	s1 =	rddreg [dreg:$0x2]  }
0xa: {  	_ =	strace $0x80000056;
	s30 =	sshrl.u32 s9, $0x2;
	s31 =	sshrl.u32 s29, $0x1  }
0xb: {  	s7 =	sadd.s32 s8, s7;
	s5 =	sadd.s32 s30, s2;
	s16 =	ssub.s32 s29, s31  }
0xc: {  	s14 =	sadd.s32 s4, s6;
	s4 =	sadd.s32 $0x17C00, s6;
	s7 =	sshrl.u32 s7, $0x3  }
0xd: {  	s8 =	sadd.s32 $0x7800, s5;
	s9 =	sadd.s32 $0xA000, s5;
	s10 =	sadd.s32 $0xC800, s5  }
0xe: {  	s11 =	sadd.s32 $0xF000, s5;
	s12 =	sadd.s32 $0x11800, s5;
	s16 =	smax.u32 s16, $0x1  }
0xf: {  	s15 =	sadd.s32 s7, s6;
	s6 =	sadd.s32 $0x2800, s5;
	s7 =	sadd.s32 $0x5000, s5  }
0x10: {  	v0 =	vimm.f32 $0.0e+00;
	s13 =	sadd.s32 $0xDE00, s14;
	s14 =	sadd.s32 $0x4000, s14;
	s15 =	sadd.s32 $0x3EE00, s15  }
.LBB2_1:
0x11: {  	s29 =	simm.s32 $0x0;
	s30 =	simm.s32 $0x200  }
.LBB2_2:
0x12: {  	p0 =	sne.s32 s30, $0x9E00;
	[tilespmem:s29+$0x4F70] =	vst v0  }
0x13: {  	[tilespmem:s29+$0x4F00] =	vst v0  }
0x14: {  	[tilespmem:s29+$0x4F10] =	vst v0  }
.Ltmp0:
0x15: {  	[tilespmem:s29+$0x4F20] =	vst v0;
	(pc) =	sbr.rel @p0 .LBB2_2-.Ltmp0, $4  }
0x16: {  	[tilespmem:s29+$0x4F30] =	vst v0  }
0x17: {  	[tilespmem:s29+$0x4F40] =	vst v0  }
0x18: {  	[tilespmem:s29+$0x4F50] =	vst v0  }
0x19: {  	[tilespmem:s29+$0x4F60] =	vst v0;
	s29 =	sshra.s32 s30, $0x2;
	s30 =	sadd.s32 $0x200, s30  }
0x1a: {  	[tilespmem:s29+$0x4F70] =	vst v0  }
0x1b: {  	[tilespmem:s29+$0x4F00] =	vst v0  }
0x1c: {  	[tilespmem:s29+$0x4F10] =	vst v0  }
0x1d: {  	[tilespmem:s29+$0x4F20] =	vst v0  }
0x1e: {  	[tilespmem:s29+$0x4F30] =	vst v0  }
0x1f: {  	[tilespmem:s29+$0x4F40] =	vst v0  }
0x20: {  	[tilespmem:s29+$0x4F50] =	vst v0  }
0x21: {  	[tilespmem:s29+$0x4F60] =	vst v0  }
0x22: {  	[spmem:s5] =	stream.linear.scatter [tilespmem:s17], [sflag:$0x3], $0x2800, $0x38;
	[tilespmem:$0x1DB00] =	vst v63  }
0x23: {  	_ =	swait.ge [sflag:s18], $0x2800  }
0x24: {  	[sflag:s18] =	ssyncset.done $0x0  }
0x25: {  	[sflag:s18] =	ssyncadd.s32 $0xFFFFD800  }
0x26: {  	[spmem:s6] =	stream.linear.scatter [tilespmem:s17], [sflag:$0x3], $0x2800, $0x38;
	[tilespmem:$0x1DB00] =	vst v63  }
0x27: {  	_ =	swait.ge [sflag:s18], $0x2800  }
0x28: {  	[sflag:s18] =	ssyncset.done $0x0  }
0x29: {  	[sflag:s18] =	ssyncadd.s32 $0xFFFFD800  }
0x2a: {  	[spmem:s7] =	stream.linear.scatter [tilespmem:s17], [sflag:$0x3], $0x2800, $0x38;
	[tilespmem:$0x1DB00] =	vst v63  }
0x2b: {  	_ =	swait.ge [sflag:s18], $0x2800  }
0x2c: {  	[sflag:s18] =	ssyncset.done $0x0  }
0x2d: {  	[sflag:s18] =	ssyncadd.s32 $0xFFFFD800  }
0x2e: {  	[spmem:s8] =	stream.linear.scatter [tilespmem:s17], [sflag:$0x3], $0x2800, $0x38;
	[tilespmem:$0x1DB00] =	vst v63  }
0x2f: {  	_ =	swait.ge [sflag:s18], $0x2800  }
0x30: {  	[sflag:s18] =	ssyncset.done $0x0  }
0x31: {  	[sflag:s18] =	ssyncadd.s32 $0xFFFFD800  }
0x32: {  	[spmem:s9] =	stream.linear.scatter [tilespmem:s17], [sflag:$0x3], $0x2800, $0x38;
	[tilespmem:$0x1DB00] =	vst v63  }
0x33: {  	_ =	swait.ge [sflag:s18], $0x2800  }
0x34: {  	[sflag:s18] =	ssyncset.done $0x0  }
0x35: {  	[sflag:s18] =	ssyncadd.s32 $0xFFFFD800  }
0x36: {  	[spmem:s10] =	stream.linear.scatter [tilespmem:s17], [sflag:$0x3], $0x2800, $0x38;
	[tilespmem:$0x1DB00] =	vst v63  }
0x37: {  	_ =	swait.ge [sflag:s18], $0x2800  }
0x38: {  	[sflag:s18] =	ssyncset.done $0x0  }
0x39: {  	[sflag:s18] =	ssyncadd.s32 $0xFFFFD800  }
0x3a: {  	[spmem:s11] =	stream.linear.scatter [tilespmem:s17], [sflag:$0x3], $0x2800, $0x38;
	[tilespmem:$0x1DB00] =	vst v63  }
0x3b: {  	_ =	swait.ge [sflag:s18], $0x2800  }
0x3c: {  	[sflag:s18] =	ssyncset.done $0x0  }
0x3d: {  	[sflag:s18] =	ssyncadd.s32 $0xFFFFD800  }
0x3e: {  	[spmem:s12] =	stream.linear.scatter [tilespmem:s17], [sflag:$0x3], $0x2400, $0x38;
	[tilespmem:$0x1DB00] =	vst v63  }
0x3f: {  	_ =	swait.ge [sflag:s18], $0x2400  }
0x40: {  	[sflag:s18] =	ssyncset.done $0x0  }
0x41: {  	s29 =	simm.s32 $0x0;
	[sflag:s18] =	ssyncadd.s32 $0xFFFFDC00  }
0x42: {  	[tilespmem:s29], [sflag:$0x3] =	stream.linear.gather [hbm4b:s13+s29], $0x2710, $0x38;
	[tilespmem:$0x1DB00] =	vst v63  }
0x43: {  	_ =	swait.ge [sflag:s18], $0x2710  }
0x44: {  	[sflag:s18] =	ssyncset.done $0x0  }
0x45: {  	[sflag:s18] =	ssyncadd.s32 $0xFFFFD8F0  }
0x46: {  	[tilespmem:s19], [sflag:$0x3] =	stream.linear.gather [hbm4b:s14+s29], $0x2710, $0x38;
	[tilespmem:$0x1DB00] =	vst v63  }
0x47: {  	_ =	swait.ge [sflag:s18], $0x2710  }
0x48: {  	[sflag:s18] =	ssyncset.done $0x0  }
0x49: {  	[sflag:s18] =	ssyncadd.s32 $0xFFFFD8F0  }
0x4a: {  	[bflag:$0x0] =	sbarrier.arrive $0xFFFF  }
0x4b: {  	[tilespmem:s17], [sflag:$0x1] =	stream.indirect.gather [hbm4b:s4+s20], $0x80, s29, s20, $0xb8;
	[tilespmem:$0x1DB00] =	vst v63  }
0x4c: {  	_ = 	snop  }
0x4d: {  	[tilespmem:s21], [sflag:$0x2] =	stream.indirect.gather [hbm4b:s4+s20], $0x80, s20, s20, $0xb8;
	[tilespmem:$0x1DB00] =	vst v63  }
0x4e: {  	_ =	swait.ge [sflag:s22], $0x2800  }
0x4f: {  	[sflag:s22] =	ssyncset.done $0x0  }
0x50: {  	s29 =	simm.s32 $0x2780;
	[sflag:s22] =	ssyncadd.s32 $0xFFFFD800  }
0x51: {  	[spmem:s2] =	stream.indirect.scatter.add.f32 [tilespmem:s17], [sflag:$0x3], $0x80, s29, s20, $0xb8;
	[tilespmem:$0x1DB00] =	vst v63  }
0x52: {  	_ =	swait.ge [sflag:s18], $0x2800  }
0x53: {  	[sflag:s18] =	ssyncset.done $0x0  }
0x54: {  	s29 =	simm.s32 $0xA0;
	[sflag:s18] =	ssyncadd.s32 $0xFFFFD800  }
0x55: {  	[tilespmem:s17], [sflag:$0x1] =	stream.indirect.gather [hbm4b:s4+s20], $0x80, s29, s20, $0xb8;
	[tilespmem:$0x1DB00] =	vst v63  }
0x56: {  	_ =	swait.ge [sflag:s23], $0x2800  }
0x57: {  	[sflag:s23] =	ssyncset.done $0x0  }
0x58: {  	s29 =	simm.s32 $0x27D0;
	[sflag:s23] =	ssyncadd.s32 $0xFFFFD800  }
0x59: {  	[spmem:s2] =	stream.indirect.scatter.add.f32 [tilespmem:s21], [sflag:$0x3], $0x80, s29, s20, $0xb8;
	[tilespmem:$0x1DB00] =	vst v63  }
0x5a: {  	_ =	swait.ge [sflag:s18], $0x2800  }
0x5b: {  	[sflag:s18] =	ssyncset.done $0x0  }
0x5c: {  	s30 =	simm.s32 $0xF0;
	s29 =	simm.s32 $0x280;
	[sflag:s18] =	ssyncadd.s32 $0xFFFFD800  }
.LBB2_4:
0x5d: {  	[tilespmem:s21], [sflag:$0x2] =	stream.indirect.gather [hbm4b:s4+s20], $0x80, s30, s20, $0xb8;
	[tilespmem:$0x1DB00] =	vst v63  }
0x5e: {  	s30 =	smov.u32 s29  }
0x5f: {  	p0 =	sne.s32 s29, $0x9600;
	s29 =	sadd.s32 $0x280, s29;
	_ =	swait.ge [sflag:s22], $0x2800  }
0x60: {  	s30 =	sshra.s32 s30, $0x2;
	[sflag:s22] =	ssyncset.done $0x0  }
0x61: {  	s31 =	sadd.s32 $0x2780, s30;
	[sflag:s22] =	ssyncadd.s32 $0xFFFFD800  }
0x62: {  	[spmem:s2] =	stream.indirect.scatter.add.f32 [tilespmem:s17], [sflag:$0x3], $0x80, s31, s20, $0xb8;
	[tilespmem:$0x1DB00] =	vst v63  }
0x63: {  	_ =	swait.ge [sflag:s18], $0x2800  }
0x64: {  	[sflag:s18] =	ssyncset.done $0x0  }
0x65: {  	s31 =	sadd.s32 $0xA0, s30;
	[sflag:s18] =	ssyncadd.s32 $0xFFFFD800  }
0x66: {  	[tilespmem:s17], [sflag:$0x1] =	stream.indirect.gather [hbm4b:s4+s20], $0x80, s31, s20, $0xb8;
	[tilespmem:$0x1DB00] =	vst v63  }
0x67: {  	_ =	swait.ge [sflag:s23], $0x2800  }
0x68: {  	[sflag:s23] =	ssyncset.done $0x0  }
.Ltmp1:
0x69: {  	s31 =	sadd.s32 $0x27D0, s30;
	[sflag:s23] =	ssyncadd.s32 $0xFFFFD800;
	(pc) =	sbr.rel @p0 .LBB2_4-.Ltmp1, $4  }
0x6a: {  	[spmem:s2] =	stream.indirect.scatter.add.f32 [tilespmem:s21], [sflag:$0x3], $0x80, s31, s20, $0xb8;
	[tilespmem:$0x1DB00] =	vst v63  }
0x6b: {  	_ =	swait.ge [sflag:s18], $0x2800  }
0x6c: {  	[sflag:s18] =	ssyncset.done $0x0  }
0x6d: {  	s30 =	sadd.s32 $0xF0, s30;
	[sflag:s18] =	ssyncadd.s32 $0xFFFFD800  }
0x6e: {  	[tilespmem:s21], [sflag:$0x2] =	stream.indirect.gather [hbm4b:s4+s20], $0x80, s30, s20, $0xb8;
	[tilespmem:$0x1DB00] =	vst v63  }
0x6f: {  	_ =	swait.ge [sflag:s22], $0x2800  }
0x70: {  	[sflag:s22] =	ssyncset.done $0x0  }
0x71: {  	[sflag:s22] =	ssyncadd.s32 $0xFFFFD800  }
0x72: {  	[spmem:s2] =	stream.indirect.scatter.add.f32 [tilespmem:s17], [sflag:$0x3], $0x80, s24, s20, $0xb8;
	[tilespmem:$0x1DB00] =	vst v63  }
0x73: {  	_ =	swait.ge [sflag:s18], $0x2800  }
0x74: {  	[sflag:s18] =	ssyncset.done $0x0  }
0x75: {  	[sflag:s18] =	ssyncadd.s32 $0xFFFFD800  }
0x76: {  	[tilespmem:s17], [sflag:$0x1] =	stream.indirect.gather [hbm4b:s4+s20], $0x80, s25, s20, $0xb8;
	[tilespmem:$0x1DB00] =	vst v63  }
0x77: {  	_ =	swait.ge [sflag:s23], $0x2800  }
0x78: {  	[sflag:s23] =	ssyncset.done $0x0  }
0x79: {  	[sflag:s23] =	ssyncadd.s32 $0xFFFFD800  }
0x7a: {  	[spmem:s2] =	stream.indirect.scatter.add.f32 [tilespmem:s21], [sflag:$0x3], $0x80, s26, s20, $0xb8;
	[tilespmem:$0x1DB00] =	vst v63  }
0x7b: {  	_ =	swait.ge [sflag:s18], $0x2800  }
0x7c: {  	[sflag:s18] =	ssyncset.done $0x0  }
0x7d: {  	[sflag:s18] =	ssyncadd.s32 $0xFFFFD800  }
0x7e: {  	_ =	swait.ge [sflag:s22], $0x2800  }
0x7f: {  	[sflag:s22] =	ssyncset.done $0x0  }
0x80: {  	[sflag:s22] =	ssyncadd.s32 $0xFFFFD800  }
0x81: {  	[spmem:s2] =	stream.indirect.scatter.add.f32 [tilespmem:s17], [sflag:$0x3], $0x80, s28, s20, $0xb8;
	[tilespmem:$0x1DB00] =	vst v63  }
0x82: {  	_ =	swait.ge [sflag:s18], $0x2800  }
0x83: {  	s29 =	sshll.u32 s0, $0x6;
	s3 =	sadd.s32 $0x1, s3;
	[sflag:s18] =	ssyncset.done $0x0  }
0x84: {  	s31 =	sshrl.u32 s5, $0x3;
	p0 =	sne.s32 s3, s16;
	[sflag:s18] =	ssyncadd.s32 $0xFFFFD800  }
.Ltmp2:
0x85: {  	s29 =	sor.u32 $0x1C03, s29;
	[bflag:$0x0] =	sbarrier.arrive $0xFFFF;
	(pc) =	sbr.rel @p0 .LBB2_1-.Ltmp2, $4  }
0x86: {  	[hbm:s15], [sflag:s29] =	dma.local [spmem:s31], $0x2780  }
0x87: {  	_ =	swait.ge [sflag:s18], $0x2780  }
0x88: {  	[sflag:s18] =	ssyncset.done $0x0  }
0x89: {  	[sflag:s18] =	ssyncadd.s32 $0xFFFFD880  }
0x8a: {  	_ =	sfence.sel $0x180000  }
0x8b: {  	[bflag:$0x0] =	sbarrier.arrive $0xFFFF  }
0x8c: {  	p0 =	sne.s32 s0, $0x0;
	_ =	strace $0x90000056  }
0x8d: {  	s0 =	sadd.s32 @!p0 $0x100000, s1;
	[bflag:$0x2] =	sbarrier.arrive $0xFFFF  }
0x8e: {  	[sflag:s0] =	ssyncadd.tile.s32 @!p0 $0x1;
	_ =	shalt  }
.Lfunc_end2:
_tile_overlayer_lowered:
.L_overlay_start_2:
0x8f: {  	(tag) =	ssettag $0x2  }
0x90: {  	s0 =	rddreg [dreg:$0x0];
	s2 =	stileid.u32  }
0x91: {  	s1 =	rddreg [dreg:$0x1];
	p0 =	sne.s32 s2, $0x0  }
0x92: {  	s3 =	rddreg [dreg:$0x2];
	[bflag:$0x3] =	sbarrier.arrive $0xFFFF;
	s2 =	simm.s32 @!p0 $0x1C03  }
0x93: {  	[timem:s3], [sflag:s2] =	dma.local @!p0 [hbm:s0], s1  }
0x94: {  	s0 =	simm.s32 @!p0 $0x3  }
0x95: {  	_ =	swait.ge @!p0 [sflag:s0], s1  }
0x96: {  	s1 =	ssub.s32 @!p0 $0x0, s1;
	[sflag:s0] =	ssyncset.done @!p0 $0x0  }
0x97: {  	[sflag:s0] =	ssyncadd.s32 @!p0 s1  }
0x98: {  	[bflag:$0x3] =	sbarrier.arrive $0xFFFF  }
0x99: {  	_ =	shalt  }

</sc_bundles>
